<compile_context>
chip_gen: v7x
topology: tpu7x:2x2x1
jax: 0.10.2.dev20260603
libtpu: 0.0.44.dev20260713+nightly
codegen_flags: <defaults>
</compile_context>

<pallas_src>
import functools

import jax
import jax.numpy as jnp
from jax import lax
from jax.experimental import pallas as pl
from jax.experimental.pallas import tpu as pltpu
from jax.experimental.pallas import tpu_sc as plsc

B, N, FDIM, MAXF = 8, 2048, 256, 8192
L = 16
NC, NS = 2, 16
NW = NC * NS
TPB = NW // B
FPT = MAXF // TPB
BLK = 32
NBLK = FPT // BLK
CHUNKS = FDIM // L

_mesh = plsc.VectorSubcoreMesh(core_axis_name="c", subcore_axis_name="s")

_f32 = jnp.float32
_i32 = jnp.int32


def _weights(fv, j, d, cls, total_eff):
    jf = j.astype(_f32)
    half = d // 2
    rem = d - half
    one = jnp.ones((L,), _f32)
    zero = jnp.zeros((L,), _f32)
    t1 = jf / jnp.maximum(half - 1, 1).astype(_f32)
    t2 = (jf - half.astype(_f32)) / jnp.maximum(rem - 1, 1).astype(_f32)
    lt = j < half
    ws_lin = jnp.where(lt, 1.0 - t1, zero)
    wm_lin = jnp.where(lt, t1, 1.0 - t2)
    we_lin = jnp.where(lt, zero, t2)
    j0 = j == 0
    jl = j == d - 1
    ws_pl = jnp.where(j0, one, zero)
    we_pl = jnp.where(jl & ~j0, one, zero)
    wm_pl = jnp.where(~j0 & ~jl, one, zero)
    ispl = cls == 0
    ws4 = jnp.where(ispl, ws_pl, ws_lin)
    wm4 = jnp.where(ispl, wm_pl, wm_lin)
    we4 = jnp.where(ispl, we_pl, we_lin)
    f1 = lambda bcond: jnp.where(bcond, one, zero)
    d1, d2, d3 = d == 1, d == 2, d == 3
    ws = jnp.where(d1, zero, jnp.where(d2, f1(j0), jnp.where(d3, f1(j0), ws4)))
    wm = jnp.where(d1, one, jnp.where(d2, zero, jnp.where(d3, f1(j == 1), wm4)))
    we = jnp.where(d1, zero, jnp.where(d2, f1(~j0), jnp.where(d3, f1(j >= 2), we4)))
    valid = fv < total_eff
    ws = jnp.where(valid, ws, zero)
    wm = jnp.where(valid, wm, zero)
    we = jnp.where(valid, we, zero)
    return ws, wm, we, valid


def _rows(shape=(BLK, FDIM), dt=_f32):
    return pltpu.VMEM(shape, dt)


@functools.partial(
    pl.kernel,
    mesh=_mesh,
    compiler_params=pltpu.CompilerParams(needs_layout_passes=False),
    out_type=(
        jax.ShapeDtypeStruct((B * MAXF, FDIM), _f32),
        jax.ShapeDtypeStruct((B * MAXF,), _i32),
    ),
    scratch_types=[
        pltpu.VMEM((N,), _i32),
        pltpu.VMEM((N,), _i32),
        pltpu.VMEM((N,), _i32),
        pltpu.VMEM((L,), _i32),
        pltpu.VMEM((FPT,), _i32),
        pltpu.VMEM((BLK,), _i32), pltpu.VMEM((BLK,), _f32),
        pltpu.VMEM((BLK,), _f32), pltpu.VMEM((BLK,), _f32),
        _rows(), _rows(), _rows(), _rows(),
        pltpu.VMEM((BLK,), _i32), pltpu.VMEM((BLK,), _f32),
        pltpu.VMEM((BLK,), _f32), pltpu.VMEM((BLK,), _f32),
        _rows(), _rows(), _rows(), _rows(),
        pltpu.SemaphoreType.DMA, pltpu.SemaphoreType.DMA,
        pltpu.SemaphoreType.DMA, pltpu.SemaphoreType.DMA,
        pltpu.SemaphoreType.DMA, pltpu.SemaphoreType.DMA,
        pltpu.SemaphoreType.DMA, pltpu.SemaphoreType.DMA,
    ],
)
def _render(s_hbm, m_hbm, e_hbm, dur_hbm, cls_hbm, mf_hbm,
            out_hbm, mask_hbm,
            dur_v, csum_v, cls_v, mf_v, mask_v,
            idx0, ws0, wm0, we0, s0, m0, e0, o0,
            idx1, ws1, wm1, we1, s1, m1, e1, o1,
            sem_s0, sem_m0, sem_e0, sem_o0,
            sem_s1, sem_m1, sem_e1, sem_o1):
    cid = lax.axis_index("c")
    sid = lax.axis_index("s")
    wid = sid * NC + cid
    bidx = wid // TPB
    q = wid % TPB
    f0 = q * FPT

    lane = lax.broadcasted_iota(_i32, (L,), 0)

    pltpu.sync_copy(dur_hbm.at[pl.ds(bidx * N, N)], dur_v)
    pltpu.sync_copy(cls_hbm.at[pl.ds(bidx * N, N)], cls_v)
    pltpu.sync_copy(mf_hbm, mf_v)

    def cs_body(i, carry_v):
        base = i * L
        dv = jnp.maximum(dur_v[pl.ds(base, L)], 0)
        csum_v[pl.ds(base, L)] = dv
        for sh in (1, 2, 4, 8):
            cur = csum_v[pl.ds(base, L)]
            prev = plsc.load_gather(csum_v, [base + jnp.maximum(lane - sh, 0)])
            csum_v[pl.ds(base, L)] = cur + jnp.where(lane >= sh, prev, 0)
        cv = csum_v[pl.ds(base, L)] + carry_v
        csum_v[pl.ds(base, L)] = cv
        return plsc.load_gather(csum_v, [jnp.zeros((L,), _i32) + (base + L - 1)])

    lax.fori_loop(0, N // L, cs_body, jnp.zeros((L,), _i32))

    total_v = plsc.load_gather(csum_v, [jnp.zeros((L,), _i32) + (N - 1)])
    mf_splat = mf_v[...]
    total_eff = jnp.minimum(total_v, mf_splat)

    def prefetch(g, idx_r, ws_r, wm_r, we_r, s_r, m_r, e_r, ss, sm, se):
        base = f0 + g * BLK
        for k in range(BLK // L):
            fv = base + k * L + lane
            pos = jnp.zeros((L,), _i32)
            bit = N // 2
            while bit >= 1:
                val = plsc.load_gather(csum_v, [pos + (bit - 1)])
                pos = pos + jnp.where(val <= fv, bit, 0)
                bit //= 2
            ph = pos
            offm = plsc.load_gather(csum_v, [jnp.maximum(ph - 1, 0)])
            off = jnp.where(ph >= 1, offm, 0)
            dsum = plsc.load_gather(csum_v, [ph])
            d = dsum - off
            j = fv - off
            cls = plsc.load_gather(cls_v, [ph])
            ws, wm, we, valid = _weights(fv, j, d, cls, total_eff)
            idx_r[pl.ds(k * L, L)] = bidx * N + ph
            ws_r[pl.ds(k * L, L)] = ws
            wm_r[pl.ds(k * L, L)] = wm
            we_r[pl.ds(k * L, L)] = we
            mask_v[pl.ds(g * BLK + k * L, L)] = valid.astype(_i32)
        pltpu.async_copy(s_hbm.at[idx_r], s_r, ss)
        pltpu.async_copy(m_hbm.at[idx_r], m_r, sm)
        pltpu.async_copy(e_hbm.at[idx_r], e_r, se)

    def wait_rows(idx_r, s_r, m_r, e_r, ss, sm, se):
        pltpu.make_async_copy(s_hbm.at[idx_r], s_r, ss).wait()
        pltpu.make_async_copy(m_hbm.at[idx_r], m_r, sm).wait()
        pltpu.make_async_copy(e_hbm.at[idx_r], e_r, se).wait()

    def compute(g, ws_r, wm_r, we_r, s_r, m_r, e_r, o_r, so):
        def row_body(r, carry):
            rsplat = jnp.zeros((L,), _i32) + r
            wsr = plsc.load_gather(ws_r, [rsplat])
            wmr = plsc.load_gather(wm_r, [rsplat])
            wer = plsc.load_gather(we_r, [rsplat])
            for kk in range(CHUNKS):
                sv = s_r[r, pl.ds(kk * L, L)]
                mv = m_r[r, pl.ds(kk * L, L)]
                ev = e_r[r, pl.ds(kk * L, L)]
                o_r[r, pl.ds(kk * L, L)] = wsr * sv + wmr * mv + wer * ev
            return carry

        lax.fori_loop(0, BLK, row_body, 0)
        pltpu.async_copy(
            o_r, out_hbm.at[pl.ds(bidx * MAXF + f0 + g * BLK, BLK)], so)

    def wait_out(g, o_r, so):
        pltpu.make_async_copy(
            o_r, out_hbm.at[pl.ds(bidx * MAXF + f0 + g * BLK, BLK)], so).wait()

    slot0 = (idx0, ws0, wm0, we0, s0, m0, e0, sem_s0, sem_m0, sem_e0)
    slot1 = (idx1, ws1, wm1, we1, s1, m1, e1, sem_s1, sem_m1, sem_e1)

    prefetch(jnp.asarray(0, _i32), *slot0)
    prefetch(jnp.asarray(1, _i32), *slot1)

    def pair_body(i, _):
        g0 = 2 * i
        g1 = 2 * i + 1
        wait_rows(idx0, s0, m0, e0, sem_s0, sem_m0, sem_e0)
        pl.when(i > 0)(lambda: wait_out(g0 - 2, o0, sem_o0))
        compute(g0, ws0, wm0, we0, s0, m0, e0, o0, sem_o0)
        prefetch(jnp.minimum(g0 + 2, NBLK - 1), *slot0)
        wait_rows(idx1, s1, m1, e1, sem_s1, sem_m1, sem_e1)
        pl.when(i > 0)(lambda: wait_out(g1 - 2, o1, sem_o1))
        compute(g1, ws1, wm1, we1, s1, m1, e1, o1, sem_o1)
        prefetch(jnp.minimum(g1 + 2, NBLK - 1), *slot1)
        return _

    lax.fori_loop(0, NBLK // 2, pair_body, 0)

    wait_rows(idx0, s0, m0, e0, sem_s0, sem_m0, sem_e0)
    wait_rows(idx1, s1, m1, e1, sem_s1, sem_m1, sem_e1)
    wait_out(NBLK - 2, o0, sem_o0)
    wait_out(NBLK - 1, o1, sem_o1)

    pltpu.sync_copy(mask_v, mask_hbm.at[pl.ds(bidx * MAXF + f0, FPT)])


def kernel(start, mid, end, durations, render_class, max_frames):
    s = start.reshape(B * N, FDIM)
    m = mid.reshape(B * N, FDIM)
    e = end.reshape(B * N, FDIM)
    dur = durations.reshape(B * N)
    cls = render_class.reshape(B * N)
    mf = jnp.full((L,), max_frames, _i32)
    out_flat, mask_flat = _render(s, m, e, dur, cls, mf)
    out = out_flat.reshape(B, MAXF, FDIM)
    mask = mask_flat.reshape(B, MAXF) != 0
    return out, mask

# --- scband reference (transcript-rebuilt; emitter-appended) ---
"""Pipeline reference for scband-hybrid-interpolator-16587163697616 (READ-ONLY COPY).

The authoritative reference and input builder live on the scoring server;
editing this copy changes nothing except your own understanding.
"""

import jax, jax.numpy as jnp
import numpy as np

B, N, F = 8, 2048, 256

def setup_inputs(seed: int = 0):
    key = jax.random.key(seed)
    k1, k2, k3, k4, k5 = jax.random.split(key, 5)
    start = jax.random.normal(k1, (B, N, F), dtype=jnp.float32)
    mid = jax.random.normal(k2, (B, N, F), dtype=jnp.float32)
    end = jax.random.normal(k3, (B, N, F), dtype=jnp.float32)
    durations = jax.random.randint(k4, (B, N), 0, 8, dtype=jnp.int32)
    render_class = jax.random.randint(k5, (B, N), 0, 2, dtype=jnp.int32)
    return {"start": start, "mid": mid, "end": end, "durations": durations, "render_class": render_class, "max_frames": 8192}

def _render_one(start_b, mid_b, end_b, dur_b, cls_b, max_frames):
    n = dur_b.shape[0]
    dur = jnp.maximum(dur_b, 0)
    csum = jnp.cumsum(dur)
    total = csum[-1]
    offsets = jnp.concatenate([jnp.zeros((1,), csum.dtype), csum[:-1]])
    f = jnp.arange(8192)
    ph = jnp.searchsorted(csum, f, side='right')
    ph = jnp.clip(ph, 0, n - 1)
    j = f - offsets[ph]
    d = dur[ph]
    cls = cls_b[ph]
    s = start_b[ph]
    m = mid_b[ph]
    e = end_b[ph]
    jf = j.astype(jnp.float32)
    half = d // 2
    rem = d - half
    t1 = jf / jnp.maximum(half - 1, 1).astype(jnp.float32)
    t2 = (jf - half.astype(jnp.float32)) / jnp.maximum(rem - 1, 1).astype(jnp.float32)
    lin = jnp.where((j < half)[:, None], s * (1.0 - t1)[:, None] + m * t1[:, None], m * (1.0 - t2)[:, None] + e * t2[:, None])
    plateau = jnp.where((j == 0)[:, None], s, jnp.where((j == d - 1)[:, None], e, m))
    ge4 = jnp.where((cls == 0)[:, None], plateau, lin)
    d3 = jnp.where((j == 0)[:, None], s, jnp.where((j == 1)[:, None], m, e))
    d2 = jnp.where((j == 0)[:, None], s, e)
    val = jnp.where((d == 1)[:, None], m, jnp.where((d == 2)[:, None], d2, jnp.where((d == 3)[:, None], d3, ge4)))
    mask = (f < total) & (f < max_frames)
    val = jnp.where(mask[:, None], val, 0.0)
    return val, mask

def reference(start, mid, end, durations, render_class, max_frames):
    out, mask = jax.vmap(lambda s, m, e, d, c: _render_one(s, m, e, d, c, max_frames))(start, mid, end, durations, render_class)
    return out, mask

if __name__ == "__main__":
    import jax
    _d = setup_inputs()
    print(jax.jit(kernel)(*tuple(_d.values())))

</pallas_src>

<mosaic_0001>
#map = affine_map<(d0, d1) -> (0, 0)>
#map1 = affine_map<(d0, d1) -> (0)>
module attributes {stable_mosaic.version = 14 : i64} {
  func.func @_render(%arg0: i32, %arg1: i32, %arg2: memref<16384x256xf32, #tpu.memory_space<hbm>>, %arg3: memref<16384x256xf32, #tpu.memory_space<hbm>>, %arg4: memref<16384x256xf32, #tpu.memory_space<hbm>>, %arg5: memref<16384xi32, #tpu.memory_space<hbm>>, %arg6: memref<16384xi32, #tpu.memory_space<hbm>>, %arg7: memref<16xi32, #tpu.memory_space<hbm>>, %arg8: memref<65536x256xf32, #tpu.memory_space<hbm>>, %arg9: memref<65536xi32, #tpu.memory_space<hbm>>, %arg10: memref<2048xi32, #tpu.memory_space<vmem>>, %arg11: memref<2048xi32, #tpu.memory_space<vmem>>, %arg12: memref<2048xi32, #tpu.memory_space<vmem>>, %arg13: memref<16xi32, #tpu.memory_space<vmem>>, %arg14: memref<2048xi32, #tpu.memory_space<vmem>>, %arg15: memref<32xi32, #tpu.memory_space<vmem>>, %arg16: memref<32xf32, #tpu.memory_space<vmem>>, %arg17: memref<32xf32, #tpu.memory_space<vmem>>, %arg18: memref<32xf32, #tpu.memory_space<vmem>>, %arg19: memref<32x256xf32, #tpu.memory_space<vmem>>, %arg20: memref<32x256xf32, #tpu.memory_space<vmem>>, %arg21: memref<32x256xf32, #tpu.memory_space<vmem>>, %arg22: memref<32x256xf32, #tpu.memory_space<vmem>>, %arg23: memref<32xi32, #tpu.memory_space<vmem>>, %arg24: memref<32xf32, #tpu.memory_space<vmem>>, %arg25: memref<32xf32, #tpu.memory_space<vmem>>, %arg26: memref<32xf32, #tpu.memory_space<vmem>>, %arg27: memref<32x256xf32, #tpu.memory_space<vmem>>, %arg28: memref<32x256xf32, #tpu.memory_space<vmem>>, %arg29: memref<32x256xf32, #tpu.memory_space<vmem>>, %arg30: memref<32x256xf32, #tpu.memory_space<vmem>>, %arg31: memref<!tpu.dma_semaphore, #tpu.memory_space<semaphore_mem>>, %arg32: memref<!tpu.dma_semaphore, #tpu.memory_space<semaphore_mem>>, %arg33: memref<!tpu.dma_semaphore, #tpu.memory_space<semaphore_mem>>, %arg34: memref<!tpu.dma_semaphore, #tpu.memory_space<semaphore_mem>>, %arg35: memref<!tpu.dma_semaphore, #tpu.memory_space<semaphore_mem>>, %arg36: memref<!tpu.dma_semaphore, #tpu.memory_space<semaphore_mem>>, %arg37: memref<!tpu.dma_semaphore, #tpu.memory_space<semaphore_mem>>, %arg38: memref<!tpu.dma_semaphore, #tpu.memory_space<semaphore_mem>>) attributes {dimension_semantics = [#tpu.dimension_semantics<core_parallel>, #tpu.dimension_semantics<subcore_parallel>], iteration_bounds = array<i64: 2, 16>, scalar_prefetch = 0 : i64, scratch_operands = 29 : i64, tpu.core_type = #tpu.core_type<sc_vector_subcore>, window_params = [{transform_indices = #map}, {transform_indices = #map}, {transform_indices = #map}, {transform_indices = #map1}, {transform_indices = #map1}, {transform_indices = #map1}, {transform_indices = #map}, {transform_indices = #map1}]} {
    %mul3A = arith.constant 2 : i32
    %mul3A_0 = arith.muli %arg1, %mul3A : i32
    %add3A = arith.addi %mul3A_0, %arg0 : i32
    %jit3A = arith.constant 4 : i32
    %div3A = arith.divsi %add3A, %jit3A : i32
    %sign3A = arith.constant 0 : i32
    %sign3A_1 = arith.cmpi sgt, %add3A, %sign3A : i32
    %sign3A_2 = arith.extui %sign3A_1 : i1 to i32
    %sign3A_3 = arith.constant 0 : i32
    %sign3A_4 = arith.cmpi slt, %add3A, %sign3A_3 : i32
    %sign3A_5 = arith.extui %sign3A_4 : i1 to i32
    %sign3A_6 = arith.subi %sign3A_2, %sign3A_5 : i32
    %sign3A_7 = arith.constant 0 : i32
    %sign3A_8 = arith.cmpi sgt, %jit3A, %sign3A_7 : i32
    %sign3A_9 = arith.extui %sign3A_8 : i1 to i32
    %sign3A_10 = arith.constant 0 : i32
    %sign3A_11 = arith.cmpi slt, %jit3A, %sign3A_10 : i32
    %sign3A_12 = arith.extui %sign3A_11 : i1 to i32
    %sign3A_13 = arith.subi %sign3A_9, %sign3A_12 : i32
    %ne3A = arith.cmpi ne, %sign3A_6, %sign3A_13 : i32
    %rem3A = arith.remsi %add3A, %jit3A : i32
    %ne3A_14 = arith.constant 0 : i32
    %ne3A_15 = arith.cmpi ne, %rem3A, %ne3A_14 : i32
    %and3A = arith.andi %ne3A, %ne3A_15 : i1
    %sub3A = arith.constant 1 : i32
    %sub3A_16 = arith.subi %div3A, %sub3A : i32
    %select_n3A = arith.select %and3A, %sub3A_16, %div3A : i32
    %jit3A_17 = arith.constant 4 : i32
    %eq3A = arith.constant 0 : i32
    %eq3A_18 = arith.cmpi eq, %jit3A_17, %eq3A : i32
    %jit3A_19 = arith.constant 1 : i32
    %select_n3A_20 = arith.select %eq3A_18, %jit3A_19, %jit3A_17 : i32
    %rem3A_21 = arith.remsi %add3A, %select_n3A_20 : i32
    %ne3A_22 = arith.constant 0 : i32
    %ne3A_23 = arith.cmpi ne, %rem3A_21, %ne3A_22 : i32
    %lt3A = arith.constant 0 : i32
    %lt3A_24 = arith.cmpi slt, %rem3A_21, %lt3A : i32
    %lt3A_25 = arith.constant 0 : i32
    %lt3A_26 = arith.cmpi slt, %select_n3A_20, %lt3A_25 : i32
    %ne3A_27 = arith.xori %lt3A_24, %lt3A_26 : i1
    %and3A_28 = arith.andi %ne3A_27, %ne3A_23 : i1
    %add3A_29 = arith.addi %rem3A_21, %select_n3A_20 : i32
    %select_n3A_30 = arith.select %and3A_28, %add3A_29, %rem3A_21 : i32
    %mul3A_31 = arith.constant 2048 : i32
    %mul3A_32 = arith.muli %select_n3A_30, %mul3A_31 : i32
    %iota3A = tpu.iota {dimensions = array<i32: 0>} : vector<16xi32>
    %mul3A_33 = arith.constant 2048 : i32
    %mul3A_34 = arith.muli %select_n3A, %mul3A_33 : i32
    "tpu.region"() ({
      %run_scoped3A = tpu.sem_alloc : memref<!tpu.dma_semaphore, #tpu.memory_space<semaphore_mem>>
      %dma_start3A_1264 = tpu.memref_slice %arg5[%mul3A_34] : memref<16384xi32, #tpu.memory_space<hbm>> -> memref<2048xi32, #tpu.memory_space<hbm>>
      %dma_start3A_1265 = tpu.memref_slice %arg5[%mul3A_34] : memref<16384xi32, #tpu.memory_space<hbm>> -> memref<2048xi32, #tpu.memory_space<hbm>>
      tpu.enqueue_dma source(%dma_start3A_1265 : memref<2048xi32, #tpu.memory_space<hbm>>) target(%arg10 : memref<2048xi32, #tpu.memory_space<vmem>>) target_semaphore(%run_scoped3A : memref<!tpu.dma_semaphore, #tpu.memory_space<semaphore_mem>>)
      %dma_wait3A_1266 = tpu.memref_slice %arg5[%mul3A_34] : memref<16384xi32, #tpu.memory_space<hbm>> -> memref<2048xi32, #tpu.memory_space<hbm>>
      %dma_wait3A_1267 = tpu.memref_slice %arg5[%mul3A_34] : memref<16384xi32, #tpu.memory_space<hbm>> -> memref<2048xi32, #tpu.memory_space<hbm>>
      tpu.wait_dma2 semaphore(%run_scoped3A : memref<!tpu.dma_semaphore, #tpu.memory_space<semaphore_mem>>) src(%dma_wait3A_1267 : memref<2048xi32, #tpu.memory_space<hbm>>) dst(%arg10 : memref<2048xi32, #tpu.memory_space<vmem>>)
      tpu.yield
    }) : () -> ()
    %mul3A_35 = arith.constant 2048 : i32
    %mul3A_36 = arith.muli %select_n3A, %mul3A_35 : i32
    "tpu.region"() ({
      %run_scoped3A = tpu.sem_alloc : memref<!tpu.dma_semaphore, #tpu.memory_space<semaphore_mem>>
      %dma_start3A_1264 = tpu.memref_slice %arg6[%mul3A_36] : memref<16384xi32, #tpu.memory_space<hbm>> -> memref<2048xi32, #tpu.memory_space<hbm>>
      %dma_start3A_1265 = tpu.memref_slice %arg6[%mul3A_36] : memref<16384xi32, #tpu.memory_space<hbm>> -> memref<2048xi32, #tpu.memory_space<hbm>>
      tpu.enqueue_dma source(%dma_start3A_1265 : memref<2048xi32, #tpu.memory_space<hbm>>) target(%arg12 : memref<2048xi32, #tpu.memory_space<vmem>>) target_semaphore(%run_scoped3A : memref<!tpu.dma_semaphore, #tpu.memory_space<semaphore_mem>>)
      %dma_wait3A_1266 = tpu.memref_slice %arg6[%mul3A_36] : memref<16384xi32, #tpu.memory_space<hbm>> -> memref<2048xi32, #tpu.memory_space<hbm>>
      %dma_wait3A_1267 = tpu.memref_slice %arg6[%mul3A_36] : memref<16384xi32, #tpu.memory_space<hbm>> -> memref<2048xi32, #tpu.memory_space<hbm>>
      tpu.wait_dma2 semaphore(%run_scoped3A : memref<!tpu.dma_semaphore, #tpu.memory_space<semaphore_mem>>) src(%dma_wait3A_1267 : memref<2048xi32, #tpu.memory_space<hbm>>) dst(%arg12 : memref<2048xi32, #tpu.memory_space<vmem>>)
      tpu.yield
    }) : () -> ()
    "tpu.region"() ({
      %run_scoped3A = tpu.sem_alloc : memref<!tpu.dma_semaphore, #tpu.memory_space<semaphore_mem>>
      tpu.enqueue_dma source(%arg7 : memref<16xi32, #tpu.memory_space<hbm>>) target(%arg13 : memref<16xi32, #tpu.memory_space<vmem>>) target_semaphore(%run_scoped3A : memref<!tpu.dma_semaphore, #tpu.memory_space<semaphore_mem>>)
      tpu.wait_dma2 semaphore(%run_scoped3A : memref<!tpu.dma_semaphore, #tpu.memory_space<semaphore_mem>>) src(%arg7 : memref<16xi32, #tpu.memory_space<hbm>>) dst(%arg13 : memref<16xi32, #tpu.memory_space<vmem>>)
      tpu.yield
    }) : () -> ()
    %broadcast_in_dim3A = arith.constant 0 : i32
    %broadcast_in_dim3A_37 = vector.broadcast %broadcast_in_dim3A : i32 to vector<16xi32>
    %scan3A = arith.constant 0 : i32
    %scan3A_38 = arith.constant 128 : i32
    %scan3A_39 = arith.addi %scan3A, %scan3A_38 : i32
    %scan3A_40 = arith.constant 1 : i32
    %scan3A_41 = scf.for %scan3A_1264 = %scan3A to %scan3A_39 step %scan3A_40 iter_args(%scan3A_1265 = %broadcast_in_dim3A_37) -> (vector<16xi32>)  : i32 {
      %mul3A_1266 = arith.constant 16 : i32
      %mul3A_1267 = arith.muli %scan3A_1264, %mul3A_1266 : i32
      %get3A_1268 = arith.index_cast %mul3A_1267 : i32 to index
      %get3A_1269 = tpu.vector_load %arg10[%get3A_1268] {strides = array<i32>} : memref<2048xi32, #tpu.memory_space<vmem>>, vector<16xi32>,
      %max3A_1270 = arith.constant 0 : i32
      %max3A_1271 = vector.broadcast %max3A_1270 : i32 to vector<16xi32>
      %max3A_1272 = arith.maxsi %get3A_1269, %max3A_1271 : vector<16xi32>
      %swap3A_1273 = arith.index_cast %mul3A_1267 : i32 to index
      %swap3A_1274 = tpu.vector_load %arg11[%swap3A_1273] {strides = array<i32>} : memref<2048xi32, #tpu.memory_space<vmem>>, vector<16xi32>,
      tpu.vector_store %arg11[%swap3A_1273], %max3A_1272 {strides = array<i32>} : memref<2048xi32, #tpu.memory_space<vmem>>, vector<16xi32>,
      %get3A_1275 = arith.index_cast %mul3A_1267 : i32 to index
      %get3A_1276 = tpu.vector_load %arg11[%get3A_1275] {strides = array<i32>} : memref<2048xi32, #tpu.memory_space<vmem>>, vector<16xi32>,
      %sub3A_1277 = arith.constant 1 : i32
      %sub3A_1278 = vector.broadcast %sub3A_1277 : i32 to vector<16xi32>
      %sub3A_1279 = arith.subi %iota3A, %sub3A_1278 : vector<16xi32>
      %max3A_1280 = arith.constant 0 : i32
      %max3A_1281 = vector.broadcast %max3A_1280 : i32 to vector<16xi32>
      %max3A_1282 = arith.maxsi %sub3A_1279, %max3A_1281 : vector<16xi32>
      %add3A_1283 = vector.broadcast %mul3A_1267 : i32 to vector<16xi32>
      %add3A_1284 = arith.addi %add3A_1283, %max3A_1282 : vector<16xi32>
      %gather3A_1285 = tpu.vector_load_idx %arg11[%add3A_1284] : memref<2048xi32, #tpu.memory_space<vmem>>[vector<16xi32>], vector<16xi32>,
      %ge3A_1286 = arith.constant 1 : i32
      %ge3A_1287 = vector.broadcast %ge3A_1286 : i32 to vector<16xi32>
      %ge3A_1288 = arith.cmpi sge, %iota3A, %ge3A_1287 : vector<16xi32>
      %jit3A_1289 = arith.constant 0 : i32
      %broadcast_in_dim3A_1290 = vector.broadcast %jit3A_1289 : i32 to vector<16xi32>
      %select_n3A_1291 = arith.select %ge3A_1288, %gather3A_1285, %broadcast_in_dim3A_1290 : vector<16xi1>, vector<16xi32>
      %add3A_1292 = arith.addi %get3A_1276, %select_n3A_1291 : vector<16xi32>
      %swap3A_1293 = arith.index_cast %mul3A_1267 : i32 to index
      %swap3A_1294 = tpu.vector_load %arg11[%swap3A_1293] {strides = array<i32>} : memref<2048xi32, #tpu.memory_space<vmem>>, vector<16xi32>,
      tpu.vector_store %arg11[%swap3A_1293], %add3A_1292 {strides = array<i32>} : memref<2048xi32, #tpu.memory_space<vmem>>, vector<16xi32>,
      %get3A_1295 = arith.index_cast %mul3A_1267 : i32 to index
      %get3A_1296 = tpu.vector_load %arg11[%get3A_1295] {strides = array<i32>} : memref<2048xi32, #tpu.memory_space<vmem>>, vector<16xi32>,
      %sub3A_1297 = arith.constant 2 : i32
      %sub3A_1298 = vector.broadcast %sub3A_1297 : i32 to vector<16xi32>
      %sub3A_1299 = arith.subi %iota3A, %sub3A_1298 : vector<16xi32>
      %max3A_1300 = arith.constant 0 : i32
      %max3A_1301 = vector.broadcast %max3A_1300 : i32 to vector<16xi32>
      %max3A_1302 = arith.maxsi %sub3A_1299, %max3A_1301 : vector<16xi32>
      %add3A_1303 = vector.broadcast %mul3A_1267 : i32 to vector<16xi32>
      %add3A_1304 = arith.addi %add3A_1303, %max3A_1302 : vector<16xi32>
      %gather3A_1305 = tpu.vector_load_idx %arg11[%add3A_1304] : memref<2048xi32, #tpu.memory_space<vmem>>[vector<16xi32>], vector<16xi32>,
      %ge3A_1306 = arith.constant 2 : i32
      %ge3A_1307 = vector.broadcast %ge3A_1306 : i32 to vector<16xi32>
      %ge3A_1308 = arith.cmpi sge, %iota3A, %ge3A_1307 : vector<16xi32>
      %jit3A_1309 = arith.constant 0 : i32
      %broadcast_in_dim3A_1310 = vector.broadcast %jit3A_1309 : i32 to vector<16xi32>
      %select_n3A_1311 = arith.select %ge3A_1308, %gather3A_1305, %broadcast_in_dim3A_1310 : vector<16xi1>, vector<16xi32>
      %add3A_1312 = arith.addi %get3A_1296, %select_n3A_1311 : vector<16xi32>
      %swap3A_1313 = arith.index_cast %mul3A_1267 : i32 to index
      %swap3A_1314 = tpu.vector_load %arg11[%swap3A_1313] {strides = array<i32>} : memref<2048xi32, #tpu.memory_space<vmem>>, vector<16xi32>,
      tpu.vector_store %arg11[%swap3A_1313], %add3A_1312 {strides = array<i32>} : memref<2048xi32, #tpu.memory_space<vmem>>, vector<16xi32>,
      %get3A_1315 = arith.index_cast %mul3A_1267 : i32 to index
      %get3A_1316 = tpu.vector_load %arg11[%get3A_1315] {strides = array<i32>} : memref<2048xi32, #tpu.memory_space<vmem>>, vector<16xi32>,
      %sub3A_1317 = arith.constant 4 : i32
      %sub3A_1318 = vector.broadcast %sub3A_1317 : i32 to vector<16xi32>
      %sub3A_1319 = arith.subi %iota3A, %sub3A_1318 : vector<16xi32>
      %max3A_1320 = arith.constant 0 : i32
      %max3A_1321 = vector.broadcast %max3A_1320 : i32 to vector<16xi32>
      %max3A_1322 = arith.maxsi %sub3A_1319, %max3A_1321 : vector<16xi32>
      %add3A_1323 = vector.broadcast %mul3A_1267 : i32 to vector<16xi32>
      %add3A_1324 = arith.addi %add3A_1323, %max3A_1322 : vector<16xi32>
      %gather3A_1325 = tpu.vector_load_idx %arg11[%add3A_1324] : memref<2048xi32, #tpu.memory_space<vmem>>[vector<16xi32>], vector<16xi32>,
      %ge3A_1326 = arith.constant 4 : i32
      %ge3A_1327 = vector.broadcast %ge3A_1326 : i32 to vector<16xi32>
      %ge3A_1328 = arith.cmpi sge, %iota3A, %ge3A_1327 : vector<16xi32>
      %jit3A_1329 = arith.constant 0 : i32
      %broadcast_in_dim3A_1330 = vector.broadcast %jit3A_1329 : i32 to vector<16xi32>
      %select_n3A_1331 = arith.select %ge3A_1328, %gather3A_1325, %broadcast_in_dim3A_1330 : vector<16xi1>, vector<16xi32>
      %add3A_1332 = arith.addi %get3A_1316, %select_n3A_1331 : vector<16xi32>
      %swap3A_1333 = arith.index_cast %mul3A_1267 : i32 to index
      %swap3A_1334 = tpu.vector_load %arg11[%swap3A_1333] {strides = array<i32>} : memref<2048xi32, #tpu.memory_space<vmem>>, vector<16xi32>,
      tpu.vector_store %arg11[%swap3A_1333], %add3A_1332 {strides = array<i32>} : memref<2048xi32, #tpu.memory_space<vmem>>, vector<16xi32>,
      %get3A_1335 = arith.index_cast %mul3A_1267 : i32 to index
      %get3A_1336 = tpu.vector_load %arg11[%get3A_1335] {strides = array<i32>} : memref<2048xi32, #tpu.memory_space<vmem>>, vector<16xi32>,
      %sub3A_1337 = arith.constant 8 : i32
      %sub3A_1338 = vector.broadcast %sub3A_1337 : i32 to vector<16xi32>
      %sub3A_1339 = arith.subi %iota3A, %sub3A_1338 : vector<16xi32>
      %max3A_1340 = arith.constant 0 : i32
      %max3A_1341 = vector.broadcast %max3A_1340 : i32 to vector<16xi32>
      %max3A_1342 = arith.maxsi %sub3A_1339, %max3A_1341 : vector<16xi32>
      %add3A_1343 = vector.broadcast %mul3A_1267 : i32 to vector<16xi32>
      %add3A_1344 = arith.addi %add3A_1343, %max3A_1342 : vector<16xi32>
      %gather3A_1345 = tpu.vector_load_idx %arg11[%add3A_1344] : memref<2048xi32, #tpu.memory_space<vmem>>[vector<16xi32>], vector<16xi32>,
      %ge3A_1346 = arith.constant 8 : i32
      %ge3A_1347 = vector.broadcast %ge3A_1346 : i32 to vector<16xi32>
      %ge3A_1348 = arith.cmpi sge, %iota3A, %ge3A_1347 : vector<16xi32>
      %jit3A_1349 = arith.constant 0 : i32
      %broadcast_in_dim3A_1350 = vector.broadcast %jit3A_1349 : i32 to vector<16xi32>
      %select_n3A_1351 = arith.select %ge3A_1348, %gather3A_1345, %broadcast_in_dim3A_1350 : vector<16xi1>, vector<16xi32>
      %add3A_1352 = arith.addi %get3A_1336, %select_n3A_1351 : vector<16xi32>
      %swap3A_1353 = arith.index_cast %mul3A_1267 : i32 to index
      %swap3A_1354 = tpu.vector_load %arg11[%swap3A_1353] {strides = array<i32>} : memref<2048xi32, #tpu.memory_space<vmem>>, vector<16xi32>,
      tpu.vector_store %arg11[%swap3A_1353], %add3A_1352 {strides = array<i32>} : memref<2048xi32, #tpu.memory_space<vmem>>, vector<16xi32>,
      %get3A_1355 = arith.index_cast %mul3A_1267 : i32 to index
      %get3A_1356 = tpu.vector_load %arg11[%get3A_1355] {strides = array<i32>} : memref<2048xi32, #tpu.memory_space<vmem>>, vector<16xi32>,
      %add3A_1357 = arith.addi %get3A_1356, %scan3A_1265 : vector<16xi32>
      %swap3A_1358 = arith.index_cast %mul3A_1267 : i32 to index
      %swap3A_1359 = tpu.vector_load %arg11[%swap3A_1358] {strides = array<i32>} : memref<2048xi32, #tpu.memory_space<vmem>>, vector<16xi32>,
      tpu.vector_store %arg11[%swap3A_1358], %add3A_1357 {strides = array<i32>} : memref<2048xi32, #tpu.memory_space<vmem>>, vector<16xi32>,
      %broadcast_in_dim3A_1360 = arith.constant 0 : i32
      %broadcast_in_dim3A_1361 = vector.broadcast %broadcast_in_dim3A_1360 : i32 to vector<16xi32>
      %add3A_1362 = arith.constant 16 : i32
      %add3A_1363 = arith.addi %mul3A_1267, %add3A_1362 : i32
      %sub3A_1364 = arith.constant 1 : i32
      %sub3A_1365 = arith.subi %add3A_1363, %sub3A_1364 : i32
      %add3A_1366 = vector.broadcast %sub3A_1365 : i32 to vector<16xi32>
      %add3A_1367 = arith.addi %broadcast_in_dim3A_1361, %add3A_1366 : vector<16xi32>
      %gather3A_1368 = tpu.vector_load_idx %arg11[%add3A_1367] : memref<2048xi32, #tpu.memory_space<vmem>>[vector<16xi32>], vector<16xi32>,
      scf.yield %gather3A_1368 : vector<16xi32>
    }
    %scan3A_42 = arith.constant 128 : i32
    %broadcast_in_dim3A_43 = arith.constant 0 : i32
    %broadcast_in_dim3A_44 = vector.broadcast %broadcast_in_dim3A_43 : i32 to vector<16xi32>
    %add3A_45 = arith.constant 2047 : i32
    %add3A_46 = vector.broadcast %add3A_45 : i32 to vector<16xi32>
    %add3A_47 = arith.addi %broadcast_in_dim3A_44, %add3A_46 : vector<16xi32>
    %gather3A = tpu.vector_load_idx %arg11[%add3A_47] : memref<2048xi32, #tpu.memory_space<vmem>>[vector<16xi32>], vector<16xi32>,
    %get3A = arith.constant 0 : index
    %get3A_48 = tpu.vector_load %arg13[%get3A] {strides = array<i32>} : memref<16xi32, #tpu.memory_space<vmem>>, vector<16xi32>,
    %min3A = arith.minsi %gather3A, %get3A_48 : vector<16xi32>
    %mul3A_49 = arith.constant 0 : i32
    %mul3A_50 = arith.constant 32 : i32
    %mul3A_51 = arith.muli %mul3A_49, %mul3A_50 : i32
    %add3A_52 = arith.addi %mul3A_32, %mul3A_51 : i32
    %add3A_53 = arith.constant 0 : i32
    %add3A_54 = arith.addi %add3A_52, %add3A_53 : i32
    %add3A_55 = vector.broadcast %add3A_54 : i32 to vector<16xi32>
    %add3A_56 = arith.addi %add3A_55, %iota3A : vector<16xi32>
    %broadcast_in_dim3A_57 = arith.constant 0 : i32
    %broadcast_in_dim3A_58 = vector.broadcast %broadcast_in_dim3A_57 : i32 to vector<16xi32>
    %add3A_59 = arith.constant 1023 : i32
    %add3A_60 = vector.broadcast %add3A_59 : i32 to vector<16xi32>
    %add3A_61 = arith.addi %broadcast_in_dim3A_58, %add3A_60 : vector<16xi32>
    %gather3A_62 = tpu.vector_load_idx %arg11[%add3A_61] : memref<2048xi32, #tpu.memory_space<vmem>>[vector<16xi32>], vector<16xi32>,
    %le3A = arith.cmpi sle, %gather3A_62, %add3A_56 : vector<16xi32>
    %jit3A_63 = arith.constant 1024 : i32
    %jit3A_64 = arith.constant 0 : i32
    %broadcast_in_dim3A_65 = vector.broadcast %jit3A_63 : i32 to vector<16xi32>
    %broadcast_in_dim3A_66 = vector.broadcast %jit3A_64 : i32 to vector<16xi32>
    %select_n3A_67 = arith.select %le3A, %broadcast_in_dim3A_65, %broadcast_in_dim3A_66 : vector<16xi1>, vector<16xi32>
    %add3A_68 = arith.addi %broadcast_in_dim3A_58, %select_n3A_67 : vector<16xi32>
    %add3A_69 = arith.constant 511 : i32
    %add3A_70 = vector.broadcast %add3A_69 : i32 to vector<16xi32>
    %add3A_71 = arith.addi %add3A_68, %add3A_70 : vector<16xi32>
    %gather3A_72 = tpu.vector_load_idx %arg11[%add3A_71] : memref<2048xi32, #tpu.memory_space<vmem>>[vector<16xi32>], vector<16xi32>,
    %le3A_73 = arith.cmpi sle, %gather3A_72, %add3A_56 : vector<16xi32>
    %jit3A_74 = arith.constant 512 : i32
    %jit3A_75 = arith.constant 0 : i32
    %broadcast_in_dim3A_76 = vector.broadcast %jit3A_74 : i32 to vector<16xi32>
    %broadcast_in_dim3A_77 = vector.broadcast %jit3A_75 : i32 to vector<16xi32>
    %select_n3A_78 = arith.select %le3A_73, %broadcast_in_dim3A_76, %broadcast_in_dim3A_77 : vector<16xi1>, vector<16xi32>
    %add3A_79 = arith.addi %add3A_68, %select_n3A_78 : vector<16xi32>
    %add3A_80 = arith.constant 255 : i32
    %add3A_81 = vector.broadcast %add3A_80 : i32 to vector<16xi32>
    %add3A_82 = arith.addi %add3A_79, %add3A_81 : vector<16xi32>
    %gather3A_83 = tpu.vector_load_idx %arg11[%add3A_82] : memref<2048xi32, #tpu.memory_space<vmem>>[vector<16xi32>], vector<16xi32>,
    %le3A_84 = arith.cmpi sle, %gather3A_83, %add3A_56 : vector<16xi32>
    %jit3A_85 = arith.constant 256 : i32
    %jit3A_86 = arith.constant 0 : i32
    %broadcast_in_dim3A_87 = vector.broadcast %jit3A_85 : i32 to vector<16xi32>
    %broadcast_in_dim3A_88 = vector.broadcast %jit3A_86 : i32 to vector<16xi32>
    %select_n3A_89 = arith.select %le3A_84, %broadcast_in_dim3A_87, %broadcast_in_dim3A_88 : vector<16xi1>, vector<16xi32>
    %add3A_90 = arith.addi %add3A_79, %select_n3A_89 : vector<16xi32>
    %add3A_91 = arith.constant 127 : i32
    %add3A_92 = vector.broadcast %add3A_91 : i32 to vector<16xi32>
    %add3A_93 = arith.addi %add3A_90, %add3A_92 : vector<16xi32>
    %gather3A_94 = tpu.vector_load_idx %arg11[%add3A_93] : memref<2048xi32, #tpu.memory_space<vmem>>[vector<16xi32>], vector<16xi32>,
    %le3A_95 = arith.cmpi sle, %gather3A_94, %add3A_56 : vector<16xi32>
    %jit3A_96 = arith.constant 128 : i32
    %jit3A_97 = arith.constant 0 : i32
    %broadcast_in_dim3A_98 = vector.broadcast %jit3A_96 : i32 to vector<16xi32>
    %broadcast_in_dim3A_99 = vector.broadcast %jit3A_97 : i32 to vector<16xi32>
    %select_n3A_100 = arith.select %le3A_95, %broadcast_in_dim3A_98, %broadcast_in_dim3A_99 : vector<16xi1>, vector<16xi32>
    %add3A_101 = arith.addi %add3A_90, %select_n3A_100 : vector<16xi32>
    %add3A_102 = arith.constant 63 : i32
    %add3A_103 = vector.broadcast %add3A_102 : i32 to vector<16xi32>
    %add3A_104 = arith.addi %add3A_101, %add3A_103 : vector<16xi32>
    %gather3A_105 = tpu.vector_load_idx %arg11[%add3A_104] : memref<2048xi32, #tpu.memory_space<vmem>>[vector<16xi32>], vector<16xi32>,
    %le3A_106 = arith.cmpi sle, %gather3A_105, %add3A_56 : vector<16xi32>
    %jit3A_107 = arith.constant 64 : i32
    %jit3A_108 = arith.constant 0 : i32
    %broadcast_in_dim3A_109 = vector.broadcast %jit3A_107 : i32 to vector<16xi32>
    %broadcast_in_dim3A_110 = vector.broadcast %jit3A_108 : i32 to vector<16xi32>
    %select_n3A_111 = arith.select %le3A_106, %broadcast_in_dim3A_109, %broadcast_in_dim3A_110 : vector<16xi1>, vector<16xi32>
    %add3A_112 = arith.addi %add3A_101, %select_n3A_111 : vector<16xi32>
    %add3A_113 = arith.constant 31 : i32
    %add3A_114 = vector.broadcast %add3A_113 : i32 to vector<16xi32>
    %add3A_115 = arith.addi %add3A_112, %add3A_114 : vector<16xi32>
    %gather3A_116 = tpu.vector_load_idx %arg11[%add3A_115] : memref<2048xi32, #tpu.memory_space<vmem>>[vector<16xi32>], vector<16xi32>,
    %le3A_117 = arith.cmpi sle, %gather3A_116, %add3A_56 : vector<16xi32>
    %jit3A_118 = arith.constant 32 : i32
    %jit3A_119 = arith.constant 0 : i32
    %broadcast_in_dim3A_120 = vector.broadcast %jit3A_118 : i32 to vector<16xi32>
    %broadcast_in_dim3A_121 = vector.broadcast %jit3A_119 : i32 to vector<16xi32>
    %select_n3A_122 = arith.select %le3A_117, %broadcast_in_dim3A_120, %broadcast_in_dim3A_121 : vector<16xi1>, vector<16xi32>
    %add3A_123 = arith.addi %add3A_112, %select_n3A_122 : vector<16xi32>
    %add3A_124 = arith.constant 15 : i32
    %add3A_125 = vector.broadcast %add3A_124 : i32 to vector<16xi32>
    %add3A_126 = arith.addi %add3A_123, %add3A_125 : vector<16xi32>
    %gather3A_127 = tpu.vector_load_idx %arg11[%add3A_126] : memref<2048xi32, #tpu.memory_space<vmem>>[vector<16xi32>], vector<16xi32>,
    %le3A_128 = arith.cmpi sle, %gather3A_127, %add3A_56 : vector<16xi32>
    %jit3A_129 = arith.constant 16 : i32
    %jit3A_130 = arith.constant 0 : i32
    %broadcast_in_dim3A_131 = vector.broadcast %jit3A_129 : i32 to vector<16xi32>
    %broadcast_in_dim3A_132 = vector.broadcast %jit3A_130 : i32 to vector<16xi32>
    %select_n3A_133 = arith.select %le3A_128, %broadcast_in_dim3A_131, %broadcast_in_dim3A_132 : vector<16xi1>, vector<16xi32>
    %add3A_134 = arith.addi %add3A_123, %select_n3A_133 : vector<16xi32>
    %add3A_135 = arith.constant 7 : i32
    %add3A_136 = vector.broadcast %add3A_135 : i32 to vector<16xi32>
    %add3A_137 = arith.addi %add3A_134, %add3A_136 : vector<16xi32>
    %gather3A_138 = tpu.vector_load_idx %arg11[%add3A_137] : memref<2048xi32, #tpu.memory_space<vmem>>[vector<16xi32>], vector<16xi32>,
    %le3A_139 = arith.cmpi sle, %gather3A_138, %add3A_56 : vector<16xi32>
    %jit3A_140 = arith.constant 8 : i32
    %jit3A_141 = arith.constant 0 : i32
    %broadcast_in_dim3A_142 = vector.broadcast %jit3A_140 : i32 to vector<16xi32>
    %broadcast_in_dim3A_143 = vector.broadcast %jit3A_141 : i32 to vector<16xi32>
    %select_n3A_144 = arith.select %le3A_139, %broadcast_in_dim3A_142, %broadcast_in_dim3A_143 : vector<16xi1>, vector<16xi32>
    %add3A_145 = arith.addi %add3A_134, %select_n3A_144 : vector<16xi32>
    %add3A_146 = arith.constant 3 : i32
    %add3A_147 = vector.broadcast %add3A_146 : i32 to vector<16xi32>
    %add3A_148 = arith.addi %add3A_145, %add3A_147 : vector<16xi32>
    %gather3A_149 = tpu.vector_load_idx %arg11[%add3A_148] : memref<2048xi32, #tpu.memory_space<vmem>>[vector<16xi32>], vector<16xi32>,
    %le3A_150 = arith.cmpi sle, %gather3A_149, %add3A_56 : vector<16xi32>
    %jit3A_151 = arith.constant 4 : i32
    %jit3A_152 = arith.constant 0 : i32
    %broadcast_in_dim3A_153 = vector.broadcast %jit3A_151 : i32 to vector<16xi32>
    %broadcast_in_dim3A_154 = vector.broadcast %jit3A_152 : i32 to vector<16xi32>
    %select_n3A_155 = arith.select %le3A_150, %broadcast_in_dim3A_153, %broadcast_in_dim3A_154 : vector<16xi1>, vector<16xi32>
    %add3A_156 = arith.addi %add3A_145, %select_n3A_155 : vector<16xi32>
    %add3A_157 = arith.constant 1 : i32
    %add3A_158 = vector.broadcast %add3A_157 : i32 to vector<16xi32>
    %add3A_159 = arith.addi %add3A_156, %add3A_158 : vector<16xi32>
    %gather3A_160 = tpu.vector_load_idx %arg11[%add3A_159] : memref<2048xi32, #tpu.memory_space<vmem>>[vector<16xi32>], vector<16xi32>,
    %le3A_161 = arith.cmpi sle, %gather3A_160, %add3A_56 : vector<16xi32>
    %jit3A_162 = arith.constant 2 : i32
    %jit3A_163 = arith.constant 0 : i32
    %broadcast_in_dim3A_164 = vector.broadcast %jit3A_162 : i32 to vector<16xi32>
    %broadcast_in_dim3A_165 = vector.broadcast %jit3A_163 : i32 to vector<16xi32>
    %select_n3A_166 = arith.select %le3A_161, %broadcast_in_dim3A_164, %broadcast_in_dim3A_165 : vector<16xi1>, vector<16xi32>
    %add3A_167 = arith.addi %add3A_156, %select_n3A_166 : vector<16xi32>
    %add3A_168 = arith.constant 0 : i32
    %add3A_169 = vector.broadcast %add3A_168 : i32 to vector<16xi32>
    %add3A_170 = arith.addi %add3A_167, %add3A_169 : vector<16xi32>
    %gather3A_171 = tpu.vector_load_idx %arg11[%add3A_170] : memref<2048xi32, #tpu.memory_space<vmem>>[vector<16xi32>], vector<16xi32>,
    %le3A_172 = arith.cmpi sle, %gather3A_171, %add3A_56 : vector<16xi32>
    %jit3A_173 = arith.constant 1 : i32
    %jit3A_174 = arith.constant 0 : i32
    %broadcast_in_dim3A_175 = vector.broadcast %jit3A_173 : i32 to vector<16xi32>
    %broadcast_in_dim3A_176 = vector.broadcast %jit3A_174 : i32 to vector<16xi32>
    %select_n3A_177 = arith.select %le3A_172, %broadcast_in_dim3A_175, %broadcast_in_dim3A_176 : vector<16xi1>, vector<16xi32>
    %add3A_178 = arith.addi %add3A_167, %select_n3A_177 : vector<16xi32>
    %sub3A_179 = arith.constant 1 : i32
    %sub3A_180 = vector.broadcast %sub3A_179 : i32 to vector<16xi32>
    %sub3A_181 = arith.subi %add3A_178, %sub3A_180 : vector<16xi32>
    %max3A = arith.constant 0 : i32
    %max3A_182 = vector.broadcast %max3A : i32 to vector<16xi32>
    %max3A_183 = arith.maxsi %sub3A_181, %max3A_182 : vector<16xi32>
    %gather3A_184 = tpu.vector_load_idx %arg11[%max3A_183] : memref<2048xi32, #tpu.memory_space<vmem>>[vector<16xi32>], vector<16xi32>,
    %ge3A = arith.constant 1 : i32
    %ge3A_185 = vector.broadcast %ge3A : i32 to vector<16xi32>
    %ge3A_186 = arith.cmpi sge, %add3A_178, %ge3A_185 : vector<16xi32>
    %jit3A_187 = arith.constant 0 : i32
    %broadcast_in_dim3A_188 = vector.broadcast %jit3A_187 : i32 to vector<16xi32>
    %select_n3A_189 = arith.select %ge3A_186, %gather3A_184, %broadcast_in_dim3A_188 : vector<16xi1>, vector<16xi32>
    %gather3A_190 = tpu.vector_load_idx %arg11[%add3A_178] : memref<2048xi32, #tpu.memory_space<vmem>>[vector<16xi32>], vector<16xi32>,
    %sub3A_191 = arith.subi %gather3A_190, %select_n3A_189 : vector<16xi32>
    %sub3A_192 = arith.subi %add3A_56, %select_n3A_189 : vector<16xi32>
    %gather3A_193 = tpu.vector_load_idx %arg12[%add3A_178] : memref<2048xi32, #tpu.memory_space<vmem>>[vector<16xi32>], vector<16xi32>,
    %convert_element_type3A = arith.sitofp %sub3A_192 : vector<16xi32> to vector<16xf32>
    %jit3A_194 = arith.constant 2 : i32
    %div3A_195 = vector.broadcast %jit3A_194 : i32 to vector<16xi32>
    %div3A_196 = arith.divsi %sub3A_191, %div3A_195 : vector<16xi32>
    %sign3A_197 = arith.constant 0 : i32
    %sign3A_198 = vector.broadcast %sign3A_197 : i32 to vector<16xi32>
    %sign3A_199 = arith.cmpi sgt, %sub3A_191, %sign3A_198 : vector<16xi32>
    %sign3A_200 = arith.extui %sign3A_199 : vector<16xi1> to vector<16xi32>
    %sign3A_201 = arith.constant 0 : i32
    %sign3A_202 = vector.broadcast %sign3A_201 : i32 to vector<16xi32>
    %sign3A_203 = arith.cmpi slt, %sub3A_191, %sign3A_202 : vector<16xi32>
    %sign3A_204 = arith.extui %sign3A_203 : vector<16xi1> to vector<16xi32>
    %sign3A_205 = arith.subi %sign3A_200, %sign3A_204 : vector<16xi32>
    %sign3A_206 = arith.constant 0 : i32
    %sign3A_207 = arith.cmpi sgt, %jit3A_194, %sign3A_206 : i32
    %sign3A_208 = arith.extui %sign3A_207 : i1 to i32
    %sign3A_209 = arith.constant 0 : i32
    %sign3A_210 = arith.cmpi slt, %jit3A_194, %sign3A_209 : i32
    %sign3A_211 = arith.extui %sign3A_210 : i1 to i32
    %sign3A_212 = arith.subi %sign3A_208, %sign3A_211 : i32
    %ne3A_213 = vector.broadcast %sign3A_212 : i32 to vector<16xi32>
    %ne3A_214 = arith.cmpi ne, %sign3A_205, %ne3A_213 : vector<16xi32>
    %rem3A_215 = vector.broadcast %jit3A_194 : i32 to vector<16xi32>
    %rem3A_216 = arith.remsi %sub3A_191, %rem3A_215 : vector<16xi32>
    %ne3A_217 = arith.constant 0 : i32
    %ne3A_218 = vector.broadcast %ne3A_217 : i32 to vector<16xi32>
    %ne3A_219 = arith.cmpi ne, %rem3A_216, %ne3A_218 : vector<16xi32>
    %and3A_220 = arith.andi %ne3A_214, %ne3A_219 : vector<16xi1>
    %sub3A_221 = arith.constant 1 : i32
    %sub3A_222 = vector.broadcast %sub3A_221 : i32 to vector<16xi32>
    %sub3A_223 = arith.subi %div3A_196, %sub3A_222 : vector<16xi32>
    %select_n3A_224 = arith.select %and3A_220, %sub3A_223, %div3A_196 : vector<16xi1>, vector<16xi32>
    %sub3A_225 = arith.subi %sub3A_191, %select_n3A_224 : vector<16xi32>
    %broadcast_in_dim3A_226 = arith.constant 1.000000e+00 : f32
    %broadcast_in_dim3A_227 = vector.broadcast %broadcast_in_dim3A_226 : f32 to vector<16xf32>
    %broadcast_in_dim3A_228 = arith.constant 0.000000e+00 : f32
    %broadcast_in_dim3A_229 = vector.broadcast %broadcast_in_dim3A_228 : f32 to vector<16xf32>
    %sub3A_230 = arith.constant 1 : i32
    %sub3A_231 = vector.broadcast %sub3A_230 : i32 to vector<16xi32>
    %sub3A_232 = arith.subi %select_n3A_224, %sub3A_231 : vector<16xi32>
    %max3A_233 = arith.constant 1 : i32
    %max3A_234 = vector.broadcast %max3A_233 : i32 to vector<16xi32>
    %max3A_235 = arith.maxsi %sub3A_232, %max3A_234 : vector<16xi32>
    %convert_element_type3A_236 = arith.sitofp %max3A_235 : vector<16xi32> to vector<16xf32>
    %div3A_237 = arith.divf %convert_element_type3A, %convert_element_type3A_236 : vector<16xf32>
    %convert_element_type3A_238 = arith.sitofp %select_n3A_224 : vector<16xi32> to vector<16xf32>
    %sub3A_239 = arith.subf %convert_element_type3A, %convert_element_type3A_238 : vector<16xf32>
    %sub3A_240 = arith.constant 1 : i32
    %sub3A_241 = vector.broadcast %sub3A_240 : i32 to vector<16xi32>
    %sub3A_242 = arith.subi %sub3A_225, %sub3A_241 : vector<16xi32>
    %max3A_243 = arith.constant 1 : i32
    %max3A_244 = vector.broadcast %max3A_243 : i32 to vector<16xi32>
    %max3A_245 = arith.maxsi %sub3A_242, %max3A_244 : vector<16xi32>
    %convert_element_type3A_246 = arith.sitofp %max3A_245 : vector<16xi32> to vector<16xf32>
    %div3A_247 = arith.divf %sub3A_239, %convert_element_type3A_246 : vector<16xf32>
    %lt3A_248 = arith.cmpi slt, %sub3A_192, %select_n3A_224 : vector<16xi32>
    %sub3A_249 = arith.constant 1.000000e+00 : f32
    %sub3A_250 = vector.broadcast %sub3A_249 : f32 to vector<16xf32>
    %sub3A_251 = arith.subf %sub3A_250, %div3A_237 : vector<16xf32>
    %select_n3A_252 = arith.select %lt3A_248, %sub3A_251, %broadcast_in_dim3A_229 : vector<16xi1>, vector<16xf32>
    %sub3A_253 = arith.constant 1.000000e+00 : f32
    %sub3A_254 = vector.broadcast %sub3A_253 : f32 to vector<16xf32>
    %sub3A_255 = arith.subf %sub3A_254, %div3A_247 : vector<16xf32>
    %select_n3A_256 = arith.select %lt3A_248, %div3A_237, %sub3A_255 : vector<16xi1>, vector<16xf32>
    %select_n3A_257 = arith.select %lt3A_248, %broadcast_in_dim3A_229, %div3A_247 : vector<16xi1>, vector<16xf32>
    %eq3A_258 = arith.constant 0 : i32
    %eq3A_259 = vector.broadcast %eq3A_258 : i32 to vector<16xi32>
    %eq3A_260 = arith.cmpi eq, %sub3A_192, %eq3A_259 : vector<16xi32>
    %sub3A_261 = arith.constant 1 : i32
    %sub3A_262 = vector.broadcast %sub3A_261 : i32 to vector<16xi32>
    %sub3A_263 = arith.subi %sub3A_191, %sub3A_262 : vector<16xi32>
    %eq3A_264 = arith.cmpi eq, %sub3A_192, %sub3A_263 : vector<16xi32>
    %select_n3A_265 = arith.select %eq3A_260, %broadcast_in_dim3A_227, %broadcast_in_dim3A_229 : vector<16xi1>, vector<16xf32>
    %not3A = arith.constant dense<true> : vector<16xi1>
    %not3A_266 = arith.xori %eq3A_260, %not3A : vector<16xi1>
    %and3A_267 = arith.andi %eq3A_264, %not3A_266 : vector<16xi1>
    %select_n3A_268 = arith.select %and3A_267, %broadcast_in_dim3A_227, %broadcast_in_dim3A_229 : vector<16xi1>, vector<16xf32>
    %not3A_269 = arith.constant dense<true> : vector<16xi1>
    %not3A_270 = arith.xori %eq3A_260, %not3A_269 : vector<16xi1>
    %not3A_271 = arith.constant dense<true> : vector<16xi1>
    %not3A_272 = arith.xori %eq3A_264, %not3A_271 : vector<16xi1>
    %and3A_273 = arith.andi %not3A_270, %not3A_272 : vector<16xi1>
    %select_n3A_274 = arith.select %and3A_273, %broadcast_in_dim3A_227, %broadcast_in_dim3A_229 : vector<16xi1>, vector<16xf32>
    %eq3A_275 = arith.constant 0 : i32
    %eq3A_276 = vector.broadcast %eq3A_275 : i32 to vector<16xi32>
    %eq3A_277 = arith.cmpi eq, %gather3A_193, %eq3A_276 : vector<16xi32>
    %select_n3A_278 = arith.select %eq3A_277, %select_n3A_265, %select_n3A_252 : vector<16xi1>, vector<16xf32>
    %select_n3A_279 = arith.select %eq3A_277, %select_n3A_274, %select_n3A_256 : vector<16xi1>, vector<16xf32>
    %select_n3A_280 = arith.select %eq3A_277, %select_n3A_268, %select_n3A_257 : vector<16xi1>, vector<16xf32>
    %eq3A_281 = arith.constant 1 : i32
    %eq3A_282 = vector.broadcast %eq3A_281 : i32 to vector<16xi32>
    %eq3A_283 = arith.cmpi eq, %sub3A_191, %eq3A_282 : vector<16xi32>
    %eq3A_284 = arith.constant 2 : i32
    %eq3A_285 = vector.broadcast %eq3A_284 : i32 to vector<16xi32>
    %eq3A_286 = arith.cmpi eq, %sub3A_191, %eq3A_285 : vector<16xi32>
    %eq3A_287 = arith.constant 3 : i32
    %eq3A_288 = vector.broadcast %eq3A_287 : i32 to vector<16xi32>
    %eq3A_289 = arith.cmpi eq, %sub3A_191, %eq3A_288 : vector<16xi32>
    %select_n3A_290 = arith.select %eq3A_260, %broadcast_in_dim3A_227, %broadcast_in_dim3A_229 : vector<16xi1>, vector<16xf32>
    %select_n3A_291 = arith.select %eq3A_260, %broadcast_in_dim3A_227, %broadcast_in_dim3A_229 : vector<16xi1>, vector<16xf32>
    %select_n3A_292 = arith.select %eq3A_289, %select_n3A_291, %select_n3A_278 : vector<16xi1>, vector<16xf32>
    %select_n3A_293 = arith.select %eq3A_286, %select_n3A_290, %select_n3A_292 : vector<16xi1>, vector<16xf32>
    %select_n3A_294 = arith.select %eq3A_283, %broadcast_in_dim3A_229, %select_n3A_293 : vector<16xi1>, vector<16xf32>
    %eq3A_295 = arith.constant 1 : i32
    %eq3A_296 = vector.broadcast %eq3A_295 : i32 to vector<16xi32>
    %eq3A_297 = arith.cmpi eq, %sub3A_192, %eq3A_296 : vector<16xi32>
    %select_n3A_298 = arith.select %eq3A_297, %broadcast_in_dim3A_227, %broadcast_in_dim3A_229 : vector<16xi1>, vector<16xf32>
    %select_n3A_299 = arith.select %eq3A_289, %select_n3A_298, %select_n3A_279 : vector<16xi1>, vector<16xf32>
    %select_n3A_300 = arith.select %eq3A_286, %broadcast_in_dim3A_229, %select_n3A_299 : vector<16xi1>, vector<16xf32>
    %select_n3A_301 = arith.select %eq3A_283, %broadcast_in_dim3A_227, %select_n3A_300 : vector<16xi1>, vector<16xf32>
    %not3A_302 = arith.constant dense<true> : vector<16xi1>
    %not3A_303 = arith.xori %eq3A_260, %not3A_302 : vector<16xi1>
    %select_n3A_304 = arith.select %not3A_303, %broadcast_in_dim3A_227, %broadcast_in_dim3A_229 : vector<16xi1>, vector<16xf32>
    %ge3A_305 = arith.constant 2 : i32
    %ge3A_306 = vector.broadcast %ge3A_305 : i32 to vector<16xi32>
    %ge3A_307 = arith.cmpi sge, %sub3A_192, %ge3A_306 : vector<16xi32>
    %select_n3A_308 = arith.select %ge3A_307, %broadcast_in_dim3A_227, %broadcast_in_dim3A_229 : vector<16xi1>, vector<16xf32>
    %select_n3A_309 = arith.select %eq3A_289, %select_n3A_308, %select_n3A_280 : vector<16xi1>, vector<16xf32>
    %select_n3A_310 = arith.select %eq3A_286, %select_n3A_304, %select_n3A_309 : vector<16xi1>, vector<16xf32>
    %select_n3A_311 = arith.select %eq3A_283, %broadcast_in_dim3A_229, %select_n3A_310 : vector<16xi1>, vector<16xf32>
    %lt3A_312 = arith.cmpi slt, %add3A_56, %min3A : vector<16xi32>
    %select_n3A_313 = arith.select %lt3A_312, %select_n3A_294, %broadcast_in_dim3A_229 : vector<16xi1>, vector<16xf32>
    %select_n3A_314 = arith.select %lt3A_312, %select_n3A_301, %broadcast_in_dim3A_229 : vector<16xi1>, vector<16xf32>
    %select_n3A_315 = arith.select %lt3A_312, %select_n3A_311, %broadcast_in_dim3A_229 : vector<16xi1>, vector<16xf32>
    %mul3A_316 = arith.constant 2048 : i32
    %mul3A_317 = arith.muli %select_n3A, %mul3A_316 : i32
    %add3A_318 = vector.broadcast %mul3A_317 : i32 to vector<16xi32>
    %add3A_319 = arith.addi %add3A_318, %add3A_178 : vector<16xi32>
    %swap3A = arith.constant 0 : index
    %swap3A_320 = tpu.vector_load %arg15[%swap3A] {strides = array<i32>} : memref<32xi32, #tpu.memory_space<vmem>>, vector<16xi32>,
    tpu.vector_store %arg15[%swap3A], %add3A_319 {strides = array<i32>} : memref<32xi32, #tpu.memory_space<vmem>>, vector<16xi32>,
    %swap3A_321 = arith.constant 0 : index
    %swap3A_322 = tpu.vector_load %arg16[%swap3A_321] {strides = array<i32>} : memref<32xf32, #tpu.memory_space<vmem>>, vector<16xf32>,
    tpu.vector_store %arg16[%swap3A_321], %select_n3A_313 {strides = array<i32>} : memref<32xf32, #tpu.memory_space<vmem>>, vector<16xf32>,
    %swap3A_323 = arith.constant 0 : index
    %swap3A_324 = tpu.vector_load %arg17[%swap3A_323] {strides = array<i32>} : memref<32xf32, #tpu.memory_space<vmem>>, vector<16xf32>,
    tpu.vector_store %arg17[%swap3A_323], %select_n3A_314 {strides = array<i32>} : memref<32xf32, #tpu.memory_space<vmem>>, vector<16xf32>,
    %swap3A_325 = arith.constant 0 : index
    %swap3A_326 = tpu.vector_load %arg18[%swap3A_325] {strides = array<i32>} : memref<32xf32, #tpu.memory_space<vmem>>, vector<16xf32>,
    tpu.vector_store %arg18[%swap3A_325], %select_n3A_315 {strides = array<i32>} : memref<32xf32, #tpu.memory_space<vmem>>, vector<16xf32>,
    %convert_element_type3A_327 = arith.extui %lt3A_312 : vector<16xi1> to vector<16xi32>
    %mul3A_328 = arith.constant 0 : i32
    %mul3A_329 = arith.constant 32 : i32
    %mul3A_330 = arith.muli %mul3A_328, %mul3A_329 : i32
    %add3A_331 = arith.constant 0 : i32
    %add3A_332 = arith.addi %mul3A_330, %add3A_331 : i32
    %swap3A_333 = arith.index_cast %add3A_332 : i32 to index
    %swap3A_334 = tpu.vector_load %arg14[%swap3A_333] {strides = array<i32>} : memref<2048xi32, #tpu.memory_space<vmem>>, vector<16xi32>,
    tpu.vector_store %arg14[%swap3A_333], %convert_element_type3A_327 {strides = array<i32>} : memref<2048xi32, #tpu.memory_space<vmem>>, vector<16xi32>,
    %add3A_335 = arith.constant 16 : i32
    %add3A_336 = arith.addi %add3A_52, %add3A_335 : i32
    %add3A_337 = vector.broadcast %add3A_336 : i32 to vector<16xi32>
    %add3A_338 = arith.addi %add3A_337, %iota3A : vector<16xi32>
    %broadcast_in_dim3A_339 = arith.constant 0 : i32
    %broadcast_in_dim3A_340 = vector.broadcast %broadcast_in_dim3A_339 : i32 to vector<16xi32>
    %add3A_341 = arith.constant 1023 : i32
    %add3A_342 = vector.broadcast %add3A_341 : i32 to vector<16xi32>
    %add3A_343 = arith.addi %broadcast_in_dim3A_340, %add3A_342 : vector<16xi32>
    %gather3A_344 = tpu.vector_load_idx %arg11[%add3A_343] : memref<2048xi32, #tpu.memory_space<vmem>>[vector<16xi32>], vector<16xi32>,
    %le3A_345 = arith.cmpi sle, %gather3A_344, %add3A_338 : vector<16xi32>
    %jit3A_346 = arith.constant 1024 : i32
    %jit3A_347 = arith.constant 0 : i32
    %broadcast_in_dim3A_348 = vector.broadcast %jit3A_346 : i32 to vector<16xi32>
    %broadcast_in_dim3A_349 = vector.broadcast %jit3A_347 : i32 to vector<16xi32>
    %select_n3A_350 = arith.select %le3A_345, %broadcast_in_dim3A_348, %broadcast_in_dim3A_349 : vector<16xi1>, vector<16xi32>
    %add3A_351 = arith.addi %broadcast_in_dim3A_340, %select_n3A_350 : vector<16xi32>
    %add3A_352 = arith.constant 511 : i32
    %add3A_353 = vector.broadcast %add3A_352 : i32 to vector<16xi32>
    %add3A_354 = arith.addi %add3A_351, %add3A_353 : vector<16xi32>
    %gather3A_355 = tpu.vector_load_idx %arg11[%add3A_354] : memref<2048xi32, #tpu.memory_space<vmem>>[vector<16xi32>], vector<16xi32>,
    %le3A_356 = arith.cmpi sle, %gather3A_355, %add3A_338 : vector<16xi32>
    %jit3A_357 = arith.constant 512 : i32
    %jit3A_358 = arith.constant 0 : i32
    %broadcast_in_dim3A_359 = vector.broadcast %jit3A_357 : i32 to vector<16xi32>
    %broadcast_in_dim3A_360 = vector.broadcast %jit3A_358 : i32 to vector<16xi32>
    %select_n3A_361 = arith.select %le3A_356, %broadcast_in_dim3A_359, %broadcast_in_dim3A_360 : vector<16xi1>, vector<16xi32>
    %add3A_362 = arith.addi %add3A_351, %select_n3A_361 : vector<16xi32>
    %add3A_363 = arith.constant 255 : i32
    %add3A_364 = vector.broadcast %add3A_363 : i32 to vector<16xi32>
    %add3A_365 = arith.addi %add3A_362, %add3A_364 : vector<16xi32>
    %gather3A_366 = tpu.vector_load_idx %arg11[%add3A_365] : memref<2048xi32, #tpu.memory_space<vmem>>[vector<16xi32>], vector<16xi32>,
    %le3A_367 = arith.cmpi sle, %gather3A_366, %add3A_338 : vector<16xi32>
    %jit3A_368 = arith.constant 256 : i32
    %jit3A_369 = arith.constant 0 : i32
    %broadcast_in_dim3A_370 = vector.broadcast %jit3A_368 : i32 to vector<16xi32>
    %broadcast_in_dim3A_371 = vector.broadcast %jit3A_369 : i32 to vector<16xi32>
    %select_n3A_372 = arith.select %le3A_367, %broadcast_in_dim3A_370, %broadcast_in_dim3A_371 : vector<16xi1>, vector<16xi32>
    %add3A_373 = arith.addi %add3A_362, %select_n3A_372 : vector<16xi32>
    %add3A_374 = arith.constant 127 : i32
    %add3A_375 = vector.broadcast %add3A_374 : i32 to vector<16xi32>
    %add3A_376 = arith.addi %add3A_373, %add3A_375 : vector<16xi32>
    %gather3A_377 = tpu.vector_load_idx %arg11[%add3A_376] : memref<2048xi32, #tpu.memory_space<vmem>>[vector<16xi32>], vector<16xi32>,
    %le3A_378 = arith.cmpi sle, %gather3A_377, %add3A_338 : vector<16xi32>
    %jit3A_379 = arith.constant 128 : i32
    %jit3A_380 = arith.constant 0 : i32
    %broadcast_in_dim3A_381 = vector.broadcast %jit3A_379 : i32 to vector<16xi32>
    %broadcast_in_dim3A_382 = vector.broadcast %jit3A_380 : i32 to vector<16xi32>
    %select_n3A_383 = arith.select %le3A_378, %broadcast_in_dim3A_381, %broadcast_in_dim3A_382 : vector<16xi1>, vector<16xi32>
    %add3A_384 = arith.addi %add3A_373, %select_n3A_383 : vector<16xi32>
    %add3A_385 = arith.constant 63 : i32
    %add3A_386 = vector.broadcast %add3A_385 : i32 to vector<16xi32>
    %add3A_387 = arith.addi %add3A_384, %add3A_386 : vector<16xi32>
    %gather3A_388 = tpu.vector_load_idx %arg11[%add3A_387] : memref<2048xi32, #tpu.memory_space<vmem>>[vector<16xi32>], vector<16xi32>,
    %le3A_389 = arith.cmpi sle, %gather3A_388, %add3A_338 : vector<16xi32>
    %jit3A_390 = arith.constant 64 : i32
    %jit3A_391 = arith.constant 0 : i32
    %broadcast_in_dim3A_392 = vector.broadcast %jit3A_390 : i32 to vector<16xi32>
    %broadcast_in_dim3A_393 = vector.broadcast %jit3A_391 : i32 to vector<16xi32>
    %select_n3A_394 = arith.select %le3A_389, %broadcast_in_dim3A_392, %broadcast_in_dim3A_393 : vector<16xi1>, vector<16xi32>
    %add3A_395 = arith.addi %add3A_384, %select_n3A_394 : vector<16xi32>
    %add3A_396 = arith.constant 31 : i32
    %add3A_397 = vector.broadcast %add3A_396 : i32 to vector<16xi32>
    %add3A_398 = arith.addi %add3A_395, %add3A_397 : vector<16xi32>
    %gather3A_399 = tpu.vector_load_idx %arg11[%add3A_398] : memref<2048xi32, #tpu.memory_space<vmem>>[vector<16xi32>], vector<16xi32>,
    %le3A_400 = arith.cmpi sle, %gather3A_399, %add3A_338 : vector<16xi32>
    %jit3A_401 = arith.constant 32 : i32
    %jit3A_402 = arith.constant 0 : i32
    %broadcast_in_dim3A_403 = vector.broadcast %jit3A_401 : i32 to vector<16xi32>
    %broadcast_in_dim3A_404 = vector.broadcast %jit3A_402 : i32 to vector<16xi32>
    %select_n3A_405 = arith.select %le3A_400, %broadcast_in_dim3A_403, %broadcast_in_dim3A_404 : vector<16xi1>, vector<16xi32>
    %add3A_406 = arith.addi %add3A_395, %select_n3A_405 : vector<16xi32>
    %add3A_407 = arith.constant 15 : i32
    %add3A_408 = vector.broadcast %add3A_407 : i32 to vector<16xi32>
    %add3A_409 = arith.addi %add3A_406, %add3A_408 : vector<16xi32>
    %gather3A_410 = tpu.vector_load_idx %arg11[%add3A_409] : memref<2048xi32, #tpu.memory_space<vmem>>[vector<16xi32>], vector<16xi32>,
    %le3A_411 = arith.cmpi sle, %gather3A_410, %add3A_338 : vector<16xi32>
    %jit3A_412 = arith.constant 16 : i32
    %jit3A_413 = arith.constant 0 : i32
    %broadcast_in_dim3A_414 = vector.broadcast %jit3A_412 : i32 to vector<16xi32>
    %broadcast_in_dim3A_415 = vector.broadcast %jit3A_413 : i32 to vector<16xi32>
    %select_n3A_416 = arith.select %le3A_411, %broadcast_in_dim3A_414, %broadcast_in_dim3A_415 : vector<16xi1>, vector<16xi32>
    %add3A_417 = arith.addi %add3A_406, %select_n3A_416 : vector<16xi32>
    %add3A_418 = arith.constant 7 : i32
    %add3A_419 = vector.broadcast %add3A_418 : i32 to vector<16xi32>
    %add3A_420 = arith.addi %add3A_417, %add3A_419 : vector<16xi32>
    %gather3A_421 = tpu.vector_load_idx %arg11[%add3A_420] : memref<2048xi32, #tpu.memory_space<vmem>>[vector<16xi32>], vector<16xi32>,
    %le3A_422 = arith.cmpi sle, %gather3A_421, %add3A_338 : vector<16xi32>
    %jit3A_423 = arith.constant 8 : i32
    %jit3A_424 = arith.constant 0 : i32
    %broadcast_in_dim3A_425 = vector.broadcast %jit3A_423 : i32 to vector<16xi32>
    %broadcast_in_dim3A_426 = vector.broadcast %jit3A_424 : i32 to vector<16xi32>
    %select_n3A_427 = arith.select %le3A_422, %broadcast_in_dim3A_425, %broadcast_in_dim3A_426 : vector<16xi1>, vector<16xi32>
    %add3A_428 = arith.addi %add3A_417, %select_n3A_427 : vector<16xi32>
    %add3A_429 = arith.constant 3 : i32
    %add3A_430 = vector.broadcast %add3A_429 : i32 to vector<16xi32>
    %add3A_431 = arith.addi %add3A_428, %add3A_430 : vector<16xi32>
    %gather3A_432 = tpu.vector_load_idx %arg11[%add3A_431] : memref<2048xi32, #tpu.memory_space<vmem>>[vector<16xi32>], vector<16xi32>,
    %le3A_433 = arith.cmpi sle, %gather3A_432, %add3A_338 : vector<16xi32>
    %jit3A_434 = arith.constant 4 : i32
    %jit3A_435 = arith.constant 0 : i32
    %broadcast_in_dim3A_436 = vector.broadcast %jit3A_434 : i32 to vector<16xi32>
    %broadcast_in_dim3A_437 = vector.broadcast %jit3A_435 : i32 to vector<16xi32>
    %select_n3A_438 = arith.select %le3A_433, %broadcast_in_dim3A_436, %broadcast_in_dim3A_437 : vector<16xi1>, vector<16xi32>
    %add3A_439 = arith.addi %add3A_428, %select_n3A_438 : vector<16xi32>
    %add3A_440 = arith.constant 1 : i32
    %add3A_441 = vector.broadcast %add3A_440 : i32 to vector<16xi32>
    %add3A_442 = arith.addi %add3A_439, %add3A_441 : vector<16xi32>
    %gather3A_443 = tpu.vector_load_idx %arg11[%add3A_442] : memref<2048xi32, #tpu.memory_space<vmem>>[vector<16xi32>], vector<16xi32>,
    %le3A_444 = arith.cmpi sle, %gather3A_443, %add3A_338 : vector<16xi32>
    %jit3A_445 = arith.constant 2 : i32
    %jit3A_446 = arith.constant 0 : i32
    %broadcast_in_dim3A_447 = vector.broadcast %jit3A_445 : i32 to vector<16xi32>
    %broadcast_in_dim3A_448 = vector.broadcast %jit3A_446 : i32 to vector<16xi32>
    %select_n3A_449 = arith.select %le3A_444, %broadcast_in_dim3A_447, %broadcast_in_dim3A_448 : vector<16xi1>, vector<16xi32>
    %add3A_450 = arith.addi %add3A_439, %select_n3A_449 : vector<16xi32>
    %add3A_451 = arith.constant 0 : i32
    %add3A_452 = vector.broadcast %add3A_451 : i32 to vector<16xi32>
    %add3A_453 = arith.addi %add3A_450, %add3A_452 : vector<16xi32>
    %gather3A_454 = tpu.vector_load_idx %arg11[%add3A_453] : memref<2048xi32, #tpu.memory_space<vmem>>[vector<16xi32>], vector<16xi32>,
    %le3A_455 = arith.cmpi sle, %gather3A_454, %add3A_338 : vector<16xi32>
    %jit3A_456 = arith.constant 1 : i32
    %jit3A_457 = arith.constant 0 : i32
    %broadcast_in_dim3A_458 = vector.broadcast %jit3A_456 : i32 to vector<16xi32>
    %broadcast_in_dim3A_459 = vector.broadcast %jit3A_457 : i32 to vector<16xi32>
    %select_n3A_460 = arith.select %le3A_455, %broadcast_in_dim3A_458, %broadcast_in_dim3A_459 : vector<16xi1>, vector<16xi32>
    %add3A_461 = arith.addi %add3A_450, %select_n3A_460 : vector<16xi32>
    %sub3A_462 = arith.constant 1 : i32
    %sub3A_463 = vector.broadcast %sub3A_462 : i32 to vector<16xi32>
    %sub3A_464 = arith.subi %add3A_461, %sub3A_463 : vector<16xi32>
    %max3A_465 = arith.constant 0 : i32
    %max3A_466 = vector.broadcast %max3A_465 : i32 to vector<16xi32>
    %max3A_467 = arith.maxsi %sub3A_464, %max3A_466 : vector<16xi32>
    %gather3A_468 = tpu.vector_load_idx %arg11[%max3A_467] : memref<2048xi32, #tpu.memory_space<vmem>>[vector<16xi32>], vector<16xi32>,
    %ge3A_469 = arith.constant 1 : i32
    %ge3A_470 = vector.broadcast %ge3A_469 : i32 to vector<16xi32>
    %ge3A_471 = arith.cmpi sge, %add3A_461, %ge3A_470 : vector<16xi32>
    %jit3A_472 = arith.constant 0 : i32
    %broadcast_in_dim3A_473 = vector.broadcast %jit3A_472 : i32 to vector<16xi32>
    %select_n3A_474 = arith.select %ge3A_471, %gather3A_468, %broadcast_in_dim3A_473 : vector<16xi1>, vector<16xi32>
    %gather3A_475 = tpu.vector_load_idx %arg11[%add3A_461] : memref<2048xi32, #tpu.memory_space<vmem>>[vector<16xi32>], vector<16xi32>,
    %sub3A_476 = arith.subi %gather3A_475, %select_n3A_474 : vector<16xi32>
    %sub3A_477 = arith.subi %add3A_338, %select_n3A_474 : vector<16xi32>
    %gather3A_478 = tpu.vector_load_idx %arg12[%add3A_461] : memref<2048xi32, #tpu.memory_space<vmem>>[vector<16xi32>], vector<16xi32>,
    %convert_element_type3A_479 = arith.sitofp %sub3A_477 : vector<16xi32> to vector<16xf32>
    %jit3A_480 = arith.constant 2 : i32
    %div3A_481 = vector.broadcast %jit3A_480 : i32 to vector<16xi32>
    %div3A_482 = arith.divsi %sub3A_476, %div3A_481 : vector<16xi32>
    %sign3A_483 = arith.constant 0 : i32
    %sign3A_484 = vector.broadcast %sign3A_483 : i32 to vector<16xi32>
    %sign3A_485 = arith.cmpi sgt, %sub3A_476, %sign3A_484 : vector<16xi32>
    %sign3A_486 = arith.extui %sign3A_485 : vector<16xi1> to vector<16xi32>
    %sign3A_487 = arith.constant 0 : i32
    %sign3A_488 = vector.broadcast %sign3A_487 : i32 to vector<16xi32>
    %sign3A_489 = arith.cmpi slt, %sub3A_476, %sign3A_488 : vector<16xi32>
    %sign3A_490 = arith.extui %sign3A_489 : vector<16xi1> to vector<16xi32>
    %sign3A_491 = arith.subi %sign3A_486, %sign3A_490 : vector<16xi32>
    %sign3A_492 = arith.constant 0 : i32
    %sign3A_493 = arith.cmpi sgt, %jit3A_480, %sign3A_492 : i32
    %sign3A_494 = arith.extui %sign3A_493 : i1 to i32
    %sign3A_495 = arith.constant 0 : i32
    %sign3A_496 = arith.cmpi slt, %jit3A_480, %sign3A_495 : i32
    %sign3A_497 = arith.extui %sign3A_496 : i1 to i32
    %sign3A_498 = arith.subi %sign3A_494, %sign3A_497 : i32
    %ne3A_499 = vector.broadcast %sign3A_498 : i32 to vector<16xi32>
    %ne3A_500 = arith.cmpi ne, %sign3A_491, %ne3A_499 : vector<16xi32>
    %rem3A_501 = vector.broadcast %jit3A_480 : i32 to vector<16xi32>
    %rem3A_502 = arith.remsi %sub3A_476, %rem3A_501 : vector<16xi32>
    %ne3A_503 = arith.constant 0 : i32
    %ne3A_504 = vector.broadcast %ne3A_503 : i32 to vector<16xi32>
    %ne3A_505 = arith.cmpi ne, %rem3A_502, %ne3A_504 : vector<16xi32>
    %and3A_506 = arith.andi %ne3A_500, %ne3A_505 : vector<16xi1>
    %sub3A_507 = arith.constant 1 : i32
    %sub3A_508 = vector.broadcast %sub3A_507 : i32 to vector<16xi32>
    %sub3A_509 = arith.subi %div3A_482, %sub3A_508 : vector<16xi32>
    %select_n3A_510 = arith.select %and3A_506, %sub3A_509, %div3A_482 : vector<16xi1>, vector<16xi32>
    %sub3A_511 = arith.subi %sub3A_476, %select_n3A_510 : vector<16xi32>
    %broadcast_in_dim3A_512 = arith.constant 1.000000e+00 : f32
    %broadcast_in_dim3A_513 = vector.broadcast %broadcast_in_dim3A_512 : f32 to vector<16xf32>
    %broadcast_in_dim3A_514 = arith.constant 0.000000e+00 : f32
    %broadcast_in_dim3A_515 = vector.broadcast %broadcast_in_dim3A_514 : f32 to vector<16xf32>
    %sub3A_516 = arith.constant 1 : i32
    %sub3A_517 = vector.broadcast %sub3A_516 : i32 to vector<16xi32>
    %sub3A_518 = arith.subi %select_n3A_510, %sub3A_517 : vector<16xi32>
    %max3A_519 = arith.constant 1 : i32
    %max3A_520 = vector.broadcast %max3A_519 : i32 to vector<16xi32>
    %max3A_521 = arith.maxsi %sub3A_518, %max3A_520 : vector<16xi32>
    %convert_element_type3A_522 = arith.sitofp %max3A_521 : vector<16xi32> to vector<16xf32>
    %div3A_523 = arith.divf %convert_element_type3A_479, %convert_element_type3A_522 : vector<16xf32>
    %convert_element_type3A_524 = arith.sitofp %select_n3A_510 : vector<16xi32> to vector<16xf32>
    %sub3A_525 = arith.subf %convert_element_type3A_479, %convert_element_type3A_524 : vector<16xf32>
    %sub3A_526 = arith.constant 1 : i32
    %sub3A_527 = vector.broadcast %sub3A_526 : i32 to vector<16xi32>
    %sub3A_528 = arith.subi %sub3A_511, %sub3A_527 : vector<16xi32>
    %max3A_529 = arith.constant 1 : i32
    %max3A_530 = vector.broadcast %max3A_529 : i32 to vector<16xi32>
    %max3A_531 = arith.maxsi %sub3A_528, %max3A_530 : vector<16xi32>
    %convert_element_type3A_532 = arith.sitofp %max3A_531 : vector<16xi32> to vector<16xf32>
    %div3A_533 = arith.divf %sub3A_525, %convert_element_type3A_532 : vector<16xf32>
    %lt3A_534 = arith.cmpi slt, %sub3A_477, %select_n3A_510 : vector<16xi32>
    %sub3A_535 = arith.constant 1.000000e+00 : f32
    %sub3A_536 = vector.broadcast %sub3A_535 : f32 to vector<16xf32>
    %sub3A_537 = arith.subf %sub3A_536, %div3A_523 : vector<16xf32>
    %select_n3A_538 = arith.select %lt3A_534, %sub3A_537, %broadcast_in_dim3A_515 : vector<16xi1>, vector<16xf32>
    %sub3A_539 = arith.constant 1.000000e+00 : f32
    %sub3A_540 = vector.broadcast %sub3A_539 : f32 to vector<16xf32>
    %sub3A_541 = arith.subf %sub3A_540, %div3A_533 : vector<16xf32>
    %select_n3A_542 = arith.select %lt3A_534, %div3A_523, %sub3A_541 : vector<16xi1>, vector<16xf32>
    %select_n3A_543 = arith.select %lt3A_534, %broadcast_in_dim3A_515, %div3A_533 : vector<16xi1>, vector<16xf32>
    %eq3A_544 = arith.constant 0 : i32
    %eq3A_545 = vector.broadcast %eq3A_544 : i32 to vector<16xi32>
    %eq3A_546 = arith.cmpi eq, %sub3A_477, %eq3A_545 : vector<16xi32>
    %sub3A_547 = arith.constant 1 : i32
    %sub3A_548 = vector.broadcast %sub3A_547 : i32 to vector<16xi32>
    %sub3A_549 = arith.subi %sub3A_476, %sub3A_548 : vector<16xi32>
    %eq3A_550 = arith.cmpi eq, %sub3A_477, %sub3A_549 : vector<16xi32>
    %select_n3A_551 = arith.select %eq3A_546, %broadcast_in_dim3A_513, %broadcast_in_dim3A_515 : vector<16xi1>, vector<16xf32>
    %not3A_552 = arith.constant dense<true> : vector<16xi1>
    %not3A_553 = arith.xori %eq3A_546, %not3A_552 : vector<16xi1>
    %and3A_554 = arith.andi %eq3A_550, %not3A_553 : vector<16xi1>
    %select_n3A_555 = arith.select %and3A_554, %broadcast_in_dim3A_513, %broadcast_in_dim3A_515 : vector<16xi1>, vector<16xf32>
    %not3A_556 = arith.constant dense<true> : vector<16xi1>
    %not3A_557 = arith.xori %eq3A_546, %not3A_556 : vector<16xi1>
    %not3A_558 = arith.constant dense<true> : vector<16xi1>
    %not3A_559 = arith.xori %eq3A_550, %not3A_558 : vector<16xi1>
    %and3A_560 = arith.andi %not3A_557, %not3A_559 : vector<16xi1>
    %select_n3A_561 = arith.select %and3A_560, %broadcast_in_dim3A_513, %broadcast_in_dim3A_515 : vector<16xi1>, vector<16xf32>
    %eq3A_562 = arith.constant 0 : i32
    %eq3A_563 = vector.broadcast %eq3A_562 : i32 to vector<16xi32>
    %eq3A_564 = arith.cmpi eq, %gather3A_478, %eq3A_563 : vector<16xi32>
    %select_n3A_565 = arith.select %eq3A_564, %select_n3A_551, %select_n3A_538 : vector<16xi1>, vector<16xf32>
    %select_n3A_566 = arith.select %eq3A_564, %select_n3A_561, %select_n3A_542 : vector<16xi1>, vector<16xf32>
    %select_n3A_567 = arith.select %eq3A_564, %select_n3A_555, %select_n3A_543 : vector<16xi1>, vector<16xf32>
    %eq3A_568 = arith.constant 1 : i32
    %eq3A_569 = vector.broadcast %eq3A_568 : i32 to vector<16xi32>
    %eq3A_570 = arith.cmpi eq, %sub3A_476, %eq3A_569 : vector<16xi32>
    %eq3A_571 = arith.constant 2 : i32
    %eq3A_572 = vector.broadcast %eq3A_571 : i32 to vector<16xi32>
    %eq3A_573 = arith.cmpi eq, %sub3A_476, %eq3A_572 : vector<16xi32>
    %eq3A_574 = arith.constant 3 : i32
    %eq3A_575 = vector.broadcast %eq3A_574 : i32 to vector<16xi32>
    %eq3A_576 = arith.cmpi eq, %sub3A_476, %eq3A_575 : vector<16xi32>
    %select_n3A_577 = arith.select %eq3A_546, %broadcast_in_dim3A_513, %broadcast_in_dim3A_515 : vector<16xi1>, vector<16xf32>
    %select_n3A_578 = arith.select %eq3A_546, %broadcast_in_dim3A_513, %broadcast_in_dim3A_515 : vector<16xi1>, vector<16xf32>
    %select_n3A_579 = arith.select %eq3A_576, %select_n3A_578, %select_n3A_565 : vector<16xi1>, vector<16xf32>
    %select_n3A_580 = arith.select %eq3A_573, %select_n3A_577, %select_n3A_579 : vector<16xi1>, vector<16xf32>
    %select_n3A_581 = arith.select %eq3A_570, %broadcast_in_dim3A_515, %select_n3A_580 : vector<16xi1>, vector<16xf32>
    %eq3A_582 = arith.constant 1 : i32
    %eq3A_583 = vector.broadcast %eq3A_582 : i32 to vector<16xi32>
    %eq3A_584 = arith.cmpi eq, %sub3A_477, %eq3A_583 : vector<16xi32>
    %select_n3A_585 = arith.select %eq3A_584, %broadcast_in_dim3A_513, %broadcast_in_dim3A_515 : vector<16xi1>, vector<16xf32>
    %select_n3A_586 = arith.select %eq3A_576, %select_n3A_585, %select_n3A_566 : vector<16xi1>, vector<16xf32>
    %select_n3A_587 = arith.select %eq3A_573, %broadcast_in_dim3A_515, %select_n3A_586 : vector<16xi1>, vector<16xf32>
    %select_n3A_588 = arith.select %eq3A_570, %broadcast_in_dim3A_513, %select_n3A_587 : vector<16xi1>, vector<16xf32>
    %not3A_589 = arith.constant dense<true> : vector<16xi1>
    %not3A_590 = arith.xori %eq3A_546, %not3A_589 : vector<16xi1>
    %select_n3A_591 = arith.select %not3A_590, %broadcast_in_dim3A_513, %broadcast_in_dim3A_515 : vector<16xi1>, vector<16xf32>
    %ge3A_592 = arith.constant 2 : i32
    %ge3A_593 = vector.broadcast %ge3A_592 : i32 to vector<16xi32>
    %ge3A_594 = arith.cmpi sge, %sub3A_477, %ge3A_593 : vector<16xi32>
    %select_n3A_595 = arith.select %ge3A_594, %broadcast_in_dim3A_513, %broadcast_in_dim3A_515 : vector<16xi1>, vector<16xf32>
    %select_n3A_596 = arith.select %eq3A_576, %select_n3A_595, %select_n3A_567 : vector<16xi1>, vector<16xf32>
    %select_n3A_597 = arith.select %eq3A_573, %select_n3A_591, %select_n3A_596 : vector<16xi1>, vector<16xf32>
    %select_n3A_598 = arith.select %eq3A_570, %broadcast_in_dim3A_515, %select_n3A_597 : vector<16xi1>, vector<16xf32>
    %lt3A_599 = arith.cmpi slt, %add3A_338, %min3A : vector<16xi32>
    %select_n3A_600 = arith.select %lt3A_599, %select_n3A_581, %broadcast_in_dim3A_515 : vector<16xi1>, vector<16xf32>
    %select_n3A_601 = arith.select %lt3A_599, %select_n3A_588, %broadcast_in_dim3A_515 : vector<16xi1>, vector<16xf32>
    %select_n3A_602 = arith.select %lt3A_599, %select_n3A_598, %broadcast_in_dim3A_515 : vector<16xi1>, vector<16xf32>
    %mul3A_603 = arith.constant 2048 : i32
    %mul3A_604 = arith.muli %select_n3A, %mul3A_603 : i32
    %add3A_605 = vector.broadcast %mul3A_604 : i32 to vector<16xi32>
    %add3A_606 = arith.addi %add3A_605, %add3A_461 : vector<16xi32>
    %swap3A_607 = arith.constant 16 : index
    %swap3A_608 = tpu.vector_load %arg15[%swap3A_607] {strides = array<i32>} : memref<32xi32, #tpu.memory_space<vmem>>, vector<16xi32>,
    tpu.vector_store %arg15[%swap3A_607], %add3A_606 {strides = array<i32>} : memref<32xi32, #tpu.memory_space<vmem>>, vector<16xi32>,
    %swap3A_609 = arith.constant 16 : index
    %swap3A_610 = tpu.vector_load %arg16[%swap3A_609] {strides = array<i32>} : memref<32xf32, #tpu.memory_space<vmem>>, vector<16xf32>,
    tpu.vector_store %arg16[%swap3A_609], %select_n3A_600 {strides = array<i32>} : memref<32xf32, #tpu.memory_space<vmem>>, vector<16xf32>,
    %swap3A_611 = arith.constant 16 : index
    %swap3A_612 = tpu.vector_load %arg17[%swap3A_611] {strides = array<i32>} : memref<32xf32, #tpu.memory_space<vmem>>, vector<16xf32>,
    tpu.vector_store %arg17[%swap3A_611], %select_n3A_601 {strides = array<i32>} : memref<32xf32, #tpu.memory_space<vmem>>, vector<16xf32>,
    %swap3A_613 = arith.constant 16 : index
    %swap3A_614 = tpu.vector_load %arg18[%swap3A_613] {strides = array<i32>} : memref<32xf32, #tpu.memory_space<vmem>>, vector<16xf32>,
    tpu.vector_store %arg18[%swap3A_613], %select_n3A_602 {strides = array<i32>} : memref<32xf32, #tpu.memory_space<vmem>>, vector<16xf32>,
    %convert_element_type3A_615 = arith.extui %lt3A_599 : vector<16xi1> to vector<16xi32>
    %mul3A_616 = arith.constant 0 : i32
    %mul3A_617 = arith.constant 32 : i32
    %mul3A_618 = arith.muli %mul3A_616, %mul3A_617 : i32
    %add3A_619 = arith.constant 16 : i32
    %add3A_620 = arith.addi %mul3A_618, %add3A_619 : i32
    %swap3A_621 = arith.index_cast %add3A_620 : i32 to index
    %swap3A_622 = tpu.vector_load %arg14[%swap3A_621] {strides = array<i32>} : memref<2048xi32, #tpu.memory_space<vmem>>, vector<16xi32>,
    tpu.vector_store %arg14[%swap3A_621], %convert_element_type3A_615 {strides = array<i32>} : memref<2048xi32, #tpu.memory_space<vmem>>, vector<16xi32>,
    %dma_start3A = arith.constant 0 : i32
    %dma_start3A_623 = arith.constant 0 : i32
    %dma_start3A_624 = tpu.memref_slice %arg2[%dma_start3A, %dma_start3A_623] : memref<16384x256xf32, #tpu.memory_space<hbm>> -> memref<16384x256xf32, #tpu.memory_space<hbm>>
    tpu.enqueue_indirect_dma source(%dma_start3A_624 : memref<16384x256xf32, #tpu.memory_space<hbm>>) target(%arg19 : memref<32x256xf32, #tpu.memory_space<vmem>>) offsets(%arg15 : memref<32xi32, #tpu.memory_space<vmem>>) semaphore(%arg31 : memref<!tpu.dma_semaphore, #tpu.memory_space<semaphore_mem>>)
    %dma_start3A_625 = arith.constant 0 : i32
    %dma_start3A_626 = arith.constant 0 : i32
    %dma_start3A_627 = tpu.memref_slice %arg3[%dma_start3A_625, %dma_start3A_626] : memref<16384x256xf32, #tpu.memory_space<hbm>> -> memref<16384x256xf32, #tpu.memory_space<hbm>>
    tpu.enqueue_indirect_dma source(%dma_start3A_627 : memref<16384x256xf32, #tpu.memory_space<hbm>>) target(%arg20 : memref<32x256xf32, #tpu.memory_space<vmem>>) offsets(%arg15 : memref<32xi32, #tpu.memory_space<vmem>>) semaphore(%arg32 : memref<!tpu.dma_semaphore, #tpu.memory_space<semaphore_mem>>)
    %dma_start3A_628 = arith.constant 0 : i32
    %dma_start3A_629 = arith.constant 0 : i32
    %dma_start3A_630 = tpu.memref_slice %arg4[%dma_start3A_628, %dma_start3A_629] : memref<16384x256xf32, #tpu.memory_space<hbm>> -> memref<16384x256xf32, #tpu.memory_space<hbm>>
    tpu.enqueue_indirect_dma source(%dma_start3A_630 : memref<16384x256xf32, #tpu.memory_space<hbm>>) target(%arg21 : memref<32x256xf32, #tpu.memory_space<vmem>>) offsets(%arg15 : memref<32xi32, #tpu.memory_space<vmem>>) semaphore(%arg33 : memref<!tpu.dma_semaphore, #tpu.memory_space<semaphore_mem>>)
    %mul3A_631 = arith.constant 1 : i32
    %mul3A_632 = arith.constant 32 : i32
    %mul3A_633 = arith.muli %mul3A_631, %mul3A_632 : i32
    %add3A_634 = arith.addi %mul3A_32, %mul3A_633 : i32
    %add3A_635 = arith.constant 0 : i32
    %add3A_636 = arith.addi %add3A_634, %add3A_635 : i32
    %add3A_637 = vector.broadcast %add3A_636 : i32 to vector<16xi32>
    %add3A_638 = arith.addi %add3A_637, %iota3A : vector<16xi32>
    %broadcast_in_dim3A_639 = arith.constant 0 : i32
    %broadcast_in_dim3A_640 = vector.broadcast %broadcast_in_dim3A_639 : i32 to vector<16xi32>
    %add3A_641 = arith.constant 1023 : i32
    %add3A_642 = vector.broadcast %add3A_641 : i32 to vector<16xi32>
    %add3A_643 = arith.addi %broadcast_in_dim3A_640, %add3A_642 : vector<16xi32>
    %gather3A_644 = tpu.vector_load_idx %arg11[%add3A_643] : memref<2048xi32, #tpu.memory_space<vmem>>[vector<16xi32>], vector<16xi32>,
    %le3A_645 = arith.cmpi sle, %gather3A_644, %add3A_638 : vector<16xi32>
    %jit3A_646 = arith.constant 1024 : i32
    %jit3A_647 = arith.constant 0 : i32
    %broadcast_in_dim3A_648 = vector.broadcast %jit3A_646 : i32 to vector<16xi32>
    %broadcast_in_dim3A_649 = vector.broadcast %jit3A_647 : i32 to vector<16xi32>
    %select_n3A_650 = arith.select %le3A_645, %broadcast_in_dim3A_648, %broadcast_in_dim3A_649 : vector<16xi1>, vector<16xi32>
    %add3A_651 = arith.addi %broadcast_in_dim3A_640, %select_n3A_650 : vector<16xi32>
    %add3A_652 = arith.constant 511 : i32
    %add3A_653 = vector.broadcast %add3A_652 : i32 to vector<16xi32>
    %add3A_654 = arith.addi %add3A_651, %add3A_653 : vector<16xi32>
    %gather3A_655 = tpu.vector_load_idx %arg11[%add3A_654] : memref<2048xi32, #tpu.memory_space<vmem>>[vector<16xi32>], vector<16xi32>,
    %le3A_656 = arith.cmpi sle, %gather3A_655, %add3A_638 : vector<16xi32>
    %jit3A_657 = arith.constant 512 : i32
    %jit3A_658 = arith.constant 0 : i32
    %broadcast_in_dim3A_659 = vector.broadcast %jit3A_657 : i32 to vector<16xi32>
    %broadcast_in_dim3A_660 = vector.broadcast %jit3A_658 : i32 to vector<16xi32>
    %select_n3A_661 = arith.select %le3A_656, %broadcast_in_dim3A_659, %broadcast_in_dim3A_660 : vector<16xi1>, vector<16xi32>
    %add3A_662 = arith.addi %add3A_651, %select_n3A_661 : vector<16xi32>
    %add3A_663 = arith.constant 255 : i32
    %add3A_664 = vector.broadcast %add3A_663 : i32 to vector<16xi32>
    %add3A_665 = arith.addi %add3A_662, %add3A_664 : vector<16xi32>
    %gather3A_666 = tpu.vector_load_idx %arg11[%add3A_665] : memref<2048xi32, #tpu.memory_space<vmem>>[vector<16xi32>], vector<16xi32>,
    %le3A_667 = arith.cmpi sle, %gather3A_666, %add3A_638 : vector<16xi32>
    %jit3A_668 = arith.constant 256 : i32
    %jit3A_669 = arith.constant 0 : i32
    %broadcast_in_dim3A_670 = vector.broadcast %jit3A_668 : i32 to vector<16xi32>
    %broadcast_in_dim3A_671 = vector.broadcast %jit3A_669 : i32 to vector<16xi32>
    %select_n3A_672 = arith.select %le3A_667, %broadcast_in_dim3A_670, %broadcast_in_dim3A_671 : vector<16xi1>, vector<16xi32>
    %add3A_673 = arith.addi %add3A_662, %select_n3A_672 : vector<16xi32>
    %add3A_674 = arith.constant 127 : i32
    %add3A_675 = vector.broadcast %add3A_674 : i32 to vector<16xi32>
    %add3A_676 = arith.addi %add3A_673, %add3A_675 : vector<16xi32>
    %gather3A_677 = tpu.vector_load_idx %arg11[%add3A_676] : memref<2048xi32, #tpu.memory_space<vmem>>[vector<16xi32>], vector<16xi32>,
    %le3A_678 = arith.cmpi sle, %gather3A_677, %add3A_638 : vector<16xi32>
    %jit3A_679 = arith.constant 128 : i32
    %jit3A_680 = arith.constant 0 : i32
    %broadcast_in_dim3A_681 = vector.broadcast %jit3A_679 : i32 to vector<16xi32>
    %broadcast_in_dim3A_682 = vector.broadcast %jit3A_680 : i32 to vector<16xi32>
    %select_n3A_683 = arith.select %le3A_678, %broadcast_in_dim3A_681, %broadcast_in_dim3A_682 : vector<16xi1>, vector<16xi32>
    %add3A_684 = arith.addi %add3A_673, %select_n3A_683 : vector<16xi32>
    %add3A_685 = arith.constant 63 : i32
    %add3A_686 = vector.broadcast %add3A_685 : i32 to vector<16xi32>
    %add3A_687 = arith.addi %add3A_684, %add3A_686 : vector<16xi32>
    %gather3A_688 = tpu.vector_load_idx %arg11[%add3A_687] : memref<2048xi32, #tpu.memory_space<vmem>>[vector<16xi32>], vector<16xi32>,
    %le3A_689 = arith.cmpi sle, %gather3A_688, %add3A_638 : vector<16xi32>
    %jit3A_690 = arith.constant 64 : i32
    %jit3A_691 = arith.constant 0 : i32
    %broadcast_in_dim3A_692 = vector.broadcast %jit3A_690 : i32 to vector<16xi32>
    %broadcast_in_dim3A_693 = vector.broadcast %jit3A_691 : i32 to vector<16xi32>
    %select_n3A_694 = arith.select %le3A_689, %broadcast_in_dim3A_692, %broadcast_in_dim3A_693 : vector<16xi1>, vector<16xi32>
    %add3A_695 = arith.addi %add3A_684, %select_n3A_694 : vector<16xi32>
    %add3A_696 = arith.constant 31 : i32
    %add3A_697 = vector.broadcast %add3A_696 : i32 to vector<16xi32>
    %add3A_698 = arith.addi %add3A_695, %add3A_697 : vector<16xi32>
    %gather3A_699 = tpu.vector_load_idx %arg11[%add3A_698] : memref<2048xi32, #tpu.memory_space<vmem>>[vector<16xi32>], vector<16xi32>,
    %le3A_700 = arith.cmpi sle, %gather3A_699, %add3A_638 : vector<16xi32>
    %jit3A_701 = arith.constant 32 : i32
    %jit3A_702 = arith.constant 0 : i32
    %broadcast_in_dim3A_703 = vector.broadcast %jit3A_701 : i32 to vector<16xi32>
    %broadcast_in_dim3A_704 = vector.broadcast %jit3A_702 : i32 to vector<16xi32>
    %select_n3A_705 = arith.select %le3A_700, %broadcast_in_dim3A_703, %broadcast_in_dim3A_704 : vector<16xi1>, vector<16xi32>
    %add3A_706 = arith.addi %add3A_695, %select_n3A_705 : vector<16xi32>
    %add3A_707 = arith.constant 15 : i32
    %add3A_708 = vector.broadcast %add3A_707 : i32 to vector<16xi32>
    %add3A_709 = arith.addi %add3A_706, %add3A_708 : vector<16xi32>
    %gather3A_710 = tpu.vector_load_idx %arg11[%add3A_709] : memref<2048xi32, #tpu.memory_space<vmem>>[vector<16xi32>], vector<16xi32>,
    %le3A_711 = arith.cmpi sle, %gather3A_710, %add3A_638 : vector<16xi32>
    %jit3A_712 = arith.constant 16 : i32
    %jit3A_713 = arith.constant 0 : i32
    %broadcast_in_dim3A_714 = vector.broadcast %jit3A_712 : i32 to vector<16xi32>
    %broadcast_in_dim3A_715 = vector.broadcast %jit3A_713 : i32 to vector<16xi32>
    %select_n3A_716 = arith.select %le3A_711, %broadcast_in_dim3A_714, %broadcast_in_dim3A_715 : vector<16xi1>, vector<16xi32>
    %add3A_717 = arith.addi %add3A_706, %select_n3A_716 : vector<16xi32>
    %add3A_718 = arith.constant 7 : i32
    %add3A_719 = vector.broadcast %add3A_718 : i32 to vector<16xi32>
    %add3A_720 = arith.addi %add3A_717, %add3A_719 : vector<16xi32>
    %gather3A_721 = tpu.vector_load_idx %arg11[%add3A_720] : memref<2048xi32, #tpu.memory_space<vmem>>[vector<16xi32>], vector<16xi32>,
    %le3A_722 = arith.cmpi sle, %gather3A_721, %add3A_638 : vector<16xi32>
    %jit3A_723 = arith.constant 8 : i32
    %jit3A_724 = arith.constant 0 : i32
    %broadcast_in_dim3A_725 = vector.broadcast %jit3A_723 : i32 to vector<16xi32>
    %broadcast_in_dim3A_726 = vector.broadcast %jit3A_724 : i32 to vector<16xi32>
    %select_n3A_727 = arith.select %le3A_722, %broadcast_in_dim3A_725, %broadcast_in_dim3A_726 : vector<16xi1>, vector<16xi32>
    %add3A_728 = arith.addi %add3A_717, %select_n3A_727 : vector<16xi32>
    %add3A_729 = arith.constant 3 : i32
    %add3A_730 = vector.broadcast %add3A_729 : i32 to vector<16xi32>
    %add3A_731 = arith.addi %add3A_728, %add3A_730 : vector<16xi32>
    %gather3A_732 = tpu.vector_load_idx %arg11[%add3A_731] : memref<2048xi32, #tpu.memory_space<vmem>>[vector<16xi32>], vector<16xi32>,
    %le3A_733 = arith.cmpi sle, %gather3A_732, %add3A_638 : vector<16xi32>
    %jit3A_734 = arith.constant 4 : i32
    %jit3A_735 = arith.constant 0 : i32
    %broadcast_in_dim3A_736 = vector.broadcast %jit3A_734 : i32 to vector<16xi32>
    %broadcast_in_dim3A_737 = vector.broadcast %jit3A_735 : i32 to vector<16xi32>
    %select_n3A_738 = arith.select %le3A_733, %broadcast_in_dim3A_736, %broadcast_in_dim3A_737 : vector<16xi1>, vector<16xi32>
    %add3A_739 = arith.addi %add3A_728, %select_n3A_738 : vector<16xi32>
    %add3A_740 = arith.constant 1 : i32
    %add3A_741 = vector.broadcast %add3A_740 : i32 to vector<16xi32>
    %add3A_742 = arith.addi %add3A_739, %add3A_741 : vector<16xi32>
    %gather3A_743 = tpu.vector_load_idx %arg11[%add3A_742] : memref<2048xi32, #tpu.memory_space<vmem>>[vector<16xi32>], vector<16xi32>,
    %le3A_744 = arith.cmpi sle, %gather3A_743, %add3A_638 : vector<16xi32>
    %jit3A_745 = arith.constant 2 : i32
    %jit3A_746 = arith.constant 0 : i32
    %broadcast_in_dim3A_747 = vector.broadcast %jit3A_745 : i32 to vector<16xi32>
    %broadcast_in_dim3A_748 = vector.broadcast %jit3A_746 : i32 to vector<16xi32>
    %select_n3A_749 = arith.select %le3A_744, %broadcast_in_dim3A_747, %broadcast_in_dim3A_748 : vector<16xi1>, vector<16xi32>
    %add3A_750 = arith.addi %add3A_739, %select_n3A_749 : vector<16xi32>
    %add3A_751 = arith.constant 0 : i32
    %add3A_752 = vector.broadcast %add3A_751 : i32 to vector<16xi32>
    %add3A_753 = arith.addi %add3A_750, %add3A_752 : vector<16xi32>
    %gather3A_754 = tpu.vector_load_idx %arg11[%add3A_753] : memref<2048xi32, #tpu.memory_space<vmem>>[vector<16xi32>], vector<16xi32>,
    %le3A_755 = arith.cmpi sle, %gather3A_754, %add3A_638 : vector<16xi32>
    %jit3A_756 = arith.constant 1 : i32
    %jit3A_757 = arith.constant 0 : i32
    %broadcast_in_dim3A_758 = vector.broadcast %jit3A_756 : i32 to vector<16xi32>
    %broadcast_in_dim3A_759 = vector.broadcast %jit3A_757 : i32 to vector<16xi32>
    %select_n3A_760 = arith.select %le3A_755, %broadcast_in_dim3A_758, %broadcast_in_dim3A_759 : vector<16xi1>, vector<16xi32>
    %add3A_761 = arith.addi %add3A_750, %select_n3A_760 : vector<16xi32>
    %sub3A_762 = arith.constant 1 : i32
    %sub3A_763 = vector.broadcast %sub3A_762 : i32 to vector<16xi32>
    %sub3A_764 = arith.subi %add3A_761, %sub3A_763 : vector<16xi32>
    %max3A_765 = arith.constant 0 : i32
    %max3A_766 = vector.broadcast %max3A_765 : i32 to vector<16xi32>
    %max3A_767 = arith.maxsi %sub3A_764, %max3A_766 : vector<16xi32>
    %gather3A_768 = tpu.vector_load_idx %arg11[%max3A_767] : memref<2048xi32, #tpu.memory_space<vmem>>[vector<16xi32>], vector<16xi32>,
    %ge3A_769 = arith.constant 1 : i32
    %ge3A_770 = vector.broadcast %ge3A_769 : i32 to vector<16xi32>
    %ge3A_771 = arith.cmpi sge, %add3A_761, %ge3A_770 : vector<16xi32>
    %jit3A_772 = arith.constant 0 : i32
    %broadcast_in_dim3A_773 = vector.broadcast %jit3A_772 : i32 to vector<16xi32>
    %select_n3A_774 = arith.select %ge3A_771, %gather3A_768, %broadcast_in_dim3A_773 : vector<16xi1>, vector<16xi32>
    %gather3A_775 = tpu.vector_load_idx %arg11[%add3A_761] : memref<2048xi32, #tpu.memory_space<vmem>>[vector<16xi32>], vector<16xi32>,
    %sub3A_776 = arith.subi %gather3A_775, %select_n3A_774 : vector<16xi32>
    %sub3A_777 = arith.subi %add3A_638, %select_n3A_774 : vector<16xi32>
    %gather3A_778 = tpu.vector_load_idx %arg12[%add3A_761] : memref<2048xi32, #tpu.memory_space<vmem>>[vector<16xi32>], vector<16xi32>,
    %convert_element_type3A_779 = arith.sitofp %sub3A_777 : vector<16xi32> to vector<16xf32>
    %jit3A_780 = arith.constant 2 : i32
    %div3A_781 = vector.broadcast %jit3A_780 : i32 to vector<16xi32>
    %div3A_782 = arith.divsi %sub3A_776, %div3A_781 : vector<16xi32>
    %sign3A_783 = arith.constant 0 : i32
    %sign3A_784 = vector.broadcast %sign3A_783 : i32 to vector<16xi32>
    %sign3A_785 = arith.cmpi sgt, %sub3A_776, %sign3A_784 : vector<16xi32>
    %sign3A_786 = arith.extui %sign3A_785 : vector<16xi1> to vector<16xi32>
    %sign3A_787 = arith.constant 0 : i32
    %sign3A_788 = vector.broadcast %sign3A_787 : i32 to vector<16xi32>
    %sign3A_789 = arith.cmpi slt, %sub3A_776, %sign3A_788 : vector<16xi32>
    %sign3A_790 = arith.extui %sign3A_789 : vector<16xi1> to vector<16xi32>
    %sign3A_791 = arith.subi %sign3A_786, %sign3A_790 : vector<16xi32>
    %sign3A_792 = arith.constant 0 : i32
    %sign3A_793 = arith.cmpi sgt, %jit3A_780, %sign3A_792 : i32
    %sign3A_794 = arith.extui %sign3A_793 : i1 to i32
    %sign3A_795 = arith.constant 0 : i32
    %sign3A_796 = arith.cmpi slt, %jit3A_780, %sign3A_795 : i32
    %sign3A_797 = arith.extui %sign3A_796 : i1 to i32
    %sign3A_798 = arith.subi %sign3A_794, %sign3A_797 : i32
    %ne3A_799 = vector.broadcast %sign3A_798 : i32 to vector<16xi32>
    %ne3A_800 = arith.cmpi ne, %sign3A_791, %ne3A_799 : vector<16xi32>
    %rem3A_801 = vector.broadcast %jit3A_780 : i32 to vector<16xi32>
    %rem3A_802 = arith.remsi %sub3A_776, %rem3A_801 : vector<16xi32>
    %ne3A_803 = arith.constant 0 : i32
    %ne3A_804 = vector.broadcast %ne3A_803 : i32 to vector<16xi32>
    %ne3A_805 = arith.cmpi ne, %rem3A_802, %ne3A_804 : vector<16xi32>
    %and3A_806 = arith.andi %ne3A_800, %ne3A_805 : vector<16xi1>
    %sub3A_807 = arith.constant 1 : i32
    %sub3A_808 = vector.broadcast %sub3A_807 : i32 to vector<16xi32>
    %sub3A_809 = arith.subi %div3A_782, %sub3A_808 : vector<16xi32>
    %select_n3A_810 = arith.select %and3A_806, %sub3A_809, %div3A_782 : vector<16xi1>, vector<16xi32>
    %sub3A_811 = arith.subi %sub3A_776, %select_n3A_810 : vector<16xi32>
    %broadcast_in_dim3A_812 = arith.constant 1.000000e+00 : f32
    %broadcast_in_dim3A_813 = vector.broadcast %broadcast_in_dim3A_812 : f32 to vector<16xf32>
    %broadcast_in_dim3A_814 = arith.constant 0.000000e+00 : f32
    %broadcast_in_dim3A_815 = vector.broadcast %broadcast_in_dim3A_814 : f32 to vector<16xf32>
    %sub3A_816 = arith.constant 1 : i32
    %sub3A_817 = vector.broadcast %sub3A_816 : i32 to vector<16xi32>
    %sub3A_818 = arith.subi %select_n3A_810, %sub3A_817 : vector<16xi32>
    %max3A_819 = arith.constant 1 : i32
    %max3A_820 = vector.broadcast %max3A_819 : i32 to vector<16xi32>
    %max3A_821 = arith.maxsi %sub3A_818, %max3A_820 : vector<16xi32>
    %convert_element_type3A_822 = arith.sitofp %max3A_821 : vector<16xi32> to vector<16xf32>
    %div3A_823 = arith.divf %convert_element_type3A_779, %convert_element_type3A_822 : vector<16xf32>
    %convert_element_type3A_824 = arith.sitofp %select_n3A_810 : vector<16xi32> to vector<16xf32>
    %sub3A_825 = arith.subf %convert_element_type3A_779, %convert_element_type3A_824 : vector<16xf32>
    %sub3A_826 = arith.constant 1 : i32
    %sub3A_827 = vector.broadcast %sub3A_826 : i32 to vector<16xi32>
    %sub3A_828 = arith.subi %sub3A_811, %sub3A_827 : vector<16xi32>
    %max3A_829 = arith.constant 1 : i32
    %max3A_830 = vector.broadcast %max3A_829 : i32 to vector<16xi32>
    %max3A_831 = arith.maxsi %sub3A_828, %max3A_830 : vector<16xi32>
    %convert_element_type3A_832 = arith.sitofp %max3A_831 : vector<16xi32> to vector<16xf32>
    %div3A_833 = arith.divf %sub3A_825, %convert_element_type3A_832 : vector<16xf32>
    %lt3A_834 = arith.cmpi slt, %sub3A_777, %select_n3A_810 : vector<16xi32>
    %sub3A_835 = arith.constant 1.000000e+00 : f32
    %sub3A_836 = vector.broadcast %sub3A_835 : f32 to vector<16xf32>
    %sub3A_837 = arith.subf %sub3A_836, %div3A_823 : vector<16xf32>
    %select_n3A_838 = arith.select %lt3A_834, %sub3A_837, %broadcast_in_dim3A_815 : vector<16xi1>, vector<16xf32>
    %sub3A_839 = arith.constant 1.000000e+00 : f32
    %sub3A_840 = vector.broadcast %sub3A_839 : f32 to vector<16xf32>
    %sub3A_841 = arith.subf %sub3A_840, %div3A_833 : vector<16xf32>
    %select_n3A_842 = arith.select %lt3A_834, %div3A_823, %sub3A_841 : vector<16xi1>, vector<16xf32>
    %select_n3A_843 = arith.select %lt3A_834, %broadcast_in_dim3A_815, %div3A_833 : vector<16xi1>, vector<16xf32>
    %eq3A_844 = arith.constant 0 : i32
    %eq3A_845 = vector.broadcast %eq3A_844 : i32 to vector<16xi32>
    %eq3A_846 = arith.cmpi eq, %sub3A_777, %eq3A_845 : vector<16xi32>
    %sub3A_847 = arith.constant 1 : i32
    %sub3A_848 = vector.broadcast %sub3A_847 : i32 to vector<16xi32>
    %sub3A_849 = arith.subi %sub3A_776, %sub3A_848 : vector<16xi32>
    %eq3A_850 = arith.cmpi eq, %sub3A_777, %sub3A_849 : vector<16xi32>
    %select_n3A_851 = arith.select %eq3A_846, %broadcast_in_dim3A_813, %broadcast_in_dim3A_815 : vector<16xi1>, vector<16xf32>
    %not3A_852 = arith.constant dense<true> : vector<16xi1>
    %not3A_853 = arith.xori %eq3A_846, %not3A_852 : vector<16xi1>
    %and3A_854 = arith.andi %eq3A_850, %not3A_853 : vector<16xi1>
    %select_n3A_855 = arith.select %and3A_854, %broadcast_in_dim3A_813, %broadcast_in_dim3A_815 : vector<16xi1>, vector<16xf32>
    %not3A_856 = arith.constant dense<true> : vector<16xi1>
    %not3A_857 = arith.xori %eq3A_846, %not3A_856 : vector<16xi1>
    %not3A_858 = arith.constant dense<true> : vector<16xi1>
    %not3A_859 = arith.xori %eq3A_850, %not3A_858 : vector<16xi1>
    %and3A_860 = arith.andi %not3A_857, %not3A_859 : vector<16xi1>
    %select_n3A_861 = arith.select %and3A_860, %broadcast_in_dim3A_813, %broadcast_in_dim3A_815 : vector<16xi1>, vector<16xf32>
    %eq3A_862 = arith.constant 0 : i32
    %eq3A_863 = vector.broadcast %eq3A_862 : i32 to vector<16xi32>
    %eq3A_864 = arith.cmpi eq, %gather3A_778, %eq3A_863 : vector<16xi32>
    %select_n3A_865 = arith.select %eq3A_864, %select_n3A_851, %select_n3A_838 : vector<16xi1>, vector<16xf32>
    %select_n3A_866 = arith.select %eq3A_864, %select_n3A_861, %select_n3A_842 : vector<16xi1>, vector<16xf32>
    %select_n3A_867 = arith.select %eq3A_864, %select_n3A_855, %select_n3A_843 : vector<16xi1>, vector<16xf32>
    %eq3A_868 = arith.constant 1 : i32
    %eq3A_869 = vector.broadcast %eq3A_868 : i32 to vector<16xi32>
    %eq3A_870 = arith.cmpi eq, %sub3A_776, %eq3A_869 : vector<16xi32>
    %eq3A_871 = arith.constant 2 : i32
    %eq3A_872 = vector.broadcast %eq3A_871 : i32 to vector<16xi32>
    %eq3A_873 = arith.cmpi eq, %sub3A_776, %eq3A_872 : vector<16xi32>
    %eq3A_874 = arith.constant 3 : i32
    %eq3A_875 = vector.broadcast %eq3A_874 : i32 to vector<16xi32>
    %eq3A_876 = arith.cmpi eq, %sub3A_776, %eq3A_875 : vector<16xi32>
    %select_n3A_877 = arith.select %eq3A_846, %broadcast_in_dim3A_813, %broadcast_in_dim3A_815 : vector<16xi1>, vector<16xf32>
    %select_n3A_878 = arith.select %eq3A_846, %broadcast_in_dim3A_813, %broadcast_in_dim3A_815 : vector<16xi1>, vector<16xf32>
    %select_n3A_879 = arith.select %eq3A_876, %select_n3A_878, %select_n3A_865 : vector<16xi1>, vector<16xf32>
    %select_n3A_880 = arith.select %eq3A_873, %select_n3A_877, %select_n3A_879 : vector<16xi1>, vector<16xf32>
    %select_n3A_881 = arith.select %eq3A_870, %broadcast_in_dim3A_815, %select_n3A_880 : vector<16xi1>, vector<16xf32>
    %eq3A_882 = arith.constant 1 : i32
    %eq3A_883 = vector.broadcast %eq3A_882 : i32 to vector<16xi32>
    %eq3A_884 = arith.cmpi eq, %sub3A_777, %eq3A_883 : vector<16xi32>
    %select_n3A_885 = arith.select %eq3A_884, %broadcast_in_dim3A_813, %broadcast_in_dim3A_815 : vector<16xi1>, vector<16xf32>
    %select_n3A_886 = arith.select %eq3A_876, %select_n3A_885, %select_n3A_866 : vector<16xi1>, vector<16xf32>
    %select_n3A_887 = arith.select %eq3A_873, %broadcast_in_dim3A_815, %select_n3A_886 : vector<16xi1>, vector<16xf32>
    %select_n3A_888 = arith.select %eq3A_870, %broadcast_in_dim3A_813, %select_n3A_887 : vector<16xi1>, vector<16xf32>
    %not3A_889 = arith.constant dense<true> : vector<16xi1>
    %not3A_890 = arith.xori %eq3A_846, %not3A_889 : vector<16xi1>
    %select_n3A_891 = arith.select %not3A_890, %broadcast_in_dim3A_813, %broadcast_in_dim3A_815 : vector<16xi1>, vector<16xf32>
    %ge3A_892 = arith.constant 2 : i32
    %ge3A_893 = vector.broadcast %ge3A_892 : i32 to vector<16xi32>
    %ge3A_894 = arith.cmpi sge, %sub3A_777, %ge3A_893 : vector<16xi32>
    %select_n3A_895 = arith.select %ge3A_894, %broadcast_in_dim3A_813, %broadcast_in_dim3A_815 : vector<16xi1>, vector<16xf32>
    %select_n3A_896 = arith.select %eq3A_876, %select_n3A_895, %select_n3A_867 : vector<16xi1>, vector<16xf32>
    %select_n3A_897 = arith.select %eq3A_873, %select_n3A_891, %select_n3A_896 : vector<16xi1>, vector<16xf32>
    %select_n3A_898 = arith.select %eq3A_870, %broadcast_in_dim3A_815, %select_n3A_897 : vector<16xi1>, vector<16xf32>
    %lt3A_899 = arith.cmpi slt, %add3A_638, %min3A : vector<16xi32>
    %select_n3A_900 = arith.select %lt3A_899, %select_n3A_881, %broadcast_in_dim3A_815 : vector<16xi1>, vector<16xf32>
    %select_n3A_901 = arith.select %lt3A_899, %select_n3A_888, %broadcast_in_dim3A_815 : vector<16xi1>, vector<16xf32>
    %select_n3A_902 = arith.select %lt3A_899, %select_n3A_898, %broadcast_in_dim3A_815 : vector<16xi1>, vector<16xf32>
    %mul3A_903 = arith.constant 2048 : i32
    %mul3A_904 = arith.muli %select_n3A, %mul3A_903 : i32
    %add3A_905 = vector.broadcast %mul3A_904 : i32 to vector<16xi32>
    %add3A_906 = arith.addi %add3A_905, %add3A_761 : vector<16xi32>
    %swap3A_907 = arith.constant 0 : index
    %swap3A_908 = tpu.vector_load %arg23[%swap3A_907] {strides = array<i32>} : memref<32xi32, #tpu.memory_space<vmem>>, vector<16xi32>,
    tpu.vector_store %arg23[%swap3A_907], %add3A_906 {strides = array<i32>} : memref<32xi32, #tpu.memory_space<vmem>>, vector<16xi32>,
    %swap3A_909 = arith.constant 0 : index
    %swap3A_910 = tpu.vector_load %arg24[%swap3A_909] {strides = array<i32>} : memref<32xf32, #tpu.memory_space<vmem>>, vector<16xf32>,
    tpu.vector_store %arg24[%swap3A_909], %select_n3A_900 {strides = array<i32>} : memref<32xf32, #tpu.memory_space<vmem>>, vector<16xf32>,
    %swap3A_911 = arith.constant 0 : index
    %swap3A_912 = tpu.vector_load %arg25[%swap3A_911] {strides = array<i32>} : memref<32xf32, #tpu.memory_space<vmem>>, vector<16xf32>,
    tpu.vector_store %arg25[%swap3A_911], %select_n3A_901 {strides = array<i32>} : memref<32xf32, #tpu.memory_space<vmem>>, vector<16xf32>,
    %swap3A_913 = arith.constant 0 : index
    %swap3A_914 = tpu.vector_load %arg26[%swap3A_913] {strides = array<i32>} : memref<32xf32, #tpu.memory_space<vmem>>, vector<16xf32>,
    tpu.vector_store %arg26[%swap3A_913], %select_n3A_902 {strides = array<i32>} : memref<32xf32, #tpu.memory_space<vmem>>, vector<16xf32>,
    %convert_element_type3A_915 = arith.extui %lt3A_899 : vector<16xi1> to vector<16xi32>
    %mul3A_916 = arith.constant 1 : i32
    %mul3A_917 = arith.constant 32 : i32
    %mul3A_918 = arith.muli %mul3A_916, %mul3A_917 : i32
    %add3A_919 = arith.constant 0 : i32
    %add3A_920 = arith.addi %mul3A_918, %add3A_919 : i32
    %swap3A_921 = arith.index_cast %add3A_920 : i32 to index
    %swap3A_922 = tpu.vector_load %arg14[%swap3A_921] {strides = array<i32>} : memref<2048xi32, #tpu.memory_space<vmem>>, vector<16xi32>,
    tpu.vector_store %arg14[%swap3A_921], %convert_element_type3A_915 {strides = array<i32>} : memref<2048xi32, #tpu.memory_space<vmem>>, vector<16xi32>,
    %add3A_923 = arith.constant 16 : i32
    %add3A_924 = arith.addi %add3A_634, %add3A_923 : i32
    %add3A_925 = vector.broadcast %add3A_924 : i32 to vector<16xi32>
    %add3A_926 = arith.addi %add3A_925, %iota3A : vector<16xi32>
    %broadcast_in_dim3A_927 = arith.constant 0 : i32
    %broadcast_in_dim3A_928 = vector.broadcast %broadcast_in_dim3A_927 : i32 to vector<16xi32>
    %add3A_929 = arith.constant 1023 : i32
    %add3A_930 = vector.broadcast %add3A_929 : i32 to vector<16xi32>
    %add3A_931 = arith.addi %broadcast_in_dim3A_928, %add3A_930 : vector<16xi32>
    %gather3A_932 = tpu.vector_load_idx %arg11[%add3A_931] : memref<2048xi32, #tpu.memory_space<vmem>>[vector<16xi32>], vector<16xi32>,
    %le3A_933 = arith.cmpi sle, %gather3A_932, %add3A_926 : vector<16xi32>
    %jit3A_934 = arith.constant 1024 : i32
    %jit3A_935 = arith.constant 0 : i32
    %broadcast_in_dim3A_936 = vector.broadcast %jit3A_934 : i32 to vector<16xi32>
    %broadcast_in_dim3A_937 = vector.broadcast %jit3A_935 : i32 to vector<16xi32>
    %select_n3A_938 = arith.select %le3A_933, %broadcast_in_dim3A_936, %broadcast_in_dim3A_937 : vector<16xi1>, vector<16xi32>
    %add3A_939 = arith.addi %broadcast_in_dim3A_928, %select_n3A_938 : vector<16xi32>
    %add3A_940 = arith.constant 511 : i32
    %add3A_941 = vector.broadcast %add3A_940 : i32 to vector<16xi32>
    %add3A_942 = arith.addi %add3A_939, %add3A_941 : vector<16xi32>
    %gather3A_943 = tpu.vector_load_idx %arg11[%add3A_942] : memref<2048xi32, #tpu.memory_space<vmem>>[vector<16xi32>], vector<16xi32>,
    %le3A_944 = arith.cmpi sle, %gather3A_943, %add3A_926 : vector<16xi32>
    %jit3A_945 = arith.constant 512 : i32
    %jit3A_946 = arith.constant 0 : i32
    %broadcast_in_dim3A_947 = vector.broadcast %jit3A_945 : i32 to vector<16xi32>
    %broadcast_in_dim3A_948 = vector.broadcast %jit3A_946 : i32 to vector<16xi32>
    %select_n3A_949 = arith.select %le3A_944, %broadcast_in_dim3A_947, %broadcast_in_dim3A_948 : vector<16xi1>, vector<16xi32>
    %add3A_950 = arith.addi %add3A_939, %select_n3A_949 : vector<16xi32>
    %add3A_951 = arith.constant 255 : i32
    %add3A_952 = vector.broadcast %add3A_951 : i32 to vector<16xi32>
    %add3A_953 = arith.addi %add3A_950, %add3A_952 : vector<16xi32>
    %gather3A_954 = tpu.vector_load_idx %arg11[%add3A_953] : memref<2048xi32, #tpu.memory_space<vmem>>[vector<16xi32>], vector<16xi32>,
    %le3A_955 = arith.cmpi sle, %gather3A_954, %add3A_926 : vector<16xi32>
    %jit3A_956 = arith.constant 256 : i32
    %jit3A_957 = arith.constant 0 : i32
    %broadcast_in_dim3A_958 = vector.broadcast %jit3A_956 : i32 to vector<16xi32>
    %broadcast_in_dim3A_959 = vector.broadcast %jit3A_957 : i32 to vector<16xi32>
    %select_n3A_960 = arith.select %le3A_955, %broadcast_in_dim3A_958, %broadcast_in_dim3A_959 : vector<16xi1>, vector<16xi32>
    %add3A_961 = arith.addi %add3A_950, %select_n3A_960 : vector<16xi32>
    %add3A_962 = arith.constant 127 : i32
    %add3A_963 = vector.broadcast %add3A_962 : i32 to vector<16xi32>
    %add3A_964 = arith.addi %add3A_961, %add3A_963 : vector<16xi32>
    %gather3A_965 = tpu.vector_load_idx %arg11[%add3A_964] : memref<2048xi32, #tpu.memory_space<vmem>>[vector<16xi32>], vector<16xi32>,
    %le3A_966 = arith.cmpi sle, %gather3A_965, %add3A_926 : vector<16xi32>
    %jit3A_967 = arith.constant 128 : i32
    %jit3A_968 = arith.constant 0 : i32
    %broadcast_in_dim3A_969 = vector.broadcast %jit3A_967 : i32 to vector<16xi32>
    %broadcast_in_dim3A_970 = vector.broadcast %jit3A_968 : i32 to vector<16xi32>
    %select_n3A_971 = arith.select %le3A_966, %broadcast_in_dim3A_969, %broadcast_in_dim3A_970 : vector<16xi1>, vector<16xi32>
    %add3A_972 = arith.addi %add3A_961, %select_n3A_971 : vector<16xi32>
    %add3A_973 = arith.constant 63 : i32
    %add3A_974 = vector.broadcast %add3A_973 : i32 to vector<16xi32>
    %add3A_975 = arith.addi %add3A_972, %add3A_974 : vector<16xi32>
    %gather3A_976 = tpu.vector_load_idx %arg11[%add3A_975] : memref<2048xi32, #tpu.memory_space<vmem>>[vector<16xi32>], vector<16xi32>,
    %le3A_977 = arith.cmpi sle, %gather3A_976, %add3A_926 : vector<16xi32>
    %jit3A_978 = arith.constant 64 : i32
    %jit3A_979 = arith.constant 0 : i32
    %broadcast_in_dim3A_980 = vector.broadcast %jit3A_978 : i32 to vector<16xi32>
    %broadcast_in_dim3A_981 = vector.broadcast %jit3A_979 : i32 to vector<16xi32>
    %select_n3A_982 = arith.select %le3A_977, %broadcast_in_dim3A_980, %broadcast_in_dim3A_981 : vector<16xi1>, vector<16xi32>
    %add3A_983 = arith.addi %add3A_972, %select_n3A_982 : vector<16xi32>
    %add3A_984 = arith.constant 31 : i32
    %add3A_985 = vector.broadcast %add3A_984 : i32 to vector<16xi32>
    %add3A_986 = arith.addi %add3A_983, %add3A_985 : vector<16xi32>
    %gather3A_987 = tpu.vector_load_idx %arg11[%add3A_986] : memref<2048xi32, #tpu.memory_space<vmem>>[vector<16xi32>], vector<16xi32>,
    %le3A_988 = arith.cmpi sle, %gather3A_987, %add3A_926 : vector<16xi32>
    %jit3A_989 = arith.constant 32 : i32
    %jit3A_990 = arith.constant 0 : i32
    %broadcast_in_dim3A_991 = vector.broadcast %jit3A_989 : i32 to vector<16xi32>
    %broadcast_in_dim3A_992 = vector.broadcast %jit3A_990 : i32 to vector<16xi32>
    %select_n3A_993 = arith.select %le3A_988, %broadcast_in_dim3A_991, %broadcast_in_dim3A_992 : vector<16xi1>, vector<16xi32>
    %add3A_994 = arith.addi %add3A_983, %select_n3A_993 : vector<16xi32>
    %add3A_995 = arith.constant 15 : i32
    %add3A_996 = vector.broadcast %add3A_995 : i32 to vector<16xi32>
    %add3A_997 = arith.addi %add3A_994, %add3A_996 : vector<16xi32>
    %gather3A_998 = tpu.vector_load_idx %arg11[%add3A_997] : memref<2048xi32, #tpu.memory_space<vmem>>[vector<16xi32>], vector<16xi32>,
    %le3A_999 = arith.cmpi sle, %gather3A_998, %add3A_926 : vector<16xi32>
    %jit3A_1000 = arith.constant 16 : i32
    %jit3A_1001 = arith.constant 0 : i32
    %broadcast_in_dim3A_1002 = vector.broadcast %jit3A_1000 : i32 to vector<16xi32>
    %broadcast_in_dim3A_1003 = vector.broadcast %jit3A_1001 : i32 to vector<16xi32>
    %select_n3A_1004 = arith.select %le3A_999, %broadcast_in_dim3A_1002, %broadcast_in_dim3A_1003 : vector<16xi1>, vector<16xi32>
    %add3A_1005 = arith.addi %add3A_994, %select_n3A_1004 : vector<16xi32>
    %add3A_1006 = arith.constant 7 : i32
    %add3A_1007 = vector.broadcast %add3A_1006 : i32 to vector<16xi32>
    %add3A_1008 = arith.addi %add3A_1005, %add3A_1007 : vector<16xi32>
    %gather3A_1009 = tpu.vector_load_idx %arg11[%add3A_1008] : memref<2048xi32, #tpu.memory_space<vmem>>[vector<16xi32>], vector<16xi32>,
    %le3A_1010 = arith.cmpi sle, %gather3A_1009, %add3A_926 : vector<16xi32>
    %jit3A_1011 = arith.constant 8 : i32
    %jit3A_1012 = arith.constant 0 : i32
    %broadcast_in_dim3A_1013 = vector.broadcast %jit3A_1011 : i32 to vector<16xi32>
    %broadcast_in_dim3A_1014 = vector.broadcast %jit3A_1012 : i32 to vector<16xi32>
    %select_n3A_1015 = arith.select %le3A_1010, %broadcast_in_dim3A_1013, %broadcast_in_dim3A_1014 : vector<16xi1>, vector<16xi32>
    %add3A_1016 = arith.addi %add3A_1005, %select_n3A_1015 : vector<16xi32>
    %add3A_1017 = arith.constant 3 : i32
    %add3A_1018 = vector.broadcast %add3A_1017 : i32 to vector<16xi32>
    %add3A_1019 = arith.addi %add3A_1016, %add3A_1018 : vector<16xi32>
    %gather3A_1020 = tpu.vector_load_idx %arg11[%add3A_1019] : memref<2048xi32, #tpu.memory_space<vmem>>[vector<16xi32>], vector<16xi32>,
    %le3A_1021 = arith.cmpi sle, %gather3A_1020, %add3A_926 : vector<16xi32>
    %jit3A_1022 = arith.constant 4 : i32
    %jit3A_1023 = arith.constant 0 : i32
    %broadcast_in_dim3A_1024 = vector.broadcast %jit3A_1022 : i32 to vector<16xi32>
    %broadcast_in_dim3A_1025 = vector.broadcast %jit3A_1023 : i32 to vector<16xi32>
    %select_n3A_1026 = arith.select %le3A_1021, %broadcast_in_dim3A_1024, %broadcast_in_dim3A_1025 : vector<16xi1>, vector<16xi32>
    %add3A_1027 = arith.addi %add3A_1016, %select_n3A_1026 : vector<16xi32>
    %add3A_1028 = arith.constant 1 : i32
    %add3A_1029 = vector.broadcast %add3A_1028 : i32 to vector<16xi32>
    %add3A_1030 = arith.addi %add3A_1027, %add3A_1029 : vector<16xi32>
    %gather3A_1031 = tpu.vector_load_idx %arg11[%add3A_1030] : memref<2048xi32, #tpu.memory_space<vmem>>[vector<16xi32>], vector<16xi32>,
    %le3A_1032 = arith.cmpi sle, %gather3A_1031, %add3A_926 : vector<16xi32>
    %jit3A_1033 = arith.constant 2 : i32
    %jit3A_1034 = arith.constant 0 : i32
    %broadcast_in_dim3A_1035 = vector.broadcast %jit3A_1033 : i32 to vector<16xi32>
    %broadcast_in_dim3A_1036 = vector.broadcast %jit3A_1034 : i32 to vector<16xi32>
    %select_n3A_1037 = arith.select %le3A_1032, %broadcast_in_dim3A_1035, %broadcast_in_dim3A_1036 : vector<16xi1>, vector<16xi32>
    %add3A_1038 = arith.addi %add3A_1027, %select_n3A_1037 : vector<16xi32>
    %add3A_1039 = arith.constant 0 : i32
    %add3A_1040 = vector.broadcast %add3A_1039 : i32 to vector<16xi32>
    %add3A_1041 = arith.addi %add3A_1038, %add3A_1040 : vector<16xi32>
    %gather3A_1042 = tpu.vector_load_idx %arg11[%add3A_1041] : memref<2048xi32, #tpu.memory_space<vmem>>[vector<16xi32>], vector<16xi32>,
    %le3A_1043 = arith.cmpi sle, %gather3A_1042, %add3A_926 : vector<16xi32>
    %jit3A_1044 = arith.constant 1 : i32
    %jit3A_1045 = arith.constant 0 : i32
    %broadcast_in_dim3A_1046 = vector.broadcast %jit3A_1044 : i32 to vector<16xi32>
    %broadcast_in_dim3A_1047 = vector.broadcast %jit3A_1045 : i32 to vector<16xi32>
    %select_n3A_1048 = arith.select %le3A_1043, %broadcast_in_dim3A_1046, %broadcast_in_dim3A_1047 : vector<16xi1>, vector<16xi32>
    %add3A_1049 = arith.addi %add3A_1038, %select_n3A_1048 : vector<16xi32>
    %sub3A_1050 = arith.constant 1 : i32
    %sub3A_1051 = vector.broadcast %sub3A_1050 : i32 to vector<16xi32>
    %sub3A_1052 = arith.subi %add3A_1049, %sub3A_1051 : vector<16xi32>
    %max3A_1053 = arith.constant 0 : i32
    %max3A_1054 = vector.broadcast %max3A_1053 : i32 to vector<16xi32>
    %max3A_1055 = arith.maxsi %sub3A_1052, %max3A_1054 : vector<16xi32>
    %gather3A_1056 = tpu.vector_load_idx %arg11[%max3A_1055] : memref<2048xi32, #tpu.memory_space<vmem>>[vector<16xi32>], vector<16xi32>,
    %ge3A_1057 = arith.constant 1 : i32
    %ge3A_1058 = vector.broadcast %ge3A_1057 : i32 to vector<16xi32>
    %ge3A_1059 = arith.cmpi sge, %add3A_1049, %ge3A_1058 : vector<16xi32>
    %jit3A_1060 = arith.constant 0 : i32
    %broadcast_in_dim3A_1061 = vector.broadcast %jit3A_1060 : i32 to vector<16xi32>
    %select_n3A_1062 = arith.select %ge3A_1059, %gather3A_1056, %broadcast_in_dim3A_1061 : vector<16xi1>, vector<16xi32>
    %gather3A_1063 = tpu.vector_load_idx %arg11[%add3A_1049] : memref<2048xi32, #tpu.memory_space<vmem>>[vector<16xi32>], vector<16xi32>,
    %sub3A_1064 = arith.subi %gather3A_1063, %select_n3A_1062 : vector<16xi32>
    %sub3A_1065 = arith.subi %add3A_926, %select_n3A_1062 : vector<16xi32>
    %gather3A_1066 = tpu.vector_load_idx %arg12[%add3A_1049] : memref<2048xi32, #tpu.memory_space<vmem>>[vector<16xi32>], vector<16xi32>,
    %convert_element_type3A_1067 = arith.sitofp %sub3A_1065 : vector<16xi32> to vector<16xf32>
    %jit3A_1068 = arith.constant 2 : i32
    %div3A_1069 = vector.broadcast %jit3A_1068 : i32 to vector<16xi32>
    %div3A_1070 = arith.divsi %sub3A_1064, %div3A_1069 : vector<16xi32>
    %sign3A_1071 = arith.constant 0 : i32
    %sign3A_1072 = vector.broadcast %sign3A_1071 : i32 to vector<16xi32>
    %sign3A_1073 = arith.cmpi sgt, %sub3A_1064, %sign3A_1072 : vector<16xi32>
    %sign3A_1074 = arith.extui %sign3A_1073 : vector<16xi1> to vector<16xi32>
    %sign3A_1075 = arith.constant 0 : i32
    %sign3A_1076 = vector.broadcast %sign3A_1075 : i32 to vector<16xi32>
    %sign3A_1077 = arith.cmpi slt, %sub3A_1064, %sign3A_1076 : vector<16xi32>
    %sign3A_1078 = arith.extui %sign3A_1077 : vector<16xi1> to vector<16xi32>
    %sign3A_1079 = arith.subi %sign3A_1074, %sign3A_1078 : vector<16xi32>
    %sign3A_1080 = arith.constant 0 : i32
    %sign3A_1081 = arith.cmpi sgt, %jit3A_1068, %sign3A_1080 : i32
    %sign3A_1082 = arith.extui %sign3A_1081 : i1 to i32
    %sign3A_1083 = arith.constant 0 : i32
    %sign3A_1084 = arith.cmpi slt, %jit3A_1068, %sign3A_1083 : i32
    %sign3A_1085 = arith.extui %sign3A_1084 : i1 to i32
    %sign3A_1086 = arith.subi %sign3A_1082, %sign3A_1085 : i32
    %ne3A_1087 = vector.broadcast %sign3A_1086 : i32 to vector<16xi32>
    %ne3A_1088 = arith.cmpi ne, %sign3A_1079, %ne3A_1087 : vector<16xi32>
    %rem3A_1089 = vector.broadcast %jit3A_1068 : i32 to vector<16xi32>
    %rem3A_1090 = arith.remsi %sub3A_1064, %rem3A_1089 : vector<16xi32>
    %ne3A_1091 = arith.constant 0 : i32
    %ne3A_1092 = vector.broadcast %ne3A_1091 : i32 to vector<16xi32>
    %ne3A_1093 = arith.cmpi ne, %rem3A_1090, %ne3A_1092 : vector<16xi32>
    %and3A_1094 = arith.andi %ne3A_1088, %ne3A_1093 : vector<16xi1>
    %sub3A_1095 = arith.constant 1 : i32
    %sub3A_1096 = vector.broadcast %sub3A_1095 : i32 to vector<16xi32>
    %sub3A_1097 = arith.subi %div3A_1070, %sub3A_1096 : vector<16xi32>
    %select_n3A_1098 = arith.select %and3A_1094, %sub3A_1097, %div3A_1070 : vector<16xi1>, vector<16xi32>
    %sub3A_1099 = arith.subi %sub3A_1064, %select_n3A_1098 : vector<16xi32>
    %broadcast_in_dim3A_1100 = arith.constant 1.000000e+00 : f32
    %broadcast_in_dim3A_1101 = vector.broadcast %broadcast_in_dim3A_1100 : f32 to vector<16xf32>
    %broadcast_in_dim3A_1102 = arith.constant 0.000000e+00 : f32
    %broadcast_in_dim3A_1103 = vector.broadcast %broadcast_in_dim3A_1102 : f32 to vector<16xf32>
    %sub3A_1104 = arith.constant 1 : i32
    %sub3A_1105 = vector.broadcast %sub3A_1104 : i32 to vector<16xi32>
    %sub3A_1106 = arith.subi %select_n3A_1098, %sub3A_1105 : vector<16xi32>
    %max3A_1107 = arith.constant 1 : i32
    %max3A_1108 = vector.broadcast %max3A_1107 : i32 to vector<16xi32>
    %max3A_1109 = arith.maxsi %sub3A_1106, %max3A_1108 : vector<16xi32>
    %convert_element_type3A_1110 = arith.sitofp %max3A_1109 : vector<16xi32> to vector<16xf32>
    %div3A_1111 = arith.divf %convert_element_type3A_1067, %convert_element_type3A_1110 : vector<16xf32>
    %convert_element_type3A_1112 = arith.sitofp %select_n3A_1098 : vector<16xi32> to vector<16xf32>
    %sub3A_1113 = arith.subf %convert_element_type3A_1067, %convert_element_type3A_1112 : vector<16xf32>
    %sub3A_1114 = arith.constant 1 : i32
    %sub3A_1115 = vector.broadcast %sub3A_1114 : i32 to vector<16xi32>
    %sub3A_1116 = arith.subi %sub3A_1099, %sub3A_1115 : vector<16xi32>
    %max3A_1117 = arith.constant 1 : i32
    %max3A_1118 = vector.broadcast %max3A_1117 : i32 to vector<16xi32>
    %max3A_1119 = arith.maxsi %sub3A_1116, %max3A_1118 : vector<16xi32>
    %convert_element_type3A_1120 = arith.sitofp %max3A_1119 : vector<16xi32> to vector<16xf32>
    %div3A_1121 = arith.divf %sub3A_1113, %convert_element_type3A_1120 : vector<16xf32>
    %lt3A_1122 = arith.cmpi slt, %sub3A_1065, %select_n3A_1098 : vector<16xi32>
    %sub3A_1123 = arith.constant 1.000000e+00 : f32
    %sub3A_1124 = vector.broadcast %sub3A_1123 : f32 to vector<16xf32>
    %sub3A_1125 = arith.subf %sub3A_1124, %div3A_1111 : vector<16xf32>
    %select_n3A_1126 = arith.select %lt3A_1122, %sub3A_1125, %broadcast_in_dim3A_1103 : vector<16xi1>, vector<16xf32>
    %sub3A_1127 = arith.constant 1.000000e+00 : f32
    %sub3A_1128 = vector.broadcast %sub3A_1127 : f32 to vector<16xf32>
    %sub3A_1129 = arith.subf %sub3A_1128, %div3A_1121 : vector<16xf32>
    %select_n3A_1130 = arith.select %lt3A_1122, %div3A_1111, %sub3A_1129 : vector<16xi1>, vector<16xf32>
    %select_n3A_1131 = arith.select %lt3A_1122, %broadcast_in_dim3A_1103, %div3A_1121 : vector<16xi1>, vector<16xf32>
    %eq3A_1132 = arith.constant 0 : i32
    %eq3A_1133 = vector.broadcast %eq3A_1132 : i32 to vector<16xi32>
    %eq3A_1134 = arith.cmpi eq, %sub3A_1065, %eq3A_1133 : vector<16xi32>
    %sub3A_1135 = arith.constant 1 : i32
    %sub3A_1136 = vector.broadcast %sub3A_1135 : i32 to vector<16xi32>
    %sub3A_1137 = arith.subi %sub3A_1064, %sub3A_1136 : vector<16xi32>
    %eq3A_1138 = arith.cmpi eq, %sub3A_1065, %sub3A_1137 : vector<16xi32>
    %select_n3A_1139 = arith.select %eq3A_1134, %broadcast_in_dim3A_1101, %broadcast_in_dim3A_1103 : vector<16xi1>, vector<16xf32>
    %not3A_1140 = arith.constant dense<true> : vector<16xi1>
    %not3A_1141 = arith.xori %eq3A_1134, %not3A_1140 : vector<16xi1>
    %and3A_1142 = arith.andi %eq3A_1138, %not3A_1141 : vector<16xi1>
    %select_n3A_1143 = arith.select %and3A_1142, %broadcast_in_dim3A_1101, %broadcast_in_dim3A_1103 : vector<16xi1>, vector<16xf32>
    %not3A_1144 = arith.constant dense<true> : vector<16xi1>
    %not3A_1145 = arith.xori %eq3A_1134, %not3A_1144 : vector<16xi1>
    %not3A_1146 = arith.constant dense<true> : vector<16xi1>
    %not3A_1147 = arith.xori %eq3A_1138, %not3A_1146 : vector<16xi1>
    %and3A_1148 = arith.andi %not3A_1145, %not3A_1147 : vector<16xi1>
    %select_n3A_1149 = arith.select %and3A_1148, %broadcast_in_dim3A_1101, %broadcast_in_dim3A_1103 : vector<16xi1>, vector<16xf32>
    %eq3A_1150 = arith.constant 0 : i32
    %eq3A_1151 = vector.broadcast %eq3A_1150 : i32 to vector<16xi32>
    %eq3A_1152 = arith.cmpi eq, %gather3A_1066, %eq3A_1151 : vector<16xi32>
    %select_n3A_1153 = arith.select %eq3A_1152, %select_n3A_1139, %select_n3A_1126 : vector<16xi1>, vector<16xf32>
    %select_n3A_1154 = arith.select %eq3A_1152, %select_n3A_1149, %select_n3A_1130 : vector<16xi1>, vector<16xf32>
    %select_n3A_1155 = arith.select %eq3A_1152, %select_n3A_1143, %select_n3A_1131 : vector<16xi1>, vector<16xf32>
    %eq3A_1156 = arith.constant 1 : i32
    %eq3A_1157 = vector.broadcast %eq3A_1156 : i32 to vector<16xi32>
    %eq3A_1158 = arith.cmpi eq, %sub3A_1064, %eq3A_1157 : vector<16xi32>
    %eq3A_1159 = arith.constant 2 : i32
    %eq3A_1160 = vector.broadcast %eq3A_1159 : i32 to vector<16xi32>
    %eq3A_1161 = arith.cmpi eq, %sub3A_1064, %eq3A_1160 : vector<16xi32>
    %eq3A_1162 = arith.constant 3 : i32
    %eq3A_1163 = vector.broadcast %eq3A_1162 : i32 to vector<16xi32>
    %eq3A_1164 = arith.cmpi eq, %sub3A_1064, %eq3A_1163 : vector<16xi32>
    %select_n3A_1165 = arith.select %eq3A_1134, %broadcast_in_dim3A_1101, %broadcast_in_dim3A_1103 : vector<16xi1>, vector<16xf32>
    %select_n3A_1166 = arith.select %eq3A_1134, %broadcast_in_dim3A_1101, %broadcast_in_dim3A_1103 : vector<16xi1>, vector<16xf32>
    %select_n3A_1167 = arith.select %eq3A_1164, %select_n3A_1166, %select_n3A_1153 : vector<16xi1>, vector<16xf32>
    %select_n3A_1168 = arith.select %eq3A_1161, %select_n3A_1165, %select_n3A_1167 : vector<16xi1>, vector<16xf32>
    %select_n3A_1169 = arith.select %eq3A_1158, %broadcast_in_dim3A_1103, %select_n3A_1168 : vector<16xi1>, vector<16xf32>
    %eq3A_1170 = arith.constant 1 : i32
    %eq3A_1171 = vector.broadcast %eq3A_1170 : i32 to vector<16xi32>
    %eq3A_1172 = arith.cmpi eq, %sub3A_1065, %eq3A_1171 : vector<16xi32>
    %select_n3A_1173 = arith.select %eq3A_1172, %broadcast_in_dim3A_1101, %broadcast_in_dim3A_1103 : vector<16xi1>, vector<16xf32>
    %select_n3A_1174 = arith.select %eq3A_1164, %select_n3A_1173, %select_n3A_1154 : vector<16xi1>, vector<16xf32>
    %select_n3A_1175 = arith.select %eq3A_1161, %broadcast_in_dim3A_1103, %select_n3A_1174 : vector<16xi1>, vector<16xf32>
    %select_n3A_1176 = arith.select %eq3A_1158, %broadcast_in_dim3A_1101, %select_n3A_1175 : vector<16xi1>, vector<16xf32>
    %not3A_1177 = arith.constant dense<true> : vector<16xi1>
    %not3A_1178 = arith.xori %eq3A_1134, %not3A_1177 : vector<16xi1>
    %select_n3A_1179 = arith.select %not3A_1178, %broadcast_in_dim3A_1101, %broadcast_in_dim3A_1103 : vector<16xi1>, vector<16xf32>
    %ge3A_1180 = arith.constant 2 : i32
    %ge3A_1181 = vector.broadcast %ge3A_1180 : i32 to vector<16xi32>
    %ge3A_1182 = arith.cmpi sge, %sub3A_1065, %ge3A_1181 : vector<16xi32>
    %select_n3A_1183 = arith.select %ge3A_1182, %broadcast_in_dim3A_1101, %broadcast_in_dim3A_1103 : vector<16xi1>, vector<16xf32>
    %select_n3A_1184 = arith.select %eq3A_1164, %select_n3A_1183, %select_n3A_1155 : vector<16xi1>, vector<16xf32>
    %select_n3A_1185 = arith.select %eq3A_1161, %select_n3A_1179, %select_n3A_1184 : vector<16xi1>, vector<16xf32>
    %select_n3A_1186 = arith.select %eq3A_1158, %broadcast_in_dim3A_1103, %select_n3A_1185 : vector<16xi1>, vector<16xf32>
    %lt3A_1187 = arith.cmpi slt, %add3A_926, %min3A : vector<16xi32>
    %select_n3A_1188 = arith.select %lt3A_1187, %select_n3A_1169, %broadcast_in_dim3A_1103 : vector<16xi1>, vector<16xf32>
    %select_n3A_1189 = arith.select %lt3A_1187, %select_n3A_1176, %broadcast_in_dim3A_1103 : vector<16xi1>, vector<16xf32>
    %select_n3A_1190 = arith.select %lt3A_1187, %select_n3A_1186, %broadcast_in_dim3A_1103 : vector<16xi1>, vector<16xf32>
    %mul3A_1191 = arith.constant 2048 : i32
    %mul3A_1192 = arith.muli %select_n3A, %mul3A_1191 : i32
    %add3A_1193 = vector.broadcast %mul3A_1192 : i32 to vector<16xi32>
    %add3A_1194 = arith.addi %add3A_1193, %add3A_1049 : vector<16xi32>
    %swap3A_1195 = arith.constant 16 : index
    %swap3A_1196 = tpu.vector_load %arg23[%swap3A_1195] {strides = array<i32>} : memref<32xi32, #tpu.memory_space<vmem>>, vector<16xi32>,
    tpu.vector_store %arg23[%swap3A_1195], %add3A_1194 {strides = array<i32>} : memref<32xi32, #tpu.memory_space<vmem>>, vector<16xi32>,
    %swap3A_1197 = arith.constant 16 : index
    %swap3A_1198 = tpu.vector_load %arg24[%swap3A_1197] {strides = array<i32>} : memref<32xf32, #tpu.memory_space<vmem>>, vector<16xf32>,
    tpu.vector_store %arg24[%swap3A_1197], %select_n3A_1188 {strides = array<i32>} : memref<32xf32, #tpu.memory_space<vmem>>, vector<16xf32>,
    %swap3A_1199 = arith.constant 16 : index
    %swap3A_1200 = tpu.vector_load %arg25[%swap3A_1199] {strides = array<i32>} : memref<32xf32, #tpu.memory_space<vmem>>, vector<16xf32>,
    tpu.vector_store %arg25[%swap3A_1199], %select_n3A_1189 {strides = array<i32>} : memref<32xf32, #tpu.memory_space<vmem>>, vector<16xf32>,
    %swap3A_1201 = arith.constant 16 : index
    %swap3A_1202 = tpu.vector_load %arg26[%swap3A_1201] {strides = array<i32>} : memref<32xf32, #tpu.memory_space<vmem>>, vector<16xf32>,
    tpu.vector_store %arg26[%swap3A_1201], %select_n3A_1190 {strides = array<i32>} : memref<32xf32, #tpu.memory_space<vmem>>, vector<16xf32>,
    %convert_element_type3A_1203 = arith.extui %lt3A_1187 : vector<16xi1> to vector<16xi32>
    %mul3A_1204 = arith.constant 1 : i32
    %mul3A_1205 = arith.constant 32 : i32
    %mul3A_1206 = arith.muli %mul3A_1204, %mul3A_1205 : i32
    %add3A_1207 = arith.constant 16 : i32
    %add3A_1208 = arith.addi %mul3A_1206, %add3A_1207 : i32
    %swap3A_1209 = arith.index_cast %add3A_1208 : i32 to index
    %swap3A_1210 = tpu.vector_load %arg14[%swap3A_1209] {strides = array<i32>} : memref<2048xi32, #tpu.memory_space<vmem>>, vector<16xi32>,
    tpu.vector_store %arg14[%swap3A_1209], %convert_element_type3A_1203 {strides = array<i32>} : memref<2048xi32, #tpu.memory_space<vmem>>, vector<16xi32>,
    %dma_start3A_1211 = arith.constant 0 : i32
    %dma_start3A_1212 = arith.constant 0 : i32
    %dma_start3A_1213 = tpu.memref_slice %arg2[%dma_start3A_1211, %dma_start3A_1212] : memref<16384x256xf32, #tpu.memory_space<hbm>> -> memref<16384x256xf32, #tpu.memory_space<hbm>>
    tpu.enqueue_indirect_dma source(%dma_start3A_1213 : memref<16384x256xf32, #tpu.memory_space<hbm>>) target(%arg27 : memref<32x256xf32, #tpu.memory_space<vmem>>) offsets(%arg23 : memref<32xi32, #tpu.memory_space<vmem>>) semaphore(%arg35 : memref<!tpu.dma_semaphore, #tpu.memory_space<semaphore_mem>>)
    %dma_start3A_1214 = arith.constant 0 : i32
    %dma_start3A_1215 = arith.constant 0 : i32
    %dma_start3A_1216 = tpu.memref_slice %arg3[%dma_start3A_1214, %dma_start3A_1215] : memref<16384x256xf32, #tpu.memory_space<hbm>> -> memref<16384x256xf32, #tpu.memory_space<hbm>>
    tpu.enqueue_indirect_dma source(%dma_start3A_1216 : memref<16384x256xf32, #tpu.memory_space<hbm>>) target(%arg28 : memref<32x256xf32, #tpu.memory_space<vmem>>) offsets(%arg23 : memref<32xi32, #tpu.memory_space<vmem>>) semaphore(%arg36 : memref<!tpu.dma_semaphore, #tpu.memory_space<semaphore_mem>>)
    %dma_start3A_1217 = arith.constant 0 : i32
    %dma_start3A_1218 = arith.constant 0 : i32
    %dma_start3A_1219 = tpu.memref_slice %arg4[%dma_start3A_1217, %dma_start3A_1218] : memref<16384x256xf32, #tpu.memory_space<hbm>> -> memref<16384x256xf32, #tpu.memory_space<hbm>>
    tpu.enqueue_indirect_dma source(%dma_start3A_1219 : memref<16384x256xf32, #tpu.memory_space<hbm>>) target(%arg29 : memref<32x256xf32, #tpu.memory_space<vmem>>) offsets(%arg23 : memref<32xi32, #tpu.memory_space<vmem>>) semaphore(%arg37 : memref<!tpu.dma_semaphore, #tpu.memory_space<semaphore_mem>>)
    %scan3A_1220 = arith.constant 0 : i32
    %scan3A_1221 = arith.constant 0 : i32
    %scan3A_1222 = arith.constant 32 : i32
    %scan3A_1223 = arith.addi %scan3A_1221, %scan3A_1222 : i32
    %scan3A_1224 = arith.constant 1 : i32
    scf.for %scan3A_1264 = %scan3A_1221 to %scan3A_1223 step %scan3A_1224  : i32 {
      %mul3A_1265 = arith.constant 2 : i32
      %mul3A_1266 = arith.muli %mul3A_1265, %scan3A_1264 : i32
      %mul3A_1267 = arith.constant 2 : i32
      %mul3A_1268 = arith.muli %mul3A_1267, %scan3A_1264 : i32
      %add3A_1269 = arith.constant 1 : i32
      %add3A_1270 = arith.addi %mul3A_1268, %add3A_1269 : i32
      %dma_wait3A_1271 = arith.constant 0 : i32
      %dma_wait3A_1272 = arith.constant 0 : i32
      %dma_wait3A_1273 = tpu.memref_slice %arg2[%dma_wait3A_1271, %dma_wait3A_1272] : memref<16384x256xf32, #tpu.memory_space<hbm>> -> memref<16384x256xf32, #tpu.memory_space<hbm>>
      tpu.wait_indirect_dma semaphore(%arg31 : memref<!tpu.dma_semaphore, #tpu.memory_space<semaphore_mem>>) src(%dma_wait3A_1273 : memref<16384x256xf32, #tpu.memory_space<hbm>>) dst(%arg19 : memref<32x256xf32, #tpu.memory_space<vmem>>)
      %dma_wait3A_1274 = arith.constant 0 : i32
      %dma_wait3A_1275 = arith.constant 0 : i32
      %dma_wait3A_1276 = tpu.memref_slice %arg3[%dma_wait3A_1274, %dma_wait3A_1275] : memref<16384x256xf32, #tpu.memory_space<hbm>> -> memref<16384x256xf32, #tpu.memory_space<hbm>>
      tpu.wait_indirect_dma semaphore(%arg32 : memref<!tpu.dma_semaphore, #tpu.memory_space<semaphore_mem>>) src(%dma_wait3A_1276 : memref<16384x256xf32, #tpu.memory_space<hbm>>) dst(%arg20 : memref<32x256xf32, #tpu.memory_space<vmem>>)
      %dma_wait3A_1277 = arith.constant 0 : i32
      %dma_wait3A_1278 = arith.constant 0 : i32
      %dma_wait3A_1279 = tpu.memref_slice %arg4[%dma_wait3A_1277, %dma_wait3A_1278] : memref<16384x256xf32, #tpu.memory_space<hbm>> -> memref<16384x256xf32, #tpu.memory_space<hbm>>
      tpu.wait_indirect_dma semaphore(%arg33 : memref<!tpu.dma_semaphore, #tpu.memory_space<semaphore_mem>>) src(%dma_wait3A_1279 : memref<16384x256xf32, #tpu.memory_space<hbm>>) dst(%arg21 : memref<32x256xf32, #tpu.memory_space<vmem>>)
      %gt3A = arith.constant 0 : i32
      %gt3A_1280 = arith.cmpi sgt, %scan3A_1264, %gt3A : i32
      %convert_element_type3A_1281 = arith.extui %gt3A_1280 : i1 to i32
      %cond3A = arith.constant 0 : i32
      %cond3A_1282 = arith.cmpi ne, %convert_element_type3A_1281, %cond3A : i32
      scf.if %cond3A_1282 {
        %sub3A_2509 = arith.constant 2 : i32
        %sub3A_2510 = arith.subi %mul3A_1266, %sub3A_2509 : i32
        %mul3A_2511 = arith.constant 8192 : i32
        %mul3A_2512 = arith.muli %select_n3A, %mul3A_2511 : i32
        %add3A_2513 = arith.addi %mul3A_2512, %mul3A_32 : i32
        %mul3A_2514 = arith.constant 32 : i32
        %mul3A_2515 = arith.muli %sub3A_2510, %mul3A_2514 : i32
        %add3A_2516 = arith.addi %add3A_2513, %mul3A_2515 : i32
        %dma_wait3A_2517 = arith.constant 0 : i32
        %dma_wait3A_2518 = tpu.memref_slice %arg8[%add3A_2516, %dma_wait3A_2517] : memref<65536x256xf32, #tpu.memory_space<hbm>> -> memref<32x256xf32, #tpu.memory_space<hbm>>
        %dma_wait3A_2519 = arith.constant 0 : i32
        %dma_wait3A_2520 = tpu.memref_slice %arg8[%add3A_2516, %dma_wait3A_2519] : memref<65536x256xf32, #tpu.memory_space<hbm>> -> memref<32x256xf32, #tpu.memory_space<hbm>>
        tpu.wait_dma2 semaphore(%arg34 : memref<!tpu.dma_semaphore, #tpu.memory_space<semaphore_mem>>) src(%arg22 : memref<32x256xf32, #tpu.memory_space<vmem>>) dst(%dma_wait3A_2520 : memref<32x256xf32, #tpu.memory_space<hbm>>)
      } else {
      }
      %scan3A_1283 = arith.constant 0 : i32
      %scan3A_1284 = arith.constant 0 : i32
      %scan3A_1285 = arith.constant 32 : i32
      %scan3A_1286 = arith.addi %scan3A_1284, %scan3A_1285 : i32
      %scan3A_1287 = arith.constant 1 : i32
      scf.for %scan3A_2509 = %scan3A_1284 to %scan3A_1286 step %scan3A_1287  : i32 {
        %broadcast_in_dim3A_2510 = arith.constant 0 : i32
        %broadcast_in_dim3A_2511 = vector.broadcast %broadcast_in_dim3A_2510 : i32 to vector<16xi32>
        %add3A_2512 = vector.broadcast %scan3A_2509 : i32 to vector<16xi32>
        %add3A_2513 = arith.addi %broadcast_in_dim3A_2511, %add3A_2512 : vector<16xi32>
        %gather3A_2514 = tpu.vector_load_idx %arg16[%add3A_2513] : memref<32xf32, #tpu.memory_space<vmem>>[vector<16xi32>], vector<16xf32>,
        %gather3A_2515 = tpu.vector_load_idx %arg17[%add3A_2513] : memref<32xf32, #tpu.memory_space<vmem>>[vector<16xi32>], vector<16xf32>,
        %gather3A_2516 = tpu.vector_load_idx %arg18[%add3A_2513] : memref<32xf32, #tpu.memory_space<vmem>>[vector<16xi32>], vector<16xf32>,
        %get3A_2517 = arith.index_cast %scan3A_2509 : i32 to index
        %get3A_2518 = arith.constant 0 : index
        %get3A_2519 = tpu.vector_load %arg19[%get3A_2517, %get3A_2518] {strides = array<i32>} : memref<32x256xf32, #tpu.memory_space<vmem>>, vector<16xf32>,
        %get3A_2520 = arith.index_cast %scan3A_2509 : i32 to index
        %get3A_2521 = arith.constant 0 : index
        %get3A_2522 = tpu.vector_load %arg20[%get3A_2520, %get3A_2521] {strides = array<i32>} : memref<32x256xf32, #tpu.memory_space<vmem>>, vector<16xf32>,
        %get3A_2523 = arith.index_cast %scan3A_2509 : i32 to index
        %get3A_2524 = arith.constant 0 : index
        %get3A_2525 = tpu.vector_load %arg21[%get3A_2523, %get3A_2524] {strides = array<i32>} : memref<32x256xf32, #tpu.memory_space<vmem>>, vector<16xf32>,
        %mul3A_2526 = arith.mulf %gather3A_2514, %get3A_2519 : vector<16xf32>
        %mul3A_2527 = arith.mulf %gather3A_2515, %get3A_2522 : vector<16xf32>
        %add3A_2528 = arith.addf %mul3A_2526, %mul3A_2527 : vector<16xf32>
        %mul3A_2529 = arith.mulf %gather3A_2516, %get3A_2525 : vector<16xf32>
        %add3A_2530 = arith.addf %add3A_2528, %mul3A_2529 : vector<16xf32>
        %swap3A_2531 = arith.index_cast %scan3A_2509 : i32 to index
        %swap3A_2532 = arith.constant 0 : index
        %swap3A_2533 = tpu.vector_load %arg22[%swap3A_2531, %swap3A_2532] {strides = array<i32>} : memref<32x256xf32, #tpu.memory_space<vmem>>, vector<16xf32>,
        tpu.vector_store %arg22[%swap3A_2531, %swap3A_2532], %add3A_2530 {strides = array<i32>} : memref<32x256xf32, #tpu.memory_space<vmem>>, vector<16xf32>,
        %get3A_2534 = arith.index_cast %scan3A_2509 : i32 to index
        %get3A_2535 = arith.constant 16 : index
        %get3A_2536 = tpu.vector_load %arg19[%get3A_2534, %get3A_2535] {strides = array<i32>} : memref<32x256xf32, #tpu.memory_space<vmem>>, vector<16xf32>,
        %get3A_2537 = arith.index_cast %scan3A_2509 : i32 to index
        %get3A_2538 = arith.constant 16 : index
        %get3A_2539 = tpu.vector_load %arg20[%get3A_2537, %get3A_2538] {strides = array<i32>} : memref<32x256xf32, #tpu.memory_space<vmem>>, vector<16xf32>,
        %get3A_2540 = arith.index_cast %scan3A_2509 : i32 to index
        %get3A_2541 = arith.constant 16 : index
        %get3A_2542 = tpu.vector_load %arg21[%get3A_2540, %get3A_2541] {strides = array<i32>} : memref<32x256xf32, #tpu.memory_space<vmem>>, vector<16xf32>,
        %mul3A_2543 = arith.mulf %gather3A_2514, %get3A_2536 : vector<16xf32>
        %mul3A_2544 = arith.mulf %gather3A_2515, %get3A_2539 : vector<16xf32>
        %add3A_2545 = arith.addf %mul3A_2543, %mul3A_2544 : vector<16xf32>
        %mul3A_2546 = arith.mulf %gather3A_2516, %get3A_2542 : vector<16xf32>
        %add3A_2547 = arith.addf %add3A_2545, %mul3A_2546 : vector<16xf32>
        %swap3A_2548 = arith.index_cast %scan3A_2509 : i32 to index
        %swap3A_2549 = arith.constant 16 : index
        %swap3A_2550 = tpu.vector_load %arg22[%swap3A_2548, %swap3A_2549] {strides = array<i32>} : memref<32x256xf32, #tpu.memory_space<vmem>>, vector<16xf32>,
        tpu.vector_store %arg22[%swap3A_2548, %swap3A_2549], %add3A_2547 {strides = array<i32>} : memref<32x256xf32, #tpu.memory_space<vmem>>, vector<16xf32>,
        %get3A_2551 = arith.index_cast %scan3A_2509 : i32 to index
        %get3A_2552 = arith.constant 32 : index
        %get3A_2553 = tpu.vector_load %arg19[%get3A_2551, %get3A_2552] {strides = array<i32>} : memref<32x256xf32, #tpu.memory_space<vmem>>, vector<16xf32>,
        %get3A_2554 = arith.index_cast %scan3A_2509 : i32 to index
        %get3A_2555 = arith.constant 32 : index
        %get3A_2556 = tpu.vector_load %arg20[%get3A_2554, %get3A_2555] {strides = array<i32>} : memref<32x256xf32, #tpu.memory_space<vmem>>, vector<16xf32>,
        %get3A_2557 = arith.index_cast %scan3A_2509 : i32 to index
        %get3A_2558 = arith.constant 32 : index
        %get3A_2559 = tpu.vector_load %arg21[%get3A_2557, %get3A_2558] {strides = array<i32>} : memref<32x256xf32, #tpu.memory_space<vmem>>, vector<16xf32>,
        %mul3A_2560 = arith.mulf %gather3A_2514, %get3A_2553 : vector<16xf32>
        %mul3A_2561 = arith.mulf %gather3A_2515, %get3A_2556 : vector<16xf32>
        %add3A_2562 = arith.addf %mul3A_2560, %mul3A_2561 : vector<16xf32>
        %mul3A_2563 = arith.mulf %gather3A_2516, %get3A_2559 : vector<16xf32>
        %add3A_2564 = arith.addf %add3A_2562, %mul3A_2563 : vector<16xf32>
        %swap3A_2565 = arith.index_cast %scan3A_2509 : i32 to index
        %swap3A_2566 = arith.constant 32 : index
        %swap3A_2567 = tpu.vector_load %arg22[%swap3A_2565, %swap3A_2566] {strides = array<i32>} : memref<32x256xf32, #tpu.memory_space<vmem>>, vector<16xf32>,
        tpu.vector_store %arg22[%swap3A_2565, %swap3A_2566], %add3A_2564 {strides = array<i32>} : memref<32x256xf32, #tpu.memory_space<vmem>>, vector<16xf32>,
        %get3A_2568 = arith.index_cast %scan3A_2509 : i32 to index
        %get3A_2569 = arith.constant 48 : index
        %get3A_2570 = tpu.vector_load %arg19[%get3A_2568, %get3A_2569] {strides = array<i32>} : memref<32x256xf32, #tpu.memory_space<vmem>>, vector<16xf32>,
        %get3A_2571 = arith.index_cast %scan3A_2509 : i32 to index
        %get3A_2572 = arith.constant 48 : index
        %get3A_2573 = tpu.vector_load %arg20[%get3A_2571, %get3A_2572] {strides = array<i32>} : memref<32x256xf32, #tpu.memory_space<vmem>>, vector<16xf32>,
        %get3A_2574 = arith.index_cast %scan3A_2509 : i32 to index
        %get3A_2575 = arith.constant 48 : index
        %get3A_2576 = tpu.vector_load %arg21[%get3A_2574, %get3A_2575] {strides = array<i32>} : memref<32x256xf32, #tpu.memory_space<vmem>>, vector<16xf32>,
        %mul3A_2577 = arith.mulf %gather3A_2514, %get3A_2570 : vector<16xf32>
        %mul3A_2578 = arith.mulf %gather3A_2515, %get3A_2573 : vector<16xf32>
        %add3A_2579 = arith.addf %mul3A_2577, %mul3A_2578 : vector<16xf32>
        %mul3A_2580 = arith.mulf %gather3A_2516, %get3A_2576 : vector<16xf32>
        %add3A_2581 = arith.addf %add3A_2579, %mul3A_2580 : vector<16xf32>
        %swap3A_2582 = arith.index_cast %scan3A_2509 : i32 to index
        %swap3A_2583 = arith.constant 48 : index
        %swap3A_2584 = tpu.vector_load %arg22[%swap3A_2582, %swap3A_2583] {strides = array<i32>} : memref<32x256xf32, #tpu.memory_space<vmem>>, vector<16xf32>,
        tpu.vector_store %arg22[%swap3A_2582, %swap3A_2583], %add3A_2581 {strides = array<i32>} : memref<32x256xf32, #tpu.memory_space<vmem>>, vector<16xf32>,
        %get3A_2585 = arith.index_cast %scan3A_2509 : i32 to index
        %get3A_2586 = arith.constant 64 : index
        %get3A_2587 = tpu.vector_load %arg19[%get3A_2585, %get3A_2586] {strides = array<i32>} : memref<32x256xf32, #tpu.memory_space<vmem>>, vector<16xf32>,
        %get3A_2588 = arith.index_cast %scan3A_2509 : i32 to index
        %get3A_2589 = arith.constant 64 : index
        %get3A_2590 = tpu.vector_load %arg20[%get3A_2588, %get3A_2589] {strides = array<i32>} : memref<32x256xf32, #tpu.memory_space<vmem>>, vector<16xf32>,
        %get3A_2591 = arith.index_cast %scan3A_2509 : i32 to index
        %get3A_2592 = arith.constant 64 : index
        %get3A_2593 = tpu.vector_load %arg21[%get3A_2591, %get3A_2592] {strides = array<i32>} : memref<32x256xf32, #tpu.memory_space<vmem>>, vector<16xf32>,
        %mul3A_2594 = arith.mulf %gather3A_2514, %get3A_2587 : vector<16xf32>
        %mul3A_2595 = arith.mulf %gather3A_2515, %get3A_2590 : vector<16xf32>
        %add3A_2596 = arith.addf %mul3A_2594, %mul3A_2595 : vector<16xf32>
        %mul3A_2597 = arith.mulf %gather3A_2516, %get3A_2593 : vector<16xf32>
        %add3A_2598 = arith.addf %add3A_2596, %mul3A_2597 : vector<16xf32>
        %swap3A_2599 = arith.index_cast %scan3A_2509 : i32 to index
        %swap3A_2600 = arith.constant 64 : index
        %swap3A_2601 = tpu.vector_load %arg22[%swap3A_2599, %swap3A_2600] {strides = array<i32>} : memref<32x256xf32, #tpu.memory_space<vmem>>, vector<16xf32>,
        tpu.vector_store %arg22[%swap3A_2599, %swap3A_2600], %add3A_2598 {strides = array<i32>} : memref<32x256xf32, #tpu.memory_space<vmem>>, vector<16xf32>,
        %get3A_2602 = arith.index_cast %scan3A_2509 : i32 to index
        %get3A_2603 = arith.constant 80 : index
        %get3A_2604 = tpu.vector_load %arg19[%get3A_2602, %get3A_2603] {strides = array<i32>} : memref<32x256xf32, #tpu.memory_space<vmem>>, vector<16xf32>,
        %get3A_2605 = arith.index_cast %scan3A_2509 : i32 to index
        %get3A_2606 = arith.constant 80 : index
        %get3A_2607 = tpu.vector_load %arg20[%get3A_2605, %get3A_2606] {strides = array<i32>} : memref<32x256xf32, #tpu.memory_space<vmem>>, vector<16xf32>,
        %get3A_2608 = arith.index_cast %scan3A_2509 : i32 to index
        %get3A_2609 = arith.constant 80 : index
        %get3A_2610 = tpu.vector_load %arg21[%get3A_2608, %get3A_2609] {strides = array<i32>} : memref<32x256xf32, #tpu.memory_space<vmem>>, vector<16xf32>,
        %mul3A_2611 = arith.mulf %gather3A_2514, %get3A_2604 : vector<16xf32>
        %mul3A_2612 = arith.mulf %gather3A_2515, %get3A_2607 : vector<16xf32>
        %add3A_2613 = arith.addf %mul3A_2611, %mul3A_2612 : vector<16xf32>
        %mul3A_2614 = arith.mulf %gather3A_2516, %get3A_2610 : vector<16xf32>
        %add3A_2615 = arith.addf %add3A_2613, %mul3A_2614 : vector<16xf32>
        %swap3A_2616 = arith.index_cast %scan3A_2509 : i32 to index
        %swap3A_2617 = arith.constant 80 : index
        %swap3A_2618 = tpu.vector_load %arg22[%swap3A_2616, %swap3A_2617] {strides = array<i32>} : memref<32x256xf32, #tpu.memory_space<vmem>>, vector<16xf32>,
        tpu.vector_store %arg22[%swap3A_2616, %swap3A_2617], %add3A_2615 {strides = array<i32>} : memref<32x256xf32, #tpu.memory_space<vmem>>, vector<16xf32>,
        %get3A_2619 = arith.index_cast %scan3A_2509 : i32 to index
        %get3A_2620 = arith.constant 96 : index
        %get3A_2621 = tpu.vector_load %arg19[%get3A_2619, %get3A_2620] {strides = array<i32>} : memref<32x256xf32, #tpu.memory_space<vmem>>, vector<16xf32>,
        %get3A_2622 = arith.index_cast %scan3A_2509 : i32 to index
        %get3A_2623 = arith.constant 96 : index
        %get3A_2624 = tpu.vector_load %arg20[%get3A_2622, %get3A_2623] {strides = array<i32>} : memref<32x256xf32, #tpu.memory_space<vmem>>, vector<16xf32>,
        %get3A_2625 = arith.index_cast %scan3A_2509 : i32 to index
        %get3A_2626 = arith.constant 96 : index
        %get3A_2627 = tpu.vector_load %arg21[%get3A_2625, %get3A_2626] {strides = array<i32>} : memref<32x256xf32, #tpu.memory_space<vmem>>, vector<16xf32>,
        %mul3A_2628 = arith.mulf %gather3A_2514, %get3A_2621 : vector<16xf32>
        %mul3A_2629 = arith.mulf %gather3A_2515, %get3A_2624 : vector<16xf32>
        %add3A_2630 = arith.addf %mul3A_2628, %mul3A_2629 : vector<16xf32>
        %mul3A_2631 = arith.mulf %gather3A_2516, %get3A_2627 : vector<16xf32>
        %add3A_2632 = arith.addf %add3A_2630, %mul3A_2631 : vector<16xf32>
        %swap3A_2633 = arith.index_cast %scan3A_2509 : i32 to index
        %swap3A_2634 = arith.constant 96 : index
        %swap3A_2635 = tpu.vector_load %arg22[%swap3A_2633, %swap3A_2634] {strides = array<i32>} : memref<32x256xf32, #tpu.memory_space<vmem>>, vector<16xf32>,
        tpu.vector_store %arg22[%swap3A_2633, %swap3A_2634], %add3A_2632 {strides = array<i32>} : memref<32x256xf32, #tpu.memory_space<vmem>>, vector<16xf32>,
        %get3A_2636 = arith.index_cast %scan3A_2509 : i32 to index
        %get3A_2637 = arith.constant 112 : index
        %get3A_2638 = tpu.vector_load %arg19[%get3A_2636, %get3A_2637] {strides = array<i32>} : memref<32x256xf32, #tpu.memory_space<vmem>>, vector<16xf32>,
        %get3A_2639 = arith.index_cast %scan3A_2509 : i32 to index
        %get3A_2640 = arith.constant 112 : index
        %get3A_2641 = tpu.vector_load %arg20[%get3A_2639, %get3A_2640] {strides = array<i32>} : memref<32x256xf32, #tpu.memory_space<vmem>>, vector<16xf32>,
        %get3A_2642 = arith.index_cast %scan3A_2509 : i32 to index
        %get3A_2643 = arith.constant 112 : index
        %get3A_2644 = tpu.vector_load %arg21[%get3A_2642, %get3A_2643] {strides = array<i32>} : memref<32x256xf32, #tpu.memory_space<vmem>>, vector<16xf32>,
        %mul3A_2645 = arith.mulf %gather3A_2514, %get3A_2638 : vector<16xf32>
        %mul3A_2646 = arith.mulf %gather3A_2515, %get3A_2641 : vector<16xf32>
        %add3A_2647 = arith.addf %mul3A_2645, %mul3A_2646 : vector<16xf32>
        %mul3A_2648 = arith.mulf %gather3A_2516, %get3A_2644 : vector<16xf32>
        %add3A_2649 = arith.addf %add3A_2647, %mul3A_2648 : vector<16xf32>
        %swap3A_2650 = arith.index_cast %scan3A_2509 : i32 to index
        %swap3A_2651 = arith.constant 112 : index
        %swap3A_2652 = tpu.vector_load %arg22[%swap3A_2650, %swap3A_2651] {strides = array<i32>} : memref<32x256xf32, #tpu.memory_space<vmem>>, vector<16xf32>,
        tpu.vector_store %arg22[%swap3A_2650, %swap3A_2651], %add3A_2649 {strides = array<i32>} : memref<32x256xf32, #tpu.memory_space<vmem>>, vector<16xf32>,
        %get3A_2653 = arith.index_cast %scan3A_2509 : i32 to index
        %get3A_2654 = arith.constant 128 : index
        %get3A_2655 = tpu.vector_load %arg19[%get3A_2653, %get3A_2654] {strides = array<i32>} : memref<32x256xf32, #tpu.memory_space<vmem>>, vector<16xf32>,
        %get3A_2656 = arith.index_cast %scan3A_2509 : i32 to index
        %get3A_2657 = arith.constant 128 : index
        %get3A_2658 = tpu.vector_load %arg20[%get3A_2656, %get3A_2657] {strides = array<i32>} : memref<32x256xf32, #tpu.memory_space<vmem>>, vector<16xf32>,
        %get3A_2659 = arith.index_cast %scan3A_2509 : i32 to index
        %get3A_2660 = arith.constant 128 : index
        %get3A_2661 = tpu.vector_load %arg21[%get3A_2659, %get3A_2660] {strides = array<i32>} : memref<32x256xf32, #tpu.memory_space<vmem>>, vector<16xf32>,
        %mul3A_2662 = arith.mulf %gather3A_2514, %get3A_2655 : vector<16xf32>
        %mul3A_2663 = arith.mulf %gather3A_2515, %get3A_2658 : vector<16xf32>
        %add3A_2664 = arith.addf %mul3A_2662, %mul3A_2663 : vector<16xf32>
        %mul3A_2665 = arith.mulf %gather3A_2516, %get3A_2661 : vector<16xf32>
        %add3A_2666 = arith.addf %add3A_2664, %mul3A_2665 : vector<16xf32>
        %swap3A_2667 = arith.index_cast %scan3A_2509 : i32 to index
        %swap3A_2668 = arith.constant 128 : index
        %swap3A_2669 = tpu.vector_load %arg22[%swap3A_2667, %swap3A_2668] {strides = array<i32>} : memref<32x256xf32, #tpu.memory_space<vmem>>, vector<16xf32>,
        tpu.vector_store %arg22[%swap3A_2667, %swap3A_2668], %add3A_2666 {strides = array<i32>} : memref<32x256xf32, #tpu.memory_space<vmem>>, vector<16xf32>,
        %get3A_2670 = arith.index_cast %scan3A_2509 : i32 to index
        %get3A_2671 = arith.constant 144 : index
        %get3A_2672 = tpu.vector_load %arg19[%get3A_2670, %get3A_2671] {strides = array<i32>} : memref<32x256xf32, #tpu.memory_space<vmem>>, vector<16xf32>,
        %get3A_2673 = arith.index_cast %scan3A_2509 : i32 to index
        %get3A_2674 = arith.constant 144 : index
        %get3A_2675 = tpu.vector_load %arg20[%get3A_2673, %get3A_2674] {strides = array<i32>} : memref<32x256xf32, #tpu.memory_space<vmem>>, vector<16xf32>,
        %get3A_2676 = arith.index_cast %scan3A_2509 : i32 to index
        %get3A_2677 = arith.constant 144 : index
        %get3A_2678 = tpu.vector_load %arg21[%get3A_2676, %get3A_2677] {strides = array<i32>} : memref<32x256xf32, #tpu.memory_space<vmem>>, vector<16xf32>,
        %mul3A_2679 = arith.mulf %gather3A_2514, %get3A_2672 : vector<16xf32>
        %mul3A_2680 = arith.mulf %gather3A_2515, %get3A_2675 : vector<16xf32>
        %add3A_2681 = arith.addf %mul3A_2679, %mul3A_2680 : vector<16xf32>
        %mul3A_2682 = arith.mulf %gather3A_2516, %get3A_2678 : vector<16xf32>
        %add3A_2683 = arith.addf %add3A_2681, %mul3A_2682 : vector<16xf32>
        %swap3A_2684 = arith.index_cast %scan3A_2509 : i32 to index
        %swap3A_2685 = arith.constant 144 : index
        %swap3A_2686 = tpu.vector_load %arg22[%swap3A_2684, %swap3A_2685] {strides = array<i32>} : memref<32x256xf32, #tpu.memory_space<vmem>>, vector<16xf32>,
        tpu.vector_store %arg22[%swap3A_2684, %swap3A_2685], %add3A_2683 {strides = array<i32>} : memref<32x256xf32, #tpu.memory_space<vmem>>, vector<16xf32>,
        %get3A_2687 = arith.index_cast %scan3A_2509 : i32 to index
        %get3A_2688 = arith.constant 160 : index
        %get3A_2689 = tpu.vector_load %arg19[%get3A_2687, %get3A_2688] {strides = array<i32>} : memref<32x256xf32, #tpu.memory_space<vmem>>, vector<16xf32>,
        %get3A_2690 = arith.index_cast %scan3A_2509 : i32 to index
        %get3A_2691 = arith.constant 160 : index
        %get3A_2692 = tpu.vector_load %arg20[%get3A_2690, %get3A_2691] {strides = array<i32>} : memref<32x256xf32, #tpu.memory_space<vmem>>, vector<16xf32>,
        %get3A_2693 = arith.index_cast %scan3A_2509 : i32 to index
        %get3A_2694 = arith.constant 160 : index
        %get3A_2695 = tpu.vector_load %arg21[%get3A_2693, %get3A_2694] {strides = array<i32>} : memref<32x256xf32, #tpu.memory_space<vmem>>, vector<16xf32>,
        %mul3A_2696 = arith.mulf %gather3A_2514, %get3A_2689 : vector<16xf32>
        %mul3A_2697 = arith.mulf %gather3A_2515, %get3A_2692 : vector<16xf32>
        %add3A_2698 = arith.addf %mul3A_2696, %mul3A_2697 : vector<16xf32>
        %mul3A_2699 = arith.mulf %gather3A_2516, %get3A_2695 : vector<16xf32>
        %add3A_2700 = arith.addf %add3A_2698, %mul3A_2699 : vector<16xf32>
        %swap3A_2701 = arith.index_cast %scan3A_2509 : i32 to index
        %swap3A_2702 = arith.constant 160 : index
        %swap3A_2703 = tpu.vector_load %arg22[%swap3A_2701, %swap3A_2702] {strides = array<i32>} : memref<32x256xf32, #tpu.memory_space<vmem>>, vector<16xf32>,
        tpu.vector_store %arg22[%swap3A_2701, %swap3A_2702], %add3A_2700 {strides = array<i32>} : memref<32x256xf32, #tpu.memory_space<vmem>>, vector<16xf32>,
        %get3A_2704 = arith.index_cast %scan3A_2509 : i32 to index
        %get3A_2705 = arith.constant 176 : index
        %get3A_2706 = tpu.vector_load %arg19[%get3A_2704, %get3A_2705] {strides = array<i32>} : memref<32x256xf32, #tpu.memory_space<vmem>>, vector<16xf32>,
        %get3A_2707 = arith.index_cast %scan3A_2509 : i32 to index
        %get3A_2708 = arith.constant 176 : index
        %get3A_2709 = tpu.vector_load %arg20[%get3A_2707, %get3A_2708] {strides = array<i32>} : memref<32x256xf32, #tpu.memory_space<vmem>>, vector<16xf32>,
        %get3A_2710 = arith.index_cast %scan3A_2509 : i32 to index
        %get3A_2711 = arith.constant 176 : index
        %get3A_2712 = tpu.vector_load %arg21[%get3A_2710, %get3A_2711] {strides = array<i32>} : memref<32x256xf32, #tpu.memory_space<vmem>>, vector<16xf32>,
        %mul3A_2713 = arith.mulf %gather3A_2514, %get3A_2706 : vector<16xf32>
        %mul3A_2714 = arith.mulf %gather3A_2515, %get3A_2709 : vector<16xf32>
        %add3A_2715 = arith.addf %mul3A_2713, %mul3A_2714 : vector<16xf32>
        %mul3A_2716 = arith.mulf %gather3A_2516, %get3A_2712 : vector<16xf32>
        %add3A_2717 = arith.addf %add3A_2715, %mul3A_2716 : vector<16xf32>
        %swap3A_2718 = arith.index_cast %scan3A_2509 : i32 to index
        %swap3A_2719 = arith.constant 176 : index
        %swap3A_2720 = tpu.vector_load %arg22[%swap3A_2718, %swap3A_2719] {strides = array<i32>} : memref<32x256xf32, #tpu.memory_space<vmem>>, vector<16xf32>,
        tpu.vector_store %arg22[%swap3A_2718, %swap3A_2719], %add3A_2717 {strides = array<i32>} : memref<32x256xf32, #tpu.memory_space<vmem>>, vector<16xf32>,
        %get3A_2721 = arith.index_cast %scan3A_2509 : i32 to index
        %get3A_2722 = arith.constant 192 : index
        %get3A_2723 = tpu.vector_load %arg19[%get3A_2721, %get3A_2722] {strides = array<i32>} : memref<32x256xf32, #tpu.memory_space<vmem>>, vector<16xf32>,
        %get3A_2724 = arith.index_cast %scan3A_2509 : i32 to index
        %get3A_2725 = arith.constant 192 : index
        %get3A_2726 = tpu.vector_load %arg20[%get3A_2724, %get3A_2725] {strides = array<i32>} : memref<32x256xf32, #tpu.memory_space<vmem>>, vector<16xf32>,
        %get3A_2727 = arith.index_cast %scan3A_2509 : i32 to index
        %get3A_2728 = arith.constant 192 : index
        %get3A_2729 = tpu.vector_load %arg21[%get3A_2727, %get3A_2728] {strides = array<i32>} : memref<32x256xf32, #tpu.memory_space<vmem>>, vector<16xf32>,
        %mul3A_2730 = arith.mulf %gather3A_2514, %get3A_2723 : vector<16xf32>
        %mul3A_2731 = arith.mulf %gather3A_2515, %get3A_2726 : vector<16xf32>
        %add3A_2732 = arith.addf %mul3A_2730, %mul3A_2731 : vector<16xf32>
        %mul3A_2733 = arith.mulf %gather3A_2516, %get3A_2729 : vector<16xf32>
        %add3A_2734 = arith.addf %add3A_2732, %mul3A_2733 : vector<16xf32>
        %swap3A_2735 = arith.index_cast %scan3A_2509 : i32 to index
        %swap3A_2736 = arith.constant 192 : index
        %swap3A_2737 = tpu.vector_load %arg22[%swap3A_2735, %swap3A_2736] {strides = array<i32>} : memref<32x256xf32, #tpu.memory_space<vmem>>, vector<16xf32>,
        tpu.vector_store %arg22[%swap3A_2735, %swap3A_2736], %add3A_2734 {strides = array<i32>} : memref<32x256xf32, #tpu.memory_space<vmem>>, vector<16xf32>,
        %get3A_2738 = arith.index_cast %scan3A_2509 : i32 to index
        %get3A_2739 = arith.constant 208 : index
        %get3A_2740 = tpu.vector_load %arg19[%get3A_2738, %get3A_2739] {strides = array<i32>} : memref<32x256xf32, #tpu.memory_space<vmem>>, vector<16xf32>,
        %get3A_2741 = arith.index_cast %scan3A_2509 : i32 to index
        %get3A_2742 = arith.constant 208 : index
        %get3A_2743 = tpu.vector_load %arg20[%get3A_2741, %get3A_2742] {strides = array<i32>} : memref<32x256xf32, #tpu.memory_space<vmem>>, vector<16xf32>,
        %get3A_2744 = arith.index_cast %scan3A_2509 : i32 to index
        %get3A_2745 = arith.constant 208 : index
        %get3A_2746 = tpu.vector_load %arg21[%get3A_2744, %get3A_2745] {strides = array<i32>} : memref<32x256xf32, #tpu.memory_space<vmem>>, vector<16xf32>,
        %mul3A_2747 = arith.mulf %gather3A_2514, %get3A_2740 : vector<16xf32>
        %mul3A_2748 = arith.mulf %gather3A_2515, %get3A_2743 : vector<16xf32>
        %add3A_2749 = arith.addf %mul3A_2747, %mul3A_2748 : vector<16xf32>
        %mul3A_2750 = arith.mulf %gather3A_2516, %get3A_2746 : vector<16xf32>
        %add3A_2751 = arith.addf %add3A_2749, %mul3A_2750 : vector<16xf32>
        %swap3A_2752 = arith.index_cast %scan3A_2509 : i32 to index
        %swap3A_2753 = arith.constant 208 : index
        %swap3A_2754 = tpu.vector_load %arg22[%swap3A_2752, %swap3A_2753] {strides = array<i32>} : memref<32x256xf32, #tpu.memory_space<vmem>>, vector<16xf32>,
        tpu.vector_store %arg22[%swap3A_2752, %swap3A_2753], %add3A_2751 {strides = array<i32>} : memref<32x256xf32, #tpu.memory_space<vmem>>, vector<16xf32>,
        %get3A_2755 = arith.index_cast %scan3A_2509 : i32 to index
        %get3A_2756 = arith.constant 224 : index
        %get3A_2757 = tpu.vector_load %arg19[%get3A_2755, %get3A_2756] {strides = array<i32>} : memref<32x256xf32, #tpu.memory_space<vmem>>, vector<16xf32>,
        %get3A_2758 = arith.index_cast %scan3A_2509 : i32 to index
        %get3A_2759 = arith.constant 224 : index
        %get3A_2760 = tpu.vector_load %arg20[%get3A_2758, %get3A_2759] {strides = array<i32>} : memref<32x256xf32, #tpu.memory_space<vmem>>, vector<16xf32>,
        %get3A_2761 = arith.index_cast %scan3A_2509 : i32 to index
        %get3A_2762 = arith.constant 224 : index
        %get3A_2763 = tpu.vector_load %arg21[%get3A_2761, %get3A_2762] {strides = array<i32>} : memref<32x256xf32, #tpu.memory_space<vmem>>, vector<16xf32>,
        %mul3A_2764 = arith.mulf %gather3A_2514, %get3A_2757 : vector<16xf32>
        %mul3A_2765 = arith.mulf %gather3A_2515, %get3A_2760 : vector<16xf32>
        %add3A_2766 = arith.addf %mul3A_2764, %mul3A_2765 : vector<16xf32>
        %mul3A_2767 = arith.mulf %gather3A_2516, %get3A_2763 : vector<16xf32>
        %add3A_2768 = arith.addf %add3A_2766, %mul3A_2767 : vector<16xf32>
        %swap3A_2769 = arith.index_cast %scan3A_2509 : i32 to index
        %swap3A_2770 = arith.constant 224 : index
        %swap3A_2771 = tpu.vector_load %arg22[%swap3A_2769, %swap3A_2770] {strides = array<i32>} : memref<32x256xf32, #tpu.memory_space<vmem>>, vector<16xf32>,
        tpu.vector_store %arg22[%swap3A_2769, %swap3A_2770], %add3A_2768 {strides = array<i32>} : memref<32x256xf32, #tpu.memory_space<vmem>>, vector<16xf32>,
        %get3A_2772 = arith.index_cast %scan3A_2509 : i32 to index
        %get3A_2773 = arith.constant 240 : index
        %get3A_2774 = tpu.vector_load %arg19[%get3A_2772, %get3A_2773] {strides = array<i32>} : memref<32x256xf32, #tpu.memory_space<vmem>>, vector<16xf32>,
        %get3A_2775 = arith.index_cast %scan3A_2509 : i32 to index
        %get3A_2776 = arith.constant 240 : index
        %get3A_2777 = tpu.vector_load %arg20[%get3A_2775, %get3A_2776] {strides = array<i32>} : memref<32x256xf32, #tpu.memory_space<vmem>>, vector<16xf32>,
        %get3A_2778 = arith.index_cast %scan3A_2509 : i32 to index
        %get3A_2779 = arith.constant 240 : index
        %get3A_2780 = tpu.vector_load %arg21[%get3A_2778, %get3A_2779] {strides = array<i32>} : memref<32x256xf32, #tpu.memory_space<vmem>>, vector<16xf32>,
        %mul3A_2781 = arith.mulf %gather3A_2514, %get3A_2774 : vector<16xf32>
        %mul3A_2782 = arith.mulf %gather3A_2515, %get3A_2777 : vector<16xf32>
        %add3A_2783 = arith.addf %mul3A_2781, %mul3A_2782 : vector<16xf32>
        %mul3A_2784 = arith.mulf %gather3A_2516, %get3A_2780 : vector<16xf32>
        %add3A_2785 = arith.addf %add3A_2783, %mul3A_2784 : vector<16xf32>
        %swap3A_2786 = arith.index_cast %scan3A_2509 : i32 to index
        %swap3A_2787 = arith.constant 240 : index
        %swap3A_2788 = tpu.vector_load %arg22[%swap3A_2786, %swap3A_2787] {strides = array<i32>} : memref<32x256xf32, #tpu.memory_space<vmem>>, vector<16xf32>,
        tpu.vector_store %arg22[%swap3A_2786, %swap3A_2787], %add3A_2785 {strides = array<i32>} : memref<32x256xf32, #tpu.memory_space<vmem>>, vector<16xf32>,
      }
      %scan3A_1288 = arith.constant 32 : i32
      %mul3A_1289 = arith.constant 8192 : i32
      %mul3A_1290 = arith.muli %select_n3A, %mul3A_1289 : i32
      %add3A_1291 = arith.addi %mul3A_1290, %mul3A_32 : i32
      %mul3A_1292 = arith.constant 32 : i32
      %mul3A_1293 = arith.muli %mul3A_1266, %mul3A_1292 : i32
      %add3A_1294 = arith.addi %add3A_1291, %mul3A_1293 : i32
      %dma_start3A_1295 = arith.constant 0 : i32
      %dma_start3A_1296 = tpu.memref_slice %arg8[%add3A_1294, %dma_start3A_1295] : memref<65536x256xf32, #tpu.memory_space<hbm>> -> memref<32x256xf32, #tpu.memory_space<hbm>>
      %dma_start3A_1297 = arith.constant 0 : i32
      %dma_start3A_1298 = tpu.memref_slice %arg8[%add3A_1294, %dma_start3A_1297] : memref<65536x256xf32, #tpu.memory_space<hbm>> -> memref<32x256xf32, #tpu.memory_space<hbm>>
      tpu.enqueue_dma source(%arg22 : memref<32x256xf32, #tpu.memory_space<vmem>>) target(%dma_start3A_1298 : memref<32x256xf32, #tpu.memory_space<hbm>>) target_semaphore(%arg34 : memref<!tpu.dma_semaphore, #tpu.memory_space<semaphore_mem>>)
      %add3A_1299 = arith.constant 2 : i32
      %add3A_1300 = arith.addi %mul3A_1266, %add3A_1299 : i32
      %min3A_1301 = arith.constant 63 : i32
      %min3A_1302 = arith.minsi %add3A_1300, %min3A_1301 : i32
      %mul3A_1303 = arith.constant 32 : i32
      %mul3A_1304 = arith.muli %min3A_1302, %mul3A_1303 : i32
      %add3A_1305 = arith.addi %mul3A_32, %mul3A_1304 : i32
      %add3A_1306 = arith.constant 0 : i32
      %add3A_1307 = arith.addi %add3A_1305, %add3A_1306 : i32
      %add3A_1308 = vector.broadcast %add3A_1307 : i32 to vector<16xi32>
      %add3A_1309 = arith.addi %add3A_1308, %iota3A : vector<16xi32>
      %broadcast_in_dim3A_1310 = arith.constant 0 : i32
      %broadcast_in_dim3A_1311 = vector.broadcast %broadcast_in_dim3A_1310 : i32 to vector<16xi32>
      %add3A_1312 = arith.constant 1023 : i32
      %add3A_1313 = vector.broadcast %add3A_1312 : i32 to vector<16xi32>
      %add3A_1314 = arith.addi %broadcast_in_dim3A_1311, %add3A_1313 : vector<16xi32>
      %gather3A_1315 = tpu.vector_load_idx %arg11[%add3A_1314] : memref<2048xi32, #tpu.memory_space<vmem>>[vector<16xi32>], vector<16xi32>,
      %le3A_1316 = arith.cmpi sle, %gather3A_1315, %add3A_1309 : vector<16xi32>
      %jit3A_1317 = arith.constant 1024 : i32
      %jit3A_1318 = arith.constant 0 : i32
      %broadcast_in_dim3A_1319 = vector.broadcast %jit3A_1317 : i32 to vector<16xi32>
      %broadcast_in_dim3A_1320 = vector.broadcast %jit3A_1318 : i32 to vector<16xi32>
      %select_n3A_1321 = arith.select %le3A_1316, %broadcast_in_dim3A_1319, %broadcast_in_dim3A_1320 : vector<16xi1>, vector<16xi32>
      %add3A_1322 = arith.addi %broadcast_in_dim3A_1311, %select_n3A_1321 : vector<16xi32>
      %add3A_1323 = arith.constant 511 : i32
      %add3A_1324 = vector.broadcast %add3A_1323 : i32 to vector<16xi32>
      %add3A_1325 = arith.addi %add3A_1322, %add3A_1324 : vector<16xi32>
      %gather3A_1326 = tpu.vector_load_idx %arg11[%add3A_1325] : memref<2048xi32, #tpu.memory_space<vmem>>[vector<16xi32>], vector<16xi32>,
      %le3A_1327 = arith.cmpi sle, %gather3A_1326, %add3A_1309 : vector<16xi32>
      %jit3A_1328 = arith.constant 512 : i32
      %jit3A_1329 = arith.constant 0 : i32
      %broadcast_in_dim3A_1330 = vector.broadcast %jit3A_1328 : i32 to vector<16xi32>
      %broadcast_in_dim3A_1331 = vector.broadcast %jit3A_1329 : i32 to vector<16xi32>
      %select_n3A_1332 = arith.select %le3A_1327, %broadcast_in_dim3A_1330, %broadcast_in_dim3A_1331 : vector<16xi1>, vector<16xi32>
      %add3A_1333 = arith.addi %add3A_1322, %select_n3A_1332 : vector<16xi32>
      %add3A_1334 = arith.constant 255 : i32
      %add3A_1335 = vector.broadcast %add3A_1334 : i32 to vector<16xi32>
      %add3A_1336 = arith.addi %add3A_1333, %add3A_1335 : vector<16xi32>
      %gather3A_1337 = tpu.vector_load_idx %arg11[%add3A_1336] : memref<2048xi32, #tpu.memory_space<vmem>>[vector<16xi32>], vector<16xi32>,
      %le3A_1338 = arith.cmpi sle, %gather3A_1337, %add3A_1309 : vector<16xi32>
      %jit3A_1339 = arith.constant 256 : i32
      %jit3A_1340 = arith.constant 0 : i32
      %broadcast_in_dim3A_1341 = vector.broadcast %jit3A_1339 : i32 to vector<16xi32>
      %broadcast_in_dim3A_1342 = vector.broadcast %jit3A_1340 : i32 to vector<16xi32>
      %select_n3A_1343 = arith.select %le3A_1338, %broadcast_in_dim3A_1341, %broadcast_in_dim3A_1342 : vector<16xi1>, vector<16xi32>
      %add3A_1344 = arith.addi %add3A_1333, %select_n3A_1343 : vector<16xi32>
      %add3A_1345 = arith.constant 127 : i32
      %add3A_1346 = vector.broadcast %add3A_1345 : i32 to vector<16xi32>
      %add3A_1347 = arith.addi %add3A_1344, %add3A_1346 : vector<16xi32>
      %gather3A_1348 = tpu.vector_load_idx %arg11[%add3A_1347] : memref<2048xi32, #tpu.memory_space<vmem>>[vector<16xi32>], vector<16xi32>,
      %le3A_1349 = arith.cmpi sle, %gather3A_1348, %add3A_1309 : vector<16xi32>
      %jit3A_1350 = arith.constant 128 : i32
      %jit3A_1351 = arith.constant 0 : i32
      %broadcast_in_dim3A_1352 = vector.broadcast %jit3A_1350 : i32 to vector<16xi32>
      %broadcast_in_dim3A_1353 = vector.broadcast %jit3A_1351 : i32 to vector<16xi32>
      %select_n3A_1354 = arith.select %le3A_1349, %broadcast_in_dim3A_1352, %broadcast_in_dim3A_1353 : vector<16xi1>, vector<16xi32>
      %add3A_1355 = arith.addi %add3A_1344, %select_n3A_1354 : vector<16xi32>
      %add3A_1356 = arith.constant 63 : i32
      %add3A_1357 = vector.broadcast %add3A_1356 : i32 to vector<16xi32>
      %add3A_1358 = arith.addi %add3A_1355, %add3A_1357 : vector<16xi32>
      %gather3A_1359 = tpu.vector_load_idx %arg11[%add3A_1358] : memref<2048xi32, #tpu.memory_space<vmem>>[vector<16xi32>], vector<16xi32>,
      %le3A_1360 = arith.cmpi sle, %gather3A_1359, %add3A_1309 : vector<16xi32>
      %jit3A_1361 = arith.constant 64 : i32
      %jit3A_1362 = arith.constant 0 : i32
      %broadcast_in_dim3A_1363 = vector.broadcast %jit3A_1361 : i32 to vector<16xi32>
      %broadcast_in_dim3A_1364 = vector.broadcast %jit3A_1362 : i32 to vector<16xi32>
      %select_n3A_1365 = arith.select %le3A_1360, %broadcast_in_dim3A_1363, %broadcast_in_dim3A_1364 : vector<16xi1>, vector<16xi32>
      %add3A_1366 = arith.addi %add3A_1355, %select_n3A_1365 : vector<16xi32>
      %add3A_1367 = arith.constant 31 : i32
      %add3A_1368 = vector.broadcast %add3A_1367 : i32 to vector<16xi32>
      %add3A_1369 = arith.addi %add3A_1366, %add3A_1368 : vector<16xi32>
      %gather3A_1370 = tpu.vector_load_idx %arg11[%add3A_1369] : memref<2048xi32, #tpu.memory_space<vmem>>[vector<16xi32>], vector<16xi32>,
      %le3A_1371 = arith.cmpi sle, %gather3A_1370, %add3A_1309 : vector<16xi32>
      %jit3A_1372 = arith.constant 32 : i32
      %jit3A_1373 = arith.constant 0 : i32
      %broadcast_in_dim3A_1374 = vector.broadcast %jit3A_1372 : i32 to vector<16xi32>
      %broadcast_in_dim3A_1375 = vector.broadcast %jit3A_1373 : i32 to vector<16xi32>
      %select_n3A_1376 = arith.select %le3A_1371, %broadcast_in_dim3A_1374, %broadcast_in_dim3A_1375 : vector<16xi1>, vector<16xi32>
      %add3A_1377 = arith.addi %add3A_1366, %select_n3A_1376 : vector<16xi32>
      %add3A_1378 = arith.constant 15 : i32
      %add3A_1379 = vector.broadcast %add3A_1378 : i32 to vector<16xi32>
      %add3A_1380 = arith.addi %add3A_1377, %add3A_1379 : vector<16xi32>
      %gather3A_1381 = tpu.vector_load_idx %arg11[%add3A_1380] : memref<2048xi32, #tpu.memory_space<vmem>>[vector<16xi32>], vector<16xi32>,
      %le3A_1382 = arith.cmpi sle, %gather3A_1381, %add3A_1309 : vector<16xi32>
      %jit3A_1383 = arith.constant 16 : i32
      %jit3A_1384 = arith.constant 0 : i32
      %broadcast_in_dim3A_1385 = vector.broadcast %jit3A_1383 : i32 to vector<16xi32>
      %broadcast_in_dim3A_1386 = vector.broadcast %jit3A_1384 : i32 to vector<16xi32>
      %select_n3A_1387 = arith.select %le3A_1382, %broadcast_in_dim3A_1385, %broadcast_in_dim3A_1386 : vector<16xi1>, vector<16xi32>
      %add3A_1388 = arith.addi %add3A_1377, %select_n3A_1387 : vector<16xi32>
      %add3A_1389 = arith.constant 7 : i32
      %add3A_1390 = vector.broadcast %add3A_1389 : i32 to vector<16xi32>
      %add3A_1391 = arith.addi %add3A_1388, %add3A_1390 : vector<16xi32>
      %gather3A_1392 = tpu.vector_load_idx %arg11[%add3A_1391] : memref<2048xi32, #tpu.memory_space<vmem>>[vector<16xi32>], vector<16xi32>,
      %le3A_1393 = arith.cmpi sle, %gather3A_1392, %add3A_1309 : vector<16xi32>
      %jit3A_1394 = arith.constant 8 : i32
      %jit3A_1395 = arith.constant 0 : i32
      %broadcast_in_dim3A_1396 = vector.broadcast %jit3A_1394 : i32 to vector<16xi32>
      %broadcast_in_dim3A_1397 = vector.broadcast %jit3A_1395 : i32 to vector<16xi32>
      %select_n3A_1398 = arith.select %le3A_1393, %broadcast_in_dim3A_1396, %broadcast_in_dim3A_1397 : vector<16xi1>, vector<16xi32>
      %add3A_1399 = arith.addi %add3A_1388, %select_n3A_1398 : vector<16xi32>
      %add3A_1400 = arith.constant 3 : i32
      %add3A_1401 = vector.broadcast %add3A_1400 : i32 to vector<16xi32>
      %add3A_1402 = arith.addi %add3A_1399, %add3A_1401 : vector<16xi32>
      %gather3A_1403 = tpu.vector_load_idx %arg11[%add3A_1402] : memref<2048xi32, #tpu.memory_space<vmem>>[vector<16xi32>], vector<16xi32>,
      %le3A_1404 = arith.cmpi sle, %gather3A_1403, %add3A_1309 : vector<16xi32>
      %jit3A_1405 = arith.constant 4 : i32
      %jit3A_1406 = arith.constant 0 : i32
      %broadcast_in_dim3A_1407 = vector.broadcast %jit3A_1405 : i32 to vector<16xi32>
      %broadcast_in_dim3A_1408 = vector.broadcast %jit3A_1406 : i32 to vector<16xi32>
      %select_n3A_1409 = arith.select %le3A_1404, %broadcast_in_dim3A_1407, %broadcast_in_dim3A_1408 : vector<16xi1>, vector<16xi32>
      %add3A_1410 = arith.addi %add3A_1399, %select_n3A_1409 : vector<16xi32>
      %add3A_1411 = arith.constant 1 : i32
      %add3A_1412 = vector.broadcast %add3A_1411 : i32 to vector<16xi32>
      %add3A_1413 = arith.addi %add3A_1410, %add3A_1412 : vector<16xi32>
      %gather3A_1414 = tpu.vector_load_idx %arg11[%add3A_1413] : memref<2048xi32, #tpu.memory_space<vmem>>[vector<16xi32>], vector<16xi32>,
      %le3A_1415 = arith.cmpi sle, %gather3A_1414, %add3A_1309 : vector<16xi32>
      %jit3A_1416 = arith.constant 2 : i32
      %jit3A_1417 = arith.constant 0 : i32
      %broadcast_in_dim3A_1418 = vector.broadcast %jit3A_1416 : i32 to vector<16xi32>
      %broadcast_in_dim3A_1419 = vector.broadcast %jit3A_1417 : i32 to vector<16xi32>
      %select_n3A_1420 = arith.select %le3A_1415, %broadcast_in_dim3A_1418, %broadcast_in_dim3A_1419 : vector<16xi1>, vector<16xi32>
      %add3A_1421 = arith.addi %add3A_1410, %select_n3A_1420 : vector<16xi32>
      %add3A_1422 = arith.constant 0 : i32
      %add3A_1423 = vector.broadcast %add3A_1422 : i32 to vector<16xi32>
      %add3A_1424 = arith.addi %add3A_1421, %add3A_1423 : vector<16xi32>
      %gather3A_1425 = tpu.vector_load_idx %arg11[%add3A_1424] : memref<2048xi32, #tpu.memory_space<vmem>>[vector<16xi32>], vector<16xi32>,
      %le3A_1426 = arith.cmpi sle, %gather3A_1425, %add3A_1309 : vector<16xi32>
      %jit3A_1427 = arith.constant 1 : i32
      %jit3A_1428 = arith.constant 0 : i32
      %broadcast_in_dim3A_1429 = vector.broadcast %jit3A_1427 : i32 to vector<16xi32>
      %broadcast_in_dim3A_1430 = vector.broadcast %jit3A_1428 : i32 to vector<16xi32>
      %select_n3A_1431 = arith.select %le3A_1426, %broadcast_in_dim3A_1429, %broadcast_in_dim3A_1430 : vector<16xi1>, vector<16xi32>
      %add3A_1432 = arith.addi %add3A_1421, %select_n3A_1431 : vector<16xi32>
      %sub3A_1433 = arith.constant 1 : i32
      %sub3A_1434 = vector.broadcast %sub3A_1433 : i32 to vector<16xi32>
      %sub3A_1435 = arith.subi %add3A_1432, %sub3A_1434 : vector<16xi32>
      %max3A_1436 = arith.constant 0 : i32
      %max3A_1437 = vector.broadcast %max3A_1436 : i32 to vector<16xi32>
      %max3A_1438 = arith.maxsi %sub3A_1435, %max3A_1437 : vector<16xi32>
      %gather3A_1439 = tpu.vector_load_idx %arg11[%max3A_1438] : memref<2048xi32, #tpu.memory_space<vmem>>[vector<16xi32>], vector<16xi32>,
      %ge3A_1440 = arith.constant 1 : i32
      %ge3A_1441 = vector.broadcast %ge3A_1440 : i32 to vector<16xi32>
      %ge3A_1442 = arith.cmpi sge, %add3A_1432, %ge3A_1441 : vector<16xi32>
      %jit3A_1443 = arith.constant 0 : i32
      %broadcast_in_dim3A_1444 = vector.broadcast %jit3A_1443 : i32 to vector<16xi32>
      %select_n3A_1445 = arith.select %ge3A_1442, %gather3A_1439, %broadcast_in_dim3A_1444 : vector<16xi1>, vector<16xi32>
      %gather3A_1446 = tpu.vector_load_idx %arg11[%add3A_1432] : memref<2048xi32, #tpu.memory_space<vmem>>[vector<16xi32>], vector<16xi32>,
      %sub3A_1447 = arith.subi %gather3A_1446, %select_n3A_1445 : vector<16xi32>
      %sub3A_1448 = arith.subi %add3A_1309, %select_n3A_1445 : vector<16xi32>
      %gather3A_1449 = tpu.vector_load_idx %arg12[%add3A_1432] : memref<2048xi32, #tpu.memory_space<vmem>>[vector<16xi32>], vector<16xi32>,
      %convert_element_type3A_1450 = arith.sitofp %sub3A_1448 : vector<16xi32> to vector<16xf32>
      %jit3A_1451 = arith.constant 2 : i32
      %div3A_1452 = vector.broadcast %jit3A_1451 : i32 to vector<16xi32>
      %div3A_1453 = arith.divsi %sub3A_1447, %div3A_1452 : vector<16xi32>
      %sign3A_1454 = arith.constant 0 : i32
      %sign3A_1455 = vector.broadcast %sign3A_1454 : i32 to vector<16xi32>
      %sign3A_1456 = arith.cmpi sgt, %sub3A_1447, %sign3A_1455 : vector<16xi32>
      %sign3A_1457 = arith.extui %sign3A_1456 : vector<16xi1> to vector<16xi32>
      %sign3A_1458 = arith.constant 0 : i32
      %sign3A_1459 = vector.broadcast %sign3A_1458 : i32 to vector<16xi32>
      %sign3A_1460 = arith.cmpi slt, %sub3A_1447, %sign3A_1459 : vector<16xi32>
      %sign3A_1461 = arith.extui %sign3A_1460 : vector<16xi1> to vector<16xi32>
      %sign3A_1462 = arith.subi %sign3A_1457, %sign3A_1461 : vector<16xi32>
      %sign3A_1463 = arith.constant 0 : i32
      %sign3A_1464 = arith.cmpi sgt, %jit3A_1451, %sign3A_1463 : i32
      %sign3A_1465 = arith.extui %sign3A_1464 : i1 to i32
      %sign3A_1466 = arith.constant 0 : i32
      %sign3A_1467 = arith.cmpi slt, %jit3A_1451, %sign3A_1466 : i32
      %sign3A_1468 = arith.extui %sign3A_1467 : i1 to i32
      %sign3A_1469 = arith.subi %sign3A_1465, %sign3A_1468 : i32
      %ne3A_1470 = vector.broadcast %sign3A_1469 : i32 to vector<16xi32>
      %ne3A_1471 = arith.cmpi ne, %sign3A_1462, %ne3A_1470 : vector<16xi32>
      %rem3A_1472 = vector.broadcast %jit3A_1451 : i32 to vector<16xi32>
      %rem3A_1473 = arith.remsi %sub3A_1447, %rem3A_1472 : vector<16xi32>
      %ne3A_1474 = arith.constant 0 : i32
      %ne3A_1475 = vector.broadcast %ne3A_1474 : i32 to vector<16xi32>
      %ne3A_1476 = arith.cmpi ne, %rem3A_1473, %ne3A_1475 : vector<16xi32>
      %and3A_1477 = arith.andi %ne3A_1471, %ne3A_1476 : vector<16xi1>
      %sub3A_1478 = arith.constant 1 : i32
      %sub3A_1479 = vector.broadcast %sub3A_1478 : i32 to vector<16xi32>
      %sub3A_1480 = arith.subi %div3A_1453, %sub3A_1479 : vector<16xi32>
      %select_n3A_1481 = arith.select %and3A_1477, %sub3A_1480, %div3A_1453 : vector<16xi1>, vector<16xi32>
      %sub3A_1482 = arith.subi %sub3A_1447, %select_n3A_1481 : vector<16xi32>
      %broadcast_in_dim3A_1483 = arith.constant 1.000000e+00 : f32
      %broadcast_in_dim3A_1484 = vector.broadcast %broadcast_in_dim3A_1483 : f32 to vector<16xf32>
      %broadcast_in_dim3A_1485 = arith.constant 0.000000e+00 : f32
      %broadcast_in_dim3A_1486 = vector.broadcast %broadcast_in_dim3A_1485 : f32 to vector<16xf32>
      %sub3A_1487 = arith.constant 1 : i32
      %sub3A_1488 = vector.broadcast %sub3A_1487 : i32 to vector<16xi32>
      %sub3A_1489 = arith.subi %select_n3A_1481, %sub3A_1488 : vector<16xi32>
      %max3A_1490 = arith.constant 1 : i32
      %max3A_1491 = vector.broadcast %max3A_1490 : i32 to vector<16xi32>
      %max3A_1492 = arith.maxsi %sub3A_1489, %max3A_1491 : vector<16xi32>
      %convert_element_type3A_1493 = arith.sitofp %max3A_1492 : vector<16xi32> to vector<16xf32>
      %div3A_1494 = arith.divf %convert_element_type3A_1450, %convert_element_type3A_1493 : vector<16xf32>
      %convert_element_type3A_1495 = arith.sitofp %select_n3A_1481 : vector<16xi32> to vector<16xf32>
      %sub3A_1496 = arith.subf %convert_element_type3A_1450, %convert_element_type3A_1495 : vector<16xf32>
      %sub3A_1497 = arith.constant 1 : i32
      %sub3A_1498 = vector.broadcast %sub3A_1497 : i32 to vector<16xi32>
      %sub3A_1499 = arith.subi %sub3A_1482, %sub3A_1498 : vector<16xi32>
      %max3A_1500 = arith.constant 1 : i32
      %max3A_1501 = vector.broadcast %max3A_1500 : i32 to vector<16xi32>
      %max3A_1502 = arith.maxsi %sub3A_1499, %max3A_1501 : vector<16xi32>
      %convert_element_type3A_1503 = arith.sitofp %max3A_1502 : vector<16xi32> to vector<16xf32>
      %div3A_1504 = arith.divf %sub3A_1496, %convert_element_type3A_1503 : vector<16xf32>
      %lt3A_1505 = arith.cmpi slt, %sub3A_1448, %select_n3A_1481 : vector<16xi32>
      %sub3A_1506 = arith.constant 1.000000e+00 : f32
      %sub3A_1507 = vector.broadcast %sub3A_1506 : f32 to vector<16xf32>
      %sub3A_1508 = arith.subf %sub3A_1507, %div3A_1494 : vector<16xf32>
      %select_n3A_1509 = arith.select %lt3A_1505, %sub3A_1508, %broadcast_in_dim3A_1486 : vector<16xi1>, vector<16xf32>
      %sub3A_1510 = arith.constant 1.000000e+00 : f32
      %sub3A_1511 = vector.broadcast %sub3A_1510 : f32 to vector<16xf32>
      %sub3A_1512 = arith.subf %sub3A_1511, %div3A_1504 : vector<16xf32>
      %select_n3A_1513 = arith.select %lt3A_1505, %div3A_1494, %sub3A_1512 : vector<16xi1>, vector<16xf32>
      %select_n3A_1514 = arith.select %lt3A_1505, %broadcast_in_dim3A_1486, %div3A_1504 : vector<16xi1>, vector<16xf32>
      %eq3A_1515 = arith.constant 0 : i32
      %eq3A_1516 = vector.broadcast %eq3A_1515 : i32 to vector<16xi32>
      %eq3A_1517 = arith.cmpi eq, %sub3A_1448, %eq3A_1516 : vector<16xi32>
      %sub3A_1518 = arith.constant 1 : i32
      %sub3A_1519 = vector.broadcast %sub3A_1518 : i32 to vector<16xi32>
      %sub3A_1520 = arith.subi %sub3A_1447, %sub3A_1519 : vector<16xi32>
      %eq3A_1521 = arith.cmpi eq, %sub3A_1448, %sub3A_1520 : vector<16xi32>
      %select_n3A_1522 = arith.select %eq3A_1517, %broadcast_in_dim3A_1484, %broadcast_in_dim3A_1486 : vector<16xi1>, vector<16xf32>
      %not3A_1523 = arith.constant dense<true> : vector<16xi1>
      %not3A_1524 = arith.xori %eq3A_1517, %not3A_1523 : vector<16xi1>
      %and3A_1525 = arith.andi %eq3A_1521, %not3A_1524 : vector<16xi1>
      %select_n3A_1526 = arith.select %and3A_1525, %broadcast_in_dim3A_1484, %broadcast_in_dim3A_1486 : vector<16xi1>, vector<16xf32>
      %not3A_1527 = arith.constant dense<true> : vector<16xi1>
      %not3A_1528 = arith.xori %eq3A_1517, %not3A_1527 : vector<16xi1>
      %not3A_1529 = arith.constant dense<true> : vector<16xi1>
      %not3A_1530 = arith.xori %eq3A_1521, %not3A_1529 : vector<16xi1>
      %and3A_1531 = arith.andi %not3A_1528, %not3A_1530 : vector<16xi1>
      %select_n3A_1532 = arith.select %and3A_1531, %broadcast_in_dim3A_1484, %broadcast_in_dim3A_1486 : vector<16xi1>, vector<16xf32>
      %eq3A_1533 = arith.constant 0 : i32
      %eq3A_1534 = vector.broadcast %eq3A_1533 : i32 to vector<16xi32>
      %eq3A_1535 = arith.cmpi eq, %gather3A_1449, %eq3A_1534 : vector<16xi32>
      %select_n3A_1536 = arith.select %eq3A_1535, %select_n3A_1522, %select_n3A_1509 : vector<16xi1>, vector<16xf32>
      %select_n3A_1537 = arith.select %eq3A_1535, %select_n3A_1532, %select_n3A_1513 : vector<16xi1>, vector<16xf32>
      %select_n3A_1538 = arith.select %eq3A_1535, %select_n3A_1526, %select_n3A_1514 : vector<16xi1>, vector<16xf32>
      %eq3A_1539 = arith.constant 1 : i32
      %eq3A_1540 = vector.broadcast %eq3A_1539 : i32 to vector<16xi32>
      %eq3A_1541 = arith.cmpi eq, %sub3A_1447, %eq3A_1540 : vector<16xi32>
      %eq3A_1542 = arith.constant 2 : i32
      %eq3A_1543 = vector.broadcast %eq3A_1542 : i32 to vector<16xi32>
      %eq3A_1544 = arith.cmpi eq, %sub3A_1447, %eq3A_1543 : vector<16xi32>
      %eq3A_1545 = arith.constant 3 : i32
      %eq3A_1546 = vector.broadcast %eq3A_1545 : i32 to vector<16xi32>
      %eq3A_1547 = arith.cmpi eq, %sub3A_1447, %eq3A_1546 : vector<16xi32>
      %select_n3A_1548 = arith.select %eq3A_1517, %broadcast_in_dim3A_1484, %broadcast_in_dim3A_1486 : vector<16xi1>, vector<16xf32>
      %select_n3A_1549 = arith.select %eq3A_1517, %broadcast_in_dim3A_1484, %broadcast_in_dim3A_1486 : vector<16xi1>, vector<16xf32>
      %select_n3A_1550 = arith.select %eq3A_1547, %select_n3A_1549, %select_n3A_1536 : vector<16xi1>, vector<16xf32>
      %select_n3A_1551 = arith.select %eq3A_1544, %select_n3A_1548, %select_n3A_1550 : vector<16xi1>, vector<16xf32>
      %select_n3A_1552 = arith.select %eq3A_1541, %broadcast_in_dim3A_1486, %select_n3A_1551 : vector<16xi1>, vector<16xf32>
      %eq3A_1553 = arith.constant 1 : i32
      %eq3A_1554 = vector.broadcast %eq3A_1553 : i32 to vector<16xi32>
      %eq3A_1555 = arith.cmpi eq, %sub3A_1448, %eq3A_1554 : vector<16xi32>
      %select_n3A_1556 = arith.select %eq3A_1555, %broadcast_in_dim3A_1484, %broadcast_in_dim3A_1486 : vector<16xi1>, vector<16xf32>
      %select_n3A_1557 = arith.select %eq3A_1547, %select_n3A_1556, %select_n3A_1537 : vector<16xi1>, vector<16xf32>
      %select_n3A_1558 = arith.select %eq3A_1544, %broadcast_in_dim3A_1486, %select_n3A_1557 : vector<16xi1>, vector<16xf32>
      %select_n3A_1559 = arith.select %eq3A_1541, %broadcast_in_dim3A_1484, %select_n3A_1558 : vector<16xi1>, vector<16xf32>
      %not3A_1560 = arith.constant dense<true> : vector<16xi1>
      %not3A_1561 = arith.xori %eq3A_1517, %not3A_1560 : vector<16xi1>
      %select_n3A_1562 = arith.select %not3A_1561, %broadcast_in_dim3A_1484, %broadcast_in_dim3A_1486 : vector<16xi1>, vector<16xf32>
      %ge3A_1563 = arith.constant 2 : i32
      %ge3A_1564 = vector.broadcast %ge3A_1563 : i32 to vector<16xi32>
      %ge3A_1565 = arith.cmpi sge, %sub3A_1448, %ge3A_1564 : vector<16xi32>
      %select_n3A_1566 = arith.select %ge3A_1565, %broadcast_in_dim3A_1484, %broadcast_in_dim3A_1486 : vector<16xi1>, vector<16xf32>
      %select_n3A_1567 = arith.select %eq3A_1547, %select_n3A_1566, %select_n3A_1538 : vector<16xi1>, vector<16xf32>
      %select_n3A_1568 = arith.select %eq3A_1544, %select_n3A_1562, %select_n3A_1567 : vector<16xi1>, vector<16xf32>
      %select_n3A_1569 = arith.select %eq3A_1541, %broadcast_in_dim3A_1486, %select_n3A_1568 : vector<16xi1>, vector<16xf32>
      %lt3A_1570 = arith.cmpi slt, %add3A_1309, %min3A : vector<16xi32>
      %select_n3A_1571 = arith.select %lt3A_1570, %select_n3A_1552, %broadcast_in_dim3A_1486 : vector<16xi1>, vector<16xf32>
      %select_n3A_1572 = arith.select %lt3A_1570, %select_n3A_1559, %broadcast_in_dim3A_1486 : vector<16xi1>, vector<16xf32>
      %select_n3A_1573 = arith.select %lt3A_1570, %select_n3A_1569, %broadcast_in_dim3A_1486 : vector<16xi1>, vector<16xf32>
      %mul3A_1574 = arith.constant 2048 : i32
      %mul3A_1575 = arith.muli %select_n3A, %mul3A_1574 : i32
      %add3A_1576 = vector.broadcast %mul3A_1575 : i32 to vector<16xi32>
      %add3A_1577 = arith.addi %add3A_1576, %add3A_1432 : vector<16xi32>
      %swap3A_1578 = arith.constant 0 : index
      %swap3A_1579 = tpu.vector_load %arg15[%swap3A_1578] {strides = array<i32>} : memref<32xi32, #tpu.memory_space<vmem>>, vector<16xi32>,
      tpu.vector_store %arg15[%swap3A_1578], %add3A_1577 {strides = array<i32>} : memref<32xi32, #tpu.memory_space<vmem>>, vector<16xi32>,
      %swap3A_1580 = arith.constant 0 : index
      %swap3A_1581 = tpu.vector_load %arg16[%swap3A_1580] {strides = array<i32>} : memref<32xf32, #tpu.memory_space<vmem>>, vector<16xf32>,
      tpu.vector_store %arg16[%swap3A_1580], %select_n3A_1571 {strides = array<i32>} : memref<32xf32, #tpu.memory_space<vmem>>, vector<16xf32>,
      %swap3A_1582 = arith.constant 0 : index
      %swap3A_1583 = tpu.vector_load %arg17[%swap3A_1582] {strides = array<i32>} : memref<32xf32, #tpu.memory_space<vmem>>, vector<16xf32>,
      tpu.vector_store %arg17[%swap3A_1582], %select_n3A_1572 {strides = array<i32>} : memref<32xf32, #tpu.memory_space<vmem>>, vector<16xf32>,
      %swap3A_1584 = arith.constant 0 : index
      %swap3A_1585 = tpu.vector_load %arg18[%swap3A_1584] {strides = array<i32>} : memref<32xf32, #tpu.memory_space<vmem>>, vector<16xf32>,
      tpu.vector_store %arg18[%swap3A_1584], %select_n3A_1573 {strides = array<i32>} : memref<32xf32, #tpu.memory_space<vmem>>, vector<16xf32>,
      %convert_element_type3A_1586 = arith.extui %lt3A_1570 : vector<16xi1> to vector<16xi32>
      %mul3A_1587 = arith.constant 32 : i32
      %mul3A_1588 = arith.muli %min3A_1302, %mul3A_1587 : i32
      %add3A_1589 = arith.constant 0 : i32
      %add3A_1590 = arith.addi %mul3A_1588, %add3A_1589 : i32
      %swap3A_1591 = arith.index_cast %add3A_1590 : i32 to index
      %swap3A_1592 = tpu.vector_load %arg14[%swap3A_1591] {strides = array<i32>} : memref<2048xi32, #tpu.memory_space<vmem>>, vector<16xi32>,
      tpu.vector_store %arg14[%swap3A_1591], %convert_element_type3A_1586 {strides = array<i32>} : memref<2048xi32, #tpu.memory_space<vmem>>, vector<16xi32>,
      %add3A_1593 = arith.constant 16 : i32
      %add3A_1594 = arith.addi %add3A_1305, %add3A_1593 : i32
      %add3A_1595 = vector.broadcast %add3A_1594 : i32 to vector<16xi32>
      %add3A_1596 = arith.addi %add3A_1595, %iota3A : vector<16xi32>
      %broadcast_in_dim3A_1597 = arith.constant 0 : i32
      %broadcast_in_dim3A_1598 = vector.broadcast %broadcast_in_dim3A_1597 : i32 to vector<16xi32>
      %add3A_1599 = arith.constant 1023 : i32
      %add3A_1600 = vector.broadcast %add3A_1599 : i32 to vector<16xi32>
      %add3A_1601 = arith.addi %broadcast_in_dim3A_1598, %add3A_1600 : vector<16xi32>
      %gather3A_1602 = tpu.vector_load_idx %arg11[%add3A_1601] : memref<2048xi32, #tpu.memory_space<vmem>>[vector<16xi32>], vector<16xi32>,
      %le3A_1603 = arith.cmpi sle, %gather3A_1602, %add3A_1596 : vector<16xi32>
      %jit3A_1604 = arith.constant 1024 : i32
      %jit3A_1605 = arith.constant 0 : i32
      %broadcast_in_dim3A_1606 = vector.broadcast %jit3A_1604 : i32 to vector<16xi32>
      %broadcast_in_dim3A_1607 = vector.broadcast %jit3A_1605 : i32 to vector<16xi32>
      %select_n3A_1608 = arith.select %le3A_1603, %broadcast_in_dim3A_1606, %broadcast_in_dim3A_1607 : vector<16xi1>, vector<16xi32>
      %add3A_1609 = arith.addi %broadcast_in_dim3A_1598, %select_n3A_1608 : vector<16xi32>
      %add3A_1610 = arith.constant 511 : i32
      %add3A_1611 = vector.broadcast %add3A_1610 : i32 to vector<16xi32>
      %add3A_1612 = arith.addi %add3A_1609, %add3A_1611 : vector<16xi32>
      %gather3A_1613 = tpu.vector_load_idx %arg11[%add3A_1612] : memref<2048xi32, #tpu.memory_space<vmem>>[vector<16xi32>], vector<16xi32>,
      %le3A_1614 = arith.cmpi sle, %gather3A_1613, %add3A_1596 : vector<16xi32>
      %jit3A_1615 = arith.constant 512 : i32
      %jit3A_1616 = arith.constant 0 : i32
      %broadcast_in_dim3A_1617 = vector.broadcast %jit3A_1615 : i32 to vector<16xi32>
      %broadcast_in_dim3A_1618 = vector.broadcast %jit3A_1616 : i32 to vector<16xi32>
      %select_n3A_1619 = arith.select %le3A_1614, %broadcast_in_dim3A_1617, %broadcast_in_dim3A_1618 : vector<16xi1>, vector<16xi32>
      %add3A_1620 = arith.addi %add3A_1609, %select_n3A_1619 : vector<16xi32>
      %add3A_1621 = arith.constant 255 : i32
      %add3A_1622 = vector.broadcast %add3A_1621 : i32 to vector<16xi32>
      %add3A_1623 = arith.addi %add3A_1620, %add3A_1622 : vector<16xi32>
      %gather3A_1624 = tpu.vector_load_idx %arg11[%add3A_1623] : memref<2048xi32, #tpu.memory_space<vmem>>[vector<16xi32>], vector<16xi32>,
      %le3A_1625 = arith.cmpi sle, %gather3A_1624, %add3A_1596 : vector<16xi32>
      %jit3A_1626 = arith.constant 256 : i32
      %jit3A_1627 = arith.constant 0 : i32
      %broadcast_in_dim3A_1628 = vector.broadcast %jit3A_1626 : i32 to vector<16xi32>
      %broadcast_in_dim3A_1629 = vector.broadcast %jit3A_1627 : i32 to vector<16xi32>
      %select_n3A_1630 = arith.select %le3A_1625, %broadcast_in_dim3A_1628, %broadcast_in_dim3A_1629 : vector<16xi1>, vector<16xi32>
      %add3A_1631 = arith.addi %add3A_1620, %select_n3A_1630 : vector<16xi32>
      %add3A_1632 = arith.constant 127 : i32
      %add3A_1633 = vector.broadcast %add3A_1632 : i32 to vector<16xi32>
      %add3A_1634 = arith.addi %add3A_1631, %add3A_1633 : vector<16xi32>
      %gather3A_1635 = tpu.vector_load_idx %arg11[%add3A_1634] : memref<2048xi32, #tpu.memory_space<vmem>>[vector<16xi32>], vector<16xi32>,
      %le3A_1636 = arith.cmpi sle, %gather3A_1635, %add3A_1596 : vector<16xi32>
      %jit3A_1637 = arith.constant 128 : i32
      %jit3A_1638 = arith.constant 0 : i32
      %broadcast_in_dim3A_1639 = vector.broadcast %jit3A_1637 : i32 to vector<16xi32>
      %broadcast_in_dim3A_1640 = vector.broadcast %jit3A_1638 : i32 to vector<16xi32>
      %select_n3A_1641 = arith.select %le3A_1636, %broadcast_in_dim3A_1639, %broadcast_in_dim3A_1640 : vector<16xi1>, vector<16xi32>
      %add3A_1642 = arith.addi %add3A_1631, %select_n3A_1641 : vector<16xi32>
      %add3A_1643 = arith.constant 63 : i32
      %add3A_1644 = vector.broadcast %add3A_1643 : i32 to vector<16xi32>
      %add3A_1645 = arith.addi %add3A_1642, %add3A_1644 : vector<16xi32>
      %gather3A_1646 = tpu.vector_load_idx %arg11[%add3A_1645] : memref<2048xi32, #tpu.memory_space<vmem>>[vector<16xi32>], vector<16xi32>,
      %le3A_1647 = arith.cmpi sle, %gather3A_1646, %add3A_1596 : vector<16xi32>
      %jit3A_1648 = arith.constant 64 : i32
      %jit3A_1649 = arith.constant 0 : i32
      %broadcast_in_dim3A_1650 = vector.broadcast %jit3A_1648 : i32 to vector<16xi32>
      %broadcast_in_dim3A_1651 = vector.broadcast %jit3A_1649 : i32 to vector<16xi32>
      %select_n3A_1652 = arith.select %le3A_1647, %broadcast_in_dim3A_1650, %broadcast_in_dim3A_1651 : vector<16xi1>, vector<16xi32>
      %add3A_1653 = arith.addi %add3A_1642, %select_n3A_1652 : vector<16xi32>
      %add3A_1654 = arith.constant 31 : i32
      %add3A_1655 = vector.broadcast %add3A_1654 : i32 to vector<16xi32>
      %add3A_1656 = arith.addi %add3A_1653, %add3A_1655 : vector<16xi32>
      %gather3A_1657 = tpu.vector_load_idx %arg11[%add3A_1656] : memref<2048xi32, #tpu.memory_space<vmem>>[vector<16xi32>], vector<16xi32>,
      %le3A_1658 = arith.cmpi sle, %gather3A_1657, %add3A_1596 : vector<16xi32>
      %jit3A_1659 = arith.constant 32 : i32
      %jit3A_1660 = arith.constant 0 : i32
      %broadcast_in_dim3A_1661 = vector.broadcast %jit3A_1659 : i32 to vector<16xi32>
      %broadcast_in_dim3A_1662 = vector.broadcast %jit3A_1660 : i32 to vector<16xi32>
      %select_n3A_1663 = arith.select %le3A_1658, %broadcast_in_dim3A_1661, %broadcast_in_dim3A_1662 : vector<16xi1>, vector<16xi32>
      %add3A_1664 = arith.addi %add3A_1653, %select_n3A_1663 : vector<16xi32>
      %add3A_1665 = arith.constant 15 : i32
      %add3A_1666 = vector.broadcast %add3A_1665 : i32 to vector<16xi32>
      %add3A_1667 = arith.addi %add3A_1664, %add3A_1666 : vector<16xi32>
      %gather3A_1668 = tpu.vector_load_idx %arg11[%add3A_1667] : memref<2048xi32, #tpu.memory_space<vmem>>[vector<16xi32>], vector<16xi32>,
      %le3A_1669 = arith.cmpi sle, %gather3A_1668, %add3A_1596 : vector<16xi32>
      %jit3A_1670 = arith.constant 16 : i32
      %jit3A_1671 = arith.constant 0 : i32
      %broadcast_in_dim3A_1672 = vector.broadcast %jit3A_1670 : i32 to vector<16xi32>
      %broadcast_in_dim3A_1673 = vector.broadcast %jit3A_1671 : i32 to vector<16xi32>
      %select_n3A_1674 = arith.select %le3A_1669, %broadcast_in_dim3A_1672, %broadcast_in_dim3A_1673 : vector<16xi1>, vector<16xi32>
      %add3A_1675 = arith.addi %add3A_1664, %select_n3A_1674 : vector<16xi32>
      %add3A_1676 = arith.constant 7 : i32
      %add3A_1677 = vector.broadcast %add3A_1676 : i32 to vector<16xi32>
      %add3A_1678 = arith.addi %add3A_1675, %add3A_1677 : vector<16xi32>
      %gather3A_1679 = tpu.vector_load_idx %arg11[%add3A_1678] : memref<2048xi32, #tpu.memory_space<vmem>>[vector<16xi32>], vector<16xi32>,
      %le3A_1680 = arith.cmpi sle, %gather3A_1679, %add3A_1596 : vector<16xi32>
      %jit3A_1681 = arith.constant 8 : i32
      %jit3A_1682 = arith.constant 0 : i32
      %broadcast_in_dim3A_1683 = vector.broadcast %jit3A_1681 : i32 to vector<16xi32>
      %broadcast_in_dim3A_1684 = vector.broadcast %jit3A_1682 : i32 to vector<16xi32>
      %select_n3A_1685 = arith.select %le3A_1680, %broadcast_in_dim3A_1683, %broadcast_in_dim3A_1684 : vector<16xi1>, vector<16xi32>
      %add3A_1686 = arith.addi %add3A_1675, %select_n3A_1685 : vector<16xi32>
      %add3A_1687 = arith.constant 3 : i32
      %add3A_1688 = vector.broadcast %add3A_1687 : i32 to vector<16xi32>
      %add3A_1689 = arith.addi %add3A_1686, %add3A_1688 : vector<16xi32>
      %gather3A_1690 = tpu.vector_load_idx %arg11[%add3A_1689] : memref<2048xi32, #tpu.memory_space<vmem>>[vector<16xi32>], vector<16xi32>,
      %le3A_1691 = arith.cmpi sle, %gather3A_1690, %add3A_1596 : vector<16xi32>
      %jit3A_1692 = arith.constant 4 : i32
      %jit3A_1693 = arith.constant 0 : i32
      %broadcast_in_dim3A_1694 = vector.broadcast %jit3A_1692 : i32 to vector<16xi32>
      %broadcast_in_dim3A_1695 = vector.broadcast %jit3A_1693 : i32 to vector<16xi32>
      %select_n3A_1696 = arith.select %le3A_1691, %broadcast_in_dim3A_1694, %broadcast_in_dim3A_1695 : vector<16xi1>, vector<16xi32>
      %add3A_1697 = arith.addi %add3A_1686, %select_n3A_1696 : vector<16xi32>
      %add3A_1698 = arith.constant 1 : i32
      %add3A_1699 = vector.broadcast %add3A_1698 : i32 to vector<16xi32>
      %add3A_1700 = arith.addi %add3A_1697, %add3A_1699 : vector<16xi32>
      %gather3A_1701 = tpu.vector_load_idx %arg11[%add3A_1700] : memref<2048xi32, #tpu.memory_space<vmem>>[vector<16xi32>], vector<16xi32>,
      %le3A_1702 = arith.cmpi sle, %gather3A_1701, %add3A_1596 : vector<16xi32>
      %jit3A_1703 = arith.constant 2 : i32
      %jit3A_1704 = arith.constant 0 : i32
      %broadcast_in_dim3A_1705 = vector.broadcast %jit3A_1703 : i32 to vector<16xi32>
      %broadcast_in_dim3A_1706 = vector.broadcast %jit3A_1704 : i32 to vector<16xi32>
      %select_n3A_1707 = arith.select %le3A_1702, %broadcast_in_dim3A_1705, %broadcast_in_dim3A_1706 : vector<16xi1>, vector<16xi32>
      %add3A_1708 = arith.addi %add3A_1697, %select_n3A_1707 : vector<16xi32>
      %add3A_1709 = arith.constant 0 : i32
      %add3A_1710 = vector.broadcast %add3A_1709 : i32 to vector<16xi32>
      %add3A_1711 = arith.addi %add3A_1708, %add3A_1710 : vector<16xi32>
      %gather3A_1712 = tpu.vector_load_idx %arg11[%add3A_1711] : memref<2048xi32, #tpu.memory_space<vmem>>[vector<16xi32>], vector<16xi32>,
      %le3A_1713 = arith.cmpi sle, %gather3A_1712, %add3A_1596 : vector<16xi32>
      %jit3A_1714 = arith.constant 1 : i32
      %jit3A_1715 = arith.constant 0 : i32
      %broadcast_in_dim3A_1716 = vector.broadcast %jit3A_1714 : i32 to vector<16xi32>
      %broadcast_in_dim3A_1717 = vector.broadcast %jit3A_1715 : i32 to vector<16xi32>
      %select_n3A_1718 = arith.select %le3A_1713, %broadcast_in_dim3A_1716, %broadcast_in_dim3A_1717 : vector<16xi1>, vector<16xi32>
      %add3A_1719 = arith.addi %add3A_1708, %select_n3A_1718 : vector<16xi32>
      %sub3A_1720 = arith.constant 1 : i32
      %sub3A_1721 = vector.broadcast %sub3A_1720 : i32 to vector<16xi32>
      %sub3A_1722 = arith.subi %add3A_1719, %sub3A_1721 : vector<16xi32>
      %max3A_1723 = arith.constant 0 : i32
      %max3A_1724 = vector.broadcast %max3A_1723 : i32 to vector<16xi32>
      %max3A_1725 = arith.maxsi %sub3A_1722, %max3A_1724 : vector<16xi32>
      %gather3A_1726 = tpu.vector_load_idx %arg11[%max3A_1725] : memref<2048xi32, #tpu.memory_space<vmem>>[vector<16xi32>], vector<16xi32>,
      %ge3A_1727 = arith.constant 1 : i32
      %ge3A_1728 = vector.broadcast %ge3A_1727 : i32 to vector<16xi32>
      %ge3A_1729 = arith.cmpi sge, %add3A_1719, %ge3A_1728 : vector<16xi32>
      %jit3A_1730 = arith.constant 0 : i32
      %broadcast_in_dim3A_1731 = vector.broadcast %jit3A_1730 : i32 to vector<16xi32>
      %select_n3A_1732 = arith.select %ge3A_1729, %gather3A_1726, %broadcast_in_dim3A_1731 : vector<16xi1>, vector<16xi32>
      %gather3A_1733 = tpu.vector_load_idx %arg11[%add3A_1719] : memref<2048xi32, #tpu.memory_space<vmem>>[vector<16xi32>], vector<16xi32>,
      %sub3A_1734 = arith.subi %gather3A_1733, %select_n3A_1732 : vector<16xi32>
      %sub3A_1735 = arith.subi %add3A_1596, %select_n3A_1732 : vector<16xi32>
      %gather3A_1736 = tpu.vector_load_idx %arg12[%add3A_1719] : memref<2048xi32, #tpu.memory_space<vmem>>[vector<16xi32>], vector<16xi32>,
      %convert_element_type3A_1737 = arith.sitofp %sub3A_1735 : vector<16xi32> to vector<16xf32>
      %jit3A_1738 = arith.constant 2 : i32
      %div3A_1739 = vector.broadcast %jit3A_1738 : i32 to vector<16xi32>
      %div3A_1740 = arith.divsi %sub3A_1734, %div3A_1739 : vector<16xi32>
      %sign3A_1741 = arith.constant 0 : i32
      %sign3A_1742 = vector.broadcast %sign3A_1741 : i32 to vector<16xi32>
      %sign3A_1743 = arith.cmpi sgt, %sub3A_1734, %sign3A_1742 : vector<16xi32>
      %sign3A_1744 = arith.extui %sign3A_1743 : vector<16xi1> to vector<16xi32>
      %sign3A_1745 = arith.constant 0 : i32
      %sign3A_1746 = vector.broadcast %sign3A_1745 : i32 to vector<16xi32>
      %sign3A_1747 = arith.cmpi slt, %sub3A_1734, %sign3A_1746 : vector<16xi32>
      %sign3A_1748 = arith.extui %sign3A_1747 : vector<16xi1> to vector<16xi32>
      %sign3A_1749 = arith.subi %sign3A_1744, %sign3A_1748 : vector<16xi32>
      %sign3A_1750 = arith.constant 0 : i32
      %sign3A_1751 = arith.cmpi sgt, %jit3A_1738, %sign3A_1750 : i32
      %sign3A_1752 = arith.extui %sign3A_1751 : i1 to i32
      %sign3A_1753 = arith.constant 0 : i32
      %sign3A_1754 = arith.cmpi slt, %jit3A_1738, %sign3A_1753 : i32
      %sign3A_1755 = arith.extui %sign3A_1754 : i1 to i32
      %sign3A_1756 = arith.subi %sign3A_1752, %sign3A_1755 : i32
      %ne3A_1757 = vector.broadcast %sign3A_1756 : i32 to vector<16xi32>
      %ne3A_1758 = arith.cmpi ne, %sign3A_1749, %ne3A_1757 : vector<16xi32>
      %rem3A_1759 = vector.broadcast %jit3A_1738 : i32 to vector<16xi32>
      %rem3A_1760 = arith.remsi %sub3A_1734, %rem3A_1759 : vector<16xi32>
      %ne3A_1761 = arith.constant 0 : i32
      %ne3A_1762 = vector.broadcast %ne3A_1761 : i32 to vector<16xi32>
      %ne3A_1763 = arith.cmpi ne, %rem3A_1760, %ne3A_1762 : vector<16xi32>
      %and3A_1764 = arith.andi %ne3A_1758, %ne3A_1763 : vector<16xi1>
      %sub3A_1765 = arith.constant 1 : i32
      %sub3A_1766 = vector.broadcast %sub3A_1765 : i32 to vector<16xi32>
      %sub3A_1767 = arith.subi %div3A_1740, %sub3A_1766 : vector<16xi32>
      %select_n3A_1768 = arith.select %and3A_1764, %sub3A_1767, %div3A_1740 : vector<16xi1>, vector<16xi32>
      %sub3A_1769 = arith.subi %sub3A_1734, %select_n3A_1768 : vector<16xi32>
      %broadcast_in_dim3A_1770 = arith.constant 1.000000e+00 : f32
      %broadcast_in_dim3A_1771 = vector.broadcast %broadcast_in_dim3A_1770 : f32 to vector<16xf32>
      %broadcast_in_dim3A_1772 = arith.constant 0.000000e+00 : f32
      %broadcast_in_dim3A_1773 = vector.broadcast %broadcast_in_dim3A_1772 : f32 to vector<16xf32>
      %sub3A_1774 = arith.constant 1 : i32
      %sub3A_1775 = vector.broadcast %sub3A_1774 : i32 to vector<16xi32>
      %sub3A_1776 = arith.subi %select_n3A_1768, %sub3A_1775 : vector<16xi32>
      %max3A_1777 = arith.constant 1 : i32
      %max3A_1778 = vector.broadcast %max3A_1777 : i32 to vector<16xi32>
      %max3A_1779 = arith.maxsi %sub3A_1776, %max3A_1778 : vector<16xi32>
      %convert_element_type3A_1780 = arith.sitofp %max3A_1779 : vector<16xi32> to vector<16xf32>
      %div3A_1781 = arith.divf %convert_element_type3A_1737, %convert_element_type3A_1780 : vector<16xf32>
      %convert_element_type3A_1782 = arith.sitofp %select_n3A_1768 : vector<16xi32> to vector<16xf32>
      %sub3A_1783 = arith.subf %convert_element_type3A_1737, %convert_element_type3A_1782 : vector<16xf32>
      %sub3A_1784 = arith.constant 1 : i32
      %sub3A_1785 = vector.broadcast %sub3A_1784 : i32 to vector<16xi32>
      %sub3A_1786 = arith.subi %sub3A_1769, %sub3A_1785 : vector<16xi32>
      %max3A_1787 = arith.constant 1 : i32
      %max3A_1788 = vector.broadcast %max3A_1787 : i32 to vector<16xi32>
      %max3A_1789 = arith.maxsi %sub3A_1786, %max3A_1788 : vector<16xi32>
      %convert_element_type3A_1790 = arith.sitofp %max3A_1789 : vector<16xi32> to vector<16xf32>
      %div3A_1791 = arith.divf %sub3A_1783, %convert_element_type3A_1790 : vector<16xf32>
      %lt3A_1792 = arith.cmpi slt, %sub3A_1735, %select_n3A_1768 : vector<16xi32>
      %sub3A_1793 = arith.constant 1.000000e+00 : f32
      %sub3A_1794 = vector.broadcast %sub3A_1793 : f32 to vector<16xf32>
      %sub3A_1795 = arith.subf %sub3A_1794, %div3A_1781 : vector<16xf32>
      %select_n3A_1796 = arith.select %lt3A_1792, %sub3A_1795, %broadcast_in_dim3A_1773 : vector<16xi1>, vector<16xf32>
      %sub3A_1797 = arith.constant 1.000000e+00 : f32
      %sub3A_1798 = vector.broadcast %sub3A_1797 : f32 to vector<16xf32>
      %sub3A_1799 = arith.subf %sub3A_1798, %div3A_1791 : vector<16xf32>
      %select_n3A_1800 = arith.select %lt3A_1792, %div3A_1781, %sub3A_1799 : vector<16xi1>, vector<16xf32>
      %select_n3A_1801 = arith.select %lt3A_1792, %broadcast_in_dim3A_1773, %div3A_1791 : vector<16xi1>, vector<16xf32>
      %eq3A_1802 = arith.constant 0 : i32
      %eq3A_1803 = vector.broadcast %eq3A_1802 : i32 to vector<16xi32>
      %eq3A_1804 = arith.cmpi eq, %sub3A_1735, %eq3A_1803 : vector<16xi32>
      %sub3A_1805 = arith.constant 1 : i32
      %sub3A_1806 = vector.broadcast %sub3A_1805 : i32 to vector<16xi32>
      %sub3A_1807 = arith.subi %sub3A_1734, %sub3A_1806 : vector<16xi32>
      %eq3A_1808 = arith.cmpi eq, %sub3A_1735, %sub3A_1807 : vector<16xi32>
      %select_n3A_1809 = arith.select %eq3A_1804, %broadcast_in_dim3A_1771, %broadcast_in_dim3A_1773 : vector<16xi1>, vector<16xf32>
      %not3A_1810 = arith.constant dense<true> : vector<16xi1>
      %not3A_1811 = arith.xori %eq3A_1804, %not3A_1810 : vector<16xi1>
      %and3A_1812 = arith.andi %eq3A_1808, %not3A_1811 : vector<16xi1>
      %select_n3A_1813 = arith.select %and3A_1812, %broadcast_in_dim3A_1771, %broadcast_in_dim3A_1773 : vector<16xi1>, vector<16xf32>
      %not3A_1814 = arith.constant dense<true> : vector<16xi1>
      %not3A_1815 = arith.xori %eq3A_1804, %not3A_1814 : vector<16xi1>
      %not3A_1816 = arith.constant dense<true> : vector<16xi1>
      %not3A_1817 = arith.xori %eq3A_1808, %not3A_1816 : vector<16xi1>
      %and3A_1818 = arith.andi %not3A_1815, %not3A_1817 : vector<16xi1>
      %select_n3A_1819 = arith.select %and3A_1818, %broadcast_in_dim3A_1771, %broadcast_in_dim3A_1773 : vector<16xi1>, vector<16xf32>
      %eq3A_1820 = arith.constant 0 : i32
      %eq3A_1821 = vector.broadcast %eq3A_1820 : i32 to vector<16xi32>
      %eq3A_1822 = arith.cmpi eq, %gather3A_1736, %eq3A_1821 : vector<16xi32>
      %select_n3A_1823 = arith.select %eq3A_1822, %select_n3A_1809, %select_n3A_1796 : vector<16xi1>, vector<16xf32>
      %select_n3A_1824 = arith.select %eq3A_1822, %select_n3A_1819, %select_n3A_1800 : vector<16xi1>, vector<16xf32>
      %select_n3A_1825 = arith.select %eq3A_1822, %select_n3A_1813, %select_n3A_1801 : vector<16xi1>, vector<16xf32>
      %eq3A_1826 = arith.constant 1 : i32
      %eq3A_1827 = vector.broadcast %eq3A_1826 : i32 to vector<16xi32>
      %eq3A_1828 = arith.cmpi eq, %sub3A_1734, %eq3A_1827 : vector<16xi32>
      %eq3A_1829 = arith.constant 2 : i32
      %eq3A_1830 = vector.broadcast %eq3A_1829 : i32 to vector<16xi32>
      %eq3A_1831 = arith.cmpi eq, %sub3A_1734, %eq3A_1830 : vector<16xi32>
      %eq3A_1832 = arith.constant 3 : i32
      %eq3A_1833 = vector.broadcast %eq3A_1832 : i32 to vector<16xi32>
      %eq3A_1834 = arith.cmpi eq, %sub3A_1734, %eq3A_1833 : vector<16xi32>
      %select_n3A_1835 = arith.select %eq3A_1804, %broadcast_in_dim3A_1771, %broadcast_in_dim3A_1773 : vector<16xi1>, vector<16xf32>
      %select_n3A_1836 = arith.select %eq3A_1804, %broadcast_in_dim3A_1771, %broadcast_in_dim3A_1773 : vector<16xi1>, vector<16xf32>
      %select_n3A_1837 = arith.select %eq3A_1834, %select_n3A_1836, %select_n3A_1823 : vector<16xi1>, vector<16xf32>
      %select_n3A_1838 = arith.select %eq3A_1831, %select_n3A_1835, %select_n3A_1837 : vector<16xi1>, vector<16xf32>
      %select_n3A_1839 = arith.select %eq3A_1828, %broadcast_in_dim3A_1773, %select_n3A_1838 : vector<16xi1>, vector<16xf32>
      %eq3A_1840 = arith.constant 1 : i32
      %eq3A_1841 = vector.broadcast %eq3A_1840 : i32 to vector<16xi32>
      %eq3A_1842 = arith.cmpi eq, %sub3A_1735, %eq3A_1841 : vector<16xi32>
      %select_n3A_1843 = arith.select %eq3A_1842, %broadcast_in_dim3A_1771, %broadcast_in_dim3A_1773 : vector<16xi1>, vector<16xf32>
      %select_n3A_1844 = arith.select %eq3A_1834, %select_n3A_1843, %select_n3A_1824 : vector<16xi1>, vector<16xf32>
      %select_n3A_1845 = arith.select %eq3A_1831, %broadcast_in_dim3A_1773, %select_n3A_1844 : vector<16xi1>, vector<16xf32>
      %select_n3A_1846 = arith.select %eq3A_1828, %broadcast_in_dim3A_1771, %select_n3A_1845 : vector<16xi1>, vector<16xf32>
      %not3A_1847 = arith.constant dense<true> : vector<16xi1>
      %not3A_1848 = arith.xori %eq3A_1804, %not3A_1847 : vector<16xi1>
      %select_n3A_1849 = arith.select %not3A_1848, %broadcast_in_dim3A_1771, %broadcast_in_dim3A_1773 : vector<16xi1>, vector<16xf32>
      %ge3A_1850 = arith.constant 2 : i32
      %ge3A_1851 = vector.broadcast %ge3A_1850 : i32 to vector<16xi32>
      %ge3A_1852 = arith.cmpi sge, %sub3A_1735, %ge3A_1851 : vector<16xi32>
      %select_n3A_1853 = arith.select %ge3A_1852, %broadcast_in_dim3A_1771, %broadcast_in_dim3A_1773 : vector<16xi1>, vector<16xf32>
      %select_n3A_1854 = arith.select %eq3A_1834, %select_n3A_1853, %select_n3A_1825 : vector<16xi1>, vector<16xf32>
      %select_n3A_1855 = arith.select %eq3A_1831, %select_n3A_1849, %select_n3A_1854 : vector<16xi1>, vector<16xf32>
      %select_n3A_1856 = arith.select %eq3A_1828, %broadcast_in_dim3A_1773, %select_n3A_1855 : vector<16xi1>, vector<16xf32>
      %lt3A_1857 = arith.cmpi slt, %add3A_1596, %min3A : vector<16xi32>
      %select_n3A_1858 = arith.select %lt3A_1857, %select_n3A_1839, %broadcast_in_dim3A_1773 : vector<16xi1>, vector<16xf32>
      %select_n3A_1859 = arith.select %lt3A_1857, %select_n3A_1846, %broadcast_in_dim3A_1773 : vector<16xi1>, vector<16xf32>
      %select_n3A_1860 = arith.select %lt3A_1857, %select_n3A_1856, %broadcast_in_dim3A_1773 : vector<16xi1>, vector<16xf32>
      %mul3A_1861 = arith.constant 2048 : i32
      %mul3A_1862 = arith.muli %select_n3A, %mul3A_1861 : i32
      %add3A_1863 = vector.broadcast %mul3A_1862 : i32 to vector<16xi32>
      %add3A_1864 = arith.addi %add3A_1863, %add3A_1719 : vector<16xi32>
      %swap3A_1865 = arith.constant 16 : index
      %swap3A_1866 = tpu.vector_load %arg15[%swap3A_1865] {strides = array<i32>} : memref<32xi32, #tpu.memory_space<vmem>>, vector<16xi32>,
      tpu.vector_store %arg15[%swap3A_1865], %add3A_1864 {strides = array<i32>} : memref<32xi32, #tpu.memory_space<vmem>>, vector<16xi32>,
      %swap3A_1867 = arith.constant 16 : index
      %swap3A_1868 = tpu.vector_load %arg16[%swap3A_1867] {strides = array<i32>} : memref<32xf32, #tpu.memory_space<vmem>>, vector<16xf32>,
      tpu.vector_store %arg16[%swap3A_1867], %select_n3A_1858 {strides = array<i32>} : memref<32xf32, #tpu.memory_space<vmem>>, vector<16xf32>,
      %swap3A_1869 = arith.constant 16 : index
      %swap3A_1870 = tpu.vector_load %arg17[%swap3A_1869] {strides = array<i32>} : memref<32xf32, #tpu.memory_space<vmem>>, vector<16xf32>,
      tpu.vector_store %arg17[%swap3A_1869], %select_n3A_1859 {strides = array<i32>} : memref<32xf32, #tpu.memory_space<vmem>>, vector<16xf32>,
      %swap3A_1871 = arith.constant 16 : index
      %swap3A_1872 = tpu.vector_load %arg18[%swap3A_1871] {strides = array<i32>} : memref<32xf32, #tpu.memory_space<vmem>>, vector<16xf32>,
      tpu.vector_store %arg18[%swap3A_1871], %select_n3A_1860 {strides = array<i32>} : memref<32xf32, #tpu.memory_space<vmem>>, vector<16xf32>,
      %convert_element_type3A_1873 = arith.extui %lt3A_1857 : vector<16xi1> to vector<16xi32>
      %mul3A_1874 = arith.constant 32 : i32
      %mul3A_1875 = arith.muli %min3A_1302, %mul3A_1874 : i32
      %add3A_1876 = arith.constant 16 : i32
      %add3A_1877 = arith.addi %mul3A_1875, %add3A_1876 : i32
      %swap3A_1878 = arith.index_cast %add3A_1877 : i32 to index
      %swap3A_1879 = tpu.vector_load %arg14[%swap3A_1878] {strides = array<i32>} : memref<2048xi32, #tpu.memory_space<vmem>>, vector<16xi32>,
      tpu.vector_store %arg14[%swap3A_1878], %convert_element_type3A_1873 {strides = array<i32>} : memref<2048xi32, #tpu.memory_space<vmem>>, vector<16xi32>,
      %dma_start3A_1880 = arith.constant 0 : i32
      %dma_start3A_1881 = arith.constant 0 : i32
      %dma_start3A_1882 = tpu.memref_slice %arg2[%dma_start3A_1880, %dma_start3A_1881] : memref<16384x256xf32, #tpu.memory_space<hbm>> -> memref<16384x256xf32, #tpu.memory_space<hbm>>
      tpu.enqueue_indirect_dma source(%dma_start3A_1882 : memref<16384x256xf32, #tpu.memory_space<hbm>>) target(%arg19 : memref<32x256xf32, #tpu.memory_space<vmem>>) offsets(%arg15 : memref<32xi32, #tpu.memory_space<vmem>>) semaphore(%arg31 : memref<!tpu.dma_semaphore, #tpu.memory_space<semaphore_mem>>)
      %dma_start3A_1883 = arith.constant 0 : i32
      %dma_start3A_1884 = arith.constant 0 : i32
      %dma_start3A_1885 = tpu.memref_slice %arg3[%dma_start3A_1883, %dma_start3A_1884] : memref<16384x256xf32, #tpu.memory_space<hbm>> -> memref<16384x256xf32, #tpu.memory_space<hbm>>
      tpu.enqueue_indirect_dma source(%dma_start3A_1885 : memref<16384x256xf32, #tpu.memory_space<hbm>>) target(%arg20 : memref<32x256xf32, #tpu.memory_space<vmem>>) offsets(%arg15 : memref<32xi32, #tpu.memory_space<vmem>>) semaphore(%arg32 : memref<!tpu.dma_semaphore, #tpu.memory_space<semaphore_mem>>)
      %dma_start3A_1886 = arith.constant 0 : i32
      %dma_start3A_1887 = arith.constant 0 : i32
      %dma_start3A_1888 = tpu.memref_slice %arg4[%dma_start3A_1886, %dma_start3A_1887] : memref<16384x256xf32, #tpu.memory_space<hbm>> -> memref<16384x256xf32, #tpu.memory_space<hbm>>
      tpu.enqueue_indirect_dma source(%dma_start3A_1888 : memref<16384x256xf32, #tpu.memory_space<hbm>>) target(%arg21 : memref<32x256xf32, #tpu.memory_space<vmem>>) offsets(%arg15 : memref<32xi32, #tpu.memory_space<vmem>>) semaphore(%arg33 : memref<!tpu.dma_semaphore, #tpu.memory_space<semaphore_mem>>)
      %dma_wait3A_1889 = arith.constant 0 : i32
      %dma_wait3A_1890 = arith.constant 0 : i32
      %dma_wait3A_1891 = tpu.memref_slice %arg2[%dma_wait3A_1889, %dma_wait3A_1890] : memref<16384x256xf32, #tpu.memory_space<hbm>> -> memref<16384x256xf32, #tpu.memory_space<hbm>>
      tpu.wait_indirect_dma semaphore(%arg35 : memref<!tpu.dma_semaphore, #tpu.memory_space<semaphore_mem>>) src(%dma_wait3A_1891 : memref<16384x256xf32, #tpu.memory_space<hbm>>) dst(%arg27 : memref<32x256xf32, #tpu.memory_space<vmem>>)
      %dma_wait3A_1892 = arith.constant 0 : i32
      %dma_wait3A_1893 = arith.constant 0 : i32
      %dma_wait3A_1894 = tpu.memref_slice %arg3[%dma_wait3A_1892, %dma_wait3A_1893] : memref<16384x256xf32, #tpu.memory_space<hbm>> -> memref<16384x256xf32, #tpu.memory_space<hbm>>
      tpu.wait_indirect_dma semaphore(%arg36 : memref<!tpu.dma_semaphore, #tpu.memory_space<semaphore_mem>>) src(%dma_wait3A_1894 : memref<16384x256xf32, #tpu.memory_space<hbm>>) dst(%arg28 : memref<32x256xf32, #tpu.memory_space<vmem>>)
      %dma_wait3A_1895 = arith.constant 0 : i32
      %dma_wait3A_1896 = arith.constant 0 : i32
      %dma_wait3A_1897 = tpu.memref_slice %arg4[%dma_wait3A_1895, %dma_wait3A_1896] : memref<16384x256xf32, #tpu.memory_space<hbm>> -> memref<16384x256xf32, #tpu.memory_space<hbm>>
      tpu.wait_indirect_dma semaphore(%arg37 : memref<!tpu.dma_semaphore, #tpu.memory_space<semaphore_mem>>) src(%dma_wait3A_1897 : memref<16384x256xf32, #tpu.memory_space<hbm>>) dst(%arg29 : memref<32x256xf32, #tpu.memory_space<vmem>>)
      %gt3A_1898 = arith.constant 0 : i32
      %gt3A_1899 = arith.cmpi sgt, %scan3A_1264, %gt3A_1898 : i32
      %convert_element_type3A_1900 = arith.extui %gt3A_1899 : i1 to i32
      %cond3A_1901 = arith.constant 0 : i32
      %cond3A_1902 = arith.cmpi ne, %convert_element_type3A_1900, %cond3A_1901 : i32
      scf.if %cond3A_1902 {
        %sub3A_2509 = arith.constant 2 : i32
        %sub3A_2510 = arith.subi %add3A_1270, %sub3A_2509 : i32
        %mul3A_2511 = arith.constant 8192 : i32
        %mul3A_2512 = arith.muli %select_n3A, %mul3A_2511 : i32
        %add3A_2513 = arith.addi %mul3A_2512, %mul3A_32 : i32
        %mul3A_2514 = arith.constant 32 : i32
        %mul3A_2515 = arith.muli %sub3A_2510, %mul3A_2514 : i32
        %add3A_2516 = arith.addi %add3A_2513, %mul3A_2515 : i32
        %dma_wait3A_2517 = arith.constant 0 : i32
        %dma_wait3A_2518 = tpu.memref_slice %arg8[%add3A_2516, %dma_wait3A_2517] : memref<65536x256xf32, #tpu.memory_space<hbm>> -> memref<32x256xf32, #tpu.memory_space<hbm>>
        %dma_wait3A_2519 = arith.constant 0 : i32
        %dma_wait3A_2520 = tpu.memref_slice %arg8[%add3A_2516, %dma_wait3A_2519] : memref<65536x256xf32, #tpu.memory_space<hbm>> -> memref<32x256xf32, #tpu.memory_space<hbm>>
        tpu.wait_dma2 semaphore(%arg38 : memref<!tpu.dma_semaphore, #tpu.memory_space<semaphore_mem>>) src(%arg30 : memref<32x256xf32, #tpu.memory_space<vmem>>) dst(%dma_wait3A_2520 : memref<32x256xf32, #tpu.memory_space<hbm>>)
      } else {
      }
      %scan3A_1903 = arith.constant 0 : i32
      %scan3A_1904 = arith.constant 0 : i32
      %scan3A_1905 = arith.constant 32 : i32
      %scan3A_1906 = arith.addi %scan3A_1904, %scan3A_1905 : i32
      %scan3A_1907 = arith.constant 1 : i32
      scf.for %scan3A_2509 = %scan3A_1904 to %scan3A_1906 step %scan3A_1907  : i32 {
        %broadcast_in_dim3A_2510 = arith.constant 0 : i32
        %broadcast_in_dim3A_2511 = vector.broadcast %broadcast_in_dim3A_2510 : i32 to vector<16xi32>
        %add3A_2512 = vector.broadcast %scan3A_2509 : i32 to vector<16xi32>
        %add3A_2513 = arith.addi %broadcast_in_dim3A_2511, %add3A_2512 : vector<16xi32>
        %gather3A_2514 = tpu.vector_load_idx %arg24[%add3A_2513] : memref<32xf32, #tpu.memory_space<vmem>>[vector<16xi32>], vector<16xf32>,
        %gather3A_2515 = tpu.vector_load_idx %arg25[%add3A_2513] : memref<32xf32, #tpu.memory_space<vmem>>[vector<16xi32>], vector<16xf32>,
        %gather3A_2516 = tpu.vector_load_idx %arg26[%add3A_2513] : memref<32xf32, #tpu.memory_space<vmem>>[vector<16xi32>], vector<16xf32>,
        %get3A_2517 = arith.index_cast %scan3A_2509 : i32 to index
        %get3A_2518 = arith.constant 0 : index
        %get3A_2519 = tpu.vector_load %arg27[%get3A_2517, %get3A_2518] {strides = array<i32>} : memref<32x256xf32, #tpu.memory_space<vmem>>, vector<16xf32>,
        %get3A_2520 = arith.index_cast %scan3A_2509 : i32 to index
        %get3A_2521 = arith.constant 0 : index
        %get3A_2522 = tpu.vector_load %arg28[%get3A_2520, %get3A_2521] {strides = array<i32>} : memref<32x256xf32, #tpu.memory_space<vmem>>, vector<16xf32>,
        %get3A_2523 = arith.index_cast %scan3A_2509 : i32 to index
        %get3A_2524 = arith.constant 0 : index
        %get3A_2525 = tpu.vector_load %arg29[%get3A_2523, %get3A_2524] {strides = array<i32>} : memref<32x256xf32, #tpu.memory_space<vmem>>, vector<16xf32>,
        %mul3A_2526 = arith.mulf %gather3A_2514, %get3A_2519 : vector<16xf32>
        %mul3A_2527 = arith.mulf %gather3A_2515, %get3A_2522 : vector<16xf32>
        %add3A_2528 = arith.addf %mul3A_2526, %mul3A_2527 : vector<16xf32>
        %mul3A_2529 = arith.mulf %gather3A_2516, %get3A_2525 : vector<16xf32>
        %add3A_2530 = arith.addf %add3A_2528, %mul3A_2529 : vector<16xf32>
        %swap3A_2531 = arith.index_cast %scan3A_2509 : i32 to index
        %swap3A_2532 = arith.constant 0 : index
        %swap3A_2533 = tpu.vector_load %arg30[%swap3A_2531, %swap3A_2532] {strides = array<i32>} : memref<32x256xf32, #tpu.memory_space<vmem>>, vector<16xf32>,
        tpu.vector_store %arg30[%swap3A_2531, %swap3A_2532], %add3A_2530 {strides = array<i32>} : memref<32x256xf32, #tpu.memory_space<vmem>>, vector<16xf32>,
        %get3A_2534 = arith.index_cast %scan3A_2509 : i32 to index
        %get3A_2535 = arith.constant 16 : index
        %get3A_2536 = tpu.vector_load %arg27[%get3A_2534, %get3A_2535] {strides = array<i32>} : memref<32x256xf32, #tpu.memory_space<vmem>>, vector<16xf32>,
        %get3A_2537 = arith.index_cast %scan3A_2509 : i32 to index
        %get3A_2538 = arith.constant 16 : index
        %get3A_2539 = tpu.vector_load %arg28[%get3A_2537, %get3A_2538] {strides = array<i32>} : memref<32x256xf32, #tpu.memory_space<vmem>>, vector<16xf32>,
        %get3A_2540 = arith.index_cast %scan3A_2509 : i32 to index
        %get3A_2541 = arith.constant 16 : index
        %get3A_2542 = tpu.vector_load %arg29[%get3A_2540, %get3A_2541] {strides = array<i32>} : memref<32x256xf32, #tpu.memory_space<vmem>>, vector<16xf32>,
        %mul3A_2543 = arith.mulf %gather3A_2514, %get3A_2536 : vector<16xf32>
        %mul3A_2544 = arith.mulf %gather3A_2515, %get3A_2539 : vector<16xf32>
        %add3A_2545 = arith.addf %mul3A_2543, %mul3A_2544 : vector<16xf32>
        %mul3A_2546 = arith.mulf %gather3A_2516, %get3A_2542 : vector<16xf32>
        %add3A_2547 = arith.addf %add3A_2545, %mul3A_2546 : vector<16xf32>
        %swap3A_2548 = arith.index_cast %scan3A_2509 : i32 to index
        %swap3A_2549 = arith.constant 16 : index
        %swap3A_2550 = tpu.vector_load %arg30[%swap3A_2548, %swap3A_2549] {strides = array<i32>} : memref<32x256xf32, #tpu.memory_space<vmem>>, vector<16xf32>,
        tpu.vector_store %arg30[%swap3A_2548, %swap3A_2549], %add3A_2547 {strides = array<i32>} : memref<32x256xf32, #tpu.memory_space<vmem>>, vector<16xf32>,
        %get3A_2551 = arith.index_cast %scan3A_2509 : i32 to index
        %get3A_2552 = arith.constant 32 : index
        %get3A_2553 = tpu.vector_load %arg27[%get3A_2551, %get3A_2552] {strides = array<i32>} : memref<32x256xf32, #tpu.memory_space<vmem>>, vector<16xf32>,
        %get3A_2554 = arith.index_cast %scan3A_2509 : i32 to index
        %get3A_2555 = arith.constant 32 : index
        %get3A_2556 = tpu.vector_load %arg28[%get3A_2554, %get3A_2555] {strides = array<i32>} : memref<32x256xf32, #tpu.memory_space<vmem>>, vector<16xf32>,
        %get3A_2557 = arith.index_cast %scan3A_2509 : i32 to index
        %get3A_2558 = arith.constant 32 : index
        %get3A_2559 = tpu.vector_load %arg29[%get3A_2557, %get3A_2558] {strides = array<i32>} : memref<32x256xf32, #tpu.memory_space<vmem>>, vector<16xf32>,
        %mul3A_2560 = arith.mulf %gather3A_2514, %get3A_2553 : vector<16xf32>
        %mul3A_2561 = arith.mulf %gather3A_2515, %get3A_2556 : vector<16xf32>
        %add3A_2562 = arith.addf %mul3A_2560, %mul3A_2561 : vector<16xf32>
        %mul3A_2563 = arith.mulf %gather3A_2516, %get3A_2559 : vector<16xf32>
        %add3A_2564 = arith.addf %add3A_2562, %mul3A_2563 : vector<16xf32>
        %swap3A_2565 = arith.index_cast %scan3A_2509 : i32 to index
        %swap3A_2566 = arith.constant 32 : index
        %swap3A_2567 = tpu.vector_load %arg30[%swap3A_2565, %swap3A_2566] {strides = array<i32>} : memref<32x256xf32, #tpu.memory_space<vmem>>, vector<16xf32>,
        tpu.vector_store %arg30[%swap3A_2565, %swap3A_2566], %add3A_2564 {strides = array<i32>} : memref<32x256xf32, #tpu.memory_space<vmem>>, vector<16xf32>,
        %get3A_2568 = arith.index_cast %scan3A_2509 : i32 to index
        %get3A_2569 = arith.constant 48 : index
        %get3A_2570 = tpu.vector_load %arg27[%get3A_2568, %get3A_2569] {strides = array<i32>} : memref<32x256xf32, #tpu.memory_space<vmem>>, vector<16xf32>,
        %get3A_2571 = arith.index_cast %scan3A_2509 : i32 to index
        %get3A_2572 = arith.constant 48 : index
        %get3A_2573 = tpu.vector_load %arg28[%get3A_2571, %get3A_2572] {strides = array<i32>} : memref<32x256xf32, #tpu.memory_space<vmem>>, vector<16xf32>,
        %get3A_2574 = arith.index_cast %scan3A_2509 : i32 to index
        %get3A_2575 = arith.constant 48 : index
        %get3A_2576 = tpu.vector_load %arg29[%get3A_2574, %get3A_2575] {strides = array<i32>} : memref<32x256xf32, #tpu.memory_space<vmem>>, vector<16xf32>,
        %mul3A_2577 = arith.mulf %gather3A_2514, %get3A_2570 : vector<16xf32>
        %mul3A_2578 = arith.mulf %gather3A_2515, %get3A_2573 : vector<16xf32>
        %add3A_2579 = arith.addf %mul3A_2577, %mul3A_2578 : vector<16xf32>
        %mul3A_2580 = arith.mulf %gather3A_2516, %get3A_2576 : vector<16xf32>
        %add3A_2581 = arith.addf %add3A_2579, %mul3A_2580 : vector<16xf32>
        %swap3A_2582 = arith.index_cast %scan3A_2509 : i32 to index
        %swap3A_2583 = arith.constant 48 : index
        %swap3A_2584 = tpu.vector_load %arg30[%swap3A_2582, %swap3A_2583] {strides = array<i32>} : memref<32x256xf32, #tpu.memory_space<vmem>>, vector<16xf32>,
        tpu.vector_store %arg30[%swap3A_2582, %swap3A_2583], %add3A_2581 {strides = array<i32>} : memref<32x256xf32, #tpu.memory_space<vmem>>, vector<16xf32>,
        %get3A_2585 = arith.index_cast %scan3A_2509 : i32 to index
        %get3A_2586 = arith.constant 64 : index
        %get3A_2587 = tpu.vector_load %arg27[%get3A_2585, %get3A_2586] {strides = array<i32>} : memref<32x256xf32, #tpu.memory_space<vmem>>, vector<16xf32>,
        %get3A_2588 = arith.index_cast %scan3A_2509 : i32 to index
        %get3A_2589 = arith.constant 64 : index
        %get3A_2590 = tpu.vector_load %arg28[%get3A_2588, %get3A_2589] {strides = array<i32>} : memref<32x256xf32, #tpu.memory_space<vmem>>, vector<16xf32>,
        %get3A_2591 = arith.index_cast %scan3A_2509 : i32 to index
        %get3A_2592 = arith.constant 64 : index
        %get3A_2593 = tpu.vector_load %arg29[%get3A_2591, %get3A_2592] {strides = array<i32>} : memref<32x256xf32, #tpu.memory_space<vmem>>, vector<16xf32>,
        %mul3A_2594 = arith.mulf %gather3A_2514, %get3A_2587 : vector<16xf32>
        %mul3A_2595 = arith.mulf %gather3A_2515, %get3A_2590 : vector<16xf32>
        %add3A_2596 = arith.addf %mul3A_2594, %mul3A_2595 : vector<16xf32>
        %mul3A_2597 = arith.mulf %gather3A_2516, %get3A_2593 : vector<16xf32>
        %add3A_2598 = arith.addf %add3A_2596, %mul3A_2597 : vector<16xf32>
        %swap3A_2599 = arith.index_cast %scan3A_2509 : i32 to index
        %swap3A_2600 = arith.constant 64 : index
        %swap3A_2601 = tpu.vector_load %arg30[%swap3A_2599, %swap3A_2600] {strides = array<i32>} : memref<32x256xf32, #tpu.memory_space<vmem>>, vector<16xf32>,
        tpu.vector_store %arg30[%swap3A_2599, %swap3A_2600], %add3A_2598 {strides = array<i32>} : memref<32x256xf32, #tpu.memory_space<vmem>>, vector<16xf32>,
        %get3A_2602 = arith.index_cast %scan3A_2509 : i32 to index
        %get3A_2603 = arith.constant 80 : index
        %get3A_2604 = tpu.vector_load %arg27[%get3A_2602, %get3A_2603] {strides = array<i32>} : memref<32x256xf32, #tpu.memory_space<vmem>>, vector<16xf32>,
        %get3A_2605 = arith.index_cast %scan3A_2509 : i32 to index
        %get3A_2606 = arith.constant 80 : index
        %get3A_2607 = tpu.vector_load %arg28[%get3A_2605, %get3A_2606] {strides = array<i32>} : memref<32x256xf32, #tpu.memory_space<vmem>>, vector<16xf32>,
        %get3A_2608 = arith.index_cast %scan3A_2509 : i32 to index
        %get3A_2609 = arith.constant 80 : index
        %get3A_2610 = tpu.vector_load %arg29[%get3A_2608, %get3A_2609] {strides = array<i32>} : memref<32x256xf32, #tpu.memory_space<vmem>>, vector<16xf32>,
        %mul3A_2611 = arith.mulf %gather3A_2514, %get3A_2604 : vector<16xf32>
        %mul3A_2612 = arith.mulf %gather3A_2515, %get3A_2607 : vector<16xf32>
        %add3A_2613 = arith.addf %mul3A_2611, %mul3A_2612 : vector<16xf32>
        %mul3A_2614 = arith.mulf %gather3A_2516, %get3A_2610 : vector<16xf32>
        %add3A_2615 = arith.addf %add3A_2613, %mul3A_2614 : vector<16xf32>
        %swap3A_2616 = arith.index_cast %scan3A_2509 : i32 to index
        %swap3A_2617 = arith.constant 80 : index
        %swap3A_2618 = tpu.vector_load %arg30[%swap3A_2616, %swap3A_2617] {strides = array<i32>} : memref<32x256xf32, #tpu.memory_space<vmem>>, vector<16xf32>,
        tpu.vector_store %arg30[%swap3A_2616, %swap3A_2617], %add3A_2615 {strides = array<i32>} : memref<32x256xf32, #tpu.memory_space<vmem>>, vector<16xf32>,
        %get3A_2619 = arith.index_cast %scan3A_2509 : i32 to index
        %get3A_2620 = arith.constant 96 : index
        %get3A_2621 = tpu.vector_load %arg27[%get3A_2619, %get3A_2620] {strides = array<i32>} : memref<32x256xf32, #tpu.memory_space<vmem>>, vector<16xf32>,
        %get3A_2622 = arith.index_cast %scan3A_2509 : i32 to index
        %get3A_2623 = arith.constant 96 : index
        %get3A_2624 = tpu.vector_load %arg28[%get3A_2622, %get3A_2623] {strides = array<i32>} : memref<32x256xf32, #tpu.memory_space<vmem>>, vector<16xf32>,
        %get3A_2625 = arith.index_cast %scan3A_2509 : i32 to index
        %get3A_2626 = arith.constant 96 : index
        %get3A_2627 = tpu.vector_load %arg29[%get3A_2625, %get3A_2626] {strides = array<i32>} : memref<32x256xf32, #tpu.memory_space<vmem>>, vector<16xf32>,
        %mul3A_2628 = arith.mulf %gather3A_2514, %get3A_2621 : vector<16xf32>
        %mul3A_2629 = arith.mulf %gather3A_2515, %get3A_2624 : vector<16xf32>
        %add3A_2630 = arith.addf %mul3A_2628, %mul3A_2629 : vector<16xf32>
        %mul3A_2631 = arith.mulf %gather3A_2516, %get3A_2627 : vector<16xf32>
        %add3A_2632 = arith.addf %add3A_2630, %mul3A_2631 : vector<16xf32>
        %swap3A_2633 = arith.index_cast %scan3A_2509 : i32 to index
        %swap3A_2634 = arith.constant 96 : index
        %swap3A_2635 = tpu.vector_load %arg30[%swap3A_2633, %swap3A_2634] {strides = array<i32>} : memref<32x256xf32, #tpu.memory_space<vmem>>, vector<16xf32>,
        tpu.vector_store %arg30[%swap3A_2633, %swap3A_2634], %add3A_2632 {strides = array<i32>} : memref<32x256xf32, #tpu.memory_space<vmem>>, vector<16xf32>,
        %get3A_2636 = arith.index_cast %scan3A_2509 : i32 to index
        %get3A_2637 = arith.constant 112 : index
        %get3A_2638 = tpu.vector_load %arg27[%get3A_2636, %get3A_2637] {strides = array<i32>} : memref<32x256xf32, #tpu.memory_space<vmem>>, vector<16xf32>,
        %get3A_2639 = arith.index_cast %scan3A_2509 : i32 to index
        %get3A_2640 = arith.constant 112 : index
        %get3A_2641 = tpu.vector_load %arg28[%get3A_2639, %get3A_2640] {strides = array<i32>} : memref<32x256xf32, #tpu.memory_space<vmem>>, vector<16xf32>,
        %get3A_2642 = arith.index_cast %scan3A_2509 : i32 to index
        %get3A_2643 = arith.constant 112 : index
        %get3A_2644 = tpu.vector_load %arg29[%get3A_2642, %get3A_2643] {strides = array<i32>} : memref<32x256xf32, #tpu.memory_space<vmem>>, vector<16xf32>,
        %mul3A_2645 = arith.mulf %gather3A_2514, %get3A_2638 : vector<16xf32>
        %mul3A_2646 = arith.mulf %gather3A_2515, %get3A_2641 : vector<16xf32>
        %add3A_2647 = arith.addf %mul3A_2645, %mul3A_2646 : vector<16xf32>
        %mul3A_2648 = arith.mulf %gather3A_2516, %get3A_2644 : vector<16xf32>
        %add3A_2649 = arith.addf %add3A_2647, %mul3A_2648 : vector<16xf32>
        %swap3A_2650 = arith.index_cast %scan3A_2509 : i32 to index
        %swap3A_2651 = arith.constant 112 : index
        %swap3A_2652 = tpu.vector_load %arg30[%swap3A_2650, %swap3A_2651] {strides = array<i32>} : memref<32x256xf32, #tpu.memory_space<vmem>>, vector<16xf32>,
        tpu.vector_store %arg30[%swap3A_2650, %swap3A_2651], %add3A_2649 {strides = array<i32>} : memref<32x256xf32, #tpu.memory_space<vmem>>, vector<16xf32>,
        %get3A_2653 = arith.index_cast %scan3A_2509 : i32 to index
        %get3A_2654 = arith.constant 128 : index
        %get3A_2655 = tpu.vector_load %arg27[%get3A_2653, %get3A_2654] {strides = array<i32>} : memref<32x256xf32, #tpu.memory_space<vmem>>, vector<16xf32>,
        %get3A_2656 = arith.index_cast %scan3A_2509 : i32 to index
        %get3A_2657 = arith.constant 128 : index
        %get3A_2658 = tpu.vector_load %arg28[%get3A_2656, %get3A_2657] {strides = array<i32>} : memref<32x256xf32, #tpu.memory_space<vmem>>, vector<16xf32>,
        %get3A_2659 = arith.index_cast %scan3A_2509 : i32 to index
        %get3A_2660 = arith.constant 128 : index
        %get3A_2661 = tpu.vector_load %arg29[%get3A_2659, %get3A_2660] {strides = array<i32>} : memref<32x256xf32, #tpu.memory_space<vmem>>, vector<16xf32>,
        %mul3A_2662 = arith.mulf %gather3A_2514, %get3A_2655 : vector<16xf32>
        %mul3A_2663 = arith.mulf %gather3A_2515, %get3A_2658 : vector<16xf32>
        %add3A_2664 = arith.addf %mul3A_2662, %mul3A_2663 : vector<16xf32>
        %mul3A_2665 = arith.mulf %gather3A_2516, %get3A_2661 : vector<16xf32>
        %add3A_2666 = arith.addf %add3A_2664, %mul3A_2665 : vector<16xf32>
        %swap3A_2667 = arith.index_cast %scan3A_2509 : i32 to index
        %swap3A_2668 = arith.constant 128 : index
        %swap3A_2669 = tpu.vector_load %arg30[%swap3A_2667, %swap3A_2668] {strides = array<i32>} : memref<32x256xf32, #tpu.memory_space<vmem>>, vector<16xf32>,
        tpu.vector_store %arg30[%swap3A_2667, %swap3A_2668], %add3A_2666 {strides = array<i32>} : memref<32x256xf32, #tpu.memory_space<vmem>>, vector<16xf32>,
        %get3A_2670 = arith.index_cast %scan3A_2509 : i32 to index
        %get3A_2671 = arith.constant 144 : index
        %get3A_2672 = tpu.vector_load %arg27[%get3A_2670, %get3A_2671] {strides = array<i32>} : memref<32x256xf32, #tpu.memory_space<vmem>>, vector<16xf32>,
        %get3A_2673 = arith.index_cast %scan3A_2509 : i32 to index
        %get3A_2674 = arith.constant 144 : index
        %get3A_2675 = tpu.vector_load %arg28[%get3A_2673, %get3A_2674] {strides = array<i32>} : memref<32x256xf32, #tpu.memory_space<vmem>>, vector<16xf32>,
        %get3A_2676 = arith.index_cast %scan3A_2509 : i32 to index
        %get3A_2677 = arith.constant 144 : index
        %get3A_2678 = tpu.vector_load %arg29[%get3A_2676, %get3A_2677] {strides = array<i32>} : memref<32x256xf32, #tpu.memory_space<vmem>>, vector<16xf32>,
        %mul3A_2679 = arith.mulf %gather3A_2514, %get3A_2672 : vector<16xf32>
        %mul3A_2680 = arith.mulf %gather3A_2515, %get3A_2675 : vector<16xf32>
        %add3A_2681 = arith.addf %mul3A_2679, %mul3A_2680 : vector<16xf32>
        %mul3A_2682 = arith.mulf %gather3A_2516, %get3A_2678 : vector<16xf32>
        %add3A_2683 = arith.addf %add3A_2681, %mul3A_2682 : vector<16xf32>
        %swap3A_2684 = arith.index_cast %scan3A_2509 : i32 to index
        %swap3A_2685 = arith.constant 144 : index
        %swap3A_2686 = tpu.vector_load %arg30[%swap3A_2684, %swap3A_2685] {strides = array<i32>} : memref<32x256xf32, #tpu.memory_space<vmem>>, vector<16xf32>,
        tpu.vector_store %arg30[%swap3A_2684, %swap3A_2685], %add3A_2683 {strides = array<i32>} : memref<32x256xf32, #tpu.memory_space<vmem>>, vector<16xf32>,
        %get3A_2687 = arith.index_cast %scan3A_2509 : i32 to index
        %get3A_2688 = arith.constant 160 : index
        %get3A_2689 = tpu.vector_load %arg27[%get3A_2687, %get3A_2688] {strides = array<i32>} : memref<32x256xf32, #tpu.memory_space<vmem>>, vector<16xf32>,
        %get3A_2690 = arith.index_cast %scan3A_2509 : i32 to index
        %get3A_2691 = arith.constant 160 : index
        %get3A_2692 = tpu.vector_load %arg28[%get3A_2690, %get3A_2691] {strides = array<i32>} : memref<32x256xf32, #tpu.memory_space<vmem>>, vector<16xf32>,
        %get3A_2693 = arith.index_cast %scan3A_2509 : i32 to index
        %get3A_2694 = arith.constant 160 : index
        %get3A_2695 = tpu.vector_load %arg29[%get3A_2693, %get3A_2694] {strides = array<i32>} : memref<32x256xf32, #tpu.memory_space<vmem>>, vector<16xf32>,
        %mul3A_2696 = arith.mulf %gather3A_2514, %get3A_2689 : vector<16xf32>
        %mul3A_2697 = arith.mulf %gather3A_2515, %get3A_2692 : vector<16xf32>
        %add3A_2698 = arith.addf %mul3A_2696, %mul3A_2697 : vector<16xf32>
        %mul3A_2699 = arith.mulf %gather3A_2516, %get3A_2695 : vector<16xf32>
        %add3A_2700 = arith.addf %add3A_2698, %mul3A_2699 : vector<16xf32>
        %swap3A_2701 = arith.index_cast %scan3A_2509 : i32 to index
        %swap3A_2702 = arith.constant 160 : index
        %swap3A_2703 = tpu.vector_load %arg30[%swap3A_2701, %swap3A_2702] {strides = array<i32>} : memref<32x256xf32, #tpu.memory_space<vmem>>, vector<16xf32>,
        tpu.vector_store %arg30[%swap3A_2701, %swap3A_2702], %add3A_2700 {strides = array<i32>} : memref<32x256xf32, #tpu.memory_space<vmem>>, vector<16xf32>,
        %get3A_2704 = arith.index_cast %scan3A_2509 : i32 to index
        %get3A_2705 = arith.constant 176 : index
        %get3A_2706 = tpu.vector_load %arg27[%get3A_2704, %get3A_2705] {strides = array<i32>} : memref<32x256xf32, #tpu.memory_space<vmem>>, vector<16xf32>,
        %get3A_2707 = arith.index_cast %scan3A_2509 : i32 to index
        %get3A_2708 = arith.constant 176 : index
        %get3A_2709 = tpu.vector_load %arg28[%get3A_2707, %get3A_2708] {strides = array<i32>} : memref<32x256xf32, #tpu.memory_space<vmem>>, vector<16xf32>,
        %get3A_2710 = arith.index_cast %scan3A_2509 : i32 to index
        %get3A_2711 = arith.constant 176 : index
        %get3A_2712 = tpu.vector_load %arg29[%get3A_2710, %get3A_2711] {strides = array<i32>} : memref<32x256xf32, #tpu.memory_space<vmem>>, vector<16xf32>,
        %mul3A_2713 = arith.mulf %gather3A_2514, %get3A_2706 : vector<16xf32>
        %mul3A_2714 = arith.mulf %gather3A_2515, %get3A_2709 : vector<16xf32>
        %add3A_2715 = arith.addf %mul3A_2713, %mul3A_2714 : vector<16xf32>
        %mul3A_2716 = arith.mulf %gather3A_2516, %get3A_2712 : vector<16xf32>
        %add3A_2717 = arith.addf %add3A_2715, %mul3A_2716 : vector<16xf32>
        %swap3A_2718 = arith.index_cast %scan3A_2509 : i32 to index
        %swap3A_2719 = arith.constant 176 : index
        %swap3A_2720 = tpu.vector_load %arg30[%swap3A_2718, %swap3A_2719] {strides = array<i32>} : memref<32x256xf32, #tpu.memory_space<vmem>>, vector<16xf32>,
        tpu.vector_store %arg30[%swap3A_2718, %swap3A_2719], %add3A_2717 {strides = array<i32>} : memref<32x256xf32, #tpu.memory_space<vmem>>, vector<16xf32>,
        %get3A_2721 = arith.index_cast %scan3A_2509 : i32 to index
        %get3A_2722 = arith.constant 192 : index
        %get3A_2723 = tpu.vector_load %arg27[%get3A_2721, %get3A_2722] {strides = array<i32>} : memref<32x256xf32, #tpu.memory_space<vmem>>, vector<16xf32>,
        %get3A_2724 = arith.index_cast %scan3A_2509 : i32 to index
        %get3A_2725 = arith.constant 192 : index
        %get3A_2726 = tpu.vector_load %arg28[%get3A_2724, %get3A_2725] {strides = array<i32>} : memref<32x256xf32, #tpu.memory_space<vmem>>, vector<16xf32>,
        %get3A_2727 = arith.index_cast %scan3A_2509 : i32 to index
        %get3A_2728 = arith.constant 192 : index
        %get3A_2729 = tpu.vector_load %arg29[%get3A_2727, %get3A_2728] {strides = array<i32>} : memref<32x256xf32, #tpu.memory_space<vmem>>, vector<16xf32>,
        %mul3A_2730 = arith.mulf %gather3A_2514, %get3A_2723 : vector<16xf32>
        %mul3A_2731 = arith.mulf %gather3A_2515, %get3A_2726 : vector<16xf32>
        %add3A_2732 = arith.addf %mul3A_2730, %mul3A_2731 : vector<16xf32>
        %mul3A_2733 = arith.mulf %gather3A_2516, %get3A_2729 : vector<16xf32>
        %add3A_2734 = arith.addf %add3A_2732, %mul3A_2733 : vector<16xf32>
        %swap3A_2735 = arith.index_cast %scan3A_2509 : i32 to index
        %swap3A_2736 = arith.constant 192 : index
        %swap3A_2737 = tpu.vector_load %arg30[%swap3A_2735, %swap3A_2736] {strides = array<i32>} : memref<32x256xf32, #tpu.memory_space<vmem>>, vector<16xf32>,
        tpu.vector_store %arg30[%swap3A_2735, %swap3A_2736], %add3A_2734 {strides = array<i32>} : memref<32x256xf32, #tpu.memory_space<vmem>>, vector<16xf32>,
        %get3A_2738 = arith.index_cast %scan3A_2509 : i32 to index
        %get3A_2739 = arith.constant 208 : index
        %get3A_2740 = tpu.vector_load %arg27[%get3A_2738, %get3A_2739] {strides = array<i32>} : memref<32x256xf32, #tpu.memory_space<vmem>>, vector<16xf32>,
        %get3A_2741 = arith.index_cast %scan3A_2509 : i32 to index
        %get3A_2742 = arith.constant 208 : index
        %get3A_2743 = tpu.vector_load %arg28[%get3A_2741, %get3A_2742] {strides = array<i32>} : memref<32x256xf32, #tpu.memory_space<vmem>>, vector<16xf32>,
        %get3A_2744 = arith.index_cast %scan3A_2509 : i32 to index
        %get3A_2745 = arith.constant 208 : index
        %get3A_2746 = tpu.vector_load %arg29[%get3A_2744, %get3A_2745] {strides = array<i32>} : memref<32x256xf32, #tpu.memory_space<vmem>>, vector<16xf32>,
        %mul3A_2747 = arith.mulf %gather3A_2514, %get3A_2740 : vector<16xf32>
        %mul3A_2748 = arith.mulf %gather3A_2515, %get3A_2743 : vector<16xf32>
        %add3A_2749 = arith.addf %mul3A_2747, %mul3A_2748 : vector<16xf32>
        %mul3A_2750 = arith.mulf %gather3A_2516, %get3A_2746 : vector<16xf32>
        %add3A_2751 = arith.addf %add3A_2749, %mul3A_2750 : vector<16xf32>
        %swap3A_2752 = arith.index_cast %scan3A_2509 : i32 to index
        %swap3A_2753 = arith.constant 208 : index
        %swap3A_2754 = tpu.vector_load %arg30[%swap3A_2752, %swap3A_2753] {strides = array<i32>} : memref<32x256xf32, #tpu.memory_space<vmem>>, vector<16xf32>,
        tpu.vector_store %arg30[%swap3A_2752, %swap3A_2753], %add3A_2751 {strides = array<i32>} : memref<32x256xf32, #tpu.memory_space<vmem>>, vector<16xf32>,
        %get3A_2755 = arith.index_cast %scan3A_2509 : i32 to index
        %get3A_2756 = arith.constant 224 : index
        %get3A_2757 = tpu.vector_load %arg27[%get3A_2755, %get3A_2756] {strides = array<i32>} : memref<32x256xf32, #tpu.memory_space<vmem>>, vector<16xf32>,
        %get3A_2758 = arith.index_cast %scan3A_2509 : i32 to index
        %get3A_2759 = arith.constant 224 : index
        %get3A_2760 = tpu.vector_load %arg28[%get3A_2758, %get3A_2759] {strides = array<i32>} : memref<32x256xf32, #tpu.memory_space<vmem>>, vector<16xf32>,
        %get3A_2761 = arith.index_cast %scan3A_2509 : i32 to index
        %get3A_2762 = arith.constant 224 : index
        %get3A_2763 = tpu.vector_load %arg29[%get3A_2761, %get3A_2762] {strides = array<i32>} : memref<32x256xf32, #tpu.memory_space<vmem>>, vector<16xf32>,
        %mul3A_2764 = arith.mulf %gather3A_2514, %get3A_2757 : vector<16xf32>
        %mul3A_2765 = arith.mulf %gather3A_2515, %get3A_2760 : vector<16xf32>
        %add3A_2766 = arith.addf %mul3A_2764, %mul3A_2765 : vector<16xf32>
        %mul3A_2767 = arith.mulf %gather3A_2516, %get3A_2763 : vector<16xf32>
        %add3A_2768 = arith.addf %add3A_2766, %mul3A_2767 : vector<16xf32>
        %swap3A_2769 = arith.index_cast %scan3A_2509 : i32 to index
        %swap3A_2770 = arith.constant 224 : index
        %swap3A_2771 = tpu.vector_load %arg30[%swap3A_2769, %swap3A_2770] {strides = array<i32>} : memref<32x256xf32, #tpu.memory_space<vmem>>, vector<16xf32>,
        tpu.vector_store %arg30[%swap3A_2769, %swap3A_2770], %add3A_2768 {strides = array<i32>} : memref<32x256xf32, #tpu.memory_space<vmem>>, vector<16xf32>,
        %get3A_2772 = arith.index_cast %scan3A_2509 : i32 to index
        %get3A_2773 = arith.constant 240 : index
        %get3A_2774 = tpu.vector_load %arg27[%get3A_2772, %get3A_2773] {strides = array<i32>} : memref<32x256xf32, #tpu.memory_space<vmem>>, vector<16xf32>,
        %get3A_2775 = arith.index_cast %scan3A_2509 : i32 to index
        %get3A_2776 = arith.constant 240 : index
        %get3A_2777 = tpu.vector_load %arg28[%get3A_2775, %get3A_2776] {strides = array<i32>} : memref<32x256xf32, #tpu.memory_space<vmem>>, vector<16xf32>,
        %get3A_2778 = arith.index_cast %scan3A_2509 : i32 to index
        %get3A_2779 = arith.constant 240 : index
        %get3A_2780 = tpu.vector_load %arg29[%get3A_2778, %get3A_2779] {strides = array<i32>} : memref<32x256xf32, #tpu.memory_space<vmem>>, vector<16xf32>,
        %mul3A_2781 = arith.mulf %gather3A_2514, %get3A_2774 : vector<16xf32>
        %mul3A_2782 = arith.mulf %gather3A_2515, %get3A_2777 : vector<16xf32>
        %add3A_2783 = arith.addf %mul3A_2781, %mul3A_2782 : vector<16xf32>
        %mul3A_2784 = arith.mulf %gather3A_2516, %get3A_2780 : vector<16xf32>
        %add3A_2785 = arith.addf %add3A_2783, %mul3A_2784 : vector<16xf32>
        %swap3A_2786 = arith.index_cast %scan3A_2509 : i32 to index
        %swap3A_2787 = arith.constant 240 : index
        %swap3A_2788 = tpu.vector_load %arg30[%swap3A_2786, %swap3A_2787] {strides = array<i32>} : memref<32x256xf32, #tpu.memory_space<vmem>>, vector<16xf32>,
        tpu.vector_store %arg30[%swap3A_2786, %swap3A_2787], %add3A_2785 {strides = array<i32>} : memref<32x256xf32, #tpu.memory_space<vmem>>, vector<16xf32>,
      }
      %scan3A_1908 = arith.constant 32 : i32
      %mul3A_1909 = arith.constant 8192 : i32
      %mul3A_1910 = arith.muli %select_n3A, %mul3A_1909 : i32
      %add3A_1911 = arith.addi %mul3A_1910, %mul3A_32 : i32
      %mul3A_1912 = arith.constant 32 : i32
      %mul3A_1913 = arith.muli %add3A_1270, %mul3A_1912 : i32
      %add3A_1914 = arith.addi %add3A_1911, %mul3A_1913 : i32
      %dma_start3A_1915 = arith.constant 0 : i32
      %dma_start3A_1916 = tpu.memref_slice %arg8[%add3A_1914, %dma_start3A_1915] : memref<65536x256xf32, #tpu.memory_space<hbm>> -> memref<32x256xf32, #tpu.memory_space<hbm>>
      %dma_start3A_1917 = arith.constant 0 : i32
      %dma_start3A_1918 = tpu.memref_slice %arg8[%add3A_1914, %dma_start3A_1917] : memref<65536x256xf32, #tpu.memory_space<hbm>> -> memref<32x256xf32, #tpu.memory_space<hbm>>
      tpu.enqueue_dma source(%arg30 : memref<32x256xf32, #tpu.memory_space<vmem>>) target(%dma_start3A_1918 : memref<32x256xf32, #tpu.memory_space<hbm>>) target_semaphore(%arg38 : memref<!tpu.dma_semaphore, #tpu.memory_space<semaphore_mem>>)
      %add3A_1919 = arith.constant 2 : i32
      %add3A_1920 = arith.addi %add3A_1270, %add3A_1919 : i32
      %min3A_1921 = arith.constant 63 : i32
      %min3A_1922 = arith.minsi %add3A_1920, %min3A_1921 : i32
      %mul3A_1923 = arith.constant 32 : i32
      %mul3A_1924 = arith.muli %min3A_1922, %mul3A_1923 : i32
      %add3A_1925 = arith.addi %mul3A_32, %mul3A_1924 : i32
      %add3A_1926 = arith.constant 0 : i32
      %add3A_1927 = arith.addi %add3A_1925, %add3A_1926 : i32
      %add3A_1928 = vector.broadcast %add3A_1927 : i32 to vector<16xi32>
      %add3A_1929 = arith.addi %add3A_1928, %iota3A : vector<16xi32>
      %broadcast_in_dim3A_1930 = arith.constant 0 : i32
      %broadcast_in_dim3A_1931 = vector.broadcast %broadcast_in_dim3A_1930 : i32 to vector<16xi32>
      %add3A_1932 = arith.constant 1023 : i32
      %add3A_1933 = vector.broadcast %add3A_1932 : i32 to vector<16xi32>
      %add3A_1934 = arith.addi %broadcast_in_dim3A_1931, %add3A_1933 : vector<16xi32>
      %gather3A_1935 = tpu.vector_load_idx %arg11[%add3A_1934] : memref<2048xi32, #tpu.memory_space<vmem>>[vector<16xi32>], vector<16xi32>,
      %le3A_1936 = arith.cmpi sle, %gather3A_1935, %add3A_1929 : vector<16xi32>
      %jit3A_1937 = arith.constant 1024 : i32
      %jit3A_1938 = arith.constant 0 : i32
      %broadcast_in_dim3A_1939 = vector.broadcast %jit3A_1937 : i32 to vector<16xi32>
      %broadcast_in_dim3A_1940 = vector.broadcast %jit3A_1938 : i32 to vector<16xi32>
      %select_n3A_1941 = arith.select %le3A_1936, %broadcast_in_dim3A_1939, %broadcast_in_dim3A_1940 : vector<16xi1>, vector<16xi32>
      %add3A_1942 = arith.addi %broadcast_in_dim3A_1931, %select_n3A_1941 : vector<16xi32>
      %add3A_1943 = arith.constant 511 : i32
      %add3A_1944 = vector.broadcast %add3A_1943 : i32 to vector<16xi32>
      %add3A_1945 = arith.addi %add3A_1942, %add3A_1944 : vector<16xi32>
      %gather3A_1946 = tpu.vector_load_idx %arg11[%add3A_1945] : memref<2048xi32, #tpu.memory_space<vmem>>[vector<16xi32>], vector<16xi32>,
      %le3A_1947 = arith.cmpi sle, %gather3A_1946, %add3A_1929 : vector<16xi32>
      %jit3A_1948 = arith.constant 512 : i32
      %jit3A_1949 = arith.constant 0 : i32
      %broadcast_in_dim3A_1950 = vector.broadcast %jit3A_1948 : i32 to vector<16xi32>
      %broadcast_in_dim3A_1951 = vector.broadcast %jit3A_1949 : i32 to vector<16xi32>
      %select_n3A_1952 = arith.select %le3A_1947, %broadcast_in_dim3A_1950, %broadcast_in_dim3A_1951 : vector<16xi1>, vector<16xi32>
      %add3A_1953 = arith.addi %add3A_1942, %select_n3A_1952 : vector<16xi32>
      %add3A_1954 = arith.constant 255 : i32
      %add3A_1955 = vector.broadcast %add3A_1954 : i32 to vector<16xi32>
      %add3A_1956 = arith.addi %add3A_1953, %add3A_1955 : vector<16xi32>
      %gather3A_1957 = tpu.vector_load_idx %arg11[%add3A_1956] : memref<2048xi32, #tpu.memory_space<vmem>>[vector<16xi32>], vector<16xi32>,
      %le3A_1958 = arith.cmpi sle, %gather3A_1957, %add3A_1929 : vector<16xi32>
      %jit3A_1959 = arith.constant 256 : i32
      %jit3A_1960 = arith.constant 0 : i32
      %broadcast_in_dim3A_1961 = vector.broadcast %jit3A_1959 : i32 to vector<16xi32>
      %broadcast_in_dim3A_1962 = vector.broadcast %jit3A_1960 : i32 to vector<16xi32>
      %select_n3A_1963 = arith.select %le3A_1958, %broadcast_in_dim3A_1961, %broadcast_in_dim3A_1962 : vector<16xi1>, vector<16xi32>
      %add3A_1964 = arith.addi %add3A_1953, %select_n3A_1963 : vector<16xi32>
      %add3A_1965 = arith.constant 127 : i32
      %add3A_1966 = vector.broadcast %add3A_1965 : i32 to vector<16xi32>
      %add3A_1967 = arith.addi %add3A_1964, %add3A_1966 : vector<16xi32>
      %gather3A_1968 = tpu.vector_load_idx %arg11[%add3A_1967] : memref<2048xi32, #tpu.memory_space<vmem>>[vector<16xi32>], vector<16xi32>,
      %le3A_1969 = arith.cmpi sle, %gather3A_1968, %add3A_1929 : vector<16xi32>
      %jit3A_1970 = arith.constant 128 : i32
      %jit3A_1971 = arith.constant 0 : i32
      %broadcast_in_dim3A_1972 = vector.broadcast %jit3A_1970 : i32 to vector<16xi32>
      %broadcast_in_dim3A_1973 = vector.broadcast %jit3A_1971 : i32 to vector<16xi32>
      %select_n3A_1974 = arith.select %le3A_1969, %broadcast_in_dim3A_1972, %broadcast_in_dim3A_1973 : vector<16xi1>, vector<16xi32>
      %add3A_1975 = arith.addi %add3A_1964, %select_n3A_1974 : vector<16xi32>
      %add3A_1976 = arith.constant 63 : i32
      %add3A_1977 = vector.broadcast %add3A_1976 : i32 to vector<16xi32>
      %add3A_1978 = arith.addi %add3A_1975, %add3A_1977 : vector<16xi32>
      %gather3A_1979 = tpu.vector_load_idx %arg11[%add3A_1978] : memref<2048xi32, #tpu.memory_space<vmem>>[vector<16xi32>], vector<16xi32>,
      %le3A_1980 = arith.cmpi sle, %gather3A_1979, %add3A_1929 : vector<16xi32>
      %jit3A_1981 = arith.constant 64 : i32
      %jit3A_1982 = arith.constant 0 : i32
      %broadcast_in_dim3A_1983 = vector.broadcast %jit3A_1981 : i32 to vector<16xi32>
      %broadcast_in_dim3A_1984 = vector.broadcast %jit3A_1982 : i32 to vector<16xi32>
      %select_n3A_1985 = arith.select %le3A_1980, %broadcast_in_dim3A_1983, %broadcast_in_dim3A_1984 : vector<16xi1>, vector<16xi32>
      %add3A_1986 = arith.addi %add3A_1975, %select_n3A_1985 : vector<16xi32>
      %add3A_1987 = arith.constant 31 : i32
      %add3A_1988 = vector.broadcast %add3A_1987 : i32 to vector<16xi32>
      %add3A_1989 = arith.addi %add3A_1986, %add3A_1988 : vector<16xi32>
      %gather3A_1990 = tpu.vector_load_idx %arg11[%add3A_1989] : memref<2048xi32, #tpu.memory_space<vmem>>[vector<16xi32>], vector<16xi32>,
      %le3A_1991 = arith.cmpi sle, %gather3A_1990, %add3A_1929 : vector<16xi32>
      %jit3A_1992 = arith.constant 32 : i32
      %jit3A_1993 = arith.constant 0 : i32
      %broadcast_in_dim3A_1994 = vector.broadcast %jit3A_1992 : i32 to vector<16xi32>
      %broadcast_in_dim3A_1995 = vector.broadcast %jit3A_1993 : i32 to vector<16xi32>
      %select_n3A_1996 = arith.select %le3A_1991, %broadcast_in_dim3A_1994, %broadcast_in_dim3A_1995 : vector<16xi1>, vector<16xi32>
      %add3A_1997 = arith.addi %add3A_1986, %select_n3A_1996 : vector<16xi32>
      %add3A_1998 = arith.constant 15 : i32
      %add3A_1999 = vector.broadcast %add3A_1998 : i32 to vector<16xi32>
      %add3A_2000 = arith.addi %add3A_1997, %add3A_1999 : vector<16xi32>
      %gather3A_2001 = tpu.vector_load_idx %arg11[%add3A_2000] : memref<2048xi32, #tpu.memory_space<vmem>>[vector<16xi32>], vector<16xi32>,
      %le3A_2002 = arith.cmpi sle, %gather3A_2001, %add3A_1929 : vector<16xi32>
      %jit3A_2003 = arith.constant 16 : i32
      %jit3A_2004 = arith.constant 0 : i32
      %broadcast_in_dim3A_2005 = vector.broadcast %jit3A_2003 : i32 to vector<16xi32>
      %broadcast_in_dim3A_2006 = vector.broadcast %jit3A_2004 : i32 to vector<16xi32>
      %select_n3A_2007 = arith.select %le3A_2002, %broadcast_in_dim3A_2005, %broadcast_in_dim3A_2006 : vector<16xi1>, vector<16xi32>
      %add3A_2008 = arith.addi %add3A_1997, %select_n3A_2007 : vector<16xi32>
      %add3A_2009 = arith.constant 7 : i32
      %add3A_2010 = vector.broadcast %add3A_2009 : i32 to vector<16xi32>
      %add3A_2011 = arith.addi %add3A_2008, %add3A_2010 : vector<16xi32>
      %gather3A_2012 = tpu.vector_load_idx %arg11[%add3A_2011] : memref<2048xi32, #tpu.memory_space<vmem>>[vector<16xi32>], vector<16xi32>,
      %le3A_2013 = arith.cmpi sle, %gather3A_2012, %add3A_1929 : vector<16xi32>
      %jit3A_2014 = arith.constant 8 : i32
      %jit3A_2015 = arith.constant 0 : i32
      %broadcast_in_dim3A_2016 = vector.broadcast %jit3A_2014 : i32 to vector<16xi32>
      %broadcast_in_dim3A_2017 = vector.broadcast %jit3A_2015 : i32 to vector<16xi32>
      %select_n3A_2018 = arith.select %le3A_2013, %broadcast_in_dim3A_2016, %broadcast_in_dim3A_2017 : vector<16xi1>, vector<16xi32>
      %add3A_2019 = arith.addi %add3A_2008, %select_n3A_2018 : vector<16xi32>
      %add3A_2020 = arith.constant 3 : i32
      %add3A_2021 = vector.broadcast %add3A_2020 : i32 to vector<16xi32>
      %add3A_2022 = arith.addi %add3A_2019, %add3A_2021 : vector<16xi32>
      %gather3A_2023 = tpu.vector_load_idx %arg11[%add3A_2022] : memref<2048xi32, #tpu.memory_space<vmem>>[vector<16xi32>], vector<16xi32>,
      %le3A_2024 = arith.cmpi sle, %gather3A_2023, %add3A_1929 : vector<16xi32>
      %jit3A_2025 = arith.constant 4 : i32
      %jit3A_2026 = arith.constant 0 : i32
      %broadcast_in_dim3A_2027 = vector.broadcast %jit3A_2025 : i32 to vector<16xi32>
      %broadcast_in_dim3A_2028 = vector.broadcast %jit3A_2026 : i32 to vector<16xi32>
      %select_n3A_2029 = arith.select %le3A_2024, %broadcast_in_dim3A_2027, %broadcast_in_dim3A_2028 : vector<16xi1>, vector<16xi32>
      %add3A_2030 = arith.addi %add3A_2019, %select_n3A_2029 : vector<16xi32>
      %add3A_2031 = arith.constant 1 : i32
      %add3A_2032 = vector.broadcast %add3A_2031 : i32 to vector<16xi32>
      %add3A_2033 = arith.addi %add3A_2030, %add3A_2032 : vector<16xi32>
      %gather3A_2034 = tpu.vector_load_idx %arg11[%add3A_2033] : memref<2048xi32, #tpu.memory_space<vmem>>[vector<16xi32>], vector<16xi32>,
      %le3A_2035 = arith.cmpi sle, %gather3A_2034, %add3A_1929 : vector<16xi32>
      %jit3A_2036 = arith.constant 2 : i32
      %jit3A_2037 = arith.constant 0 : i32
      %broadcast_in_dim3A_2038 = vector.broadcast %jit3A_2036 : i32 to vector<16xi32>
      %broadcast_in_dim3A_2039 = vector.broadcast %jit3A_2037 : i32 to vector<16xi32>
      %select_n3A_2040 = arith.select %le3A_2035, %broadcast_in_dim3A_2038, %broadcast_in_dim3A_2039 : vector<16xi1>, vector<16xi32>
      %add3A_2041 = arith.addi %add3A_2030, %select_n3A_2040 : vector<16xi32>
      %add3A_2042 = arith.constant 0 : i32
      %add3A_2043 = vector.broadcast %add3A_2042 : i32 to vector<16xi32>
      %add3A_2044 = arith.addi %add3A_2041, %add3A_2043 : vector<16xi32>
      %gather3A_2045 = tpu.vector_load_idx %arg11[%add3A_2044] : memref<2048xi32, #tpu.memory_space<vmem>>[vector<16xi32>], vector<16xi32>,
      %le3A_2046 = arith.cmpi sle, %gather3A_2045, %add3A_1929 : vector<16xi32>
      %jit3A_2047 = arith.constant 1 : i32
      %jit3A_2048 = arith.constant 0 : i32
      %broadcast_in_dim3A_2049 = vector.broadcast %jit3A_2047 : i32 to vector<16xi32>
      %broadcast_in_dim3A_2050 = vector.broadcast %jit3A_2048 : i32 to vector<16xi32>
      %select_n3A_2051 = arith.select %le3A_2046, %broadcast_in_dim3A_2049, %broadcast_in_dim3A_2050 : vector<16xi1>, vector<16xi32>
      %add3A_2052 = arith.addi %add3A_2041, %select_n3A_2051 : vector<16xi32>
      %sub3A_2053 = arith.constant 1 : i32
      %sub3A_2054 = vector.broadcast %sub3A_2053 : i32 to vector<16xi32>
      %sub3A_2055 = arith.subi %add3A_2052, %sub3A_2054 : vector<16xi32>
      %max3A_2056 = arith.constant 0 : i32
      %max3A_2057 = vector.broadcast %max3A_2056 : i32 to vector<16xi32>
      %max3A_2058 = arith.maxsi %sub3A_2055, %max3A_2057 : vector<16xi32>
      %gather3A_2059 = tpu.vector_load_idx %arg11[%max3A_2058] : memref<2048xi32, #tpu.memory_space<vmem>>[vector<16xi32>], vector<16xi32>,
      %ge3A_2060 = arith.constant 1 : i32
      %ge3A_2061 = vector.broadcast %ge3A_2060 : i32 to vector<16xi32>
      %ge3A_2062 = arith.cmpi sge, %add3A_2052, %ge3A_2061 : vector<16xi32>
      %jit3A_2063 = arith.constant 0 : i32
      %broadcast_in_dim3A_2064 = vector.broadcast %jit3A_2063 : i32 to vector<16xi32>
      %select_n3A_2065 = arith.select %ge3A_2062, %gather3A_2059, %broadcast_in_dim3A_2064 : vector<16xi1>, vector<16xi32>
      %gather3A_2066 = tpu.vector_load_idx %arg11[%add3A_2052] : memref<2048xi32, #tpu.memory_space<vmem>>[vector<16xi32>], vector<16xi32>,
      %sub3A_2067 = arith.subi %gather3A_2066, %select_n3A_2065 : vector<16xi32>
      %sub3A_2068 = arith.subi %add3A_1929, %select_n3A_2065 : vector<16xi32>
      %gather3A_2069 = tpu.vector_load_idx %arg12[%add3A_2052] : memref<2048xi32, #tpu.memory_space<vmem>>[vector<16xi32>], vector<16xi32>,
      %convert_element_type3A_2070 = arith.sitofp %sub3A_2068 : vector<16xi32> to vector<16xf32>
      %jit3A_2071 = arith.constant 2 : i32
      %div3A_2072 = vector.broadcast %jit3A_2071 : i32 to vector<16xi32>
      %div3A_2073 = arith.divsi %sub3A_2067, %div3A_2072 : vector<16xi32>
      %sign3A_2074 = arith.constant 0 : i32
      %sign3A_2075 = vector.broadcast %sign3A_2074 : i32 to vector<16xi32>
      %sign3A_2076 = arith.cmpi sgt, %sub3A_2067, %sign3A_2075 : vector<16xi32>
      %sign3A_2077 = arith.extui %sign3A_2076 : vector<16xi1> to vector<16xi32>
      %sign3A_2078 = arith.constant 0 : i32
      %sign3A_2079 = vector.broadcast %sign3A_2078 : i32 to vector<16xi32>
      %sign3A_2080 = arith.cmpi slt, %sub3A_2067, %sign3A_2079 : vector<16xi32>
      %sign3A_2081 = arith.extui %sign3A_2080 : vector<16xi1> to vector<16xi32>
      %sign3A_2082 = arith.subi %sign3A_2077, %sign3A_2081 : vector<16xi32>
      %sign3A_2083 = arith.constant 0 : i32
      %sign3A_2084 = arith.cmpi sgt, %jit3A_2071, %sign3A_2083 : i32
      %sign3A_2085 = arith.extui %sign3A_2084 : i1 to i32
      %sign3A_2086 = arith.constant 0 : i32
      %sign3A_2087 = arith.cmpi slt, %jit3A_2071, %sign3A_2086 : i32
      %sign3A_2088 = arith.extui %sign3A_2087 : i1 to i32
      %sign3A_2089 = arith.subi %sign3A_2085, %sign3A_2088 : i32
      %ne3A_2090 = vector.broadcast %sign3A_2089 : i32 to vector<16xi32>
      %ne3A_2091 = arith.cmpi ne, %sign3A_2082, %ne3A_2090 : vector<16xi32>
      %rem3A_2092 = vector.broadcast %jit3A_2071 : i32 to vector<16xi32>
      %rem3A_2093 = arith.remsi %sub3A_2067, %rem3A_2092 : vector<16xi32>
      %ne3A_2094 = arith.constant 0 : i32
      %ne3A_2095 = vector.broadcast %ne3A_2094 : i32 to vector<16xi32>
      %ne3A_2096 = arith.cmpi ne, %rem3A_2093, %ne3A_2095 : vector<16xi32>
      %and3A_2097 = arith.andi %ne3A_2091, %ne3A_2096 : vector<16xi1>
      %sub3A_2098 = arith.constant 1 : i32
      %sub3A_2099 = vector.broadcast %sub3A_2098 : i32 to vector<16xi32>
      %sub3A_2100 = arith.subi %div3A_2073, %sub3A_2099 : vector<16xi32>
      %select_n3A_2101 = arith.select %and3A_2097, %sub3A_2100, %div3A_2073 : vector<16xi1>, vector<16xi32>
      %sub3A_2102 = arith.subi %sub3A_2067, %select_n3A_2101 : vector<16xi32>
      %broadcast_in_dim3A_2103 = arith.constant 1.000000e+00 : f32
      %broadcast_in_dim3A_2104 = vector.broadcast %broadcast_in_dim3A_2103 : f32 to vector<16xf32>
      %broadcast_in_dim3A_2105 = arith.constant 0.000000e+00 : f32
      %broadcast_in_dim3A_2106 = vector.broadcast %broadcast_in_dim3A_2105 : f32 to vector<16xf32>
      %sub3A_2107 = arith.constant 1 : i32
      %sub3A_2108 = vector.broadcast %sub3A_2107 : i32 to vector<16xi32>
      %sub3A_2109 = arith.subi %select_n3A_2101, %sub3A_2108 : vector<16xi32>
      %max3A_2110 = arith.constant 1 : i32
      %max3A_2111 = vector.broadcast %max3A_2110 : i32 to vector<16xi32>
      %max3A_2112 = arith.maxsi %sub3A_2109, %max3A_2111 : vector<16xi32>
      %convert_element_type3A_2113 = arith.sitofp %max3A_2112 : vector<16xi32> to vector<16xf32>
      %div3A_2114 = arith.divf %convert_element_type3A_2070, %convert_element_type3A_2113 : vector<16xf32>
      %convert_element_type3A_2115 = arith.sitofp %select_n3A_2101 : vector<16xi32> to vector<16xf32>
      %sub3A_2116 = arith.subf %convert_element_type3A_2070, %convert_element_type3A_2115 : vector<16xf32>
      %sub3A_2117 = arith.constant 1 : i32
      %sub3A_2118 = vector.broadcast %sub3A_2117 : i32 to vector<16xi32>
      %sub3A_2119 = arith.subi %sub3A_2102, %sub3A_2118 : vector<16xi32>
      %max3A_2120 = arith.constant 1 : i32
      %max3A_2121 = vector.broadcast %max3A_2120 : i32 to vector<16xi32>
      %max3A_2122 = arith.maxsi %sub3A_2119, %max3A_2121 : vector<16xi32>
      %convert_element_type3A_2123 = arith.sitofp %max3A_2122 : vector<16xi32> to vector<16xf32>
      %div3A_2124 = arith.divf %sub3A_2116, %convert_element_type3A_2123 : vector<16xf32>
      %lt3A_2125 = arith.cmpi slt, %sub3A_2068, %select_n3A_2101 : vector<16xi32>
      %sub3A_2126 = arith.constant 1.000000e+00 : f32
      %sub3A_2127 = vector.broadcast %sub3A_2126 : f32 to vector<16xf32>
      %sub3A_2128 = arith.subf %sub3A_2127, %div3A_2114 : vector<16xf32>
      %select_n3A_2129 = arith.select %lt3A_2125, %sub3A_2128, %broadcast_in_dim3A_2106 : vector<16xi1>, vector<16xf32>
      %sub3A_2130 = arith.constant 1.000000e+00 : f32
      %sub3A_2131 = vector.broadcast %sub3A_2130 : f32 to vector<16xf32>
      %sub3A_2132 = arith.subf %sub3A_2131, %div3A_2124 : vector<16xf32>
      %select_n3A_2133 = arith.select %lt3A_2125, %div3A_2114, %sub3A_2132 : vector<16xi1>, vector<16xf32>
      %select_n3A_2134 = arith.select %lt3A_2125, %broadcast_in_dim3A_2106, %div3A_2124 : vector<16xi1>, vector<16xf32>
      %eq3A_2135 = arith.constant 0 : i32
      %eq3A_2136 = vector.broadcast %eq3A_2135 : i32 to vector<16xi32>
      %eq3A_2137 = arith.cmpi eq, %sub3A_2068, %eq3A_2136 : vector<16xi32>
      %sub3A_2138 = arith.constant 1 : i32
      %sub3A_2139 = vector.broadcast %sub3A_2138 : i32 to vector<16xi32>
      %sub3A_2140 = arith.subi %sub3A_2067, %sub3A_2139 : vector<16xi32>
      %eq3A_2141 = arith.cmpi eq, %sub3A_2068, %sub3A_2140 : vector<16xi32>
      %select_n3A_2142 = arith.select %eq3A_2137, %broadcast_in_dim3A_2104, %broadcast_in_dim3A_2106 : vector<16xi1>, vector<16xf32>
      %not3A_2143 = arith.constant dense<true> : vector<16xi1>
      %not3A_2144 = arith.xori %eq3A_2137, %not3A_2143 : vector<16xi1>
      %and3A_2145 = arith.andi %eq3A_2141, %not3A_2144 : vector<16xi1>
      %select_n3A_2146 = arith.select %and3A_2145, %broadcast_in_dim3A_2104, %broadcast_in_dim3A_2106 : vector<16xi1>, vector<16xf32>
      %not3A_2147 = arith.constant dense<true> : vector<16xi1>
      %not3A_2148 = arith.xori %eq3A_2137, %not3A_2147 : vector<16xi1>
      %not3A_2149 = arith.constant dense<true> : vector<16xi1>
      %not3A_2150 = arith.xori %eq3A_2141, %not3A_2149 : vector<16xi1>
      %and3A_2151 = arith.andi %not3A_2148, %not3A_2150 : vector<16xi1>
      %select_n3A_2152 = arith.select %and3A_2151, %broadcast_in_dim3A_2104, %broadcast_in_dim3A_2106 : vector<16xi1>, vector<16xf32>
      %eq3A_2153 = arith.constant 0 : i32
      %eq3A_2154 = vector.broadcast %eq3A_2153 : i32 to vector<16xi32>
      %eq3A_2155 = arith.cmpi eq, %gather3A_2069, %eq3A_2154 : vector<16xi32>
      %select_n3A_2156 = arith.select %eq3A_2155, %select_n3A_2142, %select_n3A_2129 : vector<16xi1>, vector<16xf32>
      %select_n3A_2157 = arith.select %eq3A_2155, %select_n3A_2152, %select_n3A_2133 : vector<16xi1>, vector<16xf32>
      %select_n3A_2158 = arith.select %eq3A_2155, %select_n3A_2146, %select_n3A_2134 : vector<16xi1>, vector<16xf32>
      %eq3A_2159 = arith.constant 1 : i32
      %eq3A_2160 = vector.broadcast %eq3A_2159 : i32 to vector<16xi32>
      %eq3A_2161 = arith.cmpi eq, %sub3A_2067, %eq3A_2160 : vector<16xi32>
      %eq3A_2162 = arith.constant 2 : i32
      %eq3A_2163 = vector.broadcast %eq3A_2162 : i32 to vector<16xi32>
      %eq3A_2164 = arith.cmpi eq, %sub3A_2067, %eq3A_2163 : vector<16xi32>
      %eq3A_2165 = arith.constant 3 : i32
      %eq3A_2166 = vector.broadcast %eq3A_2165 : i32 to vector<16xi32>
      %eq3A_2167 = arith.cmpi eq, %sub3A_2067, %eq3A_2166 : vector<16xi32>
      %select_n3A_2168 = arith.select %eq3A_2137, %broadcast_in_dim3A_2104, %broadcast_in_dim3A_2106 : vector<16xi1>, vector<16xf32>
      %select_n3A_2169 = arith.select %eq3A_2137, %broadcast_in_dim3A_2104, %broadcast_in_dim3A_2106 : vector<16xi1>, vector<16xf32>
      %select_n3A_2170 = arith.select %eq3A_2167, %select_n3A_2169, %select_n3A_2156 : vector<16xi1>, vector<16xf32>
      %select_n3A_2171 = arith.select %eq3A_2164, %select_n3A_2168, %select_n3A_2170 : vector<16xi1>, vector<16xf32>
      %select_n3A_2172 = arith.select %eq3A_2161, %broadcast_in_dim3A_2106, %select_n3A_2171 : vector<16xi1>, vector<16xf32>
      %eq3A_2173 = arith.constant 1 : i32
      %eq3A_2174 = vector.broadcast %eq3A_2173 : i32 to vector<16xi32>
      %eq3A_2175 = arith.cmpi eq, %sub3A_2068, %eq3A_2174 : vector<16xi32>
      %select_n3A_2176 = arith.select %eq3A_2175, %broadcast_in_dim3A_2104, %broadcast_in_dim3A_2106 : vector<16xi1>, vector<16xf32>
      %select_n3A_2177 = arith.select %eq3A_2167, %select_n3A_2176, %select_n3A_2157 : vector<16xi1>, vector<16xf32>
      %select_n3A_2178 = arith.select %eq3A_2164, %broadcast_in_dim3A_2106, %select_n3A_2177 : vector<16xi1>, vector<16xf32>
      %select_n3A_2179 = arith.select %eq3A_2161, %broadcast_in_dim3A_2104, %select_n3A_2178 : vector<16xi1>, vector<16xf32>
      %not3A_2180 = arith.constant dense<true> : vector<16xi1>
      %not3A_2181 = arith.xori %eq3A_2137, %not3A_2180 : vector<16xi1>
      %select_n3A_2182 = arith.select %not3A_2181, %broadcast_in_dim3A_2104, %broadcast_in_dim3A_2106 : vector<16xi1>, vector<16xf32>
      %ge3A_2183 = arith.constant 2 : i32
      %ge3A_2184 = vector.broadcast %ge3A_2183 : i32 to vector<16xi32>
      %ge3A_2185 = arith.cmpi sge, %sub3A_2068, %ge3A_2184 : vector<16xi32>
      %select_n3A_2186 = arith.select %ge3A_2185, %broadcast_in_dim3A_2104, %broadcast_in_dim3A_2106 : vector<16xi1>, vector<16xf32>
      %select_n3A_2187 = arith.select %eq3A_2167, %select_n3A_2186, %select_n3A_2158 : vector<16xi1>, vector<16xf32>
      %select_n3A_2188 = arith.select %eq3A_2164, %select_n3A_2182, %select_n3A_2187 : vector<16xi1>, vector<16xf32>
      %select_n3A_2189 = arith.select %eq3A_2161, %broadcast_in_dim3A_2106, %select_n3A_2188 : vector<16xi1>, vector<16xf32>
      %lt3A_2190 = arith.cmpi slt, %add3A_1929, %min3A : vector<16xi32>
      %select_n3A_2191 = arith.select %lt3A_2190, %select_n3A_2172, %broadcast_in_dim3A_2106 : vector<16xi1>, vector<16xf32>
      %select_n3A_2192 = arith.select %lt3A_2190, %select_n3A_2179, %broadcast_in_dim3A_2106 : vector<16xi1>, vector<16xf32>
      %select_n3A_2193 = arith.select %lt3A_2190, %select_n3A_2189, %broadcast_in_dim3A_2106 : vector<16xi1>, vector<16xf32>
      %mul3A_2194 = arith.constant 2048 : i32
      %mul3A_2195 = arith.muli %select_n3A, %mul3A_2194 : i32
      %add3A_2196 = vector.broadcast %mul3A_2195 : i32 to vector<16xi32>
      %add3A_2197 = arith.addi %add3A_2196, %add3A_2052 : vector<16xi32>
      %swap3A_2198 = arith.constant 0 : index
      %swap3A_2199 = tpu.vector_load %arg23[%swap3A_2198] {strides = array<i32>} : memref<32xi32, #tpu.memory_space<vmem>>, vector<16xi32>,
      tpu.vector_store %arg23[%swap3A_2198], %add3A_2197 {strides = array<i32>} : memref<32xi32, #tpu.memory_space<vmem>>, vector<16xi32>,
      %swap3A_2200 = arith.constant 0 : index
      %swap3A_2201 = tpu.vector_load %arg24[%swap3A_2200] {strides = array<i32>} : memref<32xf32, #tpu.memory_space<vmem>>, vector<16xf32>,
      tpu.vector_store %arg24[%swap3A_2200], %select_n3A_2191 {strides = array<i32>} : memref<32xf32, #tpu.memory_space<vmem>>, vector<16xf32>,
      %swap3A_2202 = arith.constant 0 : index
      %swap3A_2203 = tpu.vector_load %arg25[%swap3A_2202] {strides = array<i32>} : memref<32xf32, #tpu.memory_space<vmem>>, vector<16xf32>,
      tpu.vector_store %arg25[%swap3A_2202], %select_n3A_2192 {strides = array<i32>} : memref<32xf32, #tpu.memory_space<vmem>>, vector<16xf32>,
      %swap3A_2204 = arith.constant 0 : index
      %swap3A_2205 = tpu.vector_load %arg26[%swap3A_2204] {strides = array<i32>} : memref<32xf32, #tpu.memory_space<vmem>>, vector<16xf32>,
      tpu.vector_store %arg26[%swap3A_2204], %select_n3A_2193 {strides = array<i32>} : memref<32xf32, #tpu.memory_space<vmem>>, vector<16xf32>,
      %convert_element_type3A_2206 = arith.extui %lt3A_2190 : vector<16xi1> to vector<16xi32>
      %mul3A_2207 = arith.constant 32 : i32
      %mul3A_2208 = arith.muli %min3A_1922, %mul3A_2207 : i32
      %add3A_2209 = arith.constant 0 : i32
      %add3A_2210 = arith.addi %mul3A_2208, %add3A_2209 : i32
      %swap3A_2211 = arith.index_cast %add3A_2210 : i32 to index
      %swap3A_2212 = tpu.vector_load %arg14[%swap3A_2211] {strides = array<i32>} : memref<2048xi32, #tpu.memory_space<vmem>>, vector<16xi32>,
      tpu.vector_store %arg14[%swap3A_2211], %convert_element_type3A_2206 {strides = array<i32>} : memref<2048xi32, #tpu.memory_space<vmem>>, vector<16xi32>,
      %add3A_2213 = arith.constant 16 : i32
      %add3A_2214 = arith.addi %add3A_1925, %add3A_2213 : i32
      %add3A_2215 = vector.broadcast %add3A_2214 : i32 to vector<16xi32>
      %add3A_2216 = arith.addi %add3A_2215, %iota3A : vector<16xi32>
      %broadcast_in_dim3A_2217 = arith.constant 0 : i32
      %broadcast_in_dim3A_2218 = vector.broadcast %broadcast_in_dim3A_2217 : i32 to vector<16xi32>
      %add3A_2219 = arith.constant 1023 : i32
      %add3A_2220 = vector.broadcast %add3A_2219 : i32 to vector<16xi32>
      %add3A_2221 = arith.addi %broadcast_in_dim3A_2218, %add3A_2220 : vector<16xi32>
      %gather3A_2222 = tpu.vector_load_idx %arg11[%add3A_2221] : memref<2048xi32, #tpu.memory_space<vmem>>[vector<16xi32>], vector<16xi32>,
      %le3A_2223 = arith.cmpi sle, %gather3A_2222, %add3A_2216 : vector<16xi32>
      %jit3A_2224 = arith.constant 1024 : i32
      %jit3A_2225 = arith.constant 0 : i32
      %broadcast_in_dim3A_2226 = vector.broadcast %jit3A_2224 : i32 to vector<16xi32>
      %broadcast_in_dim3A_2227 = vector.broadcast %jit3A_2225 : i32 to vector<16xi32>
      %select_n3A_2228 = arith.select %le3A_2223, %broadcast_in_dim3A_2226, %broadcast_in_dim3A_2227 : vector<16xi1>, vector<16xi32>
      %add3A_2229 = arith.addi %broadcast_in_dim3A_2218, %select_n3A_2228 : vector<16xi32>
      %add3A_2230 = arith.constant 511 : i32
      %add3A_2231 = vector.broadcast %add3A_2230 : i32 to vector<16xi32>
      %add3A_2232 = arith.addi %add3A_2229, %add3A_2231 : vector<16xi32>
      %gather3A_2233 = tpu.vector_load_idx %arg11[%add3A_2232] : memref<2048xi32, #tpu.memory_space<vmem>>[vector<16xi32>], vector<16xi32>,
      %le3A_2234 = arith.cmpi sle, %gather3A_2233, %add3A_2216 : vector<16xi32>
      %jit3A_2235 = arith.constant 512 : i32
      %jit3A_2236 = arith.constant 0 : i32
      %broadcast_in_dim3A_2237 = vector.broadcast %jit3A_2235 : i32 to vector<16xi32>
      %broadcast_in_dim3A_2238 = vector.broadcast %jit3A_2236 : i32 to vector<16xi32>
      %select_n3A_2239 = arith.select %le3A_2234, %broadcast_in_dim3A_2237, %broadcast_in_dim3A_2238 : vector<16xi1>, vector<16xi32>
      %add3A_2240 = arith.addi %add3A_2229, %select_n3A_2239 : vector<16xi32>
      %add3A_2241 = arith.constant 255 : i32
      %add3A_2242 = vector.broadcast %add3A_2241 : i32 to vector<16xi32>
      %add3A_2243 = arith.addi %add3A_2240, %add3A_2242 : vector<16xi32>
      %gather3A_2244 = tpu.vector_load_idx %arg11[%add3A_2243] : memref<2048xi32, #tpu.memory_space<vmem>>[vector<16xi32>], vector<16xi32>,
      %le3A_2245 = arith.cmpi sle, %gather3A_2244, %add3A_2216 : vector<16xi32>
      %jit3A_2246 = arith.constant 256 : i32
      %jit3A_2247 = arith.constant 0 : i32
      %broadcast_in_dim3A_2248 = vector.broadcast %jit3A_2246 : i32 to vector<16xi32>
      %broadcast_in_dim3A_2249 = vector.broadcast %jit3A_2247 : i32 to vector<16xi32>
      %select_n3A_2250 = arith.select %le3A_2245, %broadcast_in_dim3A_2248, %broadcast_in_dim3A_2249 : vector<16xi1>, vector<16xi32>
      %add3A_2251 = arith.addi %add3A_2240, %select_n3A_2250 : vector<16xi32>
      %add3A_2252 = arith.constant 127 : i32
      %add3A_2253 = vector.broadcast %add3A_2252 : i32 to vector<16xi32>
      %add3A_2254 = arith.addi %add3A_2251, %add3A_2253 : vector<16xi32>
      %gather3A_2255 = tpu.vector_load_idx %arg11[%add3A_2254] : memref<2048xi32, #tpu.memory_space<vmem>>[vector<16xi32>], vector<16xi32>,
      %le3A_2256 = arith.cmpi sle, %gather3A_2255, %add3A_2216 : vector<16xi32>
      %jit3A_2257 = arith.constant 128 : i32
      %jit3A_2258 = arith.constant 0 : i32
      %broadcast_in_dim3A_2259 = vector.broadcast %jit3A_2257 : i32 to vector<16xi32>
      %broadcast_in_dim3A_2260 = vector.broadcast %jit3A_2258 : i32 to vector<16xi32>
      %select_n3A_2261 = arith.select %le3A_2256, %broadcast_in_dim3A_2259, %broadcast_in_dim3A_2260 : vector<16xi1>, vector<16xi32>
      %add3A_2262 = arith.addi %add3A_2251, %select_n3A_2261 : vector<16xi32>
      %add3A_2263 = arith.constant 63 : i32
      %add3A_2264 = vector.broadcast %add3A_2263 : i32 to vector<16xi32>
      %add3A_2265 = arith.addi %add3A_2262, %add3A_2264 : vector<16xi32>
      %gather3A_2266 = tpu.vector_load_idx %arg11[%add3A_2265] : memref<2048xi32, #tpu.memory_space<vmem>>[vector<16xi32>], vector<16xi32>,
      %le3A_2267 = arith.cmpi sle, %gather3A_2266, %add3A_2216 : vector<16xi32>
      %jit3A_2268 = arith.constant 64 : i32
      %jit3A_2269 = arith.constant 0 : i32
      %broadcast_in_dim3A_2270 = vector.broadcast %jit3A_2268 : i32 to vector<16xi32>
      %broadcast_in_dim3A_2271 = vector.broadcast %jit3A_2269 : i32 to vector<16xi32>
      %select_n3A_2272 = arith.select %le3A_2267, %broadcast_in_dim3A_2270, %broadcast_in_dim3A_2271 : vector<16xi1>, vector<16xi32>
      %add3A_2273 = arith.addi %add3A_2262, %select_n3A_2272 : vector<16xi32>
      %add3A_2274 = arith.constant 31 : i32
      %add3A_2275 = vector.broadcast %add3A_2274 : i32 to vector<16xi32>
      %add3A_2276 = arith.addi %add3A_2273, %add3A_2275 : vector<16xi32>
      %gather3A_2277 = tpu.vector_load_idx %arg11[%add3A_2276] : memref<2048xi32, #tpu.memory_space<vmem>>[vector<16xi32>], vector<16xi32>,
      %le3A_2278 = arith.cmpi sle, %gather3A_2277, %add3A_2216 : vector<16xi32>
      %jit3A_2279 = arith.constant 32 : i32
      %jit3A_2280 = arith.constant 0 : i32
      %broadcast_in_dim3A_2281 = vector.broadcast %jit3A_2279 : i32 to vector<16xi32>
      %broadcast_in_dim3A_2282 = vector.broadcast %jit3A_2280 : i32 to vector<16xi32>
      %select_n3A_2283 = arith.select %le3A_2278, %broadcast_in_dim3A_2281, %broadcast_in_dim3A_2282 : vector<16xi1>, vector<16xi32>
      %add3A_2284 = arith.addi %add3A_2273, %select_n3A_2283 : vector<16xi32>
      %add3A_2285 = arith.constant 15 : i32
      %add3A_2286 = vector.broadcast %add3A_2285 : i32 to vector<16xi32>
      %add3A_2287 = arith.addi %add3A_2284, %add3A_2286 : vector<16xi32>
      %gather3A_2288 = tpu.vector_load_idx %arg11[%add3A_2287] : memref<2048xi32, #tpu.memory_space<vmem>>[vector<16xi32>], vector<16xi32>,
      %le3A_2289 = arith.cmpi sle, %gather3A_2288, %add3A_2216 : vector<16xi32>
      %jit3A_2290 = arith.constant 16 : i32
      %jit3A_2291 = arith.constant 0 : i32
      %broadcast_in_dim3A_2292 = vector.broadcast %jit3A_2290 : i32 to vector<16xi32>
      %broadcast_in_dim3A_2293 = vector.broadcast %jit3A_2291 : i32 to vector<16xi32>
      %select_n3A_2294 = arith.select %le3A_2289, %broadcast_in_dim3A_2292, %broadcast_in_dim3A_2293 : vector<16xi1>, vector<16xi32>
      %add3A_2295 = arith.addi %add3A_2284, %select_n3A_2294 : vector<16xi32>
      %add3A_2296 = arith.constant 7 : i32
      %add3A_2297 = vector.broadcast %add3A_2296 : i32 to vector<16xi32>
      %add3A_2298 = arith.addi %add3A_2295, %add3A_2297 : vector<16xi32>
      %gather3A_2299 = tpu.vector_load_idx %arg11[%add3A_2298] : memref<2048xi32, #tpu.memory_space<vmem>>[vector<16xi32>], vector<16xi32>,
      %le3A_2300 = arith.cmpi sle, %gather3A_2299, %add3A_2216 : vector<16xi32>
      %jit3A_2301 = arith.constant 8 : i32
      %jit3A_2302 = arith.constant 0 : i32
      %broadcast_in_dim3A_2303 = vector.broadcast %jit3A_2301 : i32 to vector<16xi32>
      %broadcast_in_dim3A_2304 = vector.broadcast %jit3A_2302 : i32 to vector<16xi32>
      %select_n3A_2305 = arith.select %le3A_2300, %broadcast_in_dim3A_2303, %broadcast_in_dim3A_2304 : vector<16xi1>, vector<16xi32>
      %add3A_2306 = arith.addi %add3A_2295, %select_n3A_2305 : vector<16xi32>
      %add3A_2307 = arith.constant 3 : i32
      %add3A_2308 = vector.broadcast %add3A_2307 : i32 to vector<16xi32>
      %add3A_2309 = arith.addi %add3A_2306, %add3A_2308 : vector<16xi32>
      %gather3A_2310 = tpu.vector_load_idx %arg11[%add3A_2309] : memref<2048xi32, #tpu.memory_space<vmem>>[vector<16xi32>], vector<16xi32>,
      %le3A_2311 = arith.cmpi sle, %gather3A_2310, %add3A_2216 : vector<16xi32>
      %jit3A_2312 = arith.constant 4 : i32
      %jit3A_2313 = arith.constant 0 : i32
      %broadcast_in_dim3A_2314 = vector.broadcast %jit3A_2312 : i32 to vector<16xi32>
      %broadcast_in_dim3A_2315 = vector.broadcast %jit3A_2313 : i32 to vector<16xi32>
      %select_n3A_2316 = arith.select %le3A_2311, %broadcast_in_dim3A_2314, %broadcast_in_dim3A_2315 : vector<16xi1>, vector<16xi32>
      %add3A_2317 = arith.addi %add3A_2306, %select_n3A_2316 : vector<16xi32>
      %add3A_2318 = arith.constant 1 : i32
      %add3A_2319 = vector.broadcast %add3A_2318 : i32 to vector<16xi32>
      %add3A_2320 = arith.addi %add3A_2317, %add3A_2319 : vector<16xi32>
      %gather3A_2321 = tpu.vector_load_idx %arg11[%add3A_2320] : memref<2048xi32, #tpu.memory_space<vmem>>[vector<16xi32>], vector<16xi32>,
      %le3A_2322 = arith.cmpi sle, %gather3A_2321, %add3A_2216 : vector<16xi32>
      %jit3A_2323 = arith.constant 2 : i32
      %jit3A_2324 = arith.constant 0 : i32
      %broadcast_in_dim3A_2325 = vector.broadcast %jit3A_2323 : i32 to vector<16xi32>
      %broadcast_in_dim3A_2326 = vector.broadcast %jit3A_2324 : i32 to vector<16xi32>
      %select_n3A_2327 = arith.select %le3A_2322, %broadcast_in_dim3A_2325, %broadcast_in_dim3A_2326 : vector<16xi1>, vector<16xi32>
      %add3A_2328 = arith.addi %add3A_2317, %select_n3A_2327 : vector<16xi32>
      %add3A_2329 = arith.constant 0 : i32
      %add3A_2330 = vector.broadcast %add3A_2329 : i32 to vector<16xi32>
      %add3A_2331 = arith.addi %add3A_2328, %add3A_2330 : vector<16xi32>
      %gather3A_2332 = tpu.vector_load_idx %arg11[%add3A_2331] : memref<2048xi32, #tpu.memory_space<vmem>>[vector<16xi32>], vector<16xi32>,
      %le3A_2333 = arith.cmpi sle, %gather3A_2332, %add3A_2216 : vector<16xi32>
      %jit3A_2334 = arith.constant 1 : i32
      %jit3A_2335 = arith.constant 0 : i32
      %broadcast_in_dim3A_2336 = vector.broadcast %jit3A_2334 : i32 to vector<16xi32>
      %broadcast_in_dim3A_2337 = vector.broadcast %jit3A_2335 : i32 to vector<16xi32>
      %select_n3A_2338 = arith.select %le3A_2333, %broadcast_in_dim3A_2336, %broadcast_in_dim3A_2337 : vector<16xi1>, vector<16xi32>
      %add3A_2339 = arith.addi %add3A_2328, %select_n3A_2338 : vector<16xi32>
      %sub3A_2340 = arith.constant 1 : i32
      %sub3A_2341 = vector.broadcast %sub3A_2340 : i32 to vector<16xi32>
      %sub3A_2342 = arith.subi %add3A_2339, %sub3A_2341 : vector<16xi32>
      %max3A_2343 = arith.constant 0 : i32
      %max3A_2344 = vector.broadcast %max3A_2343 : i32 to vector<16xi32>
      %max3A_2345 = arith.maxsi %sub3A_2342, %max3A_2344 : vector<16xi32>
      %gather3A_2346 = tpu.vector_load_idx %arg11[%max3A_2345] : memref<2048xi32, #tpu.memory_space<vmem>>[vector<16xi32>], vector<16xi32>,
      %ge3A_2347 = arith.constant 1 : i32
      %ge3A_2348 = vector.broadcast %ge3A_2347 : i32 to vector<16xi32>
      %ge3A_2349 = arith.cmpi sge, %add3A_2339, %ge3A_2348 : vector<16xi32>
      %jit3A_2350 = arith.constant 0 : i32
      %broadcast_in_dim3A_2351 = vector.broadcast %jit3A_2350 : i32 to vector<16xi32>
      %select_n3A_2352 = arith.select %ge3A_2349, %gather3A_2346, %broadcast_in_dim3A_2351 : vector<16xi1>, vector<16xi32>
      %gather3A_2353 = tpu.vector_load_idx %arg11[%add3A_2339] : memref<2048xi32, #tpu.memory_space<vmem>>[vector<16xi32>], vector<16xi32>,
      %sub3A_2354 = arith.subi %gather3A_2353, %select_n3A_2352 : vector<16xi32>
      %sub3A_2355 = arith.subi %add3A_2216, %select_n3A_2352 : vector<16xi32>
      %gather3A_2356 = tpu.vector_load_idx %arg12[%add3A_2339] : memref<2048xi32, #tpu.memory_space<vmem>>[vector<16xi32>], vector<16xi32>,
      %convert_element_type3A_2357 = arith.sitofp %sub3A_2355 : vector<16xi32> to vector<16xf32>
      %jit3A_2358 = arith.constant 2 : i32
      %div3A_2359 = vector.broadcast %jit3A_2358 : i32 to vector<16xi32>
      %div3A_2360 = arith.divsi %sub3A_2354, %div3A_2359 : vector<16xi32>
      %sign3A_2361 = arith.constant 0 : i32
      %sign3A_2362 = vector.broadcast %sign3A_2361 : i32 to vector<16xi32>
      %sign3A_2363 = arith.cmpi sgt, %sub3A_2354, %sign3A_2362 : vector<16xi32>
      %sign3A_2364 = arith.extui %sign3A_2363 : vector<16xi1> to vector<16xi32>
      %sign3A_2365 = arith.constant 0 : i32
      %sign3A_2366 = vector.broadcast %sign3A_2365 : i32 to vector<16xi32>
      %sign3A_2367 = arith.cmpi slt, %sub3A_2354, %sign3A_2366 : vector<16xi32>
      %sign3A_2368 = arith.extui %sign3A_2367 : vector<16xi1> to vector<16xi32>
      %sign3A_2369 = arith.subi %sign3A_2364, %sign3A_2368 : vector<16xi32>
      %sign3A_2370 = arith.constant 0 : i32
      %sign3A_2371 = arith.cmpi sgt, %jit3A_2358, %sign3A_2370 : i32
      %sign3A_2372 = arith.extui %sign3A_2371 : i1 to i32
      %sign3A_2373 = arith.constant 0 : i32
      %sign3A_2374 = arith.cmpi slt, %jit3A_2358, %sign3A_2373 : i32
      %sign3A_2375 = arith.extui %sign3A_2374 : i1 to i32
      %sign3A_2376 = arith.subi %sign3A_2372, %sign3A_2375 : i32
      %ne3A_2377 = vector.broadcast %sign3A_2376 : i32 to vector<16xi32>
      %ne3A_2378 = arith.cmpi ne, %sign3A_2369, %ne3A_2377 : vector<16xi32>
      %rem3A_2379 = vector.broadcast %jit3A_2358 : i32 to vector<16xi32>
      %rem3A_2380 = arith.remsi %sub3A_2354, %rem3A_2379 : vector<16xi32>
      %ne3A_2381 = arith.constant 0 : i32
      %ne3A_2382 = vector.broadcast %ne3A_2381 : i32 to vector<16xi32>
      %ne3A_2383 = arith.cmpi ne, %rem3A_2380, %ne3A_2382 : vector<16xi32>
      %and3A_2384 = arith.andi %ne3A_2378, %ne3A_2383 : vector<16xi1>
      %sub3A_2385 = arith.constant 1 : i32
      %sub3A_2386 = vector.broadcast %sub3A_2385 : i32 to vector<16xi32>
      %sub3A_2387 = arith.subi %div3A_2360, %sub3A_2386 : vector<16xi32>
      %select_n3A_2388 = arith.select %and3A_2384, %sub3A_2387, %div3A_2360 : vector<16xi1>, vector<16xi32>
      %sub3A_2389 = arith.subi %sub3A_2354, %select_n3A_2388 : vector<16xi32>
      %broadcast_in_dim3A_2390 = arith.constant 1.000000e+00 : f32
      %broadcast_in_dim3A_2391 = vector.broadcast %broadcast_in_dim3A_2390 : f32 to vector<16xf32>
      %broadcast_in_dim3A_2392 = arith.constant 0.000000e+00 : f32
      %broadcast_in_dim3A_2393 = vector.broadcast %broadcast_in_dim3A_2392 : f32 to vector<16xf32>
      %sub3A_2394 = arith.constant 1 : i32
      %sub3A_2395 = vector.broadcast %sub3A_2394 : i32 to vector<16xi32>
      %sub3A_2396 = arith.subi %select_n3A_2388, %sub3A_2395 : vector<16xi32>
      %max3A_2397 = arith.constant 1 : i32
      %max3A_2398 = vector.broadcast %max3A_2397 : i32 to vector<16xi32>
      %max3A_2399 = arith.maxsi %sub3A_2396, %max3A_2398 : vector<16xi32>
      %convert_element_type3A_2400 = arith.sitofp %max3A_2399 : vector<16xi32> to vector<16xf32>
      %div3A_2401 = arith.divf %convert_element_type3A_2357, %convert_element_type3A_2400 : vector<16xf32>
      %convert_element_type3A_2402 = arith.sitofp %select_n3A_2388 : vector<16xi32> to vector<16xf32>
      %sub3A_2403 = arith.subf %convert_element_type3A_2357, %convert_element_type3A_2402 : vector<16xf32>
      %sub3A_2404 = arith.constant 1 : i32
      %sub3A_2405 = vector.broadcast %sub3A_2404 : i32 to vector<16xi32>
      %sub3A_2406 = arith.subi %sub3A_2389, %sub3A_2405 : vector<16xi32>
      %max3A_2407 = arith.constant 1 : i32
      %max3A_2408 = vector.broadcast %max3A_2407 : i32 to vector<16xi32>
      %max3A_2409 = arith.maxsi %sub3A_2406, %max3A_2408 : vector<16xi32>
      %convert_element_type3A_2410 = arith.sitofp %max3A_2409 : vector<16xi32> to vector<16xf32>
      %div3A_2411 = arith.divf %sub3A_2403, %convert_element_type3A_2410 : vector<16xf32>
      %lt3A_2412 = arith.cmpi slt, %sub3A_2355, %select_n3A_2388 : vector<16xi32>
      %sub3A_2413 = arith.constant 1.000000e+00 : f32
      %sub3A_2414 = vector.broadcast %sub3A_2413 : f32 to vector<16xf32>
      %sub3A_2415 = arith.subf %sub3A_2414, %div3A_2401 : vector<16xf32>
      %select_n3A_2416 = arith.select %lt3A_2412, %sub3A_2415, %broadcast_in_dim3A_2393 : vector<16xi1>, vector<16xf32>
      %sub3A_2417 = arith.constant 1.000000e+00 : f32
      %sub3A_2418 = vector.broadcast %sub3A_2417 : f32 to vector<16xf32>
      %sub3A_2419 = arith.subf %sub3A_2418, %div3A_2411 : vector<16xf32>
      %select_n3A_2420 = arith.select %lt3A_2412, %div3A_2401, %sub3A_2419 : vector<16xi1>, vector<16xf32>
      %select_n3A_2421 = arith.select %lt3A_2412, %broadcast_in_dim3A_2393, %div3A_2411 : vector<16xi1>, vector<16xf32>
      %eq3A_2422 = arith.constant 0 : i32
      %eq3A_2423 = vector.broadcast %eq3A_2422 : i32 to vector<16xi32>
      %eq3A_2424 = arith.cmpi eq, %sub3A_2355, %eq3A_2423 : vector<16xi32>
      %sub3A_2425 = arith.constant 1 : i32
      %sub3A_2426 = vector.broadcast %sub3A_2425 : i32 to vector<16xi32>
      %sub3A_2427 = arith.subi %sub3A_2354, %sub3A_2426 : vector<16xi32>
      %eq3A_2428 = arith.cmpi eq, %sub3A_2355, %sub3A_2427 : vector<16xi32>
      %select_n3A_2429 = arith.select %eq3A_2424, %broadcast_in_dim3A_2391, %broadcast_in_dim3A_2393 : vector<16xi1>, vector<16xf32>
      %not3A_2430 = arith.constant dense<true> : vector<16xi1>
      %not3A_2431 = arith.xori %eq3A_2424, %not3A_2430 : vector<16xi1>
      %and3A_2432 = arith.andi %eq3A_2428, %not3A_2431 : vector<16xi1>
      %select_n3A_2433 = arith.select %and3A_2432, %broadcast_in_dim3A_2391, %broadcast_in_dim3A_2393 : vector<16xi1>, vector<16xf32>
      %not3A_2434 = arith.constant dense<true> : vector<16xi1>
      %not3A_2435 = arith.xori %eq3A_2424, %not3A_2434 : vector<16xi1>
      %not3A_2436 = arith.constant dense<true> : vector<16xi1>
      %not3A_2437 = arith.xori %eq3A_2428, %not3A_2436 : vector<16xi1>
      %and3A_2438 = arith.andi %not3A_2435, %not3A_2437 : vector<16xi1>
      %select_n3A_2439 = arith.select %and3A_2438, %broadcast_in_dim3A_2391, %broadcast_in_dim3A_2393 : vector<16xi1>, vector<16xf32>
      %eq3A_2440 = arith.constant 0 : i32
      %eq3A_2441 = vector.broadcast %eq3A_2440 : i32 to vector<16xi32>
      %eq3A_2442 = arith.cmpi eq, %gather3A_2356, %eq3A_2441 : vector<16xi32>
      %select_n3A_2443 = arith.select %eq3A_2442, %select_n3A_2429, %select_n3A_2416 : vector<16xi1>, vector<16xf32>
      %select_n3A_2444 = arith.select %eq3A_2442, %select_n3A_2439, %select_n3A_2420 : vector<16xi1>, vector<16xf32>
      %select_n3A_2445 = arith.select %eq3A_2442, %select_n3A_2433, %select_n3A_2421 : vector<16xi1>, vector<16xf32>
      %eq3A_2446 = arith.constant 1 : i32
      %eq3A_2447 = vector.broadcast %eq3A_2446 : i32 to vector<16xi32>
      %eq3A_2448 = arith.cmpi eq, %sub3A_2354, %eq3A_2447 : vector<16xi32>
      %eq3A_2449 = arith.constant 2 : i32
      %eq3A_2450 = vector.broadcast %eq3A_2449 : i32 to vector<16xi32>
      %eq3A_2451 = arith.cmpi eq, %sub3A_2354, %eq3A_2450 : vector<16xi32>
      %eq3A_2452 = arith.constant 3 : i32
      %eq3A_2453 = vector.broadcast %eq3A_2452 : i32 to vector<16xi32>
      %eq3A_2454 = arith.cmpi eq, %sub3A_2354, %eq3A_2453 : vector<16xi32>
      %select_n3A_2455 = arith.select %eq3A_2424, %broadcast_in_dim3A_2391, %broadcast_in_dim3A_2393 : vector<16xi1>, vector<16xf32>
      %select_n3A_2456 = arith.select %eq3A_2424, %broadcast_in_dim3A_2391, %broadcast_in_dim3A_2393 : vector<16xi1>, vector<16xf32>
      %select_n3A_2457 = arith.select %eq3A_2454, %select_n3A_2456, %select_n3A_2443 : vector<16xi1>, vector<16xf32>
      %select_n3A_2458 = arith.select %eq3A_2451, %select_n3A_2455, %select_n3A_2457 : vector<16xi1>, vector<16xf32>
      %select_n3A_2459 = arith.select %eq3A_2448, %broadcast_in_dim3A_2393, %select_n3A_2458 : vector<16xi1>, vector<16xf32>
      %eq3A_2460 = arith.constant 1 : i32
      %eq3A_2461 = vector.broadcast %eq3A_2460 : i32 to vector<16xi32>
      %eq3A_2462 = arith.cmpi eq, %sub3A_2355, %eq3A_2461 : vector<16xi32>
      %select_n3A_2463 = arith.select %eq3A_2462, %broadcast_in_dim3A_2391, %broadcast_in_dim3A_2393 : vector<16xi1>, vector<16xf32>
      %select_n3A_2464 = arith.select %eq3A_2454, %select_n3A_2463, %select_n3A_2444 : vector<16xi1>, vector<16xf32>
      %select_n3A_2465 = arith.select %eq3A_2451, %broadcast_in_dim3A_2393, %select_n3A_2464 : vector<16xi1>, vector<16xf32>
      %select_n3A_2466 = arith.select %eq3A_2448, %broadcast_in_dim3A_2391, %select_n3A_2465 : vector<16xi1>, vector<16xf32>
      %not3A_2467 = arith.constant dense<true> : vector<16xi1>
      %not3A_2468 = arith.xori %eq3A_2424, %not3A_2467 : vector<16xi1>
      %select_n3A_2469 = arith.select %not3A_2468, %broadcast_in_dim3A_2391, %broadcast_in_dim3A_2393 : vector<16xi1>, vector<16xf32>
      %ge3A_2470 = arith.constant 2 : i32
      %ge3A_2471 = vector.broadcast %ge3A_2470 : i32 to vector<16xi32>
      %ge3A_2472 = arith.cmpi sge, %sub3A_2355, %ge3A_2471 : vector<16xi32>
      %select_n3A_2473 = arith.select %ge3A_2472, %broadcast_in_dim3A_2391, %broadcast_in_dim3A_2393 : vector<16xi1>, vector<16xf32>
      %select_n3A_2474 = arith.select %eq3A_2454, %select_n3A_2473, %select_n3A_2445 : vector<16xi1>, vector<16xf32>
      %select_n3A_2475 = arith.select %eq3A_2451, %select_n3A_2469, %select_n3A_2474 : vector<16xi1>, vector<16xf32>
      %select_n3A_2476 = arith.select %eq3A_2448, %broadcast_in_dim3A_2393, %select_n3A_2475 : vector<16xi1>, vector<16xf32>
      %lt3A_2477 = arith.cmpi slt, %add3A_2216, %min3A : vector<16xi32>
      %select_n3A_2478 = arith.select %lt3A_2477, %select_n3A_2459, %broadcast_in_dim3A_2393 : vector<16xi1>, vector<16xf32>
      %select_n3A_2479 = arith.select %lt3A_2477, %select_n3A_2466, %broadcast_in_dim3A_2393 : vector<16xi1>, vector<16xf32>
      %select_n3A_2480 = arith.select %lt3A_2477, %select_n3A_2476, %broadcast_in_dim3A_2393 : vector<16xi1>, vector<16xf32>
      %mul3A_2481 = arith.constant 2048 : i32
      %mul3A_2482 = arith.muli %select_n3A, %mul3A_2481 : i32
      %add3A_2483 = vector.broadcast %mul3A_2482 : i32 to vector<16xi32>
      %add3A_2484 = arith.addi %add3A_2483, %add3A_2339 : vector<16xi32>
      %swap3A_2485 = arith.constant 16 : index
      %swap3A_2486 = tpu.vector_load %arg23[%swap3A_2485] {strides = array<i32>} : memref<32xi32, #tpu.memory_space<vmem>>, vector<16xi32>,
      tpu.vector_store %arg23[%swap3A_2485], %add3A_2484 {strides = array<i32>} : memref<32xi32, #tpu.memory_space<vmem>>, vector<16xi32>,
      %swap3A_2487 = arith.constant 16 : index
      %swap3A_2488 = tpu.vector_load %arg24[%swap3A_2487] {strides = array<i32>} : memref<32xf32, #tpu.memory_space<vmem>>, vector<16xf32>,
      tpu.vector_store %arg24[%swap3A_2487], %select_n3A_2478 {strides = array<i32>} : memref<32xf32, #tpu.memory_space<vmem>>, vector<16xf32>,
      %swap3A_2489 = arith.constant 16 : index
      %swap3A_2490 = tpu.vector_load %arg25[%swap3A_2489] {strides = array<i32>} : memref<32xf32, #tpu.memory_space<vmem>>, vector<16xf32>,
      tpu.vector_store %arg25[%swap3A_2489], %select_n3A_2479 {strides = array<i32>} : memref<32xf32, #tpu.memory_space<vmem>>, vector<16xf32>,
      %swap3A_2491 = arith.constant 16 : index
      %swap3A_2492 = tpu.vector_load %arg26[%swap3A_2491] {strides = array<i32>} : memref<32xf32, #tpu.memory_space<vmem>>, vector<16xf32>,
      tpu.vector_store %arg26[%swap3A_2491], %select_n3A_2480 {strides = array<i32>} : memref<32xf32, #tpu.memory_space<vmem>>, vector<16xf32>,
      %convert_element_type3A_2493 = arith.extui %lt3A_2477 : vector<16xi1> to vector<16xi32>
      %mul3A_2494 = arith.constant 32 : i32
      %mul3A_2495 = arith.muli %min3A_1922, %mul3A_2494 : i32
      %add3A_2496 = arith.constant 16 : i32
      %add3A_2497 = arith.addi %mul3A_2495, %add3A_2496 : i32
      %swap3A_2498 = arith.index_cast %add3A_2497 : i32 to index
      %swap3A_2499 = tpu.vector_load %arg14[%swap3A_2498] {strides = array<i32>} : memref<2048xi32, #tpu.memory_space<vmem>>, vector<16xi32>,
      tpu.vector_store %arg14[%swap3A_2498], %convert_element_type3A_2493 {strides = array<i32>} : memref<2048xi32, #tpu.memory_space<vmem>>, vector<16xi32>,
      %dma_start3A_2500 = arith.constant 0 : i32
      %dma_start3A_2501 = arith.constant 0 : i32
      %dma_start3A_2502 = tpu.memref_slice %arg2[%dma_start3A_2500, %dma_start3A_2501] : memref<16384x256xf32, #tpu.memory_space<hbm>> -> memref<16384x256xf32, #tpu.memory_space<hbm>>
      tpu.enqueue_indirect_dma source(%dma_start3A_2502 : memref<16384x256xf32, #tpu.memory_space<hbm>>) target(%arg27 : memref<32x256xf32, #tpu.memory_space<vmem>>) offsets(%arg23 : memref<32xi32, #tpu.memory_space<vmem>>) semaphore(%arg35 : memref<!tpu.dma_semaphore, #tpu.memory_space<semaphore_mem>>)
      %dma_start3A_2503 = arith.constant 0 : i32
      %dma_start3A_2504 = arith.constant 0 : i32
      %dma_start3A_2505 = tpu.memref_slice %arg3[%dma_start3A_2503, %dma_start3A_2504] : memref<16384x256xf32, #tpu.memory_space<hbm>> -> memref<16384x256xf32, #tpu.memory_space<hbm>>
      tpu.enqueue_indirect_dma source(%dma_start3A_2505 : memref<16384x256xf32, #tpu.memory_space<hbm>>) target(%arg28 : memref<32x256xf32, #tpu.memory_space<vmem>>) offsets(%arg23 : memref<32xi32, #tpu.memory_space<vmem>>) semaphore(%arg36 : memref<!tpu.dma_semaphore, #tpu.memory_space<semaphore_mem>>)
      %dma_start3A_2506 = arith.constant 0 : i32
      %dma_start3A_2507 = arith.constant 0 : i32
      %dma_start3A_2508 = tpu.memref_slice %arg4[%dma_start3A_2506, %dma_start3A_2507] : memref<16384x256xf32, #tpu.memory_space<hbm>> -> memref<16384x256xf32, #tpu.memory_space<hbm>>
      tpu.enqueue_indirect_dma source(%dma_start3A_2508 : memref<16384x256xf32, #tpu.memory_space<hbm>>) target(%arg29 : memref<32x256xf32, #tpu.memory_space<vmem>>) offsets(%arg23 : memref<32xi32, #tpu.memory_space<vmem>>) semaphore(%arg37 : memref<!tpu.dma_semaphore, #tpu.memory_space<semaphore_mem>>)
    }
    %scan3A_1225 = arith.constant 32 : i32
    %dma_wait3A = arith.constant 0 : i32
    %dma_wait3A_1226 = arith.constant 0 : i32
    %dma_wait3A_1227 = tpu.memref_slice %arg2[%dma_wait3A, %dma_wait3A_1226] : memref<16384x256xf32, #tpu.memory_space<hbm>> -> memref<16384x256xf32, #tpu.memory_space<hbm>>
    tpu.wait_indirect_dma semaphore(%arg31 : memref<!tpu.dma_semaphore, #tpu.memory_space<semaphore_mem>>) src(%dma_wait3A_1227 : memref<16384x256xf32, #tpu.memory_space<hbm>>) dst(%arg19 : memref<32x256xf32, #tpu.memory_space<vmem>>)
    %dma_wait3A_1228 = arith.constant 0 : i32
    %dma_wait3A_1229 = arith.constant 0 : i32
    %dma_wait3A_1230 = tpu.memref_slice %arg3[%dma_wait3A_1228, %dma_wait3A_1229] : memref<16384x256xf32, #tpu.memory_space<hbm>> -> memref<16384x256xf32, #tpu.memory_space<hbm>>
    tpu.wait_indirect_dma semaphore(%arg32 : memref<!tpu.dma_semaphore, #tpu.memory_space<semaphore_mem>>) src(%dma_wait3A_1230 : memref<16384x256xf32, #tpu.memory_space<hbm>>) dst(%arg20 : memref<32x256xf32, #tpu.memory_space<vmem>>)
    %dma_wait3A_1231 = arith.constant 0 : i32
    %dma_wait3A_1232 = arith.constant 0 : i32
    %dma_wait3A_1233 = tpu.memref_slice %arg4[%dma_wait3A_1231, %dma_wait3A_1232] : memref<16384x256xf32, #tpu.memory_space<hbm>> -> memref<16384x256xf32, #tpu.memory_space<hbm>>
    tpu.wait_indirect_dma semaphore(%arg33 : memref<!tpu.dma_semaphore, #tpu.memory_space<semaphore_mem>>) src(%dma_wait3A_1233 : memref<16384x256xf32, #tpu.memory_space<hbm>>) dst(%arg21 : memref<32x256xf32, #tpu.memory_space<vmem>>)
    %dma_wait3A_1234 = arith.constant 0 : i32
    %dma_wait3A_1235 = arith.constant 0 : i32
    %dma_wait3A_1236 = tpu.memref_slice %arg2[%dma_wait3A_1234, %dma_wait3A_1235] : memref<16384x256xf32, #tpu.memory_space<hbm>> -> memref<16384x256xf32, #tpu.memory_space<hbm>>
    tpu.wait_indirect_dma semaphore(%arg35 : memref<!tpu.dma_semaphore, #tpu.memory_space<semaphore_mem>>) src(%dma_wait3A_1236 : memref<16384x256xf32, #tpu.memory_space<hbm>>) dst(%arg27 : memref<32x256xf32, #tpu.memory_space<vmem>>)
    %dma_wait3A_1237 = arith.constant 0 : i32
    %dma_wait3A_1238 = arith.constant 0 : i32
    %dma_wait3A_1239 = tpu.memref_slice %arg3[%dma_wait3A_1237, %dma_wait3A_1238] : memref<16384x256xf32, #tpu.memory_space<hbm>> -> memref<16384x256xf32, #tpu.memory_space<hbm>>
    tpu.wait_indirect_dma semaphore(%arg36 : memref<!tpu.dma_semaphore, #tpu.memory_space<semaphore_mem>>) src(%dma_wait3A_1239 : memref<16384x256xf32, #tpu.memory_space<hbm>>) dst(%arg28 : memref<32x256xf32, #tpu.memory_space<vmem>>)
    %dma_wait3A_1240 = arith.constant 0 : i32
    %dma_wait3A_1241 = arith.constant 0 : i32
    %dma_wait3A_1242 = tpu.memref_slice %arg4[%dma_wait3A_1240, %dma_wait3A_1241] : memref<16384x256xf32, #tpu.memory_space<hbm>> -> memref<16384x256xf32, #tpu.memory_space<hbm>>
    tpu.wait_indirect_dma semaphore(%arg37 : memref<!tpu.dma_semaphore, #tpu.memory_space<semaphore_mem>>) src(%dma_wait3A_1242 : memref<16384x256xf32, #tpu.memory_space<hbm>>) dst(%arg29 : memref<32x256xf32, #tpu.memory_space<vmem>>)
    %mul3A_1243 = arith.constant 8192 : i32
    %mul3A_1244 = arith.muli %select_n3A, %mul3A_1243 : i32
    %add3A_1245 = arith.addi %mul3A_1244, %mul3A_32 : i32
    %add3A_1246 = arith.constant 1984 : i32
    %add3A_1247 = arith.addi %add3A_1245, %add3A_1246 : i32
    %dma_wait3A_1248 = arith.constant 0 : i32
    %dma_wait3A_1249 = tpu.memref_slice %arg8[%add3A_1247, %dma_wait3A_1248] : memref<65536x256xf32, #tpu.memory_space<hbm>> -> memref<32x256xf32, #tpu.memory_space<hbm>>
    %dma_wait3A_1250 = arith.constant 0 : i32
    %dma_wait3A_1251 = tpu.memref_slice %arg8[%add3A_1247, %dma_wait3A_1250] : memref<65536x256xf32, #tpu.memory_space<hbm>> -> memref<32x256xf32, #tpu.memory_space<hbm>>
    tpu.wait_dma2 semaphore(%arg34 : memref<!tpu.dma_semaphore, #tpu.memory_space<semaphore_mem>>) src(%arg22 : memref<32x256xf32, #tpu.memory_space<vmem>>) dst(%dma_wait3A_1251 : memref<32x256xf32, #tpu.memory_space<hbm>>)
    %mul3A_1252 = arith.constant 8192 : i32
    %mul3A_1253 = arith.muli %select_n3A, %mul3A_1252 : i32
    %add3A_1254 = arith.addi %mul3A_1253, %mul3A_32 : i32
    %add3A_1255 = arith.constant 2016 : i32
    %add3A_1256 = arith.addi %add3A_1254, %add3A_1255 : i32
    %dma_wait3A_1257 = arith.constant 0 : i32
    %dma_wait3A_1258 = tpu.memref_slice %arg8[%add3A_1256, %dma_wait3A_1257] : memref<65536x256xf32, #tpu.memory_space<hbm>> -> memref<32x256xf32, #tpu.memory_space<hbm>>
    %dma_wait3A_1259 = arith.constant 0 : i32
    %dma_wait3A_1260 = tpu.memref_slice %arg8[%add3A_1256, %dma_wait3A_1259] : memref<65536x256xf32, #tpu.memory_space<hbm>> -> memref<32x256xf32, #tpu.memory_space<hbm>>
    tpu.wait_dma2 semaphore(%arg38 : memref<!tpu.dma_semaphore, #tpu.memory_space<semaphore_mem>>) src(%arg30 : memref<32x256xf32, #tpu.memory_space<vmem>>) dst(%dma_wait3A_1260 : memref<32x256xf32, #tpu.memory_space<hbm>>)
    %mul3A_1261 = arith.constant 8192 : i32
    %mul3A_1262 = arith.muli %select_n3A, %mul3A_1261 : i32
    %add3A_1263 = arith.addi %mul3A_1262, %mul3A_32 : i32
    "tpu.region"() ({
      %run_scoped3A = tpu.sem_alloc : memref<!tpu.dma_semaphore, #tpu.memory_space<semaphore_mem>>
      %dma_start3A_1264 = tpu.memref_slice %arg9[%add3A_1263] : memref<65536xi32, #tpu.memory_space<hbm>> -> memref<2048xi32, #tpu.memory_space<hbm>>
      %dma_start3A_1265 = tpu.memref_slice %arg9[%add3A_1263] : memref<65536xi32, #tpu.memory_space<hbm>> -> memref<2048xi32, #tpu.memory_space<hbm>>
      tpu.enqueue_dma source(%arg14 : memref<2048xi32, #tpu.memory_space<vmem>>) target(%dma_start3A_1265 : memref<2048xi32, #tpu.memory_space<hbm>>) target_semaphore(%run_scoped3A : memref<!tpu.dma_semaphore, #tpu.memory_space<semaphore_mem>>)
      %dma_wait3A_1266 = tpu.memref_slice %arg9[%add3A_1263] : memref<65536xi32, #tpu.memory_space<hbm>> -> memref<2048xi32, #tpu.memory_space<hbm>>
      %dma_wait3A_1267 = tpu.memref_slice %arg9[%add3A_1263] : memref<65536xi32, #tpu.memory_space<hbm>> -> memref<2048xi32, #tpu.memory_space<hbm>>
      tpu.wait_dma2 semaphore(%run_scoped3A : memref<!tpu.dma_semaphore, #tpu.memory_space<semaphore_mem>>) src(%arg14 : memref<2048xi32, #tpu.memory_space<vmem>>) dst(%dma_wait3A_1267 : memref<2048xi32, #tpu.memory_space<hbm>>)
      tpu.yield
    }) : () -> ()
    return
  }
}

</mosaic_0001>

<sc_bundles>
// kernel: kernel.3.cloned.1.call-start
scs
__scs_entry_jumppad:
0x0: {  	(pc) =	sbr.rel $0x88, $3  }
0x1: {  	(tag) =	ssettag $0x0;
	lr =	simm.s32 $0x1  }
0x2: {  	[smem:$0x3F9B] =	sst lr;
	_ =	strace $0xD0000000  }
0x3: {  	_ = 	snop  }
0x4: {  	_ = 	snop  }
0x5: {  	_ = 	snop  }
0x6: {  	_ = 	snop  }
0x7: {  	_ = 	snop  }
__scs_overlays_trampoline_lowered:
0x8: {  	[smem:$0x3FAA] =	sst s0  }
0x9: {  	[smem:$0x3FAB] =	sst s1  }
0xa: {  	[smem:$0x3FAC] =	sst s2  }
0xb: {  	[smem:$0x3FAD] =	sst s3  }
0xc: {  	[smem:$0x3FAE] =	sst s4  }
0xd: {  	[smem:$0x3FAF] =	sst s5  }
0xe: {  	[smem:$0x3FB0] =	sst s6  }
0xf: {  	[smem:$0x3FB1] =	sst s7  }
0x10: {  	[smem:$0x3FB2] =	sst s8  }
0x11: {  	[smem:$0x3FB3] =	sst s9;
	s0 =	simm.s32 @!p0 $0x0  }
0x12: {  	s1 =	sld [smem:$0x3F99];
	s0 =	simm.s32 @p0 $0x1  }
0x13: {  	[smem:$0x3FB4] =	sst s0;
	s0 =	simm.s32 @!p1 $0x0  }
0x14: {  	s2 =	sld [smem:$0x3F98];
	s0 =	simm.s32 @p1 $0x1  }
0x15: {  	[smem:$0x3FB5] =	sst s0;
	s0 =	simm.s32 @!p2 $0x0  }
0x16: {  	s3 =	sld [smem:$0x3FDB];
	s0 =	simm.s32 @p2 $0x1  }
0x17: {  	s4 =	simm.s32 $0x1BF5;
	[smem:$0x3FB7] =	sst s0  }
0x18: {  	s0 =	sld [smem:$0x3F9A];
	_ =	swait.ge [sflag:s4], $0x0  }
0x19: {  	s7 =	sld [smem:$0x3F9B]  }
0x1a: {  	s8 =	sadd.s32 $0xFFFFE003, lr  }
0x1b: {  	s9 =	sadd.s32 $0xFFFFFEF7, lr;
	s5 =	simm.s32 $0xFFFFFFFF;
	p2 =	slt.u32 s8, $0xFFFFF086  }
0x1c: {  	p1 =	slt.u32 s9, $0xF7A;
	s5 =	simm.s32 @!p2 $0x0  }
0x1d: {  	s5 =	simm.s32 @p1 $0x1;
	p0 =	seq.s32 s7, s2  }
0x1e: {  	s7 =	smul.u32 @!p0 $0xF7A, s2;
	p2 =	seq.s32 @!p0 s5, $0x0  }
0x1f: {  	s9 =	smul.u32 $0xF7A, s1;
	s8 =	simm.s32 @!p0 $0x1BF5;
	p2 =	por !p2, p0  }
0x20: {  	[sflag:s8] =	ssyncset.s32 @!p0 $0xFFFFF086;
	s6 =	sadd.s32 @!p0 s3, s7;
	s7 =	simm.s32 @!p0 $0x108  }
0x21: {  	s3 =	sadd.s32 s3, s9;
	s6 =	sadd.s32 @!p0 $0x88, s6;
	s7 =	simm.s32 @p2 $0x1082  }
0x22: {  	[simem:s7], [sflag:s8] =	dma.local @!p0 [hbm:s6], $0xF7A  }
0x23: {  	s9 =	sor.u32 $0xD0000000, s2;
	s6 =	simm.s32 $0x108;
	_ =	swait.ge @!p0 [sflag:s8], $0x0  }
0x24: {  	s3 =	sadd.s32 $0x88, s3;
	s6 =	simm.s32 @!p1 $0x1082;
	[sflag:s4] =	ssyncset.s32 $0xFFFFF086  }
0x25: {  	[simem:s6], [sflag:s4] =	dma.local [hbm:s3], $0xF7A  }
0x26: {  	[smem:$0x3F9B] =	sst s1;
	(tag) =	ssettag s2;
	_ =	strace s9  }
0x27: {  	s1 =	sld [smem:$0x3FAB]  }
0x28: {  	s2 =	sld [smem:$0x3FAC]  }
0x29: {  	s4 =	sld [smem:$0x3FAE]  }
0x2a: {  	p0 =	seq.s32 s5, $0x0;
	s5 =	sld [smem:$0x3FAF]  }
0x2b: {  	s6 =	sld [smem:$0x3FB0]  }
0x2c: {  	s7 =	sld [smem:$0x3FB1]  }
0x2d: {  	s3 =	simm.s32 $0x108;
	s8 =	sld [smem:$0x3FB2]  }
0x2e: {  	s3 =	simm.s32 @!p0 $0x1082;
	s9 =	sld [smem:$0x3FB3]  }
0x2f: {  	lr =	sadd.s32 s0, s3;
	s0 =	sld [smem:$0x3FAA]  }
0x30: {  	s3 =	sld [smem:$0x3FAD]  }
0x31: {  	[smem:$0x3FB6] =	sst s10  }
0x32: {  	s10 =	sld [smem:$0x3FB4];
	_ =	sdelay $0x3  }
0x33: {  	p0 =	seq.s32 s10, $0x1;
	s10 =	sld [smem:$0x3FB6];
	_ =	sdelay $0x3  }
0x34: {  	[smem:$0x3FB6] =	sst s10  }
0x35: {  	s10 =	sld [smem:$0x3FB5];
	_ =	sdelay $0x3  }
0x36: {  	p1 =	seq.s32 s10, $0x1;
	s10 =	sld [smem:$0x3FB6];
	_ =	sdelay $0x3  }
0x37: {  	[smem:$0x3FB6] =	sst s10  }
0x38: {  	s10 =	sld [smem:$0x3FB7]  }
0x39: {  	_ = 	snop;
	(pc) =	sbr.ind lr, $3  }
0x3a: {  	_ = 	snop  }
0x3b: {  	_ = 	snop  }
0x3c: {  	p2 =	seq.s32 s10, $0x1;
	s10 =	sld [smem:$0x3FB6]  }
0x3d: {  	_ =	shalt  }
0x3e: {  	_ =	shalt  }
0x3f: {  	_ =	shalt  }
0x40: {  	_ =	shalt  }
0x41: {  	_ =	shalt  }
0x42: {  	_ =	shalt  }
0x43: {  	_ =	shalt  }
0x44: {  	_ =	shalt  }
0x45: {  	_ =	shalt  }
0x46: {  	_ =	shalt  }
0x47: {  	_ =	shalt  }
0x48: {  	_ =	shalt  }
0x49: {  	_ =	shalt  }
0x4a: {  	_ =	shalt  }
0x4b: {  	_ =	shalt  }
0x4c: {  	_ =	shalt  }
0x4d: {  	_ =	shalt  }
0x4e: {  	_ =	shalt  }
0x4f: {  	_ =	shalt  }
0x50: {  	_ =	shalt  }
0x51: {  	_ =	shalt  }
0x52: {  	_ =	shalt  }
0x53: {  	_ =	shalt  }
0x54: {  	_ =	shalt  }
0x55: {  	_ =	shalt  }
0x56: {  	_ =	shalt  }
0x57: {  	_ =	shalt  }
0x58: {  	_ =	shalt  }
0x59: {  	_ =	shalt  }
0x5a: {  	_ =	shalt  }
0x5b: {  	_ =	shalt  }
0x5c: {  	_ =	shalt  }
0x5d: {  	_ =	shalt  }
0x5e: {  	_ =	shalt  }
0x5f: {  	_ =	shalt  }
0x60: {  	_ =	shalt  }
0x61: {  	_ =	shalt  }
0x62: {  	_ =	shalt  }
0x63: {  	_ =	shalt  }
0x64: {  	_ =	shalt  }
0x65: {  	_ =	shalt  }
0x66: {  	_ =	shalt  }
0x67: {  	_ =	shalt  }
0x68: {  	_ =	shalt  }
0x69: {  	_ =	shalt  }
0x6a: {  	_ =	shalt  }
0x6b: {  	_ =	shalt  }
0x6c: {  	_ =	shalt  }
0x6d: {  	_ =	shalt  }
0x6e: {  	_ =	shalt  }
0x6f: {  	_ =	shalt  }
0x70: {  	_ =	shalt  }
0x71: {  	_ =	shalt  }
0x72: {  	_ =	shalt  }
0x73: {  	_ =	shalt  }
0x74: {  	_ =	shalt  }
0x75: {  	_ =	shalt  }
0x76: {  	_ =	shalt  }
0x77: {  	_ =	shalt  }
0x78: {  	_ =	shalt  }
0x79: {  	_ =	shalt  }
0x7a: {  	_ =	shalt  }
0x7b: {  	_ =	shalt  }
0x7c: {  	_ =	shalt  }
0x7d: {  	_ =	shalt  }
0x7e: {  	_ =	shalt  }
0x7f: {  	_ =	shalt  }
0x80: {  	_ =	shalt  }
0x81: {  	_ =	shalt  }
0x82: {  	_ =	shalt  }
0x83: {  	_ =	shalt  }
0x84: {  	_ =	shalt  }
0x85: {  	_ =	shalt  }
0x86: {  	_ =	shalt  }
0x87: {  	_ =	shalt  }
.Lfunc_end0:
.L_simem_size_0:
called_computation_lowered:
.L_overlay_start_0:
0x88: {  	s2 =	sld [smem:$0x3FD9]  }
0x89: {  	s3 =	sld [smem:$0x3FFE];
	_ =	sdelay $0x1  }
0x8a: {  	s1 =	srdreg.scid  }
0x8b: {  	s0 =	sand.u32 $0x1, s1  }
0x8c: {  	s14 =	sshll.u32 s0, $0xA;
	s2 =	sadd.s32 s3, s2  }
0x8d: {  	s2 =	sadd.s32 s2, s14  }
0x8e: {  	[smem:$0x3FC2] =	sst s2  }
0x8f: {  	_ = 	snop  }
0x90: {  	s2 =	sld [smem:$0x3FD0]  }
0x91: {  	s15 =	sld [smem:$0x3FC9]  }
0x92: {  	s4 =	sld [smem:$0x3FC8]  }
0x93: {  	s6 =	simm.s32 $0xA;
	s7 =	simm.s32 $0x10;
	s5 =	sld [smem:$0x3FC7]  }
0x94: {  	[smem:s7], [sflag:s6] =	dma.local [hbm:s2], $0x1  }
0x95: {  	_ =	swait.eq [sflag:s6], $0x1  }
0x96: {  	[sflag:s6] =	ssyncset.done $0x0  }
0x97: {  	s16 =	sld [smem:$0x10];
	[sflag:s6] =	ssyncadd.s32 $0xFFFFFFFF  }
0x98: {  	s17 =	sld [smem:$0x11];
	(tm) =	ssettm $0x1  }
0x99: {  	s18 =	sld [smem:$0x3FFB];
	_ =	sdelay $0x3  }
0x9a: {  	_ =	strace s18  }
0x9b: {  	s7 =	sld [smem:$0x3FFC];
	_ =	sdelay $0x3  }
0x9c: {  	_ =	strace s7  }
0x9d: {  	s7 =	sld [smem:$0x3FFD];
	_ =	sdelay $0x3  }
0x9e: {  	_ =	strace s7  }
0x9f: {  	_ =	strace $0x8FFFFFFF  }
0xa0: {  	s19 =	sld [smem:$0x3FDB];
	_ =	sdelay $0x1  }
0xa1: {  	s8 =	simm.s32 $_scs_section_size  }
0xa2: {  	s9 =	simm.s32 $_size__tile_overlayer_lowered;
	s10 =	simm.s32 $_tile_overlayer_lowered  }
0xa3: {  	s22 =	simm.s32 $0x1BFF;
	s21 =	sshll.u32 s10, $0x1;
	s7 =	sadd.s32 s8, s19  }
0xa4: {  	s11 =	simm.s32 $0x0;
	s20 =	sshll.u32 s9, $0x1;
	s9 =	sadd.s32 s21, s7  }
0xa5: {  	[timem:s11], [sflag:s22] =	dma.local [hbm:s9], s20  }
0xa6: {  	_ =	swait.ge [sflag:s22], s20  }
0xa7: {  	s8 =	ssub.s32 $0x0, s20;
	[sflag:s22] =	ssyncset.done $0x0  }
0xa8: {  	[sflag:s22] =	ssyncadd.s32 s8;
	_ =	sdelay $0x1  }
0xa9: {  	s23 =	simm.s32 $0x1B8B  }
0xaa: {  	_ =	swait.ge [sflag:s23], $0x1  }
0xab: {  	[sflag:s23] =	ssyncset.done $0x0  }
0xac: {  	s25 =	simm.s32 $0x1B8E;
	s24 =	sld [smem:$0x3FFE];
	[sflag:s23] =	ssyncadd.s32 $0xFFFFFFFF  }
0xad: {  	s26 =	simm.s32 $execute0_lowered;
	[smem:$0x3FD2] =	sst s25  }
0xae: {  	s9 =	sshll.u32 s26, $0x1;
	_ =	strace $0x80000046;
	[dreg:$0x1] =	wrdreg $0xFFFFFFFF  }
0xaf: {  	s28 =	simm.s32 $_size_execute0_lowered;
	s7 =	sadd.s32 s7, s9;
	[dreg:$0x0] =	wrdreg $0x0  }
0xb0: {  	s9 =	sshll.u32 s28, $0x1;
	[dreg:$0x2] =	wrdreg s7  }
0xb1: {  	[dreg:$0x3] =	wrdreg s9  }
0xb2: {  	[dreg:$0x4] =	wrdreg $0xC0  }
0xb3: {  	_ =	task [dreg:s11], $0x5FFFF  }
0xb4: {  	[dreg:$0x1] =	wrdreg $0xFFFFFFFF  }
0xb5: {  	[dreg:$0x0] =	wrdreg $0x60  }
0xb6: {  	[dreg:$0x2] =	wrdreg s15  }
0xb7: {  	[dreg:$0x3] =	wrdreg s4  }
0xb8: {  	[dreg:$0x4] =	wrdreg s5  }
0xb9: {  	[dreg:$0x5] =	wrdreg s17  }
0xba: {  	[dreg:$0x6] =	wrdreg s24  }
0xbb: {  	[dreg:$0x7] =	wrdreg s16  }
0xbc: {  	[dreg:$0x8] =	wrdreg $0x9  }
0xbd: {  	_ =	task.clear_ibuf [dreg:s11], $0x9FFFF;
	_ =	strace $0x90000046  }
0xbe: {  	s29 =	simm.s32 $0x9;
	_ =	strace $0x80000048  }
0xbf: {  	_ =	swait.ge [sflag:s29], $0x1  }
0xc0: {  	[sflag:s29] =	ssyncadd.s32 $0xFFFFFFFF  }
0xc1: {  	_ =	strace $0x90000048  }
0xc2: {  	_ =	sfence  }
0xc3: {  	s30 =	sld [smem:$0x0];
	_ =	sdelay $0x2  }
0xc4: {  	s31 =	sshll.u32 s1, $0xD;
	s1 =	sshrl.u32 s1, $0x2  }
0xc5: {  	s3 =	sand.u32 $0x4000, s31;
	s1 =	sadd.s32 s1, s30  }
0xc6: {  	s0 =	sor.u32 s3, s0;
	s1 =	sshll.u32 s1, $0x11  }
0xc7: {  	s0 =	sor.u32 s1, s0  }
0xc8: {  	s0 =	sadd.s32 $0x8F2B, s0  }
0xc9: {  	[sflag:s0] =	ssyncadd.remote.s32 $0x1  }
0xca: {  	_ =	sfence.sel $0xFFFF  }
0xcb: {  	[dreg:$0x0] =	wrdreg $0xFFFFFFFF;
	(pc) =	sbr.abs _section_cstart, $3  }
0xcc: {  	[dreg:$0x1] =	wrdreg $0xFFFFFFFF  }
0xcd: {  	_ =	task.clear_ibuf [dreg:s11], $0x2FFFF;
	_ =	strace $0x9FFFFFFF  }
0xce: {  	(tm) =	ssettm $0x7FFFFFFF  }
0xcf: {  	_ =	shalt  }
tec
execute0_lowered:
.L_overlay_start_1:
0x0: {  	(tag) =	ssettag $0x1  }
0x1: {  	s0 =	rddreg [dreg:$0x0]  }
0x2: {  	s2 =	rddreg [dreg:$0x1]  }
0x3: {  	s4 =	rddreg [dreg:$0x2]  }
0x4: {  	s1 =	rddreg [dreg:$0x3]  }
0x5: {  	s3 =	rddreg [dreg:$0x4];
	v0 =	vlaneseq.u32;
	v3 =	vimm.s32 $0xEDCBA987  }
0x6: {  	s7 =	rddreg [dreg:$0x5];
	s10 =	stileid.u32;
	v5 =	vimm.s32 $0x65432100;
	v8 =	vimm.s32 $0xDCBA9876;
	v9 =	vimm.s32 $0x54321000  }
0x7: {  	s6 =	srdreg.scid;
	s5 =	simm.s32 $0x0;
	v10 =	vimm.s32 $0xE40000;
	s15 =	simm.s32 $0x1000;
	v11 =	vimm.s32 $0xBA987654;
	v12 =	vimm.s32 $0x32100000  }
0x8: {  	s17 =	simm.s32 $0x800;
	vm0 =	vmmov $0x3;
	vm2 =	vcmask $0x3F30;
	vm1 =	vmmov $0xf;
	s28 =	simm.s32 $0x6;
	s29 =	simm.s32 $0x7  }
0x9: {  	vm3 =	vmmov $0xffff;
	v15 =	vimm.s32 $0x80;
	v16 =	vimm.s32 $0x40;
	s30 =	simm.s32 $0xA300;
	s31 =	simm.s32 $0xA380;
	s8 =	sshll.u32 s10, $0x1  }
0xa: {  	v17 =	vimm.s32 $0x20;
	v18 =	vimm.s32 $0x10;
	v19 =	vimm.s32 $0x8;
	s9 =	sand.u32 $0x1, s6;
	[smem:$0x7FF] =	sst s5;
	s19 =	sshrl.u32 s10, $0x1  }
0xb: {  	v20 =	vimm.s32 $0x4;
	v21 =	vimm.s32 $0x1;
	v22 =	vimm.s32 $0x2;
	s13 =	sadd.s32 $0x1000, s3;
	s18 =	sand.u32 $0x2, s8;
	s10 =	sshll.u32 s19, $0x8  }
0xc: {  	v23 =	vimm.s32 $0x0;
	v24 =	vimm.f32 $1.000000000e+00;
	v25 =	vimm.f32 $0.0e+00;
	s11 =	sshll.u32 s19, $0xD;
	_ =	strace $0x80000047;
	[dreg:$0x7] =	wrdreg s13  }
0xd: {  	v33 =	vlaneseq.u32;
	v6 =	vunpack.c.l.s4.s8 v3;
	v7 =	vunpack.c.l.s4.s8 v5;
	s8 =	sshll.u32 s19, $0xB;
	s6 =	sor.u32 s9, s18;
	s12 =	sadd.s32 s10, s3  }
0xe: {  	v8 =	vunpack.c.l.s4.s8 v8;
	v9 =	vunpack.c.l.s4.s8 v9;
	s9 =	ssub.s32 $0x2, s9;
	v2 =	vmov s8;
	s1 =	sadd.s32 s1, s10;
	s8 =	simm.s32 $0x0  }
0xf: {  	v10 =	vunpack.c.l.s2.s4 v10;
	v11 =	vunpack.c.l.s4.s8 v11;
	v12 =	vunpack.c.l.s4.s8 v12;
	s6 =	sshll.u32 s6, $0xB;
	s22 =	sshrl.u32 s9, $0x1;
	[dreg:$0x8] =	wrdreg s1  }
0x10: {  	v27 =	vshrl.u32 v0, $0x3;
	v26 =	vand.u32 $0x7, v0;
	v28 =	vor.u32 $0x8, v0;
	s25 =	sadd.s32 $0x800, s12;
	s11 =	sor.u32 s11, s6;
	s21 =	sor.u32 $0x10, s6  }
0x11: {  	v6 =	vunpack.c.0.s8.s32 v6;
	v7 =	vunpack.c.0.s8.s32 v7;
	v8 =	vunpack.c.0.s8.s32 v8;
	s14 =	sor.u32 $0x20, s6;
	s23 =	sor.u32 $0x30, s6;
	s9 =	ssub.s32 s9, s22  }
0x12: {  	v9 =	vunpack.c.0.s8.s32 v9;
	v10 =	vunpack.c.l.s4.s8 v10;
	v1 =	vor.u32 s6, v0;
	[dreg:$0x9] =	wrdreg s25;
	s22 =	simm.s32 $0x3;
	s25 =	simm.s32 $0x2200  }
0x13: {  	v6 =	vand.u32 $0xF, v6;
	v8 =	vand.u32 $0xF, v8;
	s20 =	sshrl.u32 s11, $0x3;
	[tilespmem:$0x1FFC0] =	vst v1;
	v1 =	vor.u32 s21, v0;
	s24 =	sshll.u32 s11, $0x5;
	s26 =	smax.u32 s9, $0x1  }
0x14: {  	v6 =	vcombine.low v7, v6;
	v7 =	vcombine.low v9, v8;
	v8 =	vunpack.c.0.s8.s32 v11;
	s21 =	simm.s32 $0x2;
	s3 =	sadd.s32 s20, s3;
	s1 =	sadd.s32 s7, s24  }
0x15: {  	v10 =	vunpack.c.0.s8.s32 v10;
	v9 =	vunpack.c.0.s8.s32 v12;
	v11 =	vimm.s32 $0x7060504;
	[dreg:$0xb] =	wrdreg s26;
	s7 =	simm.s32 $0x9;
	s20 =	simm.s32 $0x1  }
0x16: {  	[tilespmem:$0x1FFD0] =	vst v1;
	v1 =	vor.u32 s14, v0;
	v11 =	vunpack.c.0.s8.s32 v11;
	s24 =	simm.s32 $0x2180;
	s26 =	simm.s32 $0x5;
	s3 =	sadd.s32 $0x1200, s3;
	v8 =	vand.u32 $0xF, v8  }
0x17: {  	[tilespmem:$0x1FFE0] =	vst v1;
	v1 =	vor.u32 s23, v0;
	s13 =	smov.u32 s1;
	s1 =	sadd.s32 $0x400, s1;
	[dreg:$0xa] =	wrdreg s3;
	v8 =	vcombine.low v9, v8;
	v9 =	vand.u32 $0x3, v10  }
0x18: {  	v27 =	vmul.u32 $0x8, v27;
	s23 =	simm.s32 $0x2100;
	[tilespmem:$0x1FFF0] =	vst v1;
	[dreg:$0xc] =	wrdreg s1;
	s1 =	simm.s32 $0xA400;
	v9 =	vsel vm2, v11, v9;
	vm2 =	vmmov $0xff  }
.LBB2_1:
0x19: {  	[dreg:$0xd] =	wrdreg s8  }
0x1a: {  	s3 =	rddreg [dreg:$0x8]  }
0x1b: {  	[tilespmem:s5], [sflag:$0x9] =	stream.linear.gather [hbm4b:s3+s5], $0x800, $0x38;
	[tilespmem:$0x12480] =	vst v63  }
0x1c: {  	_ =	swait.ge [sflag:s7], $0x800  }
0x1d: {  	[sflag:s7] =	ssyncset.done $0x0  }
0x1e: {  	s14 =	rddreg [dreg:$0x9];
	[sflag:s7] =	ssyncadd.s32 $0xFFFFF800  }
0x1f: {  	[tilespmem:s15], [sflag:$0x9] =	stream.linear.gather [hbm4b:s14+s5], $0x800, $0x38;
	[tilespmem:$0x12480] =	vst v63  }
0x20: {  	_ =	swait.ge [sflag:s7], $0x800  }
0x21: {  	[sflag:s7] =	ssyncset.done $0x0  }
0x22: {  	s18 =	simm.s32 $0x1800;
	s16 =	rddreg [dreg:$0x7];
	[sflag:s7] =	ssyncadd.s32 $0xFFFFF800  }
0x23: {  	[tilespmem:s18], [sflag:$0x9] =	stream.linear.gather [hbm4b:s16+s5], $0x80, $0x38;
	[tilespmem:$0x12480] =	vst v63  }
0x24: {  	_ =	swait.ge [sflag:s7], $0x80  }
0x25: {  	[sflag:s7] =	ssyncset.done $0x0  }
0x26: {  	[sflag:s7] =	ssyncadd.s32 $0xFFFFFF80  }
0x27: {  	v29 =	vld [tilespmem:s5+$0x0];
	_ =	sdelay $0x2  }
0x28: {  	v30 =	vor.u32 s5, v6;
	_ =	sdelay $0x1  }
0x29: {  	vm4 =	vgt.s32 v29, $0x0  }
0x2a: {  	v29 =	vnsel vm4, $0x0, v29  }
0x2b: {  	[tilespmem:s17+$0x0] =	vst v29  }
0x2c: {  	v30 =	vld.idx.msk [tilespmem:v30+s17+$0x0], $0xffff;
	_ =	sdelay $0x2  }
0x2d: {  	v31 =	vor.u32 s5, v7  }
0x2e: {  	vm4 =	veq.s32 v33, $0x0  }
0x2f: {  	v30 =	vsel vm4, $0x0, v30  }
0x30: {  	v29 =	vadd.s32 v29, v30  }
0x31: {  	[tilespmem:s17+$0x0] =	vst v29  }
0x32: {  	v30 =	vld.idx.msk [tilespmem:v31+s17+$0x0], $0xffff;
	_ =	sdelay $0x2  }
0x33: {  	v31 =	vor.u32 s5, v8;
	_ =	sdelay $0x1  }
0x34: {  	v30 =	vsel vm0, $0x0, v30  }
0x35: {  	v29 =	vadd.s32 v29, v30  }
0x36: {  	[tilespmem:s17+$0x0] =	vst v29  }
0x37: {  	v30 =	vld.idx.msk [tilespmem:v31+s17+$0x0], $0xffff;
	_ =	sdelay $0x2  }
0x38: {  	v31 =	vor.u32 s5, v9;
	_ =	sdelay $0x1  }
0x39: {  	v30 =	vsel vm1, $0x0, v30  }
0x3a: {  	v29 =	vadd.s32 v29, v30  }
0x3b: {  	[tilespmem:s17+$0x0] =	vst v29  }
0x3c: {  	v30 =	vld.idx.msk [tilespmem:v31+s17+$0x0], $0xffff;
	_ =	sdelay $0x4  }
0x3d: {  	s19 =	simm.s32 $0xF;
	v29 =	vadd.s32 v23, v29;
	v30 =	vsel vm2, $0x0, v30  }
0x3e: {  	v30 =	vadd.s32 v30, v29;
	v29 =	vmov s19  }
0x3f: {  	s9 =	simm.s32 $0x20  }
0x40: {  	s8 =	simm.s32 $0x800;
	s3 =	simm.s32 $0x10;
	s7 =	simm.s32 $0x10;
	[tilespmem:s17+$0x0] =	vst v30  }
.LBB2_2:
0x41: {  	p0 =	sne.s32 s9, $0x7F0  }
0x42: {  	v30 =	vld [tilespmem:s7+$0x0];
	s8 =	sadd.s32 $0x10, s8;
	s11 =	smov.u32 s9;
	s9 =	sadd.s32 $0x10, s9  }
0x43: {  	v31 =	vld.idx.msk [tilespmem:v29+s17+$0x0], $0xffff;
	_ =	sdelay $0x1  }
0x44: {  	v29 =	vor.u32 s3, v6;
	_ =	sdelay $0x1  }
0x45: {  	vm5 =	vgt.s32 v30, $0x0  }
0x46: {  	v30 =	vnsel vm5, $0x0, v30  }
0x47: {  	[tilespmem:s8+$0x0] =	vst v30  }
0x48: {  	v29 =	vld.idx.msk [tilespmem:v29+s17+$0x0], $0xffff;
	_ =	sdelay $0x3  }
0x49: {  	v32 =	vor.u32 s3, v7;
	_ =	sdelay $0x1  }
0x4a: {  	v29 =	vsel vm4, $0x0, v29  }
0x4b: {  	v29 =	vadd.s32 v30, v29  }
0x4c: {  	[tilespmem:s8+$0x0] =	vst v29  }
0x4d: {  	v30 =	vld.idx.msk [tilespmem:v32+s17+$0x0], $0xffff;
	_ =	sdelay $0x3  }
0x4e: {  	v32 =	vor.u32 s3, v8;
	_ =	sdelay $0x1  }
0x4f: {  	v30 =	vsel vm0, $0x0, v30  }
0x50: {  	v29 =	vadd.s32 v29, v30  }
0x51: {  	[tilespmem:s8+$0x0] =	vst v29  }
0x52: {  	v30 =	vld.idx.msk [tilespmem:v32+s17+$0x0], $0xffff;
	_ =	sdelay $0x3  }
0x53: {  	v32 =	vor.u32 s3, v9;
	_ =	sdelay $0x1  }
0x54: {  	v30 =	vsel vm1, $0x0, v30  }
0x55: {  	v30 =	vadd.s32 v29, v30  }
0x56: {  	[tilespmem:s8+$0x0] =	vst v30  }
0x57: {  	v32 =	vld.idx.msk [tilespmem:v32+s17+$0x0], $0xffff;
	_ =	sdelay $0x2  }
0x58: {  	s12 =	sadd.s32 $0xF, s3;
	s3 =	smov.u32 s11  }
.Ltmp0:
0x59: {  	v29 =	vmov s12;
	(pc) =	sbr.rel @p0 .LBB2_2-.Ltmp0, $4  }
0x5a: {  	_ = 	snop  }
0x5b: {  	v30 =	vadd.s32 v31, v30;
	v32 =	vsel vm2, $0x0, v32  }
0x5c: {  	v30 =	vadd.s32 v32, v30  }
0x5d: {  	s7 =	sadd.s32 $0x10, s7;
	[tilespmem:s8+$0x0] =	vst v30  }
0x5e: {  	v30 =	vld [tilespmem:s7+$0x0];
	_ =	sdelay $0x2  }
0x5f: {  	v31 =	vor.u32 s3, v6;
	_ =	sdelay $0x1  }
0x60: {  	vm4 =	vgt.s32 v30, $0x0  }
0x61: {  	s10 =	sadd.s32 $0x10, s8;
	v30 =	vnsel vm4, $0x0, v30  }
0x62: {  	v29 =	vld.idx.msk [tilespmem:v29+s17+$0x0], $0xffff;
	[tilespmem:s10+$0x0] =	vst v30  }
0x63: {  	v31 =	vld.idx.msk [tilespmem:v31+s17+$0x0], $0xffff;
	_ =	sdelay $0x2  }
0x64: {  	v32 =	vor.u32 s3, v7  }
0x65: {  	vm4 =	veq.s32 v33, $0x0  }
0x66: {  	v31 =	vsel vm4, $0x0, v31  }
0x67: {  	v30 =	vadd.s32 v30, v31  }
0x68: {  	[tilespmem:s10+$0x0] =	vst v30  }
0x69: {  	v31 =	vld.idx.msk [tilespmem:v32+s17+$0x0], $0xffff;
	_ =	sdelay $0x2  }
0x6a: {  	v60 =	vor.u32 s3, v8;
	_ =	sdelay $0x1  }
0x6b: {  	v31 =	vsel vm0, $0x0, v31  }
0x6c: {  	v30 =	vadd.s32 v30, v31  }
0x6d: {  	[tilespmem:s10+$0x0] =	vst v30  }
0x6e: {  	v31 =	vld.idx.msk [tilespmem:v60+s17+$0x0], $0xffff;
	_ =	sdelay $0x2  }
0x6f: {  	v61 =	vor.u32 s3, v9;
	_ =	sdelay $0x1  }
0x70: {  	v31 =	vsel vm1, $0x0, v31  }
0x71: {  	v30 =	vadd.s32 v30, v31  }
0x72: {  	[tilespmem:s10+$0x0] =	vst v30  }
0x73: {  	v31 =	vld.idx.msk [tilespmem:v61+s17+$0x0], $0xffff;
	_ =	sdelay $0x2  }
0x74: {  	v3 =	vimm.s32 $0x3FF;
	_ =	sdelay $0x1  }
0x75: {  	v29 =	vadd.s32 v29, v30;
	v31 =	vsel vm2, $0x0, v31  }
0x76: {  	v29 =	vadd.s32 v31, v29  }
0x77: {  	v0 =	vld [tilespmem:$0x1FFC0];
	[tilespmem:s10+$0x0] =	vst v29  }
0x78: {  	v29 =	vld.idx.msk [tilespmem:v3+s17+$0x0], $0xffff;
	_ =	sdelay $0x4  }
0x79: {  	v4 =	vimm.s32 $0x400;
	vm4 =	vgt.s32 v29, v0  }
0x7a: {  	v29 =	vsel vm4, $0x0, v4  }
0x7b: {  	v30 =	vor.u32 $0x1FF, v29;
	_ =	sdelay $0x4  }
0x7c: {  	v30 =	vld.idx.msk [tilespmem:v30+s17+$0x0], $0xffff;
	_ =	sdelay $0x4  }
0x7d: {  	v5 =	vimm.s32 $0x200;
	vm4 =	vgt.s32 v30, v0  }
0x7e: {  	v30 =	vsel vm4, $0x0, v5  }
0x7f: {  	v29 =	vor.u32 v29, v30  }
0x80: {  	v30 =	vor.u32 $0xFF, v29;
	_ =	sdelay $0x4  }
0x81: {  	v30 =	vld.idx.msk [tilespmem:v30+s17+$0x0], $0xffff;
	_ =	sdelay $0x4  }
0x82: {  	v10 =	vimm.s32 $0x100;
	vm4 =	vgt.s32 v30, v0  }
0x83: {  	v30 =	vsel vm4, $0x0, v10  }
0x84: {  	v29 =	vor.u32 v30, v29  }
0x85: {  	v30 =	vor.u32 $0x7F, v29;
	_ =	sdelay $0x4  }
0x86: {  	v30 =	vld.idx.msk [tilespmem:v30+s17+$0x0], $0xffff;
	_ =	sdelay $0x4  }
0x87: {  	vm4 =	vgt.s32 v30, v0  }
0x88: {  	v30 =	vsel vm4, $0x0, v15  }
0x89: {  	v29 =	vor.u32 v30, v29  }
0x8a: {  	v30 =	vor.u32 $0x3F, v29;
	_ =	sdelay $0x4  }
0x8b: {  	v30 =	vld.idx.msk [tilespmem:v30+s17+$0x0], $0xffff;
	_ =	sdelay $0x4  }
0x8c: {  	vm4 =	vgt.s32 v30, v0  }
0x8d: {  	v30 =	vsel vm4, $0x0, v16  }
0x8e: {  	v31 =	vor.u32 v29, v30  }
0x8f: {  	v31 =	vor.u32 $0x1F, v31;
	_ =	sdelay $0x4  }
0x90: {  	v31 =	vld.idx.msk [tilespmem:v31+s17+$0x0], $0xffff;
	_ =	sdelay $0x4  }
0x91: {  	vm4 =	vgt.s32 v31, v0  }
0x92: {  	v31 =	vsel vm4, $0x0, v17  }
0x93: {  	v30 =	vor.u32 v30, v31  }
0x94: {  	v31 =	vor.u32 v29, v30  }
0x95: {  	v31 =	vor.u32 $0xF, v31;
	_ =	sdelay $0x4  }
0x96: {  	v31 =	vld.idx.msk [tilespmem:v31+s17+$0x0], $0xffff;
	_ =	sdelay $0x4  }
0x97: {  	vm4 =	vgt.s32 v31, v0  }
0x98: {  	v31 =	vsel vm4, $0x0, v18  }
0x99: {  	v31 =	vor.u32 v31, v29  }
0x9a: {  	v30 =	vor.u32 v30, v31  }
0x9b: {  	v31 =	vand.u32 $0x78, v30  }
0x9c: {  	v29 =	vor.u32 v31, v29  }
0x9d: {  	v29 =	vor.u32 $0x7, v29;
	_ =	sdelay $0x4  }
0x9e: {  	v29 =	vld.idx.msk [tilespmem:v29+s17+$0x0], $0xffff;
	_ =	sdelay $0x4  }
0x9f: {  	vm4 =	vgt.s32 v29, v0  }
0xa0: {  	v29 =	vsel vm4, $0x0, v19  }
0xa1: {  	v29 =	vor.u32 v29, v30  }
0xa2: {  	v30 =	vadd.s32 $0x3, v29;
	_ =	sdelay $0x4  }
0xa3: {  	v30 =	vld.idx.msk [tilespmem:v30+s17+$0x0], $0xffff;
	_ =	sdelay $0x4  }
0xa4: {  	vm4 =	vgt.s32 v30, v0  }
0xa5: {  	v30 =	vsel vm4, $0x0, v20  }
0xa6: {  	v29 =	vadd.s32 v30, v29  }
0xa7: {  	v30 =	vadd.s32 $0x1, v29;
	_ =	sdelay $0x4  }
0xa8: {  	v30 =	vld.idx.msk [tilespmem:v30+s17+$0x0], $0xffff;
	_ =	sdelay $0x4  }
0xa9: {  	vm4 =	vgt.s32 v30, v0  }
0xaa: {  	v30 =	vsel vm4, $0x0, v22  }
0xab: {  	v29 =	vadd.s32 v30, v29;
	_ =	sdelay $0x4  }
0xac: {  	v30 =	vld.idx.msk [tilespmem:v29+s17+$0x0], $0xffff;
	_ =	sdelay $0x4  }
0xad: {  	vm4 =	vle.s32 v30, v0  }
0xae: {  	v30 =	vsel vm4, $0x1, v23  }
0xaf: {  	v30 =	vadd.s32 v30, v29  }
0xb0: {  	v29 =	vmax.u32 v30, $0x1  }
0xb1: {  	v29 =	vsub.s32 v29, v21;
	_ =	sdelay $0x4  }
0xb2: {  	v29 =	vld.idx.msk [tilespmem:v29+s17+$0x0], $0xffff  }
0xb3: {  	v31 =	vld.idx.msk [tilespmem:v30+s17+$0x0], $0xffff;
	_ =	sdelay $0x2  }
0xb4: {  	vm4 =	veq.s32 v30, $0x0  }
0xb5: {  	v62 =	vsel vm4, $0x0, v29  }
0xb6: {  	v63 =	vsub.s32 v31, v62;
	vm4 =	vne.s32 v31, v62  }
0xb7: {  	v29 =	vshra.s32 v63, $0x1F;
	v31 =	vsel vm4, $0x1, v23  }
0xb8: {  	v29 =	vor.u32 v31, v29;
	v31 =	vand.u32 $0x1, v63  }
0xb9: {  	v34 =	vshrl.u32 v63, $0x1F;
	vm4 =	vne.s32 v29, $0x1;
	vm5 =	veq.s32 v31, $0x1  }
0xba: {  	v29 =	vadd.s32 v34, v63;
	vm4 =	vmand vm4, vm5  }
0xbb: {  	v29 =	vshra.s32 v29, $0x1;
	v31 =	vsel vm4, $0xFFFFFFFF, v23  }
0xbc: {  	v29 =	vadd.s32 v31, v29  }
0xbd: {  	vm4 =	vgt.s32 v29, $0x2;
	v31 =	vxor.u32 $0xFFFFFFFF, v29  }
0xbe: {  	v44 =	vnsel vm4, $0x2, v29;
	v31 =	vadd.s32 v31, v63  }
0xbf: {  	v34 =	vadd.s32 $0xFFFFFFFF, v44;
	vm4 =	vgt.s32 v31, $0x1  }
0xc0: {  	v34 =	vcvt.s32.f32 v34;
	v31 =	vnsel vm4, $0x1, v31  }
0xc1: {  	v1 =	vimm.s32 $0x7FF;
	v31 =	vcvt.s32.f32 v31  }
0xc2: {  	(erf) = vrcp.f32 v34  }
0xc3: {  	(erf) = vrcp.f32 v31;
	_ =	sdelay $0x1  }
0xc4: {  	v47 =	vld.idx.msk [tilespmem:v30+s15+$0x0], $0xffff  }
0xc5: {  	v45 =	vld.idx.msk [tilespmem:v1+s17+$0x0], $0xffff  }
0xc6: {  	v37 =	vld [tilespmem:$0x1800]  }
0xc7: {  	v31 =	vsub.s32 v0, v62  }
0xc8: {  	v30 =	vadd.s32 v2, v30;
	v36 =	vcvt.s32.f32 v29;
	v35 =	vcvt.s32.f32 v31  }
0xc9: {  	vm13 =	veq.s32 v47, $0x0;
	v49 =	vadd.s32 $0xFFFFFFFF, v63;
	v54 =	vand.u32 $0xFFFFFFFE, v63  }
0xca: {  	vm7 =	veq.s32 v63, $0x3;
	vm14 =	veq.s32 v63, $0x2;
	v36 =	vsub.f32 v35, v36;
	v38 =	vpop (erf)  }
0xcb: {  	vm15 =	vne.s32 v63, $0x1;
	vm8 =	veq.s32 v54, $0x2;
	vm4 =	vlt.s32 v45, v37;
	v46 =	vpop (erf)  }
0xcc: {  	vm5 =	vlt.s32 v31, v29;
	v35 =	vmul.f32 v35, v38;
	v36 =	vmul.f32 v46, v36  }
0xcd: {  	v29 =	vsel vm4, v45, v37;
	vm4 =	vne.s32 v0, v62;
	vm6 =	vne.s32 v31, v49  }
0xce: {  	vm6 =	vmand vm4, vm6;
	v39 =	vsub.f32 $1.000000000e+00, v35;
	v40 =	vsub.f32 $1.000000000e+00, v36  }
0xcf: {  	v52 =	vsel vm4, $0x0, v24;
	vm9 =	vlt.s32 v0, v29;
	v50 =	vsel vm5, $0x0, v36  }
0xd0: {  	v48 =	vnsel vm5, $0x0, v39;
	v35 =	vsel vm5, v35, v40;
	vm5 =	veq.s32 v31, v49  }
0xd1: {  	v58 =	vsel vm4, $0x3F800000, v25;
	v51 =	vsel vm6, $0x3F800000, v25;
	vm5 =	vmand vm4, vm5  }
0xd2: {  	v35 =	vsel vm13, v51, v35;
	v53 =	vsel vm5, $0x3F800000, v25;
	vm5 =	veq.s32 v31, $0x1  }
0xd3: {  	v32 =	vsel vm13, v53, v50;
	v55 =	vsel vm5, $0x3F800000, v25;
	vm5 =	vmor vm8, vm13  }
0xd4: {  	v35 =	vsel vm7, v55, v35;
	v56 =	vsel vm5, v52, v48;
	vm5 =	vgt.s32 v31, $0x1  }
0xd5: {  	v57 =	vsel vm14, $0x0, v35;
	v31 =	vsel vm5, $0x3F800000, v25;
	vm5 =	vmand vm9, vm15  }
0xd6: {  	[tilespmem:$0x2080] =	vst v30;
	v34 =	vnsel vm15, $0x3F800000, v57;
	v31 =	vsel vm7, v31, v32;
	v59 =	vnsel vm5, $0x0, v56  }
0xd7: {  	v30 =	vsel vm14, v58, v31;
	v31 =	vnsel vm9, $0x0, v34;
	[tilespmem:$0x2100] =	vst v59  }
0xd8: {  	v30 =	vnsel vm5, $0x0, v30;
	[tilespmem:$0x2180] =	vst v31  }
0xd9: {  	[tilespmem:$0x2200] =	vst v30;
	v30 =	vsel vm9, $0x1, v23  }
0xda: {  	v0 =	vld [tilespmem:$0x1FFD0];
	[tilespmem:$0x1880] =	vst v30  }
0xdb: {  	v30 =	vld.idx.msk [tilespmem:v3+s17+$0x0], $0xffff;
	_ =	sdelay $0x4  }
0xdc: {  	vm4 =	vgt.s32 v30, v0  }
0xdd: {  	v30 =	vsel vm4, $0x0, v4  }
0xde: {  	v31 =	vor.u32 $0x1FF, v30;
	_ =	sdelay $0x4  }
0xdf: {  	v31 =	vld.idx.msk [tilespmem:v31+s17+$0x0], $0xffff;
	_ =	sdelay $0x4  }
0xe0: {  	vm4 =	vgt.s32 v31, v0  }
0xe1: {  	v31 =	vsel vm4, $0x0, v5  }
0xe2: {  	v30 =	vor.u32 v30, v31  }
0xe3: {  	v31 =	vor.u32 $0xFF, v30;
	_ =	sdelay $0x4  }
0xe4: {  	v31 =	vld.idx.msk [tilespmem:v31+s17+$0x0], $0xffff;
	_ =	sdelay $0x4  }
0xe5: {  	vm4 =	vgt.s32 v31, v0  }
0xe6: {  	v31 =	vsel vm4, $0x0, v10  }
0xe7: {  	v30 =	vor.u32 v31, v30  }
0xe8: {  	v31 =	vor.u32 $0x7F, v30;
	_ =	sdelay $0x4  }
0xe9: {  	v31 =	vld.idx.msk [tilespmem:v31+s17+$0x0], $0xffff;
	_ =	sdelay $0x4  }
0xea: {  	vm4 =	vgt.s32 v31, v0  }
0xeb: {  	v31 =	vsel vm4, $0x0, v15  }
0xec: {  	v30 =	vor.u32 v31, v30  }
0xed: {  	v31 =	vor.u32 $0x3F, v30;
	_ =	sdelay $0x4  }
0xee: {  	v31 =	vld.idx.msk [tilespmem:v31+s17+$0x0], $0xffff;
	_ =	sdelay $0x4  }
0xef: {  	vm4 =	vgt.s32 v31, v0  }
0xf0: {  	v31 =	vsel vm4, $0x0, v16  }
0xf1: {  	v60 =	vor.u32 v30, v31  }
0xf2: {  	v32 =	vor.u32 $0x1F, v60;
	_ =	sdelay $0x4  }
0xf3: {  	v32 =	vld.idx.msk [tilespmem:v32+s17+$0x0], $0xffff;
	_ =	sdelay $0x4  }
0xf4: {  	vm4 =	vgt.s32 v32, v0  }
0xf5: {  	v32 =	vsel vm4, $0x0, v17  }
0xf6: {  	v31 =	vor.u32 v31, v32  }
0xf7: {  	v32 =	vor.u32 v30, v31  }
0xf8: {  	v32 =	vor.u32 $0xF, v32;
	_ =	sdelay $0x4  }
0xf9: {  	v32 =	vld.idx.msk [tilespmem:v32+s17+$0x0], $0xffff;
	_ =	sdelay $0x4  }
0xfa: {  	vm4 =	vgt.s32 v32, v0  }
0xfb: {  	v32 =	vsel vm4, $0x0, v18  }
0xfc: {  	v32 =	vor.u32 v32, v30  }
0xfd: {  	v31 =	vor.u32 v31, v32  }
0xfe: {  	v32 =	vand.u32 $0x78, v31  }
0xff: {  	v30 =	vor.u32 v32, v30  }
0x100: {  	v30 =	vor.u32 $0x7, v30;
	_ =	sdelay $0x4  }
0x101: {  	v30 =	vld.idx.msk [tilespmem:v30+s17+$0x0], $0xffff;
	_ =	sdelay $0x4  }
0x102: {  	vm4 =	vgt.s32 v30, v0  }
0x103: {  	v30 =	vsel vm4, $0x0, v19  }
0x104: {  	v30 =	vor.u32 v30, v31  }
0x105: {  	v31 =	vadd.s32 $0x3, v30;
	_ =	sdelay $0x4  }
0x106: {  	v31 =	vld.idx.msk [tilespmem:v31+s17+$0x0], $0xffff;
	_ =	sdelay $0x4  }
0x107: {  	vm4 =	vgt.s32 v31, v0  }
0x108: {  	v31 =	vsel vm4, $0x0, v20  }
0x109: {  	v30 =	vadd.s32 v31, v30  }
0x10a: {  	v31 =	vadd.s32 $0x1, v30;
	_ =	sdelay $0x4  }
0x10b: {  	v31 =	vld.idx.msk [tilespmem:v31+s17+$0x0], $0xffff;
	_ =	sdelay $0x4  }
0x10c: {  	vm4 =	vgt.s32 v31, v0  }
0x10d: {  	v31 =	vsel vm4, $0x0, v22  }
0x10e: {  	v30 =	vadd.s32 v31, v30;
	_ =	sdelay $0x4  }
0x10f: {  	v31 =	vld.idx.msk [tilespmem:v30+s17+$0x0], $0xffff;
	_ =	sdelay $0x4  }
0x110: {  	vm4 =	vle.s32 v31, v0  }
0x111: {  	v31 =	vsel vm4, $0x1, v23  }
0x112: {  	v30 =	vadd.s32 v31, v30  }
0x113: {  	v31 =	vmax.u32 v30, $0x1  }
0x114: {  	v31 =	vsub.s32 v31, v21;
	_ =	sdelay $0x4  }
0x115: {  	v31 =	vld.idx.msk [tilespmem:v31+s17+$0x0], $0xffff  }
0x116: {  	v61 =	vld.idx.msk [tilespmem:v30+s17+$0x0], $0xffff;
	_ =	sdelay $0x2  }
0x117: {  	vm4 =	veq.s32 v30, $0x0  }
0x118: {  	v31 =	vsel vm4, $0x0, v31  }
0x119: {  	v62 =	vsub.s32 v61, v31;
	vm4 =	vne.s32 v61, v31  }
0x11a: {  	v63 =	vshra.s32 v62, $0x1F;
	v36 =	vsel vm4, $0x1, v23  }
0x11b: {  	v37 =	vand.u32 $0x1, v62;
	v32 =	vor.u32 v36, v63  }
0x11c: {  	v38 =	vshrl.u32 v62, $0x1F;
	vm5 =	veq.s32 v37, $0x1;
	vm4 =	vne.s32 v32, $0x1  }
0x11d: {  	v39 =	vadd.s32 v38, v62;
	vm4 =	vmand vm4, vm5  }
0x11e: {  	v32 =	vshra.s32 v39, $0x1;
	v40 =	vsel vm4, $0xFFFFFFFF, v23  }
0x11f: {  	v32 =	vadd.s32 v40, v32  }
0x120: {  	vm4 =	vgt.s32 v32, $0x2;
	v34 =	vxor.u32 $0xFFFFFFFF, v32  }
0x121: {  	v41 =	vnsel vm4, $0x2, v32;
	v34 =	vadd.s32 v34, v62  }
0x122: {  	v35 =	vadd.s32 $0xFFFFFFFF, v41;
	vm4 =	vgt.s32 v34, $0x1  }
0x123: {  	v35 =	vcvt.s32.f32 v35;
	v34 =	vnsel vm4, $0x1, v34  }
0x124: {  	v34 =	vcvt.s32.f32 v34  }
0x125: {  	(erf) = vrcp.f32 v35  }
0x126: {  	(erf) = vrcp.f32 v34;
	_ =	sdelay $0x1  }
0x127: {  	v52 =	vld [tilespmem:$0x2080];
	_ =	sdelay $0x2  }
0x128: {  	v42 =	vsub.s32 v0, v31  }
0x129: {  	v43 =	vcvt.s32.f32 v42;
	v44 =	vcvt.s32.f32 v32  }
0x12a: {  	v57 =	vshll.u32 v52, $0x1  }
0x12b: {  	v58 =	vand.u32 $0x7, v52;
	v33 =	vand.u32 $0xFFFFFFF0, v57;
	v36 =	vsub.f32 v43, v44;
	v45 =	vpop (erf)  }
0x12c: {  	v33 =	vor.u32 v58, v33;
	v50 =	vadd.s32 $0xFFFFFFFF, v62;
	v46 =	vpop (erf)  }
0x12d: {  	v54 =	vand.u32 $0xFFFFFFFE, v62;
	v35 =	vmul.f32 v43, v45;
	v36 =	vmul.f32 v46, v36  }
0x12e: {  	vm14 =	veq.s32 v42, $0x1;
	vm15 =	veq.s32 v62, $0x3;
	vm12 =	veq.s32 v42, v50  }
0x12f: {  	v47 =	vld.idx.msk [tilespmem:v30+s15+$0x0], $0xffff;
	vm4 =	vlt.s32 v42, v32;
	v48 =	vsub.f32 $1.000000000e+00, v35;
	v49 =	vsub.f32 $1.000000000e+00, v36  }
0x130: {  	vm13 =	veq.s32 v54, $0x2;
	vm5 =	vne.s32 v42, v50;
	v36 =	vsel vm4, $0x0, v36  }
0x131: {  	v32 =	vnsel vm4, $0x0, v48;
	v35 =	vsel vm4, v35, v49;
	vm4 =	vne.s32 v0, v31  }
0x132: {  	v55 =	vsel vm14, $0x3F800000, v25;
	v31 =	vsel vm4, $0x0, v24;
	vm5 =	vmand vm4, vm5  }
0x133: {  	vm6 =	vmand vm4, vm12;
	vm12 =	vne.s32 v62, $0x1;
	v59 =	vsel vm4, $0x3F800000, v25  }
0x134: {  	vm4 =	vgt.s32 v42, $0x1;
	v51 =	vsel vm5, $0x3F800000, v25;
	vm5 =	veq.s32 v47, $0x0  }
0x135: {  	v53 =	vsel vm6, $0x3F800000, v25;
	v34 =	vsel vm4, $0x3F800000, v25;
	vm4 =	vlt.s32 v0, v29  }
0x136: {  	v35 =	vsel vm5, v51, v35;
	v36 =	vsel vm5, v53, v36;
	vm5 =	vmor vm13, vm5  }
0x137: {  	vm13 =	veq.s32 v62, $0x2;
	v35 =	vsel vm15, v55, v35;
	v31 =	vsel vm5, v31, v32  }
0x138: {  	vm5 =	vmand vm4, vm12;
	v56 =	vsel vm13, $0x0, v35;
	v35 =	vperm.xlane v33, v26  }
0x139: {  	v30 =	vadd.s32 v2, v30;
	v34 =	vsel vm15, v34, v36;
	v31 =	vnsel vm5, $0x0, v31  }
0x13a: {  	[tilespmem:$0x2090] =	vst v30;
	v33 =	vperm.xlane v33, v28;
	v34 =	vsel vm13, v59, v34;
	v30 =	vadd.s32 v27, v35  }
0x13b: {  	v32 =	vnsel vm12, $0x3F800000, v56;
	[tilespmem:$0x2110] =	vst v31;
	v31 =	vnsel vm5, $0x0, v34  }
0x13c: {  	v32 =	vnsel vm4, $0x0, v32;
	v60 =	vadd.s32 v27, v33;
	[tilespmem:$0x2210] =	vst v31  }
0x13d: {  	v31 =	vsel vm4, $0x1, v23;
	[tilespmem:$0x2190] =	vst v32  }
0x13e: {  	s3 =	simm.s32 $0x0;
	s11 =	simm.s32 $0x2280;
	[tilespmem:$0x1890] =	vst v31  }
0x13f: {  	[tilespmem:s11], [sflag:$0x1] =	stream.indirect_vreg.gather [hbm4b:s0+s3], $0x80, v30, vm3, $0xb8;
	[tilespmem:$0x12480] =	vst v63  }
0x140: {  	s12 =	simm.s32 $0x2A80  }
0x141: {  	[tilespmem:s12], [sflag:$0x1] =	stream.indirect_vreg.gather [hbm4b:s0+s3], $0x80, v60, vm3, $0xb8;
	[tilespmem:$0x12480] =	vst v63  }
0x142: {  	v30 =	vld [tilespmem:$0x2090];
	_ =	sdelay $0x4  }
0x143: {  	v31 =	vshll.u32 v30, $0x1  }
0x144: {  	v30 =	vand.u32 $0x7, v30;
	v31 =	vand.u32 $0xFFFFFFF0, v31  }
0x145: {  	v30 =	vor.u32 v30, v31  }
0x146: {  	v31 =	vperm.xlane v30, v26;
	_ =	sdelay $0x1  }
0x147: {  	v30 =	vperm.xlane v30, v28;
	v31 =	vadd.s32 v27, v31;
	_ =	sdelay $0x1  }
0x148: {  	v30 =	vadd.s32 v27, v30;
	_ =	sdelay $0x1  }
0x149: {  	s14 =	simm.s32 $0x3280  }
0x14a: {  	[tilespmem:s14], [sflag:$0x1] =	stream.indirect_vreg.gather [hbm4b:s0+s3], $0x80, v31, vm3, $0xb8;
	[tilespmem:$0x12480] =	vst v63  }
0x14b: {  	s16 =	simm.s32 $0x3A80  }
0x14c: {  	[tilespmem:s16], [sflag:$0x1] =	stream.indirect_vreg.gather [hbm4b:s0+s3], $0x80, v30, vm3, $0xb8;
	[tilespmem:$0x12480] =	vst v63  }
0x14d: {  	v30 =	vld [tilespmem:$0x2080];
	_ =	sdelay $0x4  }
0x14e: {  	v31 =	vshll.u32 v30, $0x1  }
0x14f: {  	v30 =	vand.u32 $0x7, v30;
	v31 =	vand.u32 $0xFFFFFFF0, v31  }
0x150: {  	v30 =	vor.u32 v30, v31  }
0x151: {  	v31 =	vperm.xlane v30, v26;
	_ =	sdelay $0x1  }
0x152: {  	v30 =	vperm.xlane v30, v28;
	v31 =	vadd.s32 v27, v31;
	_ =	sdelay $0x1  }
0x153: {  	v30 =	vadd.s32 v27, v30;
	_ =	sdelay $0x1  }
0x154: {  	s18 =	simm.s32 $0x4280  }
0x155: {  	[tilespmem:s18], [sflag:$0x2] =	stream.indirect_vreg.gather [hbm4b:s2+s3], $0x80, v31, vm3, $0xb8;
	[tilespmem:$0x12480] =	vst v63  }
0x156: {  	s19 =	simm.s32 $0x4A80  }
0x157: {  	[tilespmem:s19], [sflag:$0x2] =	stream.indirect_vreg.gather [hbm4b:s2+s3], $0x80, v30, vm3, $0xb8;
	[tilespmem:$0x12480] =	vst v63  }
0x158: {  	v30 =	vld [tilespmem:$0x2090];
	_ =	sdelay $0x4  }
0x159: {  	v31 =	vshll.u32 v30, $0x1  }
0x15a: {  	v30 =	vand.u32 $0x7, v30;
	v31 =	vand.u32 $0xFFFFFFF0, v31  }
0x15b: {  	v30 =	vor.u32 v30, v31  }
0x15c: {  	v31 =	vperm.xlane v30, v26;
	_ =	sdelay $0x1  }
0x15d: {  	v30 =	vperm.xlane v30, v28;
	v31 =	vadd.s32 v27, v31;
	_ =	sdelay $0x1  }
0x15e: {  	v30 =	vadd.s32 v27, v30;
	_ =	sdelay $0x1  }
0x15f: {  	s8 =	simm.s32 $0x5280  }
0x160: {  	[tilespmem:s8], [sflag:$0x2] =	stream.indirect_vreg.gather [hbm4b:s2+s3], $0x80, v31, vm3, $0xb8;
	[tilespmem:$0x12480] =	vst v63  }
0x161: {  	s9 =	simm.s32 $0x5A80  }
0x162: {  	[tilespmem:s9], [sflag:$0x2] =	stream.indirect_vreg.gather [hbm4b:s2+s3], $0x80, v30, vm3, $0xb8;
	[tilespmem:$0x12480] =	vst v63  }
0x163: {  	v30 =	vld [tilespmem:$0x2080];
	_ =	sdelay $0x4  }
0x164: {  	v31 =	vshll.u32 v30, $0x1  }
0x165: {  	v30 =	vand.u32 $0x7, v30;
	v31 =	vand.u32 $0xFFFFFFF0, v31  }
0x166: {  	v30 =	vor.u32 v30, v31  }
0x167: {  	v31 =	vperm.xlane v30, v26;
	_ =	sdelay $0x1  }
0x168: {  	v30 =	vperm.xlane v30, v28;
	v31 =	vadd.s32 v27, v31;
	_ =	sdelay $0x1  }
0x169: {  	v30 =	vadd.s32 v27, v30;
	_ =	sdelay $0x1  }
0x16a: {  	s10 =	simm.s32 $0x6280  }
0x16b: {  	[tilespmem:s10], [sflag:$0x3] =	stream.indirect_vreg.gather [hbm4b:s4+s3], $0x80, v31, vm3, $0xb8;
	[tilespmem:$0x12480] =	vst v63  }
0x16c: {  	s11 =	simm.s32 $0x6A80  }
0x16d: {  	[tilespmem:s11], [sflag:$0x3] =	stream.indirect_vreg.gather [hbm4b:s4+s3], $0x80, v30, vm3, $0xb8;
	[tilespmem:$0x12480] =	vst v63  }
0x16e: {  	v30 =	vld [tilespmem:$0x2090];
	_ =	sdelay $0x4  }
0x16f: {  	v31 =	vshll.u32 v30, $0x1  }
0x170: {  	v30 =	vand.u32 $0x7, v30;
	v31 =	vand.u32 $0xFFFFFFF0, v31  }
0x171: {  	v30 =	vor.u32 v30, v31  }
0x172: {  	v31 =	vperm.xlane v30, v26;
	_ =	sdelay $0x1  }
0x173: {  	v30 =	vperm.xlane v30, v28;
	v31 =	vadd.s32 v27, v31;
	_ =	sdelay $0x1  }
0x174: {  	v30 =	vadd.s32 v27, v30;
	_ =	sdelay $0x1  }
0x175: {  	s12 =	simm.s32 $0x7280  }
0x176: {  	[tilespmem:s12], [sflag:$0x3] =	stream.indirect_vreg.gather [hbm4b:s4+s3], $0x80, v31, vm3, $0xb8;
	[tilespmem:$0x12480] =	vst v63  }
0x177: {  	s14 =	simm.s32 $0x7A80  }
0x178: {  	v0 =	vld [tilespmem:$0x1FFE0];
	[tilespmem:s14], [sflag:$0x3] =	stream.indirect_vreg.gather [hbm4b:s4+s3], $0x80, v30, vm3, $0xb8  }
0x179: {  	v30 =	vld.idx.msk [tilespmem:v3+s17+$0x0], $0xffff;
	_ =	sdelay $0x4  }
0x17a: {  	vm4 =	vgt.s32 v30, v0  }
0x17b: {  	v30 =	vsel vm4, $0x0, v4  }
0x17c: {  	v31 =	vor.u32 $0x1FF, v30;
	_ =	sdelay $0x4  }
0x17d: {  	v31 =	vld.idx.msk [tilespmem:v31+s17+$0x0], $0xffff;
	_ =	sdelay $0x4  }
0x17e: {  	vm4 =	vgt.s32 v31, v0  }
0x17f: {  	v31 =	vsel vm4, $0x0, v5  }
0x180: {  	v30 =	vor.u32 v30, v31  }
0x181: {  	v31 =	vor.u32 $0xFF, v30;
	_ =	sdelay $0x4  }
0x182: {  	v31 =	vld.idx.msk [tilespmem:v31+s17+$0x0], $0xffff;
	_ =	sdelay $0x4  }
0x183: {  	vm4 =	vgt.s32 v31, v0  }
0x184: {  	v31 =	vsel vm4, $0x0, v10  }
0x185: {  	v30 =	vor.u32 v31, v30  }
0x186: {  	v31 =	vor.u32 $0x7F, v30;
	_ =	sdelay $0x4  }
0x187: {  	v31 =	vld.idx.msk [tilespmem:v31+s17+$0x0], $0xffff;
	_ =	sdelay $0x4  }
0x188: {  	vm4 =	vgt.s32 v31, v0  }
0x189: {  	v31 =	vsel vm4, $0x0, v15  }
0x18a: {  	v30 =	vor.u32 v31, v30  }
0x18b: {  	v31 =	vor.u32 $0x3F, v30;
	_ =	sdelay $0x4  }
0x18c: {  	v31 =	vld.idx.msk [tilespmem:v31+s17+$0x0], $0xffff;
	_ =	sdelay $0x4  }
0x18d: {  	vm4 =	vgt.s32 v31, v0  }
0x18e: {  	v31 =	vsel vm4, $0x0, v16  }
0x18f: {  	v61 =	vor.u32 v30, v31  }
0x190: {  	v32 =	vor.u32 $0x1F, v61;
	_ =	sdelay $0x4  }
0x191: {  	v32 =	vld.idx.msk [tilespmem:v32+s17+$0x0], $0xffff;
	_ =	sdelay $0x4  }
0x192: {  	vm4 =	vgt.s32 v32, v0  }
0x193: {  	v32 =	vsel vm4, $0x0, v17  }
0x194: {  	v31 =	vor.u32 v31, v32  }
0x195: {  	v32 =	vor.u32 v30, v31  }
0x196: {  	v32 =	vor.u32 $0xF, v32;
	_ =	sdelay $0x4  }
0x197: {  	v32 =	vld.idx.msk [tilespmem:v32+s17+$0x0], $0xffff;
	_ =	sdelay $0x4  }
0x198: {  	vm4 =	vgt.s32 v32, v0  }
0x199: {  	v32 =	vsel vm4, $0x0, v18  }
0x19a: {  	v32 =	vor.u32 v32, v30  }
0x19b: {  	v31 =	vor.u32 v31, v32  }
0x19c: {  	v32 =	vand.u32 $0x78, v31  }
0x19d: {  	v30 =	vor.u32 v32, v30  }
0x19e: {  	v30 =	vor.u32 $0x7, v30;
	_ =	sdelay $0x4  }
0x19f: {  	v30 =	vld.idx.msk [tilespmem:v30+s17+$0x0], $0xffff;
	_ =	sdelay $0x4  }
0x1a0: {  	vm4 =	vgt.s32 v30, v0  }
0x1a1: {  	v30 =	vsel vm4, $0x0, v19  }
0x1a2: {  	v30 =	vor.u32 v30, v31  }
0x1a3: {  	v31 =	vadd.s32 $0x3, v30;
	_ =	sdelay $0x4  }
0x1a4: {  	v31 =	vld.idx.msk [tilespmem:v31+s17+$0x0], $0xffff;
	_ =	sdelay $0x4  }
0x1a5: {  	vm4 =	vgt.s32 v31, v0  }
0x1a6: {  	v31 =	vsel vm4, $0x0, v20  }
0x1a7: {  	v30 =	vadd.s32 v31, v30  }
0x1a8: {  	v31 =	vadd.s32 $0x1, v30;
	_ =	sdelay $0x4  }
0x1a9: {  	v31 =	vld.idx.msk [tilespmem:v31+s17+$0x0], $0xffff;
	_ =	sdelay $0x4  }
0x1aa: {  	vm4 =	vgt.s32 v31, v0  }
0x1ab: {  	v31 =	vsel vm4, $0x0, v22  }
0x1ac: {  	v30 =	vadd.s32 v31, v30;
	_ =	sdelay $0x4  }
0x1ad: {  	v31 =	vld.idx.msk [tilespmem:v30+s17+$0x0], $0xffff;
	_ =	sdelay $0x4  }
0x1ae: {  	vm4 =	vle.s32 v31, v0  }
0x1af: {  	v31 =	vsel vm4, $0x1, v23  }
0x1b0: {  	v30 =	vadd.s32 v31, v30  }
0x1b1: {  	v31 =	vmax.u32 v30, $0x1  }
0x1b2: {  	v31 =	vsub.s32 v31, v21;
	_ =	sdelay $0x4  }
0x1b3: {  	v31 =	vld.idx.msk [tilespmem:v31+s17+$0x0], $0xffff  }
0x1b4: {  	v62 =	vld.idx.msk [tilespmem:v30+s17+$0x0], $0xffff;
	_ =	sdelay $0x2  }
0x1b5: {  	vm4 =	veq.s32 v30, $0x0  }
0x1b6: {  	v31 =	vsel vm4, $0x0, v31  }
0x1b7: {  	v63 =	vsub.s32 v62, v31;
	vm4 =	vne.s32 v62, v31  }
0x1b8: {  	v38 =	vshra.s32 v63, $0x1F;
	v39 =	vsel vm4, $0x1, v23  }
0x1b9: {  	v40 =	vand.u32 $0x1, v63;
	v32 =	vor.u32 v39, v38  }
0x1ba: {  	v41 =	vshrl.u32 v63, $0x1F;
	vm5 =	veq.s32 v40, $0x1;
	vm4 =	vne.s32 v32, $0x1  }
0x1bb: {  	v42 =	vadd.s32 v41, v63;
	vm4 =	vmand vm4, vm5  }
0x1bc: {  	v32 =	vshra.s32 v42, $0x1;
	v43 =	vsel vm4, $0xFFFFFFFF, v23  }
0x1bd: {  	v32 =	vadd.s32 v43, v32  }
0x1be: {  	vm4 =	vgt.s32 v32, $0x2;
	v34 =	vxor.u32 $0xFFFFFFFF, v32  }
0x1bf: {  	v44 =	vnsel vm4, $0x2, v32;
	v34 =	vadd.s32 v34, v63  }
0x1c0: {  	v35 =	vadd.s32 $0xFFFFFFFF, v44;
	vm4 =	vgt.s32 v34, $0x1  }
0x1c1: {  	v35 =	vcvt.s32.f32 v35;
	v34 =	vnsel vm4, $0x1, v34  }
0x1c2: {  	v34 =	vcvt.s32.f32 v34  }
0x1c3: {  	(erf) = vrcp.f32 v35  }
0x1c4: {  	(erf) = vrcp.f32 v34;
	_ =	sdelay $0x3  }
0x1c5: {  	v50 =	vld.idx.msk [tilespmem:v30+s15+$0x0], $0xffff  }
0x1c6: {  	v45 =	vsub.s32 v0, v31  }
0x1c7: {  	v46 =	vcvt.s32.f32 v45;
	v47 =	vcvt.s32.f32 v32;
	_ =	sdelay $0x1  }
0x1c8: {  	v30 =	vadd.s32 v2, v30;
	v36 =	vsub.f32 v46, v47;
	v48 =	vpop (erf)  }
0x1c9: {  	vm15 =	veq.s32 v50, $0x0;
	v53 =	vadd.s32 $0xFFFFFFFF, v63;
	v57 =	vand.u32 $0xFFFFFFFE, v63;
	v49 =	vpop (erf)  }
0x1ca: {  	vm7 =	veq.s32 v63, $0x3;
	v35 =	vmul.f32 v46, v48;
	v36 =	vmul.f32 v49, v36  }
0x1cb: {  	vm13 =	veq.s32 v63, $0x2;
	vm14 =	vne.s32 v45, v53;
	vm5 =	vne.s32 v0, v31  }
0x1cc: {  	vm4 =	vlt.s32 v45, v32;
	v51 =	vsub.f32 $1.000000000e+00, v35;
	v52 =	vsub.f32 $1.000000000e+00, v36  }
0x1cd: {  	vm12 =	veq.s32 v57, $0x2;
	vm6 =	vmand vm5, vm14;
	v31 =	vsel vm4, $0x0, v36  }
0x1ce: {  	v38 =	vnsel vm4, $0x0, v51;
	v32 =	vsel vm4, v35, v52;
	vm4 =	veq.s32 v45, v53  }
0x1cf: {  	v55 =	vsel vm5, $0x0, v24;
	vm14 =	vne.s32 v63, $0x1;
	vm4 =	vmand vm5, vm4  }
0x1d0: {  	v60 =	vsel vm5, $0x3F800000, v25;
	v54 =	vsel vm6, $0x3F800000, v25;
	v56 =	vsel vm4, $0x3F800000, v25  }
0x1d1: {  	v32 =	vsel vm15, v54, v32;
	vm4 =	veq.s32 v45, $0x1;
	v31 =	vsel vm15, v56, v31  }
0x1d2: {  	v58 =	vsel vm4, $0x3F800000, v25;
	vm4 =	vmor vm12, vm15;
	vm15 =	vlt.s32 v0, v29  }
0x1d3: {  	v32 =	vsel vm7, v58, v32;
	v59 =	vsel vm4, v55, v38;
	vm4 =	vgt.s32 v45, $0x1  }
0x1d4: {  	v32 =	vsel vm13, $0x0, v32;
	v34 =	vsel vm4, $0x3F800000, v25;
	vm4 =	vmand vm15, vm14  }
0x1d5: {  	[tilespmem:$0xA280] =	vst v30;
	v32 =	vnsel vm14, $0x3F800000, v32;
	v31 =	vsel vm7, v34, v31;
	v33 =	vnsel vm4, $0x0, v59  }
0x1d6: {  	v30 =	vsel vm13, v60, v31;
	v31 =	vnsel vm15, $0x0, v32;
	[tilespmem:$0xA300] =	vst v33  }
0x1d7: {  	v30 =	vnsel vm4, $0x0, v30;
	[tilespmem:$0xA380] =	vst v31  }
0x1d8: {  	[tilespmem:$0xA400] =	vst v30;
	v30 =	vsel vm15, $0x1, v23  }
0x1d9: {  	v0 =	vld [tilespmem:$0x1FFF0];
	[tilespmem:$0x18A0] =	vst v30  }
0x1da: {  	v30 =	vld.idx.msk [tilespmem:v3+s17+$0x0], $0xffff;
	_ =	sdelay $0x4  }
0x1db: {  	vm4 =	vgt.s32 v30, v0  }
0x1dc: {  	v30 =	vsel vm4, $0x0, v4  }
0x1dd: {  	v31 =	vor.u32 $0x1FF, v30;
	_ =	sdelay $0x4  }
0x1de: {  	v31 =	vld.idx.msk [tilespmem:v31+s17+$0x0], $0xffff;
	_ =	sdelay $0x4  }
0x1df: {  	vm4 =	vgt.s32 v31, v0  }
0x1e0: {  	v31 =	vsel vm4, $0x0, v5  }
0x1e1: {  	v30 =	vor.u32 v30, v31  }
0x1e2: {  	v31 =	vor.u32 $0xFF, v30;
	_ =	sdelay $0x4  }
0x1e3: {  	v31 =	vld.idx.msk [tilespmem:v31+s17+$0x0], $0xffff;
	_ =	sdelay $0x4  }
0x1e4: {  	vm4 =	vgt.s32 v31, v0  }
0x1e5: {  	v31 =	vsel vm4, $0x0, v10  }
0x1e6: {  	v30 =	vor.u32 v31, v30  }
0x1e7: {  	v31 =	vor.u32 $0x7F, v30;
	_ =	sdelay $0x4  }
0x1e8: {  	v31 =	vld.idx.msk [tilespmem:v31+s17+$0x0], $0xffff;
	_ =	sdelay $0x4  }
0x1e9: {  	vm4 =	vgt.s32 v31, v0  }
0x1ea: {  	v31 =	vsel vm4, $0x0, v15  }
0x1eb: {  	v30 =	vor.u32 v31, v30  }
0x1ec: {  	v31 =	vor.u32 $0x3F, v30;
	_ =	sdelay $0x4  }
0x1ed: {  	v31 =	vld.idx.msk [tilespmem:v31+s17+$0x0], $0xffff;
	_ =	sdelay $0x4  }
0x1ee: {  	vm4 =	vgt.s32 v31, v0  }
0x1ef: {  	v31 =	vsel vm4, $0x0, v16  }
0x1f0: {  	v61 =	vor.u32 v30, v31  }
0x1f1: {  	v32 =	vor.u32 $0x1F, v61;
	_ =	sdelay $0x4  }
0x1f2: {  	v32 =	vld.idx.msk [tilespmem:v32+s17+$0x0], $0xffff;
	_ =	sdelay $0x4  }
0x1f3: {  	vm4 =	vgt.s32 v32, v0  }
0x1f4: {  	v32 =	vsel vm4, $0x0, v17  }
0x1f5: {  	v31 =	vor.u32 v31, v32  }
0x1f6: {  	v32 =	vor.u32 v30, v31  }
0x1f7: {  	v32 =	vor.u32 $0xF, v32;
	_ =	sdelay $0x4  }
0x1f8: {  	v32 =	vld.idx.msk [tilespmem:v32+s17+$0x0], $0xffff;
	_ =	sdelay $0x4  }
0x1f9: {  	vm4 =	vgt.s32 v32, v0  }
0x1fa: {  	v32 =	vsel vm4, $0x0, v18  }
0x1fb: {  	v32 =	vor.u32 v32, v30  }
0x1fc: {  	v31 =	vor.u32 v31, v32  }
0x1fd: {  	v32 =	vand.u32 $0x78, v31  }
0x1fe: {  	v30 =	vor.u32 v32, v30  }
0x1ff: {  	v30 =	vor.u32 $0x7, v30;
	_ =	sdelay $0x4  }
0x200: {  	v30 =	vld.idx.msk [tilespmem:v30+s17+$0x0], $0xffff;
	_ =	sdelay $0x4  }
0x201: {  	vm4 =	vgt.s32 v30, v0  }
0x202: {  	v30 =	vsel vm4, $0x0, v19  }
0x203: {  	v30 =	vor.u32 v30, v31  }
0x204: {  	v31 =	vadd.s32 $0x3, v30;
	_ =	sdelay $0x4  }
0x205: {  	v31 =	vld.idx.msk [tilespmem:v31+s17+$0x0], $0xffff;
	_ =	sdelay $0x4  }
0x206: {  	vm4 =	vgt.s32 v31, v0  }
0x207: {  	v31 =	vsel vm4, $0x0, v20  }
0x208: {  	v30 =	vadd.s32 v31, v30  }
0x209: {  	v31 =	vadd.s32 $0x1, v30;
	_ =	sdelay $0x4  }
0x20a: {  	v31 =	vld.idx.msk [tilespmem:v31+s17+$0x0], $0xffff;
	_ =	sdelay $0x4  }
0x20b: {  	vm4 =	vgt.s32 v31, v0  }
0x20c: {  	v31 =	vsel vm4, $0x0, v22  }
0x20d: {  	v30 =	vadd.s32 v31, v30;
	_ =	sdelay $0x4  }
0x20e: {  	v31 =	vld.idx.msk [tilespmem:v30+s17+$0x0], $0xffff;
	_ =	sdelay $0x4  }
0x20f: {  	vm4 =	vle.s32 v31, v0  }
0x210: {  	v31 =	vsel vm4, $0x1, v23  }
0x211: {  	v30 =	vadd.s32 v31, v30  }
0x212: {  	v31 =	vmax.u32 v30, $0x1  }
0x213: {  	v31 =	vsub.s32 v31, v21;
	_ =	sdelay $0x4  }
0x214: {  	v31 =	vld.idx.msk [tilespmem:v31+s17+$0x0], $0xffff  }
0x215: {  	v62 =	vld.idx.msk [tilespmem:v30+s17+$0x0], $0xffff;
	_ =	sdelay $0x2  }
0x216: {  	vm4 =	veq.s32 v30, $0x0  }
0x217: {  	v31 =	vsel vm4, $0x0, v31  }
0x218: {  	v63 =	vsub.s32 v62, v31;
	vm4 =	vne.s32 v62, v31  }
0x219: {  	v38 =	vshra.s32 v63, $0x1F;
	v39 =	vsel vm4, $0x1, v23  }
0x21a: {  	v40 =	vand.u32 $0x1, v63;
	v32 =	vor.u32 v39, v38  }
0x21b: {  	v41 =	vshrl.u32 v63, $0x1F;
	vm5 =	veq.s32 v40, $0x1;
	vm4 =	vne.s32 v32, $0x1  }
0x21c: {  	v42 =	vadd.s32 v41, v63;
	vm4 =	vmand vm4, vm5  }
0x21d: {  	v32 =	vshra.s32 v42, $0x1;
	v43 =	vsel vm4, $0xFFFFFFFF, v23  }
0x21e: {  	v32 =	vadd.s32 v43, v32  }
0x21f: {  	vm4 =	vgt.s32 v32, $0x2;
	v34 =	vxor.u32 $0xFFFFFFFF, v32  }
0x220: {  	v44 =	vnsel vm4, $0x2, v32;
	v34 =	vadd.s32 v34, v63  }
0x221: {  	v35 =	vadd.s32 $0xFFFFFFFF, v44;
	vm4 =	vgt.s32 v34, $0x1  }
0x222: {  	v35 =	vcvt.s32.f32 v35;
	v34 =	vnsel vm4, $0x1, v34  }
0x223: {  	v34 =	vcvt.s32.f32 v34  }
0x224: {  	(erf) = vrcp.f32 v35  }
0x225: {  	(erf) = vrcp.f32 v34  }
0x226: {  	v55 =	vld [tilespmem:$0xA280];
	_ =	sdelay $0x3  }
0x227: {  	v45 =	vsub.s32 v0, v31  }
0x228: {  	v60 =	vshll.u32 v55, $0x1;
	v46 =	vcvt.s32.f32 v45;
	v47 =	vcvt.s32.f32 v32  }
0x229: {  	v33 =	vand.u32 $0xFFFFFFF0, v60;
	v61 =	vand.u32 $0x7, v55  }
0x22a: {  	v33 =	vor.u32 v61, v33;
	v53 =	vadd.s32 $0xFFFFFFFF, v63;
	v36 =	vsub.f32 v46, v47;
	v48 =	vpop (erf)  }
0x22b: {  	v57 =	vand.u32 $0xFFFFFFFE, v63;
	vm12 =	veq.s32 v45, $0x1;
	vm13 =	veq.s32 v63, $0x3;
	v49 =	vpop (erf)  }
0x22c: {  	vm14 =	vne.s32 v63, $0x1;
	v35 =	vmul.f32 v46, v48;
	v36 =	vmul.f32 v49, v36  }
0x22d: {  	vm15 =	veq.s32 v63, $0x2;
	vm10 =	veq.s32 v45, v53;
	vm11 =	veq.s32 v57, $0x2  }
0x22e: {  	v50 =	vld.idx.msk [tilespmem:v30+s15+$0x0], $0xffff;
	vm4 =	vlt.s32 v45, v32;
	v51 =	vsub.f32 $1.000000000e+00, v35;
	v52 =	vsub.f32 $1.000000000e+00, v36  }
0x22f: {  	v58 =	vsel vm12, $0x3F800000, v25;
	vm5 =	vne.s32 v45, v53;
	v36 =	vsel vm4, $0x0, v36  }
0x230: {  	v32 =	vnsel vm4, $0x0, v51;
	v35 =	vsel vm4, v35, v52;
	vm4 =	vne.s32 v0, v31  }
0x231: {  	v31 =	vsel vm4, $0x0, v24;
	vm5 =	vmand vm4, vm5;
	vm6 =	vmand vm4, vm10  }
0x232: {  	v62 =	vsel vm4, $0x3F800000, v25;
	vm4 =	vgt.s32 v45, $0x1;
	v54 =	vsel vm5, $0x3F800000, v25  }
0x233: {  	vm5 =	veq.s32 v50, $0x0;
	v56 =	vsel vm6, $0x3F800000, v25;
	v34 =	vsel vm4, $0x3F800000, v25  }
0x234: {  	v35 =	vsel vm5, v54, v35;
	v36 =	vsel vm5, v56, v36;
	vm5 =	vmor vm11, vm5  }
0x235: {  	vm4 =	vlt.s32 v0, v29;
	v35 =	vsel vm13, v58, v35;
	v31 =	vsel vm5, v31, v32  }
0x236: {  	vm5 =	vmand vm4, vm14;
	v59 =	vsel vm15, $0x0, v35;
	v35 =	vperm.xlane v33, v26  }
0x237: {  	v30 =	vadd.s32 v2, v30;
	v34 =	vsel vm13, v34, v36;
	v31 =	vnsel vm5, $0x0, v31  }
0x238: {  	[tilespmem:$0xA290] =	vst v30;
	v33 =	vperm.xlane v33, v28;
	v34 =	vsel vm15, v62, v34;
	v30 =	vadd.s32 v27, v35  }
0x239: {  	v32 =	vnsel vm14, $0x3F800000, v59;
	[tilespmem:$0xA310] =	vst v31;
	v31 =	vnsel vm5, $0x0, v34  }
0x23a: {  	v32 =	vnsel vm4, $0x0, v32;
	v63 =	vadd.s32 v27, v33;
	[tilespmem:$0xA410] =	vst v31  }
0x23b: {  	v31 =	vsel vm4, $0x1, v23;
	[tilespmem:$0xA390] =	vst v32  }
0x23c: {  	s16 =	simm.s32 $0xA480;
	[tilespmem:$0x18B0] =	vst v31  }
0x23d: {  	[tilespmem:s16], [sflag:$0x5] =	stream.indirect_vreg.gather [hbm4b:s0+s3], $0x80, v30, vm3, $0xb8;
	[tilespmem:$0x12480] =	vst v63  }
0x23e: {  	s18 =	simm.s32 $0xAC80  }
0x23f: {  	[tilespmem:s18], [sflag:$0x5] =	stream.indirect_vreg.gather [hbm4b:s0+s3], $0x80, v63, vm3, $0xb8;
	[tilespmem:$0x12480] =	vst v63  }
0x240: {  	v30 =	vld [tilespmem:$0xA290];
	_ =	sdelay $0x4  }
0x241: {  	v31 =	vshll.u32 v30, $0x1  }
0x242: {  	v30 =	vand.u32 $0x7, v30;
	v31 =	vand.u32 $0xFFFFFFF0, v31  }
0x243: {  	v30 =	vor.u32 v30, v31  }
0x244: {  	v31 =	vperm.xlane v30, v26;
	_ =	sdelay $0x1  }
0x245: {  	v30 =	vperm.xlane v30, v28;
	v31 =	vadd.s32 v27, v31;
	_ =	sdelay $0x1  }
0x246: {  	v30 =	vadd.s32 v27, v30;
	_ =	sdelay $0x1  }
0x247: {  	s19 =	simm.s32 $0xB480  }
0x248: {  	[tilespmem:s19], [sflag:$0x5] =	stream.indirect_vreg.gather [hbm4b:s0+s3], $0x80, v31, vm3, $0xb8;
	[tilespmem:$0x12480] =	vst v63  }
0x249: {  	s8 =	simm.s32 $0xBC80  }
0x24a: {  	[tilespmem:s8], [sflag:$0x5] =	stream.indirect_vreg.gather [hbm4b:s0+s3], $0x80, v30, vm3, $0xb8;
	[tilespmem:$0x12480] =	vst v63  }
0x24b: {  	v30 =	vld [tilespmem:$0xA280];
	_ =	sdelay $0x4  }
0x24c: {  	v31 =	vshll.u32 v30, $0x1  }
0x24d: {  	v30 =	vand.u32 $0x7, v30;
	v31 =	vand.u32 $0xFFFFFFF0, v31  }
0x24e: {  	v30 =	vor.u32 v30, v31  }
0x24f: {  	v31 =	vperm.xlane v30, v26;
	_ =	sdelay $0x1  }
0x250: {  	v30 =	vperm.xlane v30, v28;
	v31 =	vadd.s32 v27, v31;
	_ =	sdelay $0x1  }
0x251: {  	v30 =	vadd.s32 v27, v30;
	_ =	sdelay $0x1  }
0x252: {  	s9 =	simm.s32 $0xC480  }
0x253: {  	[tilespmem:s9], [sflag:$0x6] =	stream.indirect_vreg.gather [hbm4b:s2+s3], $0x80, v31, vm3, $0xb8;
	[tilespmem:$0x12480] =	vst v63  }
0x254: {  	s10 =	simm.s32 $0xCC80  }
0x255: {  	[tilespmem:s10], [sflag:$0x6] =	stream.indirect_vreg.gather [hbm4b:s2+s3], $0x80, v30, vm3, $0xb8;
	[tilespmem:$0x12480] =	vst v63  }
0x256: {  	v30 =	vld [tilespmem:$0xA290];
	_ =	sdelay $0x4  }
0x257: {  	v31 =	vshll.u32 v30, $0x1  }
0x258: {  	v30 =	vand.u32 $0x7, v30;
	v31 =	vand.u32 $0xFFFFFFF0, v31  }
0x259: {  	v30 =	vor.u32 v30, v31  }
0x25a: {  	v31 =	vperm.xlane v30, v26;
	_ =	sdelay $0x1  }
0x25b: {  	v30 =	vperm.xlane v30, v28;
	v31 =	vadd.s32 v27, v31;
	_ =	sdelay $0x1  }
0x25c: {  	v30 =	vadd.s32 v27, v30;
	_ =	sdelay $0x1  }
0x25d: {  	s11 =	simm.s32 $0xD480  }
0x25e: {  	[tilespmem:s11], [sflag:$0x6] =	stream.indirect_vreg.gather [hbm4b:s2+s3], $0x80, v31, vm3, $0xb8;
	[tilespmem:$0x12480] =	vst v63  }
0x25f: {  	s12 =	simm.s32 $0xDC80  }
0x260: {  	[tilespmem:s12], [sflag:$0x6] =	stream.indirect_vreg.gather [hbm4b:s2+s3], $0x80, v30, vm3, $0xb8;
	[tilespmem:$0x12480] =	vst v63  }
0x261: {  	v30 =	vld [tilespmem:$0xA280];
	_ =	sdelay $0x4  }
0x262: {  	v31 =	vshll.u32 v30, $0x1  }
0x263: {  	v30 =	vand.u32 $0x7, v30;
	v31 =	vand.u32 $0xFFFFFFF0, v31  }
0x264: {  	v30 =	vor.u32 v30, v31  }
0x265: {  	v31 =	vperm.xlane v30, v26;
	_ =	sdelay $0x1  }
0x266: {  	v30 =	vperm.xlane v30, v28;
	v31 =	vadd.s32 v27, v31;
	_ =	sdelay $0x1  }
0x267: {  	v30 =	vadd.s32 v27, v30;
	_ =	sdelay $0x1  }
0x268: {  	s14 =	simm.s32 $0xE480  }
0x269: {  	[tilespmem:s14], [sflag:$0x7] =	stream.indirect_vreg.gather [hbm4b:s4+s3], $0x80, v31, vm3, $0xb8;
	[tilespmem:$0x12480] =	vst v63  }
0x26a: {  	s16 =	simm.s32 $0xEC80  }
0x26b: {  	[tilespmem:s16], [sflag:$0x7] =	stream.indirect_vreg.gather [hbm4b:s4+s3], $0x80, v30, vm3, $0xb8;
	[tilespmem:$0x12480] =	vst v63  }
0x26c: {  	v30 =	vld [tilespmem:$0xA290];
	_ =	sdelay $0x4  }
0x26d: {  	v31 =	vshll.u32 v30, $0x1  }
0x26e: {  	v30 =	vand.u32 $0x7, v30;
	v31 =	vand.u32 $0xFFFFFFF0, v31  }
0x26f: {  	v30 =	vor.u32 v30, v31  }
0x270: {  	v31 =	vperm.xlane v30, v26;
	_ =	sdelay $0x1  }
0x271: {  	v30 =	vperm.xlane v30, v28;
	v31 =	vadd.s32 v27, v31;
	_ =	sdelay $0x1  }
0x272: {  	v30 =	vadd.s32 v27, v30;
	_ =	sdelay $0x1  }
0x273: {  	s18 =	simm.s32 $0xF480  }
0x274: {  	[tilespmem:s18], [sflag:$0x7] =	stream.indirect_vreg.gather [hbm4b:s4+s3], $0x80, v31, vm3, $0xb8;
	[tilespmem:$0x12480] =	vst v63  }
0x275: {  	s19 =	simm.s32 $0xFC80;
	s16 =	simm.s32 $0x0  }
0x276: {  	[tilespmem:s19], [sflag:$0x7] =	stream.indirect_vreg.gather [hbm4b:s4+s3], $0x80, v30, vm3, $0xb8;
	[tilespmem:$0x12480] =	vst v63  }
.LBB2_4:
0x277: {  	_ =	swait.ge [sflag:s20], $0x2000  }
0x278: {  	[sflag:s20] =	ssyncset.done $0x0  }
0x279: {  	[sflag:s20] =	ssyncadd.s32 $0xFFFFE000  }
0x27a: {  	_ =	swait.ge [sflag:s21], $0x2000  }
0x27b: {  	[sflag:s21] =	ssyncset.done $0x0  }
0x27c: {  	[sflag:s21] =	ssyncadd.s32 $0xFFFFE000  }
0x27d: {  	_ =	swait.ge [sflag:s22], $0x2000  }
0x27e: {  	p0 =	seq.s32 s16, $0x0;
	[sflag:s22] =	ssyncset.done $0x0  }
0x27f: {  	s7 =	simm.s32 @!p0 $0x4;
	[sflag:s22] =	ssyncadd.s32 $0xFFFFE000  }
0x280: {  	_ =	swait.ge @!p0 [sflag:s7], $0x2000  }
0x281: {  	s8 =	sand.u32 $0x1800, s3;
	s9 =	sand.u32 $0x380, s3;
	[sflag:s7] =	ssyncset.done @!p0 $0x0  }
0x282: {  	s9 =	sor.u32 s9, s8;
	[sflag:s7] =	ssyncadd.s32 @!p0 $0xFFFFE000  }
0x283: {  	v42 =	vld [tilespmem:s9+$0x26B0]  }
0x284: {  	v41 =	vld [tilespmem:s9+$0x26A0]  }
0x285: {  	v34 =	vld [tilespmem:s9+$0x62D0]  }
0x286: {  	v35 =	vld [tilespmem:s9+$0x2690]  }
0x287: {  	v31 =	vld [tilespmem:s9+$0x62E0]  }
0x288: {  	v44 =	vld [tilespmem:s9+$0x22F0]  }
0x289: {  	v43 =	vld [tilespmem:s9+$0x4680]  }
0x28a: {  	v36 =	vld [tilespmem:s9+$0x62C0]  }
0x28b: {  	v46 =	vld [tilespmem:s9+$0x42D0]  }
0x28c: {  	v37 =	vld [tilespmem:s9+$0x42B0]  }
0x28d: {  	v38 =	vld [tilespmem:s9+$0x22E0]  }
0x28e: {  	v48 =	vld [tilespmem:s9+$0x22D0]  }
0x28f: {  	v45 =	vld [tilespmem:s9+$0x2680]  }
0x290: {  	v39 =	vld [tilespmem:s9+$0x42C0]  }
0x291: {  	v40 =	vld [tilespmem:s9+$0x4290]  }
0x292: {  	v33 =	vmov s3;
	v47 =	vld [tilespmem:s9+$0x66D0]  }
0x293: {  	v49 =	vld [tilespmem:s9+$0x6680]  }
0x294: {  	v50 =	vld [tilespmem:s9+$0x46F0]  }
0x295: {  	v52 =	vld [tilespmem:s9+$0x6690]  }
0x296: {  	v53 =	vld [tilespmem:s9+$0x66C0]  }
0x297: {  	v30 =	vld.idx.msk [tilespmem:v33+s25+$0x0], $0xffff  }
0x298: {  	v32 =	vld.idx.msk [tilespmem:v33+s24+$0x0], $0xffff  }
0x299: {  	v59 =	vld.idx.msk [tilespmem:v33+s23+$0x0], $0xffff  }
0x29a: {  	v55 =	vld [tilespmem:s9+$0x46B0]  }
0x29b: {  	v56 =	vld [tilespmem:s9+$0x26C0]  }
0x29c: {  	v57 =	vld [tilespmem:s9+$0x46C0]  }
0x29d: {  	v58 =	vld [tilespmem:s9+$0x26D0]  }
0x29e: {  	v62 =	vld [tilespmem:s9+$0x26E0];
	v33 =	vmul.f32 v31, v30;
	v10 =	vmul.f32 v47, v30  }
0x29f: {  	v63 =	vld [tilespmem:s9+$0x46E0];
	v1 =	vmul.f32 v40, v32;
	v31 =	vmul.f32 v36, v30  }
0x2a0: {  	v3 =	vld [tilespmem:s9+$0x66E0];
	v40 =	vmul.f32 v37, v32;
	v34 =	vmul.f32 v34, v30  }
0x2a1: {  	v61 =	vld [tilespmem:s9+$0x46D0];
	v37 =	vmul.f32 v35, v59;
	v35 =	vmul.f32 v52, v30  }
0x2a2: {  	v4 =	vld [tilespmem:s9+$0x66F0];
	v38 =	vmul.f32 v38, v59;
	v36 =	vmul.f32 v49, v30  }
0x2a3: {  	v5 =	vld [tilespmem:s9+$0x4280];
	v57 =	vmul.f32 v57, v32;
	v49 =	vmul.f32 v62, v59  }
0x2a4: {  	v47 =	vld [tilespmem:s9+$0x26F0];
	v62 =	vmul.f32 v63, v32;
	v50 =	vmul.f32 v50, v32  }
0x2a5: {  	v0 =	vld [tilespmem:s9+$0x6280];
	v56 =	vmul.f32 v56, v59;
	v3 =	vmul.f32 v3, v30  }
0x2a6: {  	v54 =	vld [tilespmem:s9+$0x66B0];
	v58 =	vmul.f32 v58, v59;
	v61 =	vmul.f32 v61, v32  }
0x2a7: {  	v52 =	vld [tilespmem:s9+$0x2280];
	v12 =	vmul.f32 v55, v32;
	v4 =	vmul.f32 v4, v30  }
0x2a8: {  	v63 =	vld [tilespmem:s9+$0x2290];
	v39 =	vmul.f32 v39, v32;
	v55 =	vmul.f32 v45, v59  }
0x2a9: {  	v51 =	vld [tilespmem:s9+$0x22C0];
	v5 =	vmul.f32 v5, v32;
	v49 =	vadd.f32 v62, v49;
	v47 =	vmul.f32 v47, v59  }
0x2aa: {  	v11 =	vld [tilespmem:s9+$0x22A0];
	v41 =	vmul.f32 v41, v59;
	v0 =	vmul.f32 v0, v30;
	v45 =	vadd.f32 v61, v58  }
0x2ab: {  	v62 =	vld [tilespmem:s9+$0x6290];
	v3 =	vadd.f32 v3, v49;
	v49 =	vmul.f32 v53, v30;
	v47 =	vadd.f32 v50, v47  }
0x2ac: {  	v60 =	vld [tilespmem:s9+$0x42F0];
	v10 =	vadd.f32 v10, v45;
	v45 =	vmul.f32 v54, v30;
	v53 =	vmul.f32 v46, v32  }
0x2ad: {  	v13 =	vld [tilespmem:s9+$0x42A0];
	v58 =	vmul.f32 v52, v59;
	v63 =	vmul.f32 v63, v59;
	v4 =	vadd.f32 v4, v47  }
0x2ae: {  	v61 =	vld [tilespmem:s9+$0x22B0];
	[tilespmem:s9+$0x86E0] =	vst v3;
	v3 =	vmul.f32 v43, v32;
	v43 =	vmul.f32 v48, v59  }
0x2af: {  	v54 =	vld [tilespmem:s9+$0x42E0];
	v48 =	vmul.f32 v51, v59;
	v1 =	vadd.f32 v1, v63;
	[tilespmem:s9+$0x86F0] =	vst v4;
	v4 =	vadd.f32 v5, v58  }
0x2b0: {  	v52 =	vld [tilespmem:s9+$0x4690];
	[tilespmem:s9+$0x86D0] =	vst v10;
	v10 =	vmul.f32 v62, v30;
	v46 =	vadd.f32 v3, v55;
	v55 =	vmul.f32 v11, v59  }
0x2b1: {  	v50 =	vld [tilespmem:s9+$0x62B0];
	v47 =	vadd.f32 v57, v56;
	v5 =	vmul.f32 v42, v59;
	v0 =	vadd.f32 v0, v4  }
0x2b2: {  	s18 =	simm.s32 $0x1;
	v56 =	vld [tilespmem:s9+$0x62A0];
	v51 =	vadd.f32 v10, v1;
	v57 =	vmul.f32 v13, v32;
	v58 =	vmul.f32 v44, v59  }
0x2b3: {  	s11 =	simm.s32 $0x100;
	s8 =	simm.s32 $0x80;
	s7 =	sshll.u32 s16, $0x1;
	v59 =	vmul.f32 v61, v59;
	v42 =	vld [tilespmem:s9+$0x62F0];
	v44 =	vmul.f32 v60, v32;
	v60 =	vadd.f32 v12, v5;
	[tilespmem:s9+$0x8280] =	vst v0  }
.LBB2_5:
0x2b4: {  	s12 =	smov.u32 s18  }
0x2b5: {  	v0 =	vmov s18;
	s14 =	sand.u32 $0x1800, s11;
	s19 =	sand.u32 $0x380, s8;
	v1 =	vadd.f32 v53, v43;
	v3 =	vld [tilespmem:s9+$0x46A0];
	v4 =	vadd.f32 v49, v47;
	s12 =	sadd.s32 $0x1, s18  }
0x2b6: {  	p1 =	sne.s32 s18, $0x1F;
	s14 =	sor.u32 s19, s14;
	v5 =	vmul.f32 v54, v32;
	v10 =	vadd.f32 v44, v58;
	v12 =	vadd.f32 v45, v60;
	v11 =	vld [tilespmem:s9+$0x66A0]  }
0x2b7: {  	v13 =	vadd.f32 v40, v59;
	v40 =	vmul.f32 v50, v30;
	v44 =	vmul.f32 v52, v32;
	v43 =	vld [tilespmem:s14+$0x26B0];
	[tilespmem:s9+$0x86C0] =	vst v4  }
0x2b8: {  	v4 =	vadd.f32 v57, v55;
	v47 =	vmul.f32 v56, v30;
	v5 =	vadd.f32 v5, v38;
	v45 =	vld [tilespmem:s14+$0x26A0];
	[tilespmem:s9+$0x86B0] =	vst v12  }
0x2b9: {  	v13 =	vadd.f32 v40, v13;
	v38 =	vmul.f32 v42, v30;
	v37 =	vadd.f32 v44, v37;
	v12 =	vld [tilespmem:s14+$0x62D0]  }
0x2ba: {  	v4 =	vadd.f32 v47, v4;
	v5 =	vadd.f32 v33, v5;
	v3 =	vmul.f32 v3, v32;
	v49 =	vld [tilespmem:s14+$0x2690];
	[tilespmem:s9+$0x8290] =	vst v51  }
0x2bb: {  	v10 =	vadd.f32 v38, v10;
	v33 =	vld [tilespmem:s14+$0x62E0];
	[tilespmem:s9+$0x82B0] =	vst v13;
	v13 =	vadd.f32 v35, v37;
	v11 =	vmul.f32 v11, v30  }
0x2bc: {  	v1 =	vadd.f32 v34, v1;
	v3 =	vadd.f32 v3, v41;
	v42 =	vld [tilespmem:s14+$0x22F0];
	[tilespmem:s9+$0x82A0] =	vst v4  }
0x2bd: {  	v30 =	vadd.f32 v39, v48;
	v4 =	vld [tilespmem:s14+$0x4680];
	[tilespmem:s9+$0x82F0] =	vst v10;
	v10 =	vadd.f32 v36, v46  }
0x2be: {  	v3 =	vadd.f32 v11, v3;
	v34 =	vld [tilespmem:s14+$0x62C0];
	[tilespmem:s9+$0x82E0] =	vst v5  }
0x2bf: {  	v5 =	vadd.f32 v31, v30;
	v44 =	vld [tilespmem:s14+$0x42F0];
	[tilespmem:s9+$0x8680] =	vst v10  }
0x2c0: {  	v10 =	vld [tilespmem:s14+$0x42D0];
	[tilespmem:s9+$0x82D0] =	vst v1  }
0x2c1: {  	v1 =	vld [tilespmem:s14+$0x42B0];
	[tilespmem:s9+$0x8690] =	vst v13  }
0x2c2: {  	v11 =	vld [tilespmem:s14+$0x22E0];
	[tilespmem:s9+$0x82C0] =	vst v5  }
0x2c3: {  	v5 =	vld [tilespmem:s14+$0x22D0];
	[tilespmem:s9+$0x86A0] =	vst v3;
	s9 =	smov.u32 s14  }
0x2c4: {  	v3 =	vld [tilespmem:s9+$0x2680]  }
0x2c5: {  	v13 =	vld [tilespmem:s9+$0x22C0]  }
0x2c6: {  	v39 =	vld [tilespmem:s9+$0x42C0]  }
0x2c7: {  	v31 =	vld [tilespmem:s9+$0x4290]  }
0x2c8: {  	v35 =	vld [tilespmem:s9+$0x66D0]  }
0x2c9: {  	v36 =	vld [tilespmem:s9+$0x6680]  }
0x2ca: {  	v41 =	vld [tilespmem:s9+$0x46F0]  }
0x2cb: {  	v38 =	vld [tilespmem:s9+$0x6690]  }
0x2cc: {  	v46 =	vld [tilespmem:s9+$0x66C0]  }
0x2cd: {  	v30 =	vld.idx.msk [tilespmem:v0+s25+$0x0], $0xffff  }
0x2ce: {  	v32 =	vld.idx.msk [tilespmem:v0+s24+$0x0], $0xffff  }
0x2cf: {  	v0 =	vld.idx.msk [tilespmem:v0+s23+$0x0], $0xffff  }
0x2d0: {  	v48 =	vld [tilespmem:s9+$0x66B0]  }
0x2d1: {  	v47 =	vld [tilespmem:s9+$0x46B0]  }
0x2d2: {  	v50 =	vld [tilespmem:s9+$0x26C0]  }
0x2d3: {  	v33 =	vmul.f32 v33, v30;
	v52 =	vmul.f32 v35, v30;
	v51 =	vld [tilespmem:s9+$0x46C0]  }
0x2d4: {  	v53 =	vmul.f32 v31, v32;
	v31 =	vmul.f32 v34, v30;
	v54 =	vld [tilespmem:s9+$0x26D0]  }
0x2d5: {  	v40 =	vmul.f32 v1, v32;
	v34 =	vmul.f32 v12, v30;
	v1 =	vld [tilespmem:s9+$0x46D0]  }
0x2d6: {  	v35 =	vmul.f32 v38, v30;
	v37 =	vmul.f32 v49, v0;
	v12 =	vld [tilespmem:s9+$0x26E0]  }
0x2d7: {  	v36 =	vmul.f32 v36, v30;
	v38 =	vmul.f32 v11, v0;
	v11 =	vld [tilespmem:s9+$0x46E0]  }
0x2d8: {  	v55 =	vmul.f32 v41, v32;
	v49 =	vmul.f32 v51, v32;
	v51 =	vld [tilespmem:s9+$0x26F0]  }
0x2d9: {  	v41 =	vmul.f32 v50, v0;
	v50 =	vmul.f32 v54, v0;
	v54 =	vld [tilespmem:s9+$0x66E0]  }
0x2da: {  	v60 =	vmul.f32 v47, v32;
	v1 =	vmul.f32 v1, v32;
	v56 =	vld [tilespmem:s9+$0x66F0]  }
0x2db: {  	v39 =	vmul.f32 v39, v32;
	v47 =	vadd.f32 v49, v41;
	v57 =	vld [tilespmem:s9+$0x2280];
	v12 =	vmul.f32 v12, v0  }
0x2dc: {  	v3 =	vmul.f32 v3, v0;
	v58 =	vld [tilespmem:s9+$0x4280];
	v1 =	vadd.f32 v1, v50;
	v11 =	vmul.f32 v11, v32  }
0x2dd: {  	v49 =	vmul.f32 v46, v30;
	v50 =	vld [tilespmem:s9+$0x2290];
	v46 =	vmul.f32 v51, v0  }
0x2de: {  	v4 =	vmul.f32 v4, v32;
	v51 =	vld [tilespmem:s9+$0x6280];
	v11 =	vadd.f32 v11, v12;
	v12 =	vmul.f32 v54, v30  }
0x2df: {  	v41 =	vmul.f32 v45, v0;
	v54 =	vld [tilespmem:s9+$0x6290];
	v46 =	vadd.f32 v55, v46;
	v55 =	vmul.f32 v56, v30  }
0x2e0: {  	v45 =	vmul.f32 v48, v30;
	v56 =	vmul.f32 v57, v0;
	v57 =	vld [tilespmem:s9+$0x22A0];
	v11 =	vadd.f32 v12, v11  }
0x2e1: {  	v61 =	vmul.f32 v43, v0;
	v12 =	vmul.f32 v58, v32;
	v58 =	vld [tilespmem:s9+$0x42A0];
	v48 =	vadd.f32 v55, v46  }
0x2e2: {  	v43 =	vmul.f32 v5, v0;
	v1 =	vadd.f32 v52, v1;
	v55 =	vmul.f32 v50, v0;
	v59 =	vld [tilespmem:s9+$0x22B0];
	[tilespmem:s9+$0x86E0] =	vst v11  }
.Ltmp1:
0x2e3: {  	v46 =	vadd.f32 v4, v3;
	v5 =	vadd.f32 v12, v56;
	v11 =	vmul.f32 v51, v30;
	v50 =	vld [tilespmem:s9+$0x62B0];
	[tilespmem:s9+$0x86F0] =	vst v48;
	(pc) =	sbr.rel @p1 .LBB2_5-.Ltmp1, $4  }
0x2e4: {  	v3 =	vadd.f32 v53, v55;
	v4 =	vmul.f32 v54, v30;
	v53 =	vmul.f32 v10, v32;
	v54 =	vld [tilespmem:s9+$0x42E0];
	[tilespmem:s9+$0x86D0] =	vst v1  }
0x2e5: {  	v48 =	vmul.f32 v13, v0;
	v1 =	vadd.f32 v11, v5;
	v55 =	vmul.f32 v57, v0;
	v52 =	vld [tilespmem:s9+$0x4690]  }
0x2e6: {  	v51 =	vadd.f32 v4, v3;
	v56 =	vld [tilespmem:s9+$0x62A0];
	v57 =	vmul.f32 v58, v32;
	v58 =	vmul.f32 v42, v0  }
0x2e7: {  	s8 =	sadd.s32 $0x80, s8;
	s11 =	sadd.s32 $0x100, s11;
	s18 =	smov.u32 s12;
	v44 =	vmul.f32 v44, v32;
	v60 =	vadd.f32 v60, v61;
	[tilespmem:s9+$0x8280] =	vst v1;
	v59 =	vmul.f32 v59, v0;
	v42 =	vld [tilespmem:s9+$0x62F0]  }
0x2e8: {  	_ = 	snop  }
0x2e9: {  	v1 =	vadd.f32 v49, v47  }
0x2ea: {  	v0 =	vld [tilespmem:s9+$0x46A0];
	v10 =	vmul.f32 v50, v30;
	v4 =	vadd.f32 v45, v60;
	v5 =	vadd.f32 v40, v59  }
0x2eb: {  	v11 =	vmul.f32 v54, v32;
	[tilespmem:s9+$0x86C0] =	vst v1;
	v1 =	vadd.f32 v57, v55;
	v12 =	vmul.f32 v56, v30  }
0x2ec: {  	v3 =	vld [tilespmem:s9+$0x66A0];
	v13 =	vadd.f32 v44, v58;
	[tilespmem:s9+$0x86B0] =	vst v4;
	v4 =	vadd.f32 v10, v5;
	v5 =	vmul.f32 v42, v30  }
0x2ed: {  	[tilespmem:s9+$0x8290] =	vst v51;
	v10 =	vadd.f32 v11, v38;
	v1 =	vadd.f32 v12, v1  }
0x2ee: {  	v11 =	vmul.f32 v52, v32;
	[tilespmem:s9+$0x82B0] =	vst v4;
	v4 =	vadd.f32 v5, v13  }
0x2ef: {  	v10 =	vadd.f32 v33, v10;
	v0 =	vmul.f32 v0, v32;
	v5 =	vadd.f32 v53, v43;
	[tilespmem:s9+$0x82A0] =	vst v1  }
0x2f0: {  	v1 =	vadd.f32 v11, v37;
	[tilespmem:s9+$0x82F0] =	vst v4;
	v4 =	vadd.f32 v36, v46  }
0x2f1: {  	v3 =	vmul.f32 v3, v30;
	[tilespmem:s9+$0x82E0] =	vst v10;
	v0 =	vadd.f32 v0, v41;
	v5 =	vadd.f32 v34, v5  }
0x2f2: {  	v11 =	vadd.f32 v39, v48;
	v1 =	vadd.f32 v35, v1;
	[tilespmem:s9+$0x8680] =	vst v4  }
0x2f3: {  	v59 =	vimm.s32 $0x3FF;
	v0 =	vadd.f32 v3, v0;
	[tilespmem:s9+$0x82D0] =	vst v5  }
0x2f4: {  	v4 =	vadd.f32 v31, v11;
	[tilespmem:s9+$0x8690] =	vst v1  }
0x2f5: {  	s8 =	sshll.u32 s16, $0xB;
	[tilespmem:s9+$0x86A0] =	vst v0  }
0x2f6: {  	s10 =	simm.s32 $0x8280;
	s12 =	sadd.s32 s8, s13;
	[tilespmem:s9+$0x82C0] =	vst v4  }
0x2f7: {  	[hbm4b:s12+s5] =	stream.linear.scatter [tilespmem:s10], [sflag:$0x4], $0x2000, $0x38;
	[tilespmem:$0x12480] =	vst v63  }
0x2f8: {  	s14 =	smin.u32 s7, $0x3D;
	v0 =	vld.idx.msk [tilespmem:v59+s17+$0x0], $0xffff  }
0x2f9: {  	s9 =	sshll.u32 s14, $0x5  }
0x2fa: {  	s11 =	sadd.s32 s6, s9  }
0x2fb: {  	v14 =	vlaneseq.u32;
	s12 =	sadd.s32 $0x40, s11  }
0x2fc: {  	v1 =	vor.u32 s12, v14  }
0x2fd: {  	v60 =	vimm.s32 $0x400;
	vm4 =	vgt.s32 v0, v1  }
0x2fe: {  	v0 =	vsel vm4, $0x0, v60  }
0x2ff: {  	v3 =	vor.u32 $0x1FF, v0;
	_ =	sdelay $0x4  }
0x300: {  	v3 =	vld.idx.msk [tilespmem:v3+s17+$0x0], $0xffff;
	_ =	sdelay $0x4  }
0x301: {  	v61 =	vimm.s32 $0x200;
	vm4 =	vgt.s32 v3, v1  }
0x302: {  	v3 =	vsel vm4, $0x0, v61  }
0x303: {  	v0 =	vor.u32 v0, v3  }
0x304: {  	v3 =	vor.u32 $0xFF, v0;
	_ =	sdelay $0x4  }
0x305: {  	v3 =	vld.idx.msk [tilespmem:v3+s17+$0x0], $0xffff;
	_ =	sdelay $0x4  }
0x306: {  	v62 =	vimm.s32 $0x100;
	vm4 =	vgt.s32 v3, v1  }
0x307: {  	v3 =	vsel vm4, $0x0, v62  }
0x308: {  	v0 =	vor.u32 v3, v0  }
0x309: {  	v3 =	vor.u32 $0x7F, v0;
	_ =	sdelay $0x4  }
0x30a: {  	v3 =	vld.idx.msk [tilespmem:v3+s17+$0x0], $0xffff;
	_ =	sdelay $0x4  }
0x30b: {  	vm4 =	vgt.s32 v3, v1  }
0x30c: {  	v3 =	vsel vm4, $0x0, v15  }
0x30d: {  	v0 =	vor.u32 v3, v0  }
0x30e: {  	v3 =	vor.u32 $0x3F, v0;
	_ =	sdelay $0x4  }
0x30f: {  	v3 =	vld.idx.msk [tilespmem:v3+s17+$0x0], $0xffff;
	_ =	sdelay $0x4  }
0x310: {  	vm4 =	vgt.s32 v3, v1  }
0x311: {  	v3 =	vsel vm4, $0x0, v16  }
0x312: {  	v4 =	vor.u32 v0, v3  }
0x313: {  	v4 =	vor.u32 $0x1F, v4;
	_ =	sdelay $0x4  }
0x314: {  	v4 =	vld.idx.msk [tilespmem:v4+s17+$0x0], $0xffff;
	_ =	sdelay $0x4  }
0x315: {  	vm4 =	vgt.s32 v4, v1  }
0x316: {  	v4 =	vsel vm4, $0x0, v17  }
0x317: {  	v3 =	vor.u32 v3, v4  }
0x318: {  	v4 =	vor.u32 v0, v3  }
0x319: {  	v4 =	vor.u32 $0xF, v4;
	_ =	sdelay $0x4  }
0x31a: {  	v4 =	vld.idx.msk [tilespmem:v4+s17+$0x0], $0xffff;
	_ =	sdelay $0x4  }
0x31b: {  	vm4 =	vgt.s32 v4, v1  }
0x31c: {  	v4 =	vsel vm4, $0x0, v18  }
0x31d: {  	v4 =	vor.u32 v4, v0  }
0x31e: {  	v3 =	vor.u32 v3, v4  }
0x31f: {  	v4 =	vand.u32 $0x78, v3  }
0x320: {  	v0 =	vor.u32 v4, v0  }
0x321: {  	v0 =	vor.u32 $0x7, v0;
	_ =	sdelay $0x4  }
0x322: {  	v0 =	vld.idx.msk [tilespmem:v0+s17+$0x0], $0xffff;
	_ =	sdelay $0x4  }
0x323: {  	vm4 =	vgt.s32 v0, v1  }
0x324: {  	v0 =	vsel vm4, $0x0, v19  }
0x325: {  	v0 =	vor.u32 v0, v3  }
0x326: {  	v3 =	vadd.s32 $0x3, v0;
	_ =	sdelay $0x4  }
0x327: {  	v3 =	vld.idx.msk [tilespmem:v3+s17+$0x0], $0xffff;
	_ =	sdelay $0x4  }
0x328: {  	vm4 =	vgt.s32 v3, v1  }
0x329: {  	v3 =	vsel vm4, $0x0, v20  }
0x32a: {  	v0 =	vadd.s32 v3, v0  }
0x32b: {  	v3 =	vadd.s32 $0x1, v0;
	_ =	sdelay $0x4  }
0x32c: {  	v3 =	vld.idx.msk [tilespmem:v3+s17+$0x0], $0xffff;
	_ =	sdelay $0x4  }
0x32d: {  	vm4 =	vgt.s32 v3, v1  }
0x32e: {  	v3 =	vsel vm4, $0x0, v22  }
0x32f: {  	v0 =	vadd.s32 v3, v0;
	_ =	sdelay $0x4  }
0x330: {  	v3 =	vld.idx.msk [tilespmem:v0+s17+$0x0], $0xffff;
	_ =	sdelay $0x4  }
0x331: {  	vm4 =	vle.s32 v3, v1  }
0x332: {  	v3 =	vsel vm4, $0x1, v23  }
0x333: {  	v0 =	vadd.s32 v3, v0  }
0x334: {  	v3 =	vmax.u32 v0, $0x1  }
0x335: {  	v3 =	vsub.s32 v3, v21;
	_ =	sdelay $0x4  }
0x336: {  	v3 =	vld.idx.msk [tilespmem:v3+s17+$0x0], $0xffff  }
0x337: {  	v4 =	vld.idx.msk [tilespmem:v0+s17+$0x0], $0xffff;
	_ =	sdelay $0x2  }
0x338: {  	vm4 =	veq.s32 v0, $0x0  }
0x339: {  	v3 =	vsel vm4, $0x0, v3  }
0x33a: {  	v5 =	vsub.s32 v4, v3;
	vm4 =	vne.s32 v4, v3  }
0x33b: {  	v4 =	vshra.s32 v5, $0x1F;
	v10 =	vsel vm4, $0x1, v23  }
0x33c: {  	v4 =	vor.u32 v10, v4;
	v10 =	vand.u32 $0x1, v5  }
0x33d: {  	v11 =	vshrl.u32 v5, $0x1F;
	vm4 =	vne.s32 v4, $0x1;
	vm5 =	veq.s32 v10, $0x1  }
0x33e: {  	v4 =	vadd.s32 v11, v5;
	vm4 =	vmand vm4, vm5  }
0x33f: {  	v4 =	vshra.s32 v4, $0x1;
	v10 =	vsel vm4, $0xFFFFFFFF, v23  }
0x340: {  	v4 =	vadd.s32 v10, v4  }
0x341: {  	vm4 =	vgt.s32 v4, $0x2;
	v10 =	vxor.u32 $0xFFFFFFFF, v4  }
0x342: {  	v11 =	vnsel vm4, $0x2, v4;
	v10 =	vadd.s32 v10, v5  }
0x343: {  	v11 =	vadd.s32 $0xFFFFFFFF, v11;
	vm4 =	vgt.s32 v10, $0x1  }
0x344: {  	v11 =	vcvt.s32.f32 v11;
	v10 =	vnsel vm4, $0x1, v10  }
0x345: {  	v10 =	vcvt.s32.f32 v10  }
0x346: {  	(erf) = vrcp.f32 v11  }
0x347: {  	(erf) = vrcp.f32 v10;
	_ =	sdelay $0x4  }
0x348: {  	v10 =	vsub.s32 v1, v3  }
0x349: {  	v12 =	vcvt.s32.f32 v4;
	v11 =	vcvt.s32.f32 v10;
	_ =	sdelay $0x1  }
0x34a: {  	vm9 =	vlt.s32 v1, v29;
	v12 =	vsub.f32 v11, v12;
	v13 =	vpop (erf)  }
0x34b: {  	v31 =	vadd.s32 $0xFFFFFFFF, v5;
	vm14 =	vne.s32 v5, $0x1;
	v11 =	vmul.f32 v11, v13;
	v13 =	vpop (erf)  }
0x34c: {  	vm7 =	veq.s32 v5, $0x3;
	vm12 =	vmand vm9, vm14;
	v12 =	vmul.f32 v13, v12  }
0x34d: {  	vm5 =	vne.s32 v1, v3;
	vm4 =	vlt.s32 v10, v4;
	vm6 =	vne.s32 v10, v31;
	v13 =	vld.idx.msk [tilespmem:v0+s15+$0x0], $0xffff  }
0x34e: {  	vm15 =	vgt.s32 v10, $0x1;
	v30 =	vsub.f32 $1.000000000e+00, v11;
	v4 =	vsub.f32 $1.000000000e+00, v12  }
0x34f: {  	vm6 =	vmand vm5, vm6;
	v1 =	vsel vm15, $0x3F800000, v25;
	v3 =	vsel vm4, $0x0, v12  }
0x350: {  	v30 =	vnsel vm4, $0x0, v30;
	v4 =	vsel vm4, v11, v4;
	vm4 =	veq.s32 v10, v31  }
0x351: {  	v0 =	vadd.s32 v2, v0;
	v12 =	vsel vm5, $0x0, v24;
	vm4 =	vmand vm5, vm4  }
0x352: {  	v11 =	vsel vm6, $0x3F800000, v25;
	vm13 =	veq.s32 v13, $0x0;
	v13 =	vsel vm4, $0x3F800000, v25  }
0x353: {  	v4 =	vsel vm13, v11, v4;
	v11 =	vand.u32 $0xFFFFFFFE, v5;
	vm4 =	veq.s32 v10, $0x1  }
0x354: {  	v10 =	vsel vm5, $0x3F800000, v25;
	v3 =	vsel vm13, v13, v3;
	vm8 =	veq.s32 v11, $0x2  }
0x355: {  	v11 =	vsel vm4, $0x3F800000, v25;
	vm4 =	veq.s32 v5, $0x2;
	vm6 =	vmor vm8, vm13  }
0x356: {  	v4 =	vsel vm7, v11, v4;
	v1 =	vsel vm7, v1, v3;
	v5 =	vsel vm6, v12, v30  }
0x357: {  	[tilespmem:$0x2080] =	vst v0;
	v4 =	vsel vm4, $0x0, v4;
	v0 =	vsel vm4, v10, v1;
	v3 =	vnsel vm12, $0x0, v5  }
0x358: {  	v4 =	vnsel vm14, $0x3F800000, v4;
	v0 =	vnsel vm12, $0x0, v0;
	[tilespmem:$0x2100] =	vst v3  }
0x359: {  	v1 =	vnsel vm9, $0x0, v4;
	[tilespmem:$0x2200] =	vst v0  }
0x35a: {  	v0 =	vsel vm9, $0x1, v23;
	[tilespmem:$0x2180] =	vst v1  }
0x35b: {  	[tilespmem:s9+$0x18C0] =	vst v0  }
0x35c: {  	v0 =	vld.idx.msk [tilespmem:v59+s17+$0x0], $0xffff;
	_ =	sdelay $0x2  }
0x35d: {  	s11 =	sadd.s32 $0x50, s11  }
0x35e: {  	v1 =	vor.u32 s11, v14  }
0x35f: {  	vm4 =	vgt.s32 v0, v1  }
0x360: {  	v0 =	vsel vm4, $0x0, v60  }
0x361: {  	v3 =	vor.u32 $0x1FF, v0;
	_ =	sdelay $0x4  }
0x362: {  	v3 =	vld.idx.msk [tilespmem:v3+s17+$0x0], $0xffff;
	_ =	sdelay $0x4  }
0x363: {  	vm4 =	vgt.s32 v3, v1  }
0x364: {  	v3 =	vsel vm4, $0x0, v61  }
0x365: {  	v0 =	vor.u32 v0, v3  }
0x366: {  	v3 =	vor.u32 $0xFF, v0;
	_ =	sdelay $0x4  }
0x367: {  	v3 =	vld.idx.msk [tilespmem:v3+s17+$0x0], $0xffff;
	_ =	sdelay $0x4  }
0x368: {  	vm4 =	vgt.s32 v3, v1  }
0x369: {  	v3 =	vsel vm4, $0x0, v62  }
0x36a: {  	v0 =	vor.u32 v3, v0  }
0x36b: {  	v3 =	vor.u32 $0x7F, v0;
	_ =	sdelay $0x4  }
0x36c: {  	v3 =	vld.idx.msk [tilespmem:v3+s17+$0x0], $0xffff;
	_ =	sdelay $0x4  }
0x36d: {  	vm4 =	vgt.s32 v3, v1  }
0x36e: {  	v3 =	vsel vm4, $0x0, v15  }
0x36f: {  	v0 =	vor.u32 v3, v0  }
0x370: {  	v3 =	vor.u32 $0x3F, v0;
	_ =	sdelay $0x4  }
0x371: {  	v3 =	vld.idx.msk [tilespmem:v3+s17+$0x0], $0xffff;
	_ =	sdelay $0x4  }
0x372: {  	vm4 =	vgt.s32 v3, v1  }
0x373: {  	v3 =	vsel vm4, $0x0, v16  }
0x374: {  	v4 =	vor.u32 v0, v3  }
0x375: {  	v4 =	vor.u32 $0x1F, v4;
	_ =	sdelay $0x4  }
0x376: {  	v4 =	vld.idx.msk [tilespmem:v4+s17+$0x0], $0xffff;
	_ =	sdelay $0x4  }
0x377: {  	vm4 =	vgt.s32 v4, v1  }
0x378: {  	v4 =	vsel vm4, $0x0, v17  }
0x379: {  	v3 =	vor.u32 v3, v4  }
0x37a: {  	v4 =	vor.u32 v0, v3  }
0x37b: {  	v4 =	vor.u32 $0xF, v4;
	_ =	sdelay $0x4  }
0x37c: {  	v4 =	vld.idx.msk [tilespmem:v4+s17+$0x0], $0xffff;
	_ =	sdelay $0x4  }
0x37d: {  	vm4 =	vgt.s32 v4, v1  }
0x37e: {  	v4 =	vsel vm4, $0x0, v18  }
0x37f: {  	v4 =	vor.u32 v4, v0  }
0x380: {  	v3 =	vor.u32 v3, v4  }
0x381: {  	v4 =	vand.u32 $0x78, v3  }
0x382: {  	v0 =	vor.u32 v4, v0  }
0x383: {  	v0 =	vor.u32 $0x7, v0;
	_ =	sdelay $0x4  }
0x384: {  	v0 =	vld.idx.msk [tilespmem:v0+s17+$0x0], $0xffff;
	_ =	sdelay $0x4  }
0x385: {  	vm4 =	vgt.s32 v0, v1  }
0x386: {  	v0 =	vsel vm4, $0x0, v19  }
0x387: {  	v0 =	vor.u32 v0, v3  }
0x388: {  	v3 =	vadd.s32 $0x3, v0;
	_ =	sdelay $0x4  }
0x389: {  	v3 =	vld.idx.msk [tilespmem:v3+s17+$0x0], $0xffff;
	_ =	sdelay $0x4  }
0x38a: {  	vm4 =	vgt.s32 v3, v1  }
0x38b: {  	v3 =	vsel vm4, $0x0, v20  }
0x38c: {  	v0 =	vadd.s32 v3, v0  }
0x38d: {  	v3 =	vadd.s32 $0x1, v0;
	_ =	sdelay $0x4  }
0x38e: {  	v3 =	vld.idx.msk [tilespmem:v3+s17+$0x0], $0xffff;
	_ =	sdelay $0x4  }
0x38f: {  	vm4 =	vgt.s32 v3, v1  }
0x390: {  	v3 =	vsel vm4, $0x0, v22  }
0x391: {  	v0 =	vadd.s32 v3, v0;
	_ =	sdelay $0x4  }
0x392: {  	v3 =	vld.idx.msk [tilespmem:v0+s17+$0x0], $0xffff;
	_ =	sdelay $0x4  }
0x393: {  	vm4 =	vle.s32 v3, v1  }
0x394: {  	v3 =	vsel vm4, $0x1, v23  }
0x395: {  	v0 =	vadd.s32 v3, v0  }
0x396: {  	v3 =	vmax.u32 v0, $0x1  }
0x397: {  	v3 =	vsub.s32 v3, v21;
	_ =	sdelay $0x4  }
0x398: {  	v3 =	vld.idx.msk [tilespmem:v3+s17+$0x0], $0xffff  }
0x399: {  	v4 =	vld.idx.msk [tilespmem:v0+s17+$0x0], $0xffff;
	_ =	sdelay $0x2  }
0x39a: {  	vm4 =	veq.s32 v0, $0x0  }
0x39b: {  	v3 =	vsel vm4, $0x0, v3  }
0x39c: {  	v5 =	vsub.s32 v4, v3;
	vm4 =	vne.s32 v4, v3  }
0x39d: {  	v4 =	vshra.s32 v5, $0x1F;
	v10 =	vsel vm4, $0x1, v23  }
0x39e: {  	v4 =	vor.u32 v10, v4;
	v10 =	vand.u32 $0x1, v5  }
0x39f: {  	v11 =	vshrl.u32 v5, $0x1F;
	vm4 =	vne.s32 v4, $0x1;
	vm5 =	veq.s32 v10, $0x1  }
0x3a0: {  	v4 =	vadd.s32 v11, v5;
	vm4 =	vmand vm4, vm5  }
0x3a1: {  	v4 =	vshra.s32 v4, $0x1;
	v10 =	vsel vm4, $0xFFFFFFFF, v23  }
0x3a2: {  	v4 =	vadd.s32 v10, v4  }
0x3a3: {  	vm4 =	vgt.s32 v4, $0x2;
	v10 =	vxor.u32 $0xFFFFFFFF, v4  }
0x3a4: {  	v11 =	vnsel vm4, $0x2, v4;
	v10 =	vadd.s32 v10, v5  }
0x3a5: {  	v11 =	vadd.s32 $0xFFFFFFFF, v11;
	vm4 =	vgt.s32 v10, $0x1  }
0x3a6: {  	v11 =	vcvt.s32.f32 v11;
	v10 =	vnsel vm4, $0x1, v10  }
0x3a7: {  	v10 =	vcvt.s32.f32 v10  }
0x3a8: {  	(erf) = vrcp.f32 v11  }
0x3a9: {  	(erf) = vrcp.f32 v10;
	_ =	sdelay $0x4  }
0x3aa: {  	v10 =	vsub.s32 v1, v3  }
0x3ab: {  	v12 =	vcvt.s32.f32 v4;
	v11 =	vcvt.s32.f32 v10;
	_ =	sdelay $0x1  }
0x3ac: {  	v12 =	vsub.f32 v11, v12;
	v13 =	vpop (erf)  }
0x3ad: {  	v11 =	vmul.f32 v11, v13;
	v13 =	vpop (erf)  }
0x3ae: {  	v31 =	vadd.s32 $0xFFFFFFFF, v5;
	vm7 =	veq.s32 v5, $0x3;
	v12 =	vmul.f32 v13, v12  }
0x3af: {  	vm12 =	vne.s32 v5, $0x1;
	vm5 =	vne.s32 v1, v3;
	vm4 =	vlt.s32 v10, v4;
	v13 =	vld.idx.msk [tilespmem:v0+s15+$0x0], $0xffff  }
0x3b0: {  	vm13 =	vne.s32 v10, v31;
	v30 =	vsub.f32 $1.000000000e+00, v11;
	v4 =	vsub.f32 $1.000000000e+00, v12  }
0x3b1: {  	vm6 =	vmand vm5, vm13;
	vm13 =	vgt.s32 v10, $0x1;
	v3 =	vsel vm4, $0x0, v12  }
0x3b2: {  	v30 =	vnsel vm4, $0x0, v30;
	v4 =	vsel vm4, v11, v4;
	vm4 =	veq.s32 v10, v31  }
0x3b3: {  	v0 =	vadd.s32 v2, v0;
	v12 =	vsel vm5, $0x0, v24;
	vm4 =	vmand vm5, vm4  }
0x3b4: {  	v11 =	vsel vm6, $0x3F800000, v25;
	vm14 =	veq.s32 v13, $0x0;
	v13 =	vsel vm4, $0x3F800000, v25  }
0x3b5: {  	v4 =	vsel vm14, v11, v4;
	v11 =	vand.u32 $0xFFFFFFFE, v5;
	vm4 =	veq.s32 v10, $0x1  }
0x3b6: {  	v10 =	vsel vm5, $0x3F800000, v25;
	v3 =	vsel vm14, v13, v3;
	vm15 =	veq.s32 v11, $0x2  }
0x3b7: {  	v11 =	vsel vm4, $0x3F800000, v25;
	vm4 =	veq.s32 v5, $0x2;
	vm6 =	vmor vm15, vm14  }
0x3b8: {  	v4 =	vsel vm7, v11, v4;
	vm14 =	vlt.s32 v1, v29;
	v1 =	vsel vm13, $0x3F800000, v25  }
0x3b9: {  	v5 =	vsel vm6, v12, v30;
	v4 =	vsel vm4, $0x0, v4;
	vm15 =	vmand vm14, vm12  }
0x3ba: {  	[tilespmem:$0x2090] =	vst v0;
	v1 =	vsel vm7, v1, v3;
	v4 =	vnsel vm12, $0x3F800000, v4;
	v3 =	vnsel vm15, $0x0, v5  }
0x3bb: {  	v0 =	vsel vm4, v10, v1;
	v1 =	vnsel vm14, $0x0, v4;
	[tilespmem:$0x2110] =	vst v3  }
0x3bc: {  	v0 =	vnsel vm15, $0x0, v0;
	[tilespmem:$0x2190] =	vst v1  }
0x3bd: {  	[tilespmem:$0x2210] =	vst v0;
	v0 =	vsel vm14, $0x1, v23  }
0x3be: {  	[tilespmem:s9+$0x18D0] =	vst v0  }
0x3bf: {  	v0 =	vld [tilespmem:$0x2080];
	_ =	sdelay $0x4  }
0x3c0: {  	v1 =	vshll.u32 v0, $0x1  }
0x3c1: {  	v0 =	vand.u32 $0x7, v0;
	v1 =	vand.u32 $0xFFFFFFF0, v1  }
0x3c2: {  	v0 =	vor.u32 v0, v1  }
0x3c3: {  	v1 =	vperm.xlane v0, v26;
	_ =	sdelay $0x1  }
0x3c4: {  	v0 =	vperm.xlane v0, v28;
	v1 =	vadd.s32 v27, v1;
	_ =	sdelay $0x1  }
0x3c5: {  	v0 =	vadd.s32 v27, v0;
	_ =	sdelay $0x1  }
0x3c6: {  	s18 =	simm.s32 $0x2280  }
0x3c7: {  	[tilespmem:s18], [sflag:$0x1] =	stream.indirect_vreg.gather [hbm4b:s0+s5], $0x80, v1, vm3, $0xb8;
	[tilespmem:$0x12480] =	vst v63  }
0x3c8: {  	s19 =	simm.s32 $0x2A80  }
0x3c9: {  	[tilespmem:s19], [sflag:$0x1] =	stream.indirect_vreg.gather [hbm4b:s0+s5], $0x80, v0, vm3, $0xb8;
	[tilespmem:$0x12480] =	vst v63  }
0x3ca: {  	v0 =	vld [tilespmem:$0x2090];
	_ =	sdelay $0x4  }
0x3cb: {  	v1 =	vshll.u32 v0, $0x1  }
0x3cc: {  	v0 =	vand.u32 $0x7, v0;
	v1 =	vand.u32 $0xFFFFFFF0, v1  }
0x3cd: {  	v0 =	vor.u32 v0, v1  }
0x3ce: {  	v1 =	vperm.xlane v0, v26;
	_ =	sdelay $0x1  }
0x3cf: {  	v0 =	vperm.xlane v0, v28;
	v1 =	vadd.s32 v27, v1;
	_ =	sdelay $0x1  }
0x3d0: {  	v0 =	vadd.s32 v27, v0;
	_ =	sdelay $0x1  }
0x3d1: {  	s10 =	simm.s32 $0x3280  }
0x3d2: {  	[tilespmem:s10], [sflag:$0x1] =	stream.indirect_vreg.gather [hbm4b:s0+s5], $0x80, v1, vm3, $0xb8;
	[tilespmem:$0x12480] =	vst v63  }
0x3d3: {  	s11 =	simm.s32 $0x3A80  }
0x3d4: {  	[tilespmem:s11], [sflag:$0x1] =	stream.indirect_vreg.gather [hbm4b:s0+s5], $0x80, v0, vm3, $0xb8;
	[tilespmem:$0x12480] =	vst v63  }
0x3d5: {  	v0 =	vld [tilespmem:$0x2080];
	_ =	sdelay $0x4  }
0x3d6: {  	v1 =	vshll.u32 v0, $0x1  }
0x3d7: {  	v0 =	vand.u32 $0x7, v0;
	v1 =	vand.u32 $0xFFFFFFF0, v1  }
0x3d8: {  	v0 =	vor.u32 v0, v1  }
0x3d9: {  	v1 =	vperm.xlane v0, v26;
	_ =	sdelay $0x1  }
0x3da: {  	v0 =	vperm.xlane v0, v28;
	v1 =	vadd.s32 v27, v1;
	_ =	sdelay $0x1  }
0x3db: {  	v0 =	vadd.s32 v27, v0;
	_ =	sdelay $0x1  }
0x3dc: {  	s12 =	simm.s32 $0x4280  }
0x3dd: {  	[tilespmem:s12], [sflag:$0x2] =	stream.indirect_vreg.gather [hbm4b:s2+s5], $0x80, v1, vm3, $0xb8;
	[tilespmem:$0x12480] =	vst v63  }
0x3de: {  	s14 =	simm.s32 $0x4A80  }
0x3df: {  	[tilespmem:s14], [sflag:$0x2] =	stream.indirect_vreg.gather [hbm4b:s2+s5], $0x80, v0, vm3, $0xb8;
	[tilespmem:$0x12480] =	vst v63  }
0x3e0: {  	v0 =	vld [tilespmem:$0x2090];
	_ =	sdelay $0x4  }
0x3e1: {  	v1 =	vshll.u32 v0, $0x1  }
0x3e2: {  	v0 =	vand.u32 $0x7, v0;
	v1 =	vand.u32 $0xFFFFFFF0, v1  }
0x3e3: {  	v0 =	vor.u32 v0, v1  }
0x3e4: {  	v1 =	vperm.xlane v0, v26;
	_ =	sdelay $0x1  }
0x3e5: {  	v0 =	vperm.xlane v0, v28;
	v1 =	vadd.s32 v27, v1;
	_ =	sdelay $0x1  }
0x3e6: {  	v0 =	vadd.s32 v27, v0;
	_ =	sdelay $0x1  }
0x3e7: {  	s18 =	simm.s32 $0x5280  }
0x3e8: {  	[tilespmem:s18], [sflag:$0x2] =	stream.indirect_vreg.gather [hbm4b:s2+s5], $0x80, v1, vm3, $0xb8;
	[tilespmem:$0x12480] =	vst v63  }
0x3e9: {  	s19 =	simm.s32 $0x5A80  }
0x3ea: {  	[tilespmem:s19], [sflag:$0x2] =	stream.indirect_vreg.gather [hbm4b:s2+s5], $0x80, v0, vm3, $0xb8;
	[tilespmem:$0x12480] =	vst v63  }
0x3eb: {  	v0 =	vld [tilespmem:$0x2080];
	_ =	sdelay $0x4  }
0x3ec: {  	v1 =	vshll.u32 v0, $0x1  }
0x3ed: {  	v0 =	vand.u32 $0x7, v0;
	v1 =	vand.u32 $0xFFFFFFF0, v1  }
0x3ee: {  	v0 =	vor.u32 v0, v1  }
0x3ef: {  	v1 =	vperm.xlane v0, v26;
	_ =	sdelay $0x1  }
0x3f0: {  	v0 =	vperm.xlane v0, v28;
	v1 =	vadd.s32 v27, v1;
	_ =	sdelay $0x1  }
0x3f1: {  	v0 =	vadd.s32 v27, v0;
	_ =	sdelay $0x1  }
0x3f2: {  	s10 =	simm.s32 $0x6280  }
0x3f3: {  	[tilespmem:s10], [sflag:$0x3] =	stream.indirect_vreg.gather [hbm4b:s4+s5], $0x80, v1, vm3, $0xb8;
	[tilespmem:$0x12480] =	vst v63  }
0x3f4: {  	s11 =	simm.s32 $0x6A80  }
0x3f5: {  	[tilespmem:s11], [sflag:$0x3] =	stream.indirect_vreg.gather [hbm4b:s4+s5], $0x80, v0, vm3, $0xb8;
	[tilespmem:$0x12480] =	vst v63  }
0x3f6: {  	v0 =	vld [tilespmem:$0x2090];
	_ =	sdelay $0x4  }
0x3f7: {  	v1 =	vshll.u32 v0, $0x1  }
0x3f8: {  	v0 =	vand.u32 $0x7, v0;
	v1 =	vand.u32 $0xFFFFFFF0, v1  }
0x3f9: {  	v0 =	vor.u32 v0, v1  }
0x3fa: {  	v1 =	vperm.xlane v0, v26;
	_ =	sdelay $0x1  }
0x3fb: {  	v0 =	vperm.xlane v0, v28;
	v1 =	vadd.s32 v27, v1;
	_ =	sdelay $0x1  }
0x3fc: {  	v0 =	vadd.s32 v27, v0;
	_ =	sdelay $0x1  }
0x3fd: {  	s12 =	simm.s32 $0x7280  }
0x3fe: {  	[tilespmem:s12], [sflag:$0x3] =	stream.indirect_vreg.gather [hbm4b:s4+s5], $0x80, v1, vm3, $0xb8;
	[tilespmem:$0x12480] =	vst v63  }
0x3ff: {  	s14 =	simm.s32 $0x7A80  }
0x400: {  	[tilespmem:s14], [sflag:$0x3] =	stream.indirect_vreg.gather [hbm4b:s4+s5], $0x80, v0, vm3, $0xb8;
	[tilespmem:$0x12480] =	vst v63  }
0x401: {  	_ =	swait.ge [sflag:s26], $0x2000  }
0x402: {  	[sflag:s26] =	ssyncset.done $0x0  }
0x403: {  	[sflag:s26] =	ssyncadd.s32 $0xFFFFE000  }
0x404: {  	_ =	swait.ge [sflag:s28], $0x2000  }
0x405: {  	[sflag:s28] =	ssyncset.done $0x0  }
0x406: {  	[sflag:s28] =	ssyncadd.s32 $0xFFFFE000  }
0x407: {  	_ =	swait.ge [sflag:s29], $0x2000  }
0x408: {  	[sflag:s29] =	ssyncset.done $0x0  }
0x409: {  	s9 =	simm.s32 @!p0 $0x8;
	[sflag:s29] =	ssyncadd.s32 $0xFFFFE000  }
0x40a: {  	s18 =	simm.s32 $0x0;
	_ =	swait.ge @!p0 [sflag:s9], $0x2000  }
0x40b: {  	s19 =	sand.u32 $0x1800, s18;
	s14 =	sand.u32 $0x380, s18;
	[sflag:s9] =	ssyncset.done @!p0 $0x0  }
0x40c: {  	[sflag:s9] =	ssyncadd.s32 @!p0 $0xFFFFE000;
	s9 =	sor.u32 s14, s19  }
0x40d: {  	v0 =	vld [tilespmem:s9+$0xA8B0]  }
0x40e: {  	v1 =	vld [tilespmem:s9+$0xA8A0]  }
0x40f: {  	v3 =	vld [tilespmem:s9+$0xE4D0]  }
0x410: {  	v4 =	vld [tilespmem:s9+$0xA890]  }
0x411: {  	v5 =	vld [tilespmem:s9+$0xE4E0]  }
0x412: {  	v10 =	vld [tilespmem:s9+$0xA4F0]  }
0x413: {  	v11 =	vld [tilespmem:s9+$0xC880]  }
0x414: {  	v12 =	vld [tilespmem:s9+$0xE4C0]  }
0x415: {  	v13 =	vld [tilespmem:s9+$0xC4F0]  }
0x416: {  	v42 =	vld [tilespmem:s9+$0xC4D0]  }
0x417: {  	v34 =	vld [tilespmem:s9+$0xC4B0]  }
0x418: {  	v36 =	vld [tilespmem:s9+$0xA4E0]  }
0x419: {  	v43 =	vld [tilespmem:s9+$0xA4D0]  }
0x41a: {  	v41 =	vld [tilespmem:s9+$0xA880]  }
0x41b: {  	v44 =	vld [tilespmem:s9+$0xA4C0]  }
0x41c: {  	v39 =	vld [tilespmem:s9+$0xC4C0]  }
0x41d: {  	v63 =	vmov s18;
	v31 =	vld [tilespmem:s9+$0xC490]  }
0x41e: {  	v40 =	vld [tilespmem:s9+$0xE8D0]  }
0x41f: {  	v45 =	vld [tilespmem:s9+$0xE880]  }
0x420: {  	v46 =	vld [tilespmem:s9+$0xC8F0]  }
0x421: {  	v60 =	vld [tilespmem:s9+$0xE890]  }
0x422: {  	v30 =	vld.idx.msk [tilespmem:v63+s1+$0x0], $0xffff  }
0x423: {  	v32 =	vld.idx.msk [tilespmem:v63+s31+$0x0], $0xffff  }
0x424: {  	v59 =	vld.idx.msk [tilespmem:v63+s30+$0x0], $0xffff  }
0x425: {  	v49 =	vld [tilespmem:s9+$0xC8B0]  }
0x426: {  	v50 =	vld [tilespmem:s9+$0xA8C0]  }
0x427: {  	v61 =	vld [tilespmem:s9+$0xC8C0]  }
0x428: {  	v62 =	vld [tilespmem:s9+$0xA8E0];
	v33 =	vmul.f32 v5, v30;
	v55 =	vmul.f32 v40, v30  }
0x429: {  	v63 =	vld [tilespmem:s9+$0xA8F0];
	v56 =	vmul.f32 v31, v32;
	v31 =	vmul.f32 v12, v30  }
0x42a: {  	v52 =	vld [tilespmem:s9+$0xA8D0];
	v40 =	vmul.f32 v34, v32;
	v34 =	vmul.f32 v3, v30  }
0x42b: {  	v53 =	vld [tilespmem:s9+$0xC8D0];
	v37 =	vmul.f32 v4, v59;
	v35 =	vmul.f32 v60, v30  }
0x42c: {  	v5 =	vld [tilespmem:s9+$0xC8E0];
	v38 =	vmul.f32 v36, v59;
	v36 =	vmul.f32 v45, v30  }
0x42d: {  	v47 =	vld [tilespmem:s9+$0xE8C0];
	v45 =	vmul.f32 v61, v32;
	v54 =	vmul.f32 v62, v59  }
0x42e: {  	v12 =	vld [tilespmem:s9+$0xE8E0];
	v46 =	vmul.f32 v46, v32;
	v57 =	vmul.f32 v63, v59  }
0x42f: {  	v58 =	vld [tilespmem:s9+$0xA490];
	v50 =	vmul.f32 v50, v59;
	v52 =	vmul.f32 v52, v59  }
0x430: {  	v3 =	vld [tilespmem:s9+$0xE8F0];
	v53 =	vmul.f32 v53, v32;
	v62 =	vmul.f32 v49, v32  }
0x431: {  	v4 =	vld [tilespmem:s9+$0xA480];
	v39 =	vmul.f32 v39, v32;
	v5 =	vmul.f32 v5, v32  }
0x432: {  	v51 =	vld [tilespmem:s9+$0xC480];
	v63 =	vmul.f32 v41, v59;
	v49 =	vmul.f32 v47, v30  }
0x433: {  	v48 =	vld [tilespmem:s9+$0xE8B0];
	v41 =	vmul.f32 v1, v59;
	v12 =	vmul.f32 v12, v30;
	v5 =	vadd.f32 v5, v54  }
0x434: {  	v60 =	vld [tilespmem:s9+$0xE480];
	v1 =	vmul.f32 v58, v59;
	v0 =	vmul.f32 v0, v59  }
0x435: {  	v14 =	vld [tilespmem:s9+$0xA4B0];
	v46 =	vadd.f32 v46, v57;
	v3 =	vmul.f32 v3, v30;
	v5 =	vadd.f32 v12, v5  }
0x436: {  	v61 =	vld [tilespmem:s9+$0xE490];
	v43 =	vmul.f32 v43, v59;
	v52 =	vadd.f32 v53, v52;
	v4 =	vmul.f32 v4, v59  }
0x437: {  	v57 =	vld [tilespmem:s9+$0xA4A0];
	v3 =	vadd.f32 v3, v46;
	[tilespmem:s9+$0x108E0] =	vst v5;
	v5 =	vmul.f32 v11, v32;
	v11 =	vmul.f32 v51, v32  }
0x438: {  	v47 =	vadd.f32 v45, v50;
	v45 =	vmul.f32 v48, v30;
	v53 =	vmul.f32 v42, v32;
	v12 =	vld [tilespmem:s9+$0xC4A0]  }
0x439: {  	v50 =	vld [tilespmem:s9+$0xE4B0];
	v58 =	vadd.f32 v55, v52;
	[tilespmem:s9+$0x108F0] =	vst v3;
	v3 =	vadd.f32 v11, v4;
	v4 =	vmul.f32 v60, v30  }
0x43a: {  	v1 =	vadd.f32 v56, v1;
	v48 =	vmul.f32 v44, v59;
	v56 =	vld [tilespmem:s9+$0xE4A0];
	v44 =	vmul.f32 v13, v32  }
0x43b: {  	[tilespmem:s9+$0x108D0] =	vst v58;
	v58 =	vmul.f32 v10, v59;
	v54 =	vld [tilespmem:s9+$0xC4E0];
	v11 =	vmul.f32 v61, v30;
	v3 =	vadd.f32 v4, v3  }
0x43c: {  	v52 =	vld [tilespmem:s9+$0xC890];
	v55 =	vmul.f32 v57, v59;
	v59 =	vmul.f32 v14, v59;
	v46 =	vadd.f32 v5, v63  }
0x43d: {  	s11 =	simm.s32 $0x80;
	s12 =	simm.s32 $0x100;
	s14 =	simm.s32 $0x1;
	v42 =	vld [tilespmem:s9+$0xE4F0];
	v60 =	vadd.f32 v62, v0;
	v57 =	vmul.f32 v12, v32;
	v51 =	vadd.f32 v11, v1;
	[tilespmem:s9+$0x10480] =	vst v3  }
.LBB2_7:
0x43e: {  	s19 =	smov.u32 s14  }
0x43f: {  	v0 =	vmov s14;
	s18 =	sand.u32 $0x1800, s12;
	s10 =	sand.u32 $0x380, s11;
	v1 =	vadd.f32 v53, v43;
	v3 =	vld [tilespmem:s9+$0xC8A0];
	v4 =	vadd.f32 v49, v47;
	s19 =	sadd.s32 $0x1, s14  }
0x440: {  	p0 =	sne.s32 s14, $0x1F;
	s18 =	sor.u32 s10, s18;
	v5 =	vmul.f32 v54, v32;
	v10 =	vadd.f32 v44, v58;
	v12 =	vadd.f32 v45, v60;
	v11 =	vld [tilespmem:s9+$0xE8A0]  }
0x441: {  	v14 =	vmul.f32 v50, v30;
	v13 =	vadd.f32 v40, v59;
	v40 =	vmul.f32 v52, v32;
	v43 =	vld [tilespmem:s18+$0xA8B0];
	[tilespmem:s9+$0x108C0] =	vst v4  }
0x442: {  	v4 =	vadd.f32 v57, v55;
	v44 =	vmul.f32 v56, v30;
	v5 =	vadd.f32 v5, v38;
	v45 =	vld [tilespmem:s18+$0xA8A0];
	[tilespmem:s9+$0x108B0] =	vst v12  }
0x443: {  	v13 =	vadd.f32 v14, v13;
	v14 =	vmul.f32 v42, v30;
	v37 =	vadd.f32 v40, v37;
	v12 =	vld [tilespmem:s18+$0xE4D0]  }
0x444: {  	v4 =	vadd.f32 v44, v4;
	v5 =	vadd.f32 v33, v5;
	v3 =	vmul.f32 v3, v32;
	v38 =	vld [tilespmem:s18+$0xA890];
	[tilespmem:s9+$0x10490] =	vst v51  }
0x445: {  	v10 =	vadd.f32 v14, v10;
	v33 =	vld [tilespmem:s18+$0xE4E0];
	[tilespmem:s9+$0x104B0] =	vst v13;
	v13 =	vadd.f32 v35, v37;
	v11 =	vmul.f32 v11, v30  }
0x446: {  	v1 =	vadd.f32 v34, v1;
	v3 =	vadd.f32 v3, v41;
	v42 =	vld [tilespmem:s18+$0xA4F0];
	[tilespmem:s9+$0x104A0] =	vst v4  }
0x447: {  	v14 =	vadd.f32 v39, v48;
	v4 =	vld [tilespmem:s18+$0xC880];
	[tilespmem:s9+$0x104F0] =	vst v10;
	v10 =	vadd.f32 v36, v46  }
0x448: {  	v3 =	vadd.f32 v11, v3;
	v34 =	vld [tilespmem:s18+$0xE4C0];
	[tilespmem:s9+$0x104E0] =	vst v5  }
0x449: {  	v5 =	vadd.f32 v31, v14;
	v44 =	vld [tilespmem:s18+$0xC4F0];
	[tilespmem:s9+$0x10880] =	vst v10  }
0x44a: {  	v10 =	vld [tilespmem:s18+$0xC4D0];
	[tilespmem:s9+$0x104D0] =	vst v1  }
0x44b: {  	v1 =	vld [tilespmem:s18+$0xC4B0];
	[tilespmem:s9+$0x10890] =	vst v13  }
0x44c: {  	v11 =	vld [tilespmem:s18+$0xA4E0];
	[tilespmem:s9+$0x104C0] =	vst v5  }
0x44d: {  	v5 =	vld [tilespmem:s18+$0xA4D0];
	[tilespmem:s9+$0x108A0] =	vst v3;
	s9 =	smov.u32 s18  }
0x44e: {  	v3 =	vld [tilespmem:s9+$0xA880]  }
0x44f: {  	v13 =	vld [tilespmem:s9+$0xA4C0]  }
0x450: {  	v14 =	vld [tilespmem:s9+$0xC4C0]  }
0x451: {  	v31 =	vld [tilespmem:s9+$0xC490]  }
0x452: {  	v35 =	vld [tilespmem:s9+$0xE8D0]  }
0x453: {  	v36 =	vld [tilespmem:s9+$0xE880]  }
0x454: {  	v39 =	vld [tilespmem:s9+$0xC8F0]  }
0x455: {  	v41 =	vld [tilespmem:s9+$0xE890]  }
0x456: {  	v46 =	vld [tilespmem:s9+$0xE8C0]  }
0x457: {  	v30 =	vld.idx.msk [tilespmem:v0+s1+$0x0], $0xffff  }
0x458: {  	v32 =	vld.idx.msk [tilespmem:v0+s31+$0x0], $0xffff  }
0x459: {  	v0 =	vld.idx.msk [tilespmem:v0+s30+$0x0], $0xffff  }
0x45a: {  	v48 =	vld [tilespmem:s9+$0xE8B0]  }
0x45b: {  	v47 =	vld [tilespmem:s9+$0xC8B0]  }
0x45c: {  	v49 =	vld [tilespmem:s9+$0xA8C0]  }
0x45d: {  	v33 =	vmul.f32 v33, v30;
	v51 =	vmul.f32 v35, v30;
	v50 =	vld [tilespmem:s9+$0xC8C0]  }
0x45e: {  	v52 =	vmul.f32 v31, v32;
	v31 =	vmul.f32 v34, v30;
	v53 =	vld [tilespmem:s9+$0xA8D0]  }
0x45f: {  	v40 =	vmul.f32 v1, v32;
	v34 =	vmul.f32 v12, v30;
	v1 =	vld [tilespmem:s9+$0xC8D0]  }
0x460: {  	v35 =	vmul.f32 v41, v30;
	v37 =	vmul.f32 v38, v0;
	v12 =	vld [tilespmem:s9+$0xA8E0]  }
0x461: {  	v36 =	vmul.f32 v36, v30;
	v38 =	vmul.f32 v11, v0;
	v11 =	vld [tilespmem:s9+$0xC8E0]  }
0x462: {  	v54 =	vmul.f32 v39, v32;
	v41 =	vmul.f32 v50, v32;
	v50 =	vld [tilespmem:s9+$0xA8F0]  }
0x463: {  	v49 =	vmul.f32 v49, v0;
	v53 =	vmul.f32 v53, v0;
	v55 =	vld [tilespmem:s9+$0xE8E0]  }
0x464: {  	v60 =	vmul.f32 v47, v32;
	v1 =	vmul.f32 v1, v32;
	v56 =	vld [tilespmem:s9+$0xE8F0]  }
0x465: {  	v39 =	vmul.f32 v14, v32;
	v47 =	vadd.f32 v41, v49;
	v57 =	vld [tilespmem:s9+$0xA480];
	v12 =	vmul.f32 v12, v0  }
0x466: {  	v3 =	vmul.f32 v3, v0;
	v14 =	vld [tilespmem:s9+$0xC480];
	v1 =	vadd.f32 v1, v53;
	v11 =	vmul.f32 v11, v32  }
0x467: {  	v49 =	vmul.f32 v46, v30;
	v53 =	vld [tilespmem:s9+$0xA490];
	v46 =	vmul.f32 v50, v0  }
0x468: {  	v4 =	vmul.f32 v4, v32;
	v50 =	vld [tilespmem:s9+$0xE480];
	v11 =	vadd.f32 v11, v12;
	v12 =	vmul.f32 v55, v30  }
0x469: {  	v41 =	vmul.f32 v45, v0;
	v55 =	vld [tilespmem:s9+$0xE490];
	v46 =	vadd.f32 v54, v46;
	v54 =	vmul.f32 v56, v30  }
0x46a: {  	v45 =	vmul.f32 v48, v30;
	v56 =	vmul.f32 v57, v0;
	v57 =	vld [tilespmem:s9+$0xA4A0];
	v11 =	vadd.f32 v12, v11  }
0x46b: {  	v61 =	vmul.f32 v43, v0;
	v12 =	vmul.f32 v14, v32;
	v14 =	vld [tilespmem:s9+$0xC4A0];
	v48 =	vadd.f32 v54, v46  }
0x46c: {  	v43 =	vmul.f32 v5, v0;
	v1 =	vadd.f32 v51, v1;
	v53 =	vmul.f32 v53, v0;
	v59 =	vld [tilespmem:s9+$0xA4B0];
	[tilespmem:s9+$0x108E0] =	vst v11  }
.Ltmp2:
0x46d: {  	v46 =	vadd.f32 v4, v3;
	v5 =	vadd.f32 v12, v56;
	v11 =	vmul.f32 v50, v30;
	v50 =	vld [tilespmem:s9+$0xE4B0];
	[tilespmem:s9+$0x108F0] =	vst v48;
	(pc) =	sbr.rel @p0 .LBB2_7-.Ltmp2, $4  }
0x46e: {  	v3 =	vadd.f32 v52, v53;
	v4 =	vmul.f32 v55, v30;
	v53 =	vmul.f32 v10, v32;
	v54 =	vld [tilespmem:s9+$0xC4E0];
	[tilespmem:s9+$0x108D0] =	vst v1  }
0x46f: {  	v48 =	vmul.f32 v13, v0;
	v1 =	vadd.f32 v11, v5;
	v55 =	vmul.f32 v57, v0;
	v52 =	vld [tilespmem:s9+$0xC890]  }
0x470: {  	v58 =	vmul.f32 v42, v0;
	v51 =	vadd.f32 v4, v3;
	v56 =	vld [tilespmem:s9+$0xE4A0];
	v57 =	vmul.f32 v14, v32  }
0x471: {  	s11 =	sadd.s32 $0x80, s11;
	s12 =	sadd.s32 $0x100, s12;
	s14 =	smov.u32 s19;
	v44 =	vmul.f32 v44, v32;
	v60 =	vadd.f32 v60, v61;
	[tilespmem:s9+$0x10480] =	vst v1;
	v59 =	vmul.f32 v59, v0;
	v42 =	vld [tilespmem:s9+$0xE4F0]  }
0x472: {  	_ = 	snop  }
0x473: {  	v0 =	vadd.f32 v49, v47  }
0x474: {  	v1 =	vld [tilespmem:s9+$0xC8A0];
	v10 =	vmul.f32 v50, v30;
	v3 =	vadd.f32 v45, v60;
	v5 =	vadd.f32 v40, v59  }
0x475: {  	v11 =	vmul.f32 v54, v32;
	[tilespmem:s9+$0x108C0] =	vst v0;
	v0 =	vadd.f32 v57, v55;
	v12 =	vmul.f32 v56, v30  }
0x476: {  	v4 =	vld [tilespmem:s9+$0xE8A0];
	v13 =	vadd.f32 v44, v58;
	[tilespmem:s9+$0x108B0] =	vst v3;
	v3 =	vadd.f32 v10, v5;
	v5 =	vmul.f32 v42, v30  }
0x477: {  	[tilespmem:s9+$0x10490] =	vst v51;
	v10 =	vadd.f32 v11, v38;
	v0 =	vadd.f32 v12, v0  }
0x478: {  	v11 =	vmul.f32 v52, v32;
	[tilespmem:s9+$0x104B0] =	vst v3;
	v3 =	vadd.f32 v5, v13  }
0x479: {  	v10 =	vadd.f32 v33, v10;
	v1 =	vmul.f32 v1, v32;
	v5 =	vadd.f32 v53, v43;
	[tilespmem:s9+$0x104A0] =	vst v0  }
0x47a: {  	v0 =	vadd.f32 v11, v37;
	[tilespmem:s9+$0x104F0] =	vst v3;
	v3 =	vadd.f32 v36, v46  }
0x47b: {  	v4 =	vmul.f32 v4, v30;
	[tilespmem:s9+$0x104E0] =	vst v10;
	v1 =	vadd.f32 v1, v41;
	v5 =	vadd.f32 v34, v5  }
0x47c: {  	v11 =	vadd.f32 v39, v48;
	v0 =	vadd.f32 v35, v0;
	[tilespmem:s9+$0x10880] =	vst v3  }
0x47d: {  	v60 =	vimm.s32 $0x3FF;
	v1 =	vadd.f32 v4, v1;
	[tilespmem:s9+$0x104D0] =	vst v5  }
0x47e: {  	v3 =	vadd.f32 v31, v11;
	[tilespmem:s9+$0x10890] =	vst v0  }
0x47f: {  	s18 =	rddreg [dreg:$0xc];
	[tilespmem:s9+$0x108A0] =	vst v1  }
0x480: {  	s19 =	simm.s32 $0x10480;
	s8 =	sadd.s32 s18, s8;
	[tilespmem:s9+$0x104C0] =	vst v3  }
0x481: {  	[hbm4b:s8+s5] =	stream.linear.scatter [tilespmem:s19], [sflag:$0x8], $0x2000, $0x38;
	[tilespmem:$0x12480] =	vst v63  }
0x482: {  	s7 =	smin.u32 s7, $0x3C;
	v0 =	vld.idx.msk [tilespmem:v60+s17+$0x0], $0xffff  }
0x483: {  	s7 =	sshll.u32 s7, $0x5  }
0x484: {  	s10 =	sadd.s32 s6, s7  }
0x485: {  	s11 =	sadd.s32 $0x60, s10;
	v31 =	vlaneseq.u32  }
0x486: {  	v1 =	vor.u32 s11, v31  }
0x487: {  	v61 =	vimm.s32 $0x400;
	vm4 =	vgt.s32 v0, v1  }
0x488: {  	v0 =	vsel vm4, $0x0, v61  }
0x489: {  	v3 =	vor.u32 $0x1FF, v0;
	_ =	sdelay $0x4  }
0x48a: {  	v3 =	vld.idx.msk [tilespmem:v3+s17+$0x0], $0xffff;
	_ =	sdelay $0x4  }
0x48b: {  	v62 =	vimm.s32 $0x200;
	vm4 =	vgt.s32 v3, v1  }
0x48c: {  	v3 =	vsel vm4, $0x0, v62  }
0x48d: {  	v0 =	vor.u32 v0, v3  }
0x48e: {  	v3 =	vor.u32 $0xFF, v0;
	_ =	sdelay $0x4  }
0x48f: {  	v3 =	vld.idx.msk [tilespmem:v3+s17+$0x0], $0xffff;
	_ =	sdelay $0x4  }
0x490: {  	v63 =	vimm.s32 $0x100;
	vm4 =	vgt.s32 v3, v1  }
0x491: {  	v3 =	vsel vm4, $0x0, v63  }
0x492: {  	v0 =	vor.u32 v3, v0  }
0x493: {  	v3 =	vor.u32 $0x7F, v0;
	_ =	sdelay $0x4  }
0x494: {  	v3 =	vld.idx.msk [tilespmem:v3+s17+$0x0], $0xffff;
	_ =	sdelay $0x4  }
0x495: {  	vm4 =	vgt.s32 v3, v1  }
0x496: {  	v3 =	vsel vm4, $0x0, v15  }
0x497: {  	v0 =	vor.u32 v3, v0  }
0x498: {  	v3 =	vor.u32 $0x3F, v0;
	_ =	sdelay $0x4  }
0x499: {  	v3 =	vld.idx.msk [tilespmem:v3+s17+$0x0], $0xffff;
	_ =	sdelay $0x4  }
0x49a: {  	vm4 =	vgt.s32 v3, v1  }
0x49b: {  	v3 =	vsel vm4, $0x0, v16  }
0x49c: {  	v4 =	vor.u32 v0, v3  }
0x49d: {  	v4 =	vor.u32 $0x1F, v4;
	_ =	sdelay $0x4  }
0x49e: {  	v4 =	vld.idx.msk [tilespmem:v4+s17+$0x0], $0xffff;
	_ =	sdelay $0x4  }
0x49f: {  	vm4 =	vgt.s32 v4, v1  }
0x4a0: {  	v4 =	vsel vm4, $0x0, v17  }
0x4a1: {  	v3 =	vor.u32 v3, v4  }
0x4a2: {  	v4 =	vor.u32 v0, v3  }
0x4a3: {  	v4 =	vor.u32 $0xF, v4;
	_ =	sdelay $0x4  }
0x4a4: {  	v4 =	vld.idx.msk [tilespmem:v4+s17+$0x0], $0xffff;
	_ =	sdelay $0x4  }
0x4a5: {  	vm4 =	vgt.s32 v4, v1  }
0x4a6: {  	v4 =	vsel vm4, $0x0, v18  }
0x4a7: {  	v4 =	vor.u32 v4, v0  }
0x4a8: {  	v3 =	vor.u32 v3, v4  }
0x4a9: {  	v4 =	vand.u32 $0x78, v3  }
0x4aa: {  	v0 =	vor.u32 v4, v0  }
0x4ab: {  	v0 =	vor.u32 $0x7, v0;
	_ =	sdelay $0x4  }
0x4ac: {  	v0 =	vld.idx.msk [tilespmem:v0+s17+$0x0], $0xffff;
	_ =	sdelay $0x4  }
0x4ad: {  	vm4 =	vgt.s32 v0, v1  }
0x4ae: {  	v0 =	vsel vm4, $0x0, v19  }
0x4af: {  	v0 =	vor.u32 v0, v3  }
0x4b0: {  	v3 =	vadd.s32 $0x3, v0;
	_ =	sdelay $0x4  }
0x4b1: {  	v3 =	vld.idx.msk [tilespmem:v3+s17+$0x0], $0xffff;
	_ =	sdelay $0x4  }
0x4b2: {  	vm4 =	vgt.s32 v3, v1  }
0x4b3: {  	v3 =	vsel vm4, $0x0, v20  }
0x4b4: {  	v0 =	vadd.s32 v3, v0  }
0x4b5: {  	v3 =	vadd.s32 $0x1, v0;
	_ =	sdelay $0x4  }
0x4b6: {  	v3 =	vld.idx.msk [tilespmem:v3+s17+$0x0], $0xffff;
	_ =	sdelay $0x4  }
0x4b7: {  	vm4 =	vgt.s32 v3, v1  }
0x4b8: {  	v3 =	vsel vm4, $0x0, v22  }
0x4b9: {  	v0 =	vadd.s32 v3, v0;
	_ =	sdelay $0x4  }
0x4ba: {  	v3 =	vld.idx.msk [tilespmem:v0+s17+$0x0], $0xffff;
	_ =	sdelay $0x4  }
0x4bb: {  	vm4 =	vle.s32 v3, v1  }
0x4bc: {  	v3 =	vsel vm4, $0x1, v23  }
0x4bd: {  	v0 =	vadd.s32 v3, v0  }
0x4be: {  	v3 =	vmax.u32 v0, $0x1  }
0x4bf: {  	v3 =	vsub.s32 v3, v21;
	_ =	sdelay $0x4  }
0x4c0: {  	v3 =	vld.idx.msk [tilespmem:v3+s17+$0x0], $0xffff  }
0x4c1: {  	v4 =	vld.idx.msk [tilespmem:v0+s17+$0x0], $0xffff;
	_ =	sdelay $0x2  }
0x4c2: {  	vm4 =	veq.s32 v0, $0x0  }
0x4c3: {  	v3 =	vsel vm4, $0x0, v3  }
0x4c4: {  	v5 =	vsub.s32 v4, v3;
	vm4 =	vne.s32 v4, v3  }
0x4c5: {  	v4 =	vshra.s32 v5, $0x1F;
	v10 =	vsel vm4, $0x1, v23  }
0x4c6: {  	v4 =	vor.u32 v10, v4;
	v10 =	vand.u32 $0x1, v5  }
0x4c7: {  	v11 =	vshrl.u32 v5, $0x1F;
	vm4 =	vne.s32 v4, $0x1;
	vm5 =	veq.s32 v10, $0x1  }
0x4c8: {  	v4 =	vadd.s32 v11, v5;
	vm4 =	vmand vm4, vm5  }
0x4c9: {  	v4 =	vshra.s32 v4, $0x1;
	v10 =	vsel vm4, $0xFFFFFFFF, v23  }
0x4ca: {  	v4 =	vadd.s32 v10, v4  }
0x4cb: {  	vm4 =	vgt.s32 v4, $0x2;
	v10 =	vxor.u32 $0xFFFFFFFF, v4  }
0x4cc: {  	v11 =	vnsel vm4, $0x2, v4;
	v10 =	vadd.s32 v10, v5  }
0x4cd: {  	v11 =	vadd.s32 $0xFFFFFFFF, v11;
	vm4 =	vgt.s32 v10, $0x1  }
0x4ce: {  	v11 =	vcvt.s32.f32 v11;
	v10 =	vnsel vm4, $0x1, v10  }
0x4cf: {  	v10 =	vcvt.s32.f32 v10  }
0x4d0: {  	(erf) = vrcp.f32 v11  }
0x4d1: {  	(erf) = vrcp.f32 v10;
	_ =	sdelay $0x4  }
0x4d2: {  	v10 =	vsub.s32 v1, v3  }
0x4d3: {  	v12 =	vcvt.s32.f32 v4;
	v11 =	vcvt.s32.f32 v10;
	_ =	sdelay $0x1  }
0x4d4: {  	vm9 =	vlt.s32 v1, v29;
	v12 =	vsub.f32 v11, v12;
	v13 =	vpop (erf)  }
0x4d5: {  	v30 =	vadd.s32 $0xFFFFFFFF, v5;
	vm14 =	vne.s32 v5, $0x1;
	v11 =	vmul.f32 v11, v13;
	v13 =	vpop (erf)  }
0x4d6: {  	vm7 =	veq.s32 v5, $0x3;
	vm12 =	vmand vm9, vm14;
	v12 =	vmul.f32 v13, v12  }
0x4d7: {  	vm5 =	vne.s32 v1, v3;
	vm4 =	vlt.s32 v10, v4;
	vm6 =	vne.s32 v10, v30;
	v13 =	vld.idx.msk [tilespmem:v0+s15+$0x0], $0xffff  }
0x4d8: {  	vm15 =	vgt.s32 v10, $0x1;
	v14 =	vsub.f32 $1.000000000e+00, v11;
	v4 =	vsub.f32 $1.000000000e+00, v12  }
0x4d9: {  	vm6 =	vmand vm5, vm6;
	v1 =	vsel vm15, $0x3F800000, v25;
	v3 =	vsel vm4, $0x0, v12  }
0x4da: {  	v14 =	vnsel vm4, $0x0, v14;
	v4 =	vsel vm4, v11, v4;
	vm4 =	veq.s32 v10, v30  }
0x4db: {  	v0 =	vadd.s32 v2, v0;
	v12 =	vsel vm5, $0x0, v24;
	vm4 =	vmand vm5, vm4  }
0x4dc: {  	v11 =	vsel vm6, $0x3F800000, v25;
	vm13 =	veq.s32 v13, $0x0;
	v13 =	vsel vm4, $0x3F800000, v25  }
0x4dd: {  	v4 =	vsel vm13, v11, v4;
	v11 =	vand.u32 $0xFFFFFFFE, v5;
	vm4 =	veq.s32 v10, $0x1  }
0x4de: {  	v10 =	vsel vm5, $0x3F800000, v25;
	v3 =	vsel vm13, v13, v3;
	vm8 =	veq.s32 v11, $0x2  }
0x4df: {  	v11 =	vsel vm4, $0x3F800000, v25;
	vm4 =	veq.s32 v5, $0x2;
	vm6 =	vmor vm8, vm13  }
0x4e0: {  	v4 =	vsel vm7, v11, v4;
	v1 =	vsel vm7, v1, v3;
	v5 =	vsel vm6, v12, v14  }
0x4e1: {  	[tilespmem:$0xA280] =	vst v0;
	v4 =	vsel vm4, $0x0, v4;
	v0 =	vsel vm4, v10, v1;
	v3 =	vnsel vm12, $0x0, v5  }
0x4e2: {  	v4 =	vnsel vm14, $0x3F800000, v4;
	v0 =	vnsel vm12, $0x0, v0;
	[tilespmem:$0xA300] =	vst v3  }
0x4e3: {  	v1 =	vnsel vm9, $0x0, v4;
	[tilespmem:$0xA400] =	vst v0  }
0x4e4: {  	v0 =	vsel vm9, $0x1, v23;
	[tilespmem:$0xA380] =	vst v1  }
0x4e5: {  	[tilespmem:s7+$0x18E0] =	vst v0  }
0x4e6: {  	v0 =	vld.idx.msk [tilespmem:v60+s17+$0x0], $0xffff;
	_ =	sdelay $0x2  }
0x4e7: {  	s8 =	sadd.s32 $0x70, s10  }
0x4e8: {  	v1 =	vor.u32 s8, v31  }
0x4e9: {  	vm4 =	vgt.s32 v0, v1  }
0x4ea: {  	v0 =	vsel vm4, $0x0, v61  }
0x4eb: {  	v3 =	vor.u32 $0x1FF, v0;
	_ =	sdelay $0x4  }
0x4ec: {  	v3 =	vld.idx.msk [tilespmem:v3+s17+$0x0], $0xffff;
	_ =	sdelay $0x4  }
0x4ed: {  	vm4 =	vgt.s32 v3, v1  }
0x4ee: {  	v3 =	vsel vm4, $0x0, v62  }
0x4ef: {  	v0 =	vor.u32 v0, v3  }
0x4f0: {  	v3 =	vor.u32 $0xFF, v0;
	_ =	sdelay $0x4  }
0x4f1: {  	v3 =	vld.idx.msk [tilespmem:v3+s17+$0x0], $0xffff;
	_ =	sdelay $0x4  }
0x4f2: {  	vm4 =	vgt.s32 v3, v1  }
0x4f3: {  	v3 =	vsel vm4, $0x0, v63  }
0x4f4: {  	v0 =	vor.u32 v3, v0  }
0x4f5: {  	v3 =	vor.u32 $0x7F, v0;
	_ =	sdelay $0x4  }
0x4f6: {  	v3 =	vld.idx.msk [tilespmem:v3+s17+$0x0], $0xffff;
	_ =	sdelay $0x4  }
0x4f7: {  	vm4 =	vgt.s32 v3, v1  }
0x4f8: {  	v3 =	vsel vm4, $0x0, v15  }
0x4f9: {  	v0 =	vor.u32 v3, v0  }
0x4fa: {  	v3 =	vor.u32 $0x3F, v0;
	_ =	sdelay $0x4  }
0x4fb: {  	v3 =	vld.idx.msk [tilespmem:v3+s17+$0x0], $0xffff;
	_ =	sdelay $0x4  }
0x4fc: {  	vm4 =	vgt.s32 v3, v1  }
0x4fd: {  	v3 =	vsel vm4, $0x0, v16  }
0x4fe: {  	v4 =	vor.u32 v0, v3  }
0x4ff: {  	v4 =	vor.u32 $0x1F, v4;
	_ =	sdelay $0x4  }
0x500: {  	v4 =	vld.idx.msk [tilespmem:v4+s17+$0x0], $0xffff;
	_ =	sdelay $0x4  }
0x501: {  	vm4 =	vgt.s32 v4, v1  }
0x502: {  	v4 =	vsel vm4, $0x0, v17  }
0x503: {  	v3 =	vor.u32 v3, v4  }
0x504: {  	v4 =	vor.u32 v0, v3  }
0x505: {  	v4 =	vor.u32 $0xF, v4;
	_ =	sdelay $0x4  }
0x506: {  	v4 =	vld.idx.msk [tilespmem:v4+s17+$0x0], $0xffff;
	_ =	sdelay $0x4  }
0x507: {  	vm4 =	vgt.s32 v4, v1  }
0x508: {  	v4 =	vsel vm4, $0x0, v18  }
0x509: {  	v4 =	vor.u32 v4, v0  }
0x50a: {  	v3 =	vor.u32 v3, v4  }
0x50b: {  	v4 =	vand.u32 $0x78, v3  }
0x50c: {  	v0 =	vor.u32 v4, v0  }
0x50d: {  	v0 =	vor.u32 $0x7, v0;
	_ =	sdelay $0x4  }
0x50e: {  	v0 =	vld.idx.msk [tilespmem:v0+s17+$0x0], $0xffff;
	_ =	sdelay $0x4  }
0x50f: {  	vm4 =	vgt.s32 v0, v1  }
0x510: {  	v0 =	vsel vm4, $0x0, v19  }
0x511: {  	v0 =	vor.u32 v0, v3  }
0x512: {  	v3 =	vadd.s32 $0x3, v0;
	_ =	sdelay $0x4  }
0x513: {  	v3 =	vld.idx.msk [tilespmem:v3+s17+$0x0], $0xffff;
	_ =	sdelay $0x4  }
0x514: {  	vm4 =	vgt.s32 v3, v1  }
0x515: {  	v3 =	vsel vm4, $0x0, v20  }
0x516: {  	v0 =	vadd.s32 v3, v0  }
0x517: {  	v3 =	vadd.s32 $0x1, v0;
	_ =	sdelay $0x4  }
0x518: {  	v3 =	vld.idx.msk [tilespmem:v3+s17+$0x0], $0xffff;
	_ =	sdelay $0x4  }
0x519: {  	vm4 =	vgt.s32 v3, v1  }
0x51a: {  	v3 =	vsel vm4, $0x0, v22  }
0x51b: {  	v0 =	vadd.s32 v3, v0;
	_ =	sdelay $0x4  }
0x51c: {  	v3 =	vld.idx.msk [tilespmem:v0+s17+$0x0], $0xffff;
	_ =	sdelay $0x4  }
0x51d: {  	vm4 =	vle.s32 v3, v1  }
0x51e: {  	v3 =	vsel vm4, $0x1, v23  }
0x51f: {  	v0 =	vadd.s32 v3, v0  }
0x520: {  	v3 =	vmax.u32 v0, $0x1  }
0x521: {  	v3 =	vsub.s32 v3, v21;
	_ =	sdelay $0x4  }
0x522: {  	v3 =	vld.idx.msk [tilespmem:v3+s17+$0x0], $0xffff  }
0x523: {  	v4 =	vld.idx.msk [tilespmem:v0+s17+$0x0], $0xffff;
	_ =	sdelay $0x2  }
0x524: {  	vm4 =	veq.s32 v0, $0x0  }
0x525: {  	v3 =	vsel vm4, $0x0, v3  }
0x526: {  	v5 =	vsub.s32 v4, v3;
	vm4 =	vne.s32 v4, v3  }
0x527: {  	v4 =	vshra.s32 v5, $0x1F;
	v10 =	vsel vm4, $0x1, v23  }
0x528: {  	v4 =	vor.u32 v10, v4;
	v10 =	vand.u32 $0x1, v5  }
0x529: {  	v11 =	vshrl.u32 v5, $0x1F;
	vm4 =	vne.s32 v4, $0x1;
	vm5 =	veq.s32 v10, $0x1  }
0x52a: {  	v4 =	vadd.s32 v11, v5;
	vm4 =	vmand vm4, vm5  }
0x52b: {  	v4 =	vshra.s32 v4, $0x1;
	v10 =	vsel vm4, $0xFFFFFFFF, v23  }
0x52c: {  	v4 =	vadd.s32 v10, v4  }
0x52d: {  	vm4 =	vgt.s32 v4, $0x2;
	v10 =	vxor.u32 $0xFFFFFFFF, v4  }
0x52e: {  	v11 =	vnsel vm4, $0x2, v4;
	v10 =	vadd.s32 v10, v5  }
0x52f: {  	v11 =	vadd.s32 $0xFFFFFFFF, v11;
	vm4 =	vgt.s32 v10, $0x1  }
0x530: {  	v11 =	vcvt.s32.f32 v11;
	v10 =	vnsel vm4, $0x1, v10  }
0x531: {  	v10 =	vcvt.s32.f32 v10  }
0x532: {  	(erf) = vrcp.f32 v11  }
0x533: {  	(erf) = vrcp.f32 v10;
	_ =	sdelay $0x4  }
0x534: {  	v10 =	vsub.s32 v1, v3  }
0x535: {  	v12 =	vcvt.s32.f32 v4;
	v11 =	vcvt.s32.f32 v10;
	_ =	sdelay $0x1  }
0x536: {  	v12 =	vsub.f32 v11, v12;
	v13 =	vpop (erf)  }
0x537: {  	v11 =	vmul.f32 v11, v13;
	v13 =	vpop (erf)  }
0x538: {  	v30 =	vadd.s32 $0xFFFFFFFF, v5;
	vm7 =	veq.s32 v5, $0x3;
	v12 =	vmul.f32 v13, v12  }
0x539: {  	vm12 =	vne.s32 v5, $0x1;
	vm5 =	vne.s32 v1, v3;
	vm4 =	vlt.s32 v10, v4;
	v13 =	vld.idx.msk [tilespmem:v0+s15+$0x0], $0xffff  }
0x53a: {  	vm13 =	vne.s32 v10, v30;
	v14 =	vsub.f32 $1.000000000e+00, v11;
	v4 =	vsub.f32 $1.000000000e+00, v12  }
0x53b: {  	vm6 =	vmand vm5, vm13;
	vm13 =	vgt.s32 v10, $0x1;
	v3 =	vsel vm4, $0x0, v12  }
0x53c: {  	v14 =	vnsel vm4, $0x0, v14;
	v4 =	vsel vm4, v11, v4;
	vm4 =	veq.s32 v10, v30  }
0x53d: {  	v0 =	vadd.s32 v2, v0;
	v12 =	vsel vm5, $0x0, v24;
	vm4 =	vmand vm5, vm4  }
0x53e: {  	v11 =	vsel vm6, $0x3F800000, v25;
	vm14 =	veq.s32 v13, $0x0;
	v13 =	vsel vm4, $0x3F800000, v25  }
0x53f: {  	v4 =	vsel vm14, v11, v4;
	v11 =	vand.u32 $0xFFFFFFFE, v5;
	vm4 =	veq.s32 v10, $0x1  }
0x540: {  	v10 =	vsel vm5, $0x3F800000, v25;
	v3 =	vsel vm14, v13, v3;
	vm15 =	veq.s32 v11, $0x2  }
0x541: {  	v11 =	vsel vm4, $0x3F800000, v25;
	vm4 =	veq.s32 v5, $0x2;
	vm6 =	vmor vm15, vm14  }
0x542: {  	v4 =	vsel vm7, v11, v4;
	vm14 =	vlt.s32 v1, v29;
	v1 =	vsel vm13, $0x3F800000, v25  }
0x543: {  	v5 =	vsel vm6, v12, v14;
	v4 =	vsel vm4, $0x0, v4;
	vm15 =	vmand vm14, vm12  }
0x544: {  	[tilespmem:$0xA290] =	vst v0;
	v1 =	vsel vm7, v1, v3;
	v4 =	vnsel vm12, $0x3F800000, v4;
	v3 =	vnsel vm15, $0x0, v5  }
0x545: {  	v0 =	vsel vm4, v10, v1;
	v1 =	vnsel vm14, $0x0, v4;
	[tilespmem:$0xA310] =	vst v3  }
0x546: {  	v0 =	vnsel vm15, $0x0, v0;
	[tilespmem:$0xA390] =	vst v1  }
0x547: {  	[tilespmem:$0xA410] =	vst v0;
	v0 =	vsel vm14, $0x1, v23  }
0x548: {  	[tilespmem:s7+$0x18F0] =	vst v0  }
0x549: {  	v0 =	vld [tilespmem:$0xA280];
	_ =	sdelay $0x4  }
0x54a: {  	v1 =	vshll.u32 v0, $0x1  }
0x54b: {  	v0 =	vand.u32 $0x7, v0;
	v1 =	vand.u32 $0xFFFFFFF0, v1  }
0x54c: {  	v0 =	vor.u32 v0, v1  }
0x54d: {  	v1 =	vperm.xlane v0, v26;
	_ =	sdelay $0x1  }
0x54e: {  	v0 =	vperm.xlane v0, v28;
	v1 =	vadd.s32 v27, v1;
	_ =	sdelay $0x1  }
0x54f: {  	v0 =	vadd.s32 v27, v0;
	_ =	sdelay $0x1  }
0x550: {  	s12 =	simm.s32 $0xA480  }
0x551: {  	[tilespmem:s12], [sflag:$0x5] =	stream.indirect_vreg.gather [hbm4b:s0+s5], $0x80, v1, vm3, $0xb8;
	[tilespmem:$0x12480] =	vst v63  }
0x552: {  	s14 =	simm.s32 $0xAC80  }
0x553: {  	[tilespmem:s14], [sflag:$0x5] =	stream.indirect_vreg.gather [hbm4b:s0+s5], $0x80, v0, vm3, $0xb8;
	[tilespmem:$0x12480] =	vst v63  }
0x554: {  	v0 =	vld [tilespmem:$0xA290];
	_ =	sdelay $0x4  }
0x555: {  	v1 =	vshll.u32 v0, $0x1  }
0x556: {  	v0 =	vand.u32 $0x7, v0;
	v1 =	vand.u32 $0xFFFFFFF0, v1  }
0x557: {  	v0 =	vor.u32 v0, v1  }
0x558: {  	v1 =	vperm.xlane v0, v26;
	_ =	sdelay $0x1  }
0x559: {  	v0 =	vperm.xlane v0, v28;
	v1 =	vadd.s32 v27, v1;
	_ =	sdelay $0x1  }
0x55a: {  	v0 =	vadd.s32 v27, v0;
	_ =	sdelay $0x1  }
0x55b: {  	s18 =	simm.s32 $0xB480  }
0x55c: {  	[tilespmem:s18], [sflag:$0x5] =	stream.indirect_vreg.gather [hbm4b:s0+s5], $0x80, v1, vm3, $0xb8;
	[tilespmem:$0x12480] =	vst v63  }
0x55d: {  	s19 =	simm.s32 $0xBC80  }
0x55e: {  	[tilespmem:s19], [sflag:$0x5] =	stream.indirect_vreg.gather [hbm4b:s0+s5], $0x80, v0, vm3, $0xb8;
	[tilespmem:$0x12480] =	vst v63  }
0x55f: {  	v0 =	vld [tilespmem:$0xA280];
	_ =	sdelay $0x4  }
0x560: {  	v1 =	vshll.u32 v0, $0x1  }
0x561: {  	v0 =	vand.u32 $0x7, v0;
	v1 =	vand.u32 $0xFFFFFFF0, v1  }
0x562: {  	v0 =	vor.u32 v0, v1  }
0x563: {  	v1 =	vperm.xlane v0, v26;
	_ =	sdelay $0x1  }
0x564: {  	v0 =	vperm.xlane v0, v28;
	v1 =	vadd.s32 v27, v1;
	_ =	sdelay $0x1  }
0x565: {  	v0 =	vadd.s32 v27, v0;
	_ =	sdelay $0x1  }
0x566: {  	s8 =	simm.s32 $0xC480  }
0x567: {  	[tilespmem:s8], [sflag:$0x6] =	stream.indirect_vreg.gather [hbm4b:s2+s5], $0x80, v1, vm3, $0xb8;
	[tilespmem:$0x12480] =	vst v63  }
0x568: {  	s9 =	simm.s32 $0xCC80  }
0x569: {  	[tilespmem:s9], [sflag:$0x6] =	stream.indirect_vreg.gather [hbm4b:s2+s5], $0x80, v0, vm3, $0xb8;
	[tilespmem:$0x12480] =	vst v63  }
0x56a: {  	v0 =	vld [tilespmem:$0xA290];
	_ =	sdelay $0x4  }
0x56b: {  	v1 =	vshll.u32 v0, $0x1  }
0x56c: {  	v0 =	vand.u32 $0x7, v0;
	v1 =	vand.u32 $0xFFFFFFF0, v1  }
0x56d: {  	v0 =	vor.u32 v0, v1  }
0x56e: {  	v1 =	vperm.xlane v0, v26;
	_ =	sdelay $0x1  }
0x56f: {  	v0 =	vperm.xlane v0, v28;
	v1 =	vadd.s32 v27, v1;
	_ =	sdelay $0x1  }
0x570: {  	v0 =	vadd.s32 v27, v0;
	_ =	sdelay $0x1  }
0x571: {  	s10 =	simm.s32 $0xD480  }
0x572: {  	[tilespmem:s10], [sflag:$0x6] =	stream.indirect_vreg.gather [hbm4b:s2+s5], $0x80, v1, vm3, $0xb8;
	[tilespmem:$0x12480] =	vst v63  }
0x573: {  	s11 =	simm.s32 $0xDC80  }
0x574: {  	[tilespmem:s11], [sflag:$0x6] =	stream.indirect_vreg.gather [hbm4b:s2+s5], $0x80, v0, vm3, $0xb8;
	[tilespmem:$0x12480] =	vst v63  }
0x575: {  	v0 =	vld [tilespmem:$0xA280];
	_ =	sdelay $0x4  }
0x576: {  	v1 =	vshll.u32 v0, $0x1  }
0x577: {  	v0 =	vand.u32 $0x7, v0;
	v1 =	vand.u32 $0xFFFFFFF0, v1  }
0x578: {  	v0 =	vor.u32 v0, v1  }
0x579: {  	v1 =	vperm.xlane v0, v26;
	_ =	sdelay $0x1  }
0x57a: {  	v0 =	vperm.xlane v0, v28;
	v1 =	vadd.s32 v27, v1;
	_ =	sdelay $0x1  }
0x57b: {  	v0 =	vadd.s32 v27, v0;
	_ =	sdelay $0x1  }
0x57c: {  	s12 =	simm.s32 $0xE480  }
0x57d: {  	[tilespmem:s12], [sflag:$0x7] =	stream.indirect_vreg.gather [hbm4b:s4+s5], $0x80, v1, vm3, $0xb8;
	[tilespmem:$0x12480] =	vst v63  }
0x57e: {  	s14 =	simm.s32 $0xEC80  }
0x57f: {  	[tilespmem:s14], [sflag:$0x7] =	stream.indirect_vreg.gather [hbm4b:s4+s5], $0x80, v0, vm3, $0xb8;
	[tilespmem:$0x12480] =	vst v63  }
0x580: {  	v0 =	vld [tilespmem:$0xA290];
	_ =	sdelay $0x4  }
0x581: {  	v1 =	vshll.u32 v0, $0x1  }
0x582: {  	v0 =	vand.u32 $0x7, v0;
	v1 =	vand.u32 $0xFFFFFFF0, v1  }
0x583: {  	v0 =	vor.u32 v0, v1  }
0x584: {  	v1 =	vperm.xlane v0, v26;
	_ =	sdelay $0x1  }
0x585: {  	v0 =	vperm.xlane v0, v28;
	v1 =	vadd.s32 v27, v1  }
0x586: {  	s16 =	sadd.s32 $0x1, s16  }
0x587: {  	p0 =	sne.s32 s16, $0x20;
	v0 =	vadd.s32 v27, v0  }
.Ltmp3:
0x588: {  	_ = 	snop;
	(pc) =	sbr.rel @p0 .LBB2_4-.Ltmp3, $4  }
0x589: {  	s18 =	simm.s32 $0xF480  }
0x58a: {  	[tilespmem:s18], [sflag:$0x7] =	stream.indirect_vreg.gather [hbm4b:s4+s5], $0x80, v1, vm3, $0xb8;
	[tilespmem:$0x12480] =	vst v63  }
0x58b: {  	s19 =	simm.s32 $0xFC80  }
0x58c: {  	v33 =	vlaneseq.u32;
	[tilespmem:s19], [sflag:$0x7] =	stream.indirect_vreg.gather [hbm4b:s4+s5], $0x80, v0, vm3, $0xb8;
	[tilespmem:$0x12480] =	vst v63  }
0x58d: {  	_ =	swait.ge [sflag:s20], $0x2000  }
0x58e: {  	[sflag:s20] =	ssyncset.done $0x0  }
0x58f: {  	[sflag:s20] =	ssyncadd.s32 $0xFFFFE000  }
0x590: {  	_ =	swait.ge [sflag:s21], $0x2000  }
0x591: {  	[sflag:s21] =	ssyncset.done $0x0  }
0x592: {  	[sflag:s21] =	ssyncadd.s32 $0xFFFFE000  }
0x593: {  	_ =	swait.ge [sflag:s22], $0x2000  }
0x594: {  	[sflag:s22] =	ssyncset.done $0x0  }
0x595: {  	[sflag:s22] =	ssyncadd.s32 $0xFFFFE000  }
0x596: {  	_ =	swait.ge [sflag:s26], $0x2000  }
0x597: {  	[sflag:s26] =	ssyncset.done $0x0  }
0x598: {  	[sflag:s26] =	ssyncadd.s32 $0xFFFFE000  }
0x599: {  	_ =	swait.ge [sflag:s28], $0x2000  }
0x59a: {  	[sflag:s28] =	ssyncset.done $0x0  }
0x59b: {  	[sflag:s28] =	ssyncadd.s32 $0xFFFFE000  }
0x59c: {  	_ =	swait.ge [sflag:s29], $0x2000  }
0x59d: {  	[sflag:s29] =	ssyncset.done $0x0  }
0x59e: {  	s3 =	simm.s32 $0x4;
	[sflag:s29] =	ssyncadd.s32 $0xFFFFE000  }
0x59f: {  	_ =	swait.ge [sflag:s3], $0x2000  }
0x5a0: {  	[sflag:s3] =	ssyncset.done $0x0  }
0x5a1: {  	s16 =	simm.s32 $0x8;
	[sflag:s3] =	ssyncadd.s32 $0xFFFFE000  }
0x5a2: {  	_ =	swait.ge [sflag:s16], $0x2000  }
0x5a3: {  	[sflag:s16] =	ssyncset.done $0x0  }
0x5a4: {  	s7 =	simm.s32 $0x1880;
	s18 =	rddreg [dreg:$0xa];
	[sflag:s16] =	ssyncadd.s32 $0xFFFFE000  }
0x5a5: {  	[hbm4b:s18+s5] =	stream.linear.scatter [tilespmem:s7], [sflag:$0x9], $0x800, $0x38;
	[tilespmem:$0x12480] =	vst v63  }
0x5a6: {  	s7 =	simm.s32 $0x9  }
0x5a7: {  	_ =	swait.ge [sflag:s7], $0x800  }
0x5a8: {  	s8 =	rddreg [dreg:$0xd]  }
0x5a9: {  	s19 =	rddreg [dreg:$0xb];
	s8 =	sadd.s32 $0x1, s8  }
0x5aa: {  	p0 =	sne.s32 s8, s19  }
.Ltmp4:
0x5ab: {  	_ = 	snop;
	(pc) =	sbr.rel @p0 .LBB2_1-.Ltmp4, $3  }
0x5ac: {  	_ =	sdelay $0x1  }
0x5ad: {  	[sflag:s7] =	ssyncset.done $0x0  }
0x5ae: {  	[sflag:s7] =	ssyncadd.s32 $0xFFFFF800  }
0x5af: {  	_ =	sfence.sel $0x180000  }
0x5b0: {  	[bflag:$0x0] =	sbarrier.arrive $0xFFFF  }
0x5b1: {  	_ =	strace $0x90000047  }
0x5b2: {  	s0 =	stileid.u32;
	[bflag:$0x2] =	sbarrier.arrive $0xFFFF  }
0x5b3: {  	p0 =	sne.s32 s0, $0x0;
	s0 =	rddreg [dreg:$0x6]  }
0x5b4: {  	s0 =	sadd.s32 @!p0 $0x100000, s0  }
0x5b5: {  	[sflag:s0] =	ssyncadd.tile.s32 @!p0 $0x1;
	_ =	shalt  }
.Lfunc_end2:
_tile_overlayer_lowered:
.L_overlay_start_2:
0x5b6: {  	(tag) =	ssettag $0x2  }
0x5b7: {  	s0 =	rddreg [dreg:$0x0];
	s2 =	stileid.u32  }
0x5b8: {  	s1 =	rddreg [dreg:$0x1];
	p0 =	sne.s32 s2, $0x0  }
0x5b9: {  	s3 =	rddreg [dreg:$0x2];
	[bflag:$0x3] =	sbarrier.arrive $0xFFFF;
	s2 =	simm.s32 @!p0 $0x1C09  }
0x5ba: {  	[timem:s3], [sflag:s2] =	dma.local @!p0 [hbm:s0], s1  }
0x5bb: {  	s0 =	simm.s32 @!p0 $0x9  }
0x5bc: {  	_ =	swait.ge @!p0 [sflag:s0], s1  }
0x5bd: {  	s1 =	ssub.s32 @!p0 $0x0, s1;
	[sflag:s0] =	ssyncset.done @!p0 $0x0  }
0x5be: {  	[sflag:s0] =	ssyncadd.s32 @!p0 s1  }
0x5bf: {  	[bflag:$0x3] =	sbarrier.arrive $0xFFFF  }
0x5c0: {  	_ =	shalt  }

</sc_bundles>
